<compile_context>
chip_gen: v7x
topology: tpu7x:2x2x1
jax: 0.10.2.dev20260603
libtpu: 0.0.44.dev20260713+nightly
codegen_flags: <defaults>
</compile_context>

<pallas_src>
import jax
import jax.numpy as jnp
from jax import lax
from jax.experimental import pallas as pl
from jax.experimental.pallas import tpu as pltpu
from jax.experimental.pallas import tpu_sc as plsc

N = 10000
E = 320000
D = 128
S = 8

NS = 16
NW = NS

EC = 80
EDGE_ITERS = E // EC // NW
SELC = 8
SEL_CHUNKS = N // SELC
SEL_ITERS = -(-SEL_CHUNKS // NW)
RG = 80
N_RGROUPS = N // RG
RG_LOOPS = -(-N_RGROUPS // NS)
EPT = E // NS
EPAIRS = EPT // (2 * EC)

_mesh = plsc.VectorSubcoreMesh(core_axis_name="c", subcore_axis_name="s",
                               num_cores=1)


def _cnt_body(dst_hbm, cnt_hbm, ones_v, didx_v, cnt_sh, sem, sem2):
    s = lax.axis_index("s")
    z16 = jnp.zeros((16,), jnp.float32)
    o16 = jnp.ones((16,), jnp.float32)

    def zfill(r, _):
        for cc in range(D // 16):
            ones_v[r, pl.ds(cc * 16, 16)] = z16
        return 0
    lax.fori_loop(0, EC, zfill, 0)

    for j in range(RG_LOOPS):
        g = j * NS + s

        @pl.when(g < N_RGROUPS)
        def _():
            gb = pl.multiple_of(g * RG, RG)
            pltpu.sync_copy(ones_v, cnt_sh.at[pl.ds(gb, RG)])

    def ofill(r, _):
        ones_v[r, pl.ds(0, 16)] = o16
        return 0
    lax.fori_loop(0, EC, ofill, 0)
    plsc.subcore_barrier()

    tbase = s * EPT

    def cnt_pair(u, _):
        b0 = pl.multiple_of(tbase + u * (2 * EC), EC)
        b1 = pl.multiple_of(b0 + EC, EC)
        c0 = pltpu.async_copy(dst_hbm.at[pl.ds(b0, EC)], didx_v.at[0], sem)
        c1 = pltpu.async_copy(dst_hbm.at[pl.ds(b1, EC)], didx_v.at[1], sem)
        c0.wait()
        s0 = pltpu.make_async_copy(ones_v, cnt_sh.at[didx_v.at[0]], sem2)
        s0.start(add=True)
        c1.wait()
        s1 = pltpu.make_async_copy(ones_v, cnt_sh.at[didx_v.at[1]], sem2)
        s1.start(add=True)
        s0.wait()
        s1.wait()
        return 0
    lax.fori_loop(0, EPAIRS, cnt_pair, 0)

    plsc.subcore_barrier()
    for j in range(RG_LOOPS):
        g = j * NS + s

        @pl.when(g < N_RGROUPS)
        def _():
            gb = pl.multiple_of(g * RG, RG)
            pltpu.sync_copy(cnt_sh.at[pl.ds(gb, RG)], cnt_hbm.at[pl.ds(gb, RG)])


_sc_count = pl.kernel(
    _cnt_body,
    out_type=pltpu.HBM((N, D), jnp.float32),
    mesh=_mesh,
    scratch_types=[
        pltpu.VMEM((EC, D), jnp.float32),
        pltpu.VMEM((2, EC), jnp.int32),
        pltpu.VMEM_SHARED((N, D), jnp.float32),
        pltpu.SemaphoreType.DMA,
        pltpu.SemaphoreType.DMA,
    ],
)



SELC2 = 16
SEL2_CHUNKS = N // SELC2
SEL2_ITERS = -(-SEL2_CHUNKS // 32)


def _edge_body(a_hbm, src_hbm, dst_hbm, agg_hbm,
               sidx_v, didx_v, rows0_v, rows1_v, acc_sh, semi, semg, sems):
    s = lax.axis_index("s")
    z16 = jnp.zeros((16,), jnp.float32)

    def zrow_body(r, _):
        for cc in range(D // 16):
            rows0_v[r, pl.ds(cc * 16, 16)] = z16
        return 0
    lax.fori_loop(0, EC, zrow_body, 0)

    for j in range(RG_LOOPS):
        g = j * NS + s

        @pl.when(g < N_RGROUPS)
        def _():
            gb = pl.multiple_of(g * RG, RG)
            pltpu.sync_copy(rows0_v, acc_sh.at[pl.ds(gb, RG)])
    plsc.subcore_barrier()

    tbase = s * EPT

    def pair_body(u, _):
        b0 = pl.multiple_of(tbase + u * (2 * EC), EC)
        b1 = pl.multiple_of(b0 + EC, EC)
        c0 = pltpu.async_copy(src_hbm.at[pl.ds(b0, EC)], sidx_v.at[0], semi)
        c1 = pltpu.async_copy(src_hbm.at[pl.ds(b1, EC)], sidx_v.at[1], semi)
        c2 = pltpu.async_copy(dst_hbm.at[pl.ds(b0, EC)], didx_v.at[0], semi)
        c3 = pltpu.async_copy(dst_hbm.at[pl.ds(b1, EC)], didx_v.at[1], semi)
        c0.wait(); c1.wait(); c2.wait(); c3.wait()
        g0 = pltpu.async_copy(a_hbm.at[sidx_v.at[0]], rows0_v, semg)
        g1 = pltpu.async_copy(a_hbm.at[sidx_v.at[1]], rows1_v, semg)
        g0.wait()
        s0 = pltpu.make_async_copy(rows0_v, acc_sh.at[didx_v.at[0]], sems)
        s0.start(add=True)
        g1.wait()
        s1 = pltpu.make_async_copy(rows1_v, acc_sh.at[didx_v.at[1]], sems)
        s1.start(add=True)
        s0.wait()
        s1.wait()
        return 0
    lax.fori_loop(0, EPAIRS, pair_body, 0)

    plsc.subcore_barrier()
    for j in range(RG_LOOPS):
        g = j * NS + s

        @pl.when(g < N_RGROUPS)
        def _():
            gb = pl.multiple_of(g * RG, RG)
            pltpu.sync_copy(acc_sh.at[pl.ds(gb, RG)], agg_hbm.at[pl.ds(gb, RG)])


_sc_edge = pl.kernel(
    _edge_body,
    out_type=pltpu.HBM((N, D), jnp.float32),
    mesh=_mesh,
    scratch_types=[
        pltpu.VMEM((2, EC), jnp.int32),
        pltpu.VMEM((2, EC), jnp.int32),
        pltpu.VMEM((EC, D), jnp.float32),
        pltpu.VMEM((EC, D), jnp.float32),
        pltpu.VMEM_SHARED((N, D), jnp.float32),
        pltpu.SemaphoreType.DMA,
        pltpu.SemaphoreType.DMA,
        pltpu.SemaphoreType.DMA,
    ],
)

_mesh2 = plsc.VectorSubcoreMesh(core_axis_name="c", subcore_axis_name="s",
                                num_cores=2)


def _sel_body(sm_hbm, selidx_hbm, sel_hbm, selidx_v, selrows_v, selout_v,
               sem):
    c = lax.axis_index("c")
    s = lax.axis_index("s")
    wid = c * NS + s

    def sel_one(j, _):
        chunk = j * 32 + wid

        @pl.when(chunk < SEL2_CHUNKS)
        def _():
            ibase = pl.multiple_of(chunk * (SELC2 * S), SELC2 * S)
            pltpu.sync_copy(selidx_hbm.at[pl.ds(ibase, SELC2 * S)],
                            selidx_v.at[0])
            pltpu.async_copy(sm_hbm.at[selidx_v.at[0]], selrows_v, sem).wait()

            def row_body(r, _):
                rb = r * S
                for cc in range(D // 16):
                    acc = selrows_v[rb, pl.ds(cc * 16, 16)]
                    for kk in range(1, S):
                        acc = acc + selrows_v[rb + kk, pl.ds(cc * 16, 16)]
                    selout_v[r, pl.ds(cc * 16, 16)] = acc
                return 0
            lax.fori_loop(0, SELC2, row_body, 0)
            obase = pl.multiple_of(chunk * SELC2, SELC2)
            pltpu.sync_copy(selout_v, sel_hbm.at[pl.ds(obase, SELC2)])
        return 0
    lax.fori_loop(0, SEL2_ITERS, sel_one, 0)


_sc_sel = pl.kernel(
    _sel_body,
    out_type=pltpu.HBM((N, D), jnp.float32),
    mesh=_mesh2,
    scratch_types=[
        pltpu.VMEM((1, SELC2 * S), jnp.int32),
        pltpu.VMEM((SELC2 * S, D), jnp.float32),
        pltpu.VMEM((SELC2, D), jnp.float32),
        pltpu.SemaphoreType.DMA,
    ],
)



BN = 400
GRID = N // BN

_feat = pl.BlockSpec((BN, D), lambda i: (i, 0))
_w = pl.BlockSpec((D, D), lambda i: (0, 0))
_bias = pl.BlockSpec((1, D), lambda i: (0, 0))


def _mm3_body(x_ref, wl_ref, ws_ref, wr_ref, b_ref, a_ref, sm_ref, r_ref):
    xb = x_ref[...]
    a_ref[...] = jnp.dot(xb, wl_ref[...], preferred_element_type=jnp.float32)
    sm_ref[...] = jnp.dot(xb, ws_ref[...] * (1.0 / S),
                          preferred_element_type=jnp.float32)
    r_ref[...] = jnp.dot(xb, wr_ref[...],
                         preferred_element_type=jnp.float32) + b_ref[...]


_tc_front = pl.pallas_call(
    _mm3_body,
    grid=(GRID,),
    in_specs=[_feat, _w, _w, _w, _bias],
    out_specs=[_feat, _feat, _feat],
    out_shape=[jax.ShapeDtypeStruct((N, D), jnp.float32)] * 3,
)


def _mid_body(r0_ref, p0_ref, c0_ref, sel_ref,
              wl_ref, ws_ref, wr_ref, b_ref, a_ref, sm_ref, r_ref):
    cnt = jnp.maximum(c0_ref[:, 0:1], 1.0)
    h = r0_ref[...] + p0_ref[...] / cnt + sel_ref[...]
    h = jnp.where(h > 0, h, jnp.exp(jnp.minimum(h, 0.0)) - 1.0)
    a_ref[...] = jnp.dot(h, wl_ref[...], preferred_element_type=jnp.float32)
    sm_ref[...] = jnp.dot(h, ws_ref[...] * (1.0 / S),
                          preferred_element_type=jnp.float32)
    r_ref[...] = jnp.dot(h, wr_ref[...],
                         preferred_element_type=jnp.float32) + b_ref[...]


_tc_mid = pl.pallas_call(
    _mid_body,
    grid=(GRID,),
    in_specs=[_feat, _feat, _feat, _feat, _w, _w, _w, _bias],
    out_specs=[_feat, _feat, _feat],
    out_shape=[jax.ShapeDtypeStruct((N, D), jnp.float32)] * 3,
)


def _back_body(r1_ref, p0_ref, c0_ref, sel_ref, o_ref):
    cnt = jnp.maximum(c0_ref[:, 0:1], 1.0)
    o_ref[...] = r1_ref[...] + p0_ref[...] / cnt + sel_ref[...]


_tc_back = pl.pallas_call(
    _back_body,
    grid=(GRID,),
    in_specs=[_feat, _feat, _feat, _feat],
    out_specs=_feat,
    out_shape=jax.ShapeDtypeStruct((N, D), jnp.float32),
)


def kernel(x, edge_index, selections, Wl0, Wr0, Ws0, b0, Wl1, Wr1, Ws1, b1):
    src = edge_index[0]
    dst = edge_index[1]
    selflat = selections.reshape(-1)

    cnt0 = _sc_count(dst)
    a0, sm0, r0 = _tc_front(x, Wl0, Ws0, Wr0, b0.reshape(1, D))
    agg0 = _sc_edge(a0, src, dst)
    sel0 = _sc_sel(sm0, selflat)
    a1, sm1, r1 = _tc_mid(r0, agg0, cnt0, sel0,
                          Wl1, Ws1, Wr1, b1.reshape(1, D))
    agg1 = _sc_edge(a1, src, dst)
    sel1 = _sc_sel(sm1, selflat)
    out = _tc_back(r1, agg1, cnt0, sel1)
    return out

# --- scband reference (transcript-rebuilt; emitter-appended) ---
"""Pipeline reference for scband-sel-sageconv-net-5566277616452 (READ-ONLY COPY).

The authoritative reference and input builder live on the scoring server;
editing this copy changes nothing except your own understanding.
"""

import jax, jax.numpy as jnp
import numpy as np

N = 10000
E = 320000
D = 128
H = 128
S = 8


def setup_inputs(seed: int = 0) -> dict:
    key = jax.random.key(seed)
    ks = jax.random.split(key, 16)
    x = jax.random.normal(ks[0], (N, D), dtype=jnp.float32)
    edge_index = jax.random.randint(ks[1], (2, E), 0, N, dtype=jnp.int32)
    selections = jax.random.randint(ks[2], (N, S), 0, N, dtype=jnp.int32)
    s_in = 1.0 / np.sqrt(D)
    s_hid = 1.0 / np.sqrt(H)
    Wl0 = jax.random.normal(ks[3], (D, H), dtype=jnp.float32) * s_in
    Wr0 = jax.random.normal(ks[4], (D, H), dtype=jnp.float32) * s_in
    Ws0 = jax.random.normal(ks[5], (D, H), dtype=jnp.float32) * s_in
    b0 = jnp.zeros((H,), dtype=jnp.float32)
    Wl1 = jax.random.normal(ks[6], (H, H), dtype=jnp.float32) * s_hid
    Wr1 = jax.random.normal(ks[7], (H, H), dtype=jnp.float32) * s_hid
    Ws1 = jax.random.normal(ks[8], (H, H), dtype=jnp.float32) * s_hid
    b1 = jnp.zeros((H,), dtype=jnp.float32)
    return {"x": x, "edge_index": edge_index, "selections": selections,
            "Wl0": Wl0, "Wr0": Wr0, "Ws0": Ws0, "b0": b0,
            "Wl1": Wl1, "Wr1": Wr1, "Ws1": Ws1, "b1": b1}


def _sel_sage_conv(h, edge_index, selections, Wl, Wr, Ws, b):
    src = edge_index[0]
    dst = edge_index[1]
    # mean aggregation of neighbor messages (GraphSAGE-style)
    msg = jnp.take(h, src, axis=0)
    agg = jax.ops.segment_sum(msg, dst, num_segments=N)
    cnt = jax.ops.segment_sum(jnp.ones((E,), jnp.float32), dst, num_segments=N)
    agg = agg / jnp.clip(cnt, 1.0)[:, None]
    # mean over per-node selected nodes
    sel = jnp.take(h, selections, axis=0).mean(axis=1)
    return h @ Wr + agg @ Wl + sel @ Ws + b


def reference(x, edge_index, selections, Wl0, Wr0, Ws0, b0, Wl1, Wr1, Ws1, b1):
    h = _sel_sage_conv(x, edge_index, selections, Wl0, Wr0, Ws0, b0)
    h = jax.nn.elu(h)
    out = _sel_sage_conv(h, edge_index, selections, Wl1, Wr1, Ws1, b1)
    return out

if __name__ == "__main__":
    import jax
    _d = setup_inputs()
    print(jax.jit(kernel)(*tuple(_d.values())))

</pallas_src>

<mosaic_0001>
#map = affine_map<(d0, d1) -> (0)>
#map1 = affine_map<(d0, d1) -> (0, 0)>
module attributes {stable_mosaic.version = 14 : i64} {
  func.func @_cnt_body(%arg0: i32, %arg1: i32, %arg2: memref<320000xi32, #tpu.memory_space<hbm>>, %arg3: memref<10000x128xf32, #tpu.memory_space<hbm>>, %arg4: memref<80x128xf32, #tpu.memory_space<vmem>>, %arg5: memref<2x80xi32, #tpu.memory_space<vmem>>, %arg6: memref<10000x128xf32, #tpu.memory_space<vmem_shared>>, %arg7: memref<!tpu.dma_semaphore, #tpu.memory_space<semaphore_mem>>, %arg8: memref<!tpu.dma_semaphore, #tpu.memory_space<semaphore_mem>>) attributes {dimension_semantics = [#tpu.dimension_semantics<core_parallel>, #tpu.dimension_semantics<subcore_parallel>], iteration_bounds = array<i64: 1, 16>, scalar_prefetch = 0 : i64, scratch_operands = 5 : i64, tpu.core_type = #tpu.core_type<sc_vector_subcore>, window_params = [{transform_indices = #map}, {transform_indices = #map1}]} {
    %broadcast_in_dim3A = arith.constant 0.000000e+00 : f32
    %broadcast_in_dim3A_0 = vector.broadcast %broadcast_in_dim3A : f32 to vector<16xf32>
    %broadcast_in_dim3A_1 = arith.constant 1.000000e+00 : f32
    %broadcast_in_dim3A_2 = vector.broadcast %broadcast_in_dim3A_1 : f32 to vector<16xf32>
    %scan3A = arith.constant 0 : i32
    %scan3A_3 = arith.constant 0 : i32
    %scan3A_4 = arith.constant 80 : i32
    %scan3A_5 = arith.addi %scan3A_3, %scan3A_4 : i32
    %scan3A_6 = arith.constant 1 : i32
    %scan3A_7 = scf.for %scan3A_133 = %scan3A_3 to %scan3A_5 step %scan3A_6 iter_args(%scan3A_134 = %scan3A) -> (i32)  : i32 {
      %swap3A = arith.index_cast %scan3A_133 : i32 to index
      %swap3A_135 = arith.constant 0 : index
      %swap3A_136 = tpu.vector_load %arg4[%swap3A, %swap3A_135] {strides = array<i32>} : memref<80x128xf32, #tpu.memory_space<vmem>>, vector<1x16xf32>,
      %swap3A_137 = vector.shape_cast %swap3A_136 : vector<1x16xf32> to vector<16xf32>
      %swap3A_138 = vector.shape_cast %broadcast_in_dim3A_0 : vector<16xf32> to vector<1x16xf32>
      tpu.vector_store %arg4[%swap3A, %swap3A_135], %swap3A_138 {strides = array<i32>} : memref<80x128xf32, #tpu.memory_space<vmem>>, vector<1x16xf32>,
      %swap3A_139 = arith.index_cast %scan3A_133 : i32 to index
      %swap3A_140 = arith.constant 16 : index
      %swap3A_141 = tpu.vector_load %arg4[%swap3A_139, %swap3A_140] {strides = array<i32>} : memref<80x128xf32, #tpu.memory_space<vmem>>, vector<1x16xf32>,
      %swap3A_142 = vector.shape_cast %swap3A_141 : vector<1x16xf32> to vector<16xf32>
      %swap3A_143 = vector.shape_cast %broadcast_in_dim3A_0 : vector<16xf32> to vector<1x16xf32>
      tpu.vector_store %arg4[%swap3A_139, %swap3A_140], %swap3A_143 {strides = array<i32>} : memref<80x128xf32, #tpu.memory_space<vmem>>, vector<1x16xf32>,
      %swap3A_144 = arith.index_cast %scan3A_133 : i32 to index
      %swap3A_145 = arith.constant 32 : index
      %swap3A_146 = tpu.vector_load %arg4[%swap3A_144, %swap3A_145] {strides = array<i32>} : memref<80x128xf32, #tpu.memory_space<vmem>>, vector<1x16xf32>,
      %swap3A_147 = vector.shape_cast %swap3A_146 : vector<1x16xf32> to vector<16xf32>
      %swap3A_148 = vector.shape_cast %broadcast_in_dim3A_0 : vector<16xf32> to vector<1x16xf32>
      tpu.vector_store %arg4[%swap3A_144, %swap3A_145], %swap3A_148 {strides = array<i32>} : memref<80x128xf32, #tpu.memory_space<vmem>>, vector<1x16xf32>,
      %swap3A_149 = arith.index_cast %scan3A_133 : i32 to index
      %swap3A_150 = arith.constant 48 : index
      %swap3A_151 = tpu.vector_load %arg4[%swap3A_149, %swap3A_150] {strides = array<i32>} : memref<80x128xf32, #tpu.memory_space<vmem>>, vector<1x16xf32>,
      %swap3A_152 = vector.shape_cast %swap3A_151 : vector<1x16xf32> to vector<16xf32>
      %swap3A_153 = vector.shape_cast %broadcast_in_dim3A_0 : vector<16xf32> to vector<1x16xf32>
      tpu.vector_store %arg4[%swap3A_149, %swap3A_150], %swap3A_153 {strides = array<i32>} : memref<80x128xf32, #tpu.memory_space<vmem>>, vector<1x16xf32>,
      %swap3A_154 = arith.index_cast %scan3A_133 : i32 to index
      %swap3A_155 = arith.constant 64 : index
      %swap3A_156 = tpu.vector_load %arg4[%swap3A_154, %swap3A_155] {strides = array<i32>} : memref<80x128xf32, #tpu.memory_space<vmem>>, vector<1x16xf32>,
      %swap3A_157 = vector.shape_cast %swap3A_156 : vector<1x16xf32> to vector<16xf32>
      %swap3A_158 = vector.shape_cast %broadcast_in_dim3A_0 : vector<16xf32> to vector<1x16xf32>
      tpu.vector_store %arg4[%swap3A_154, %swap3A_155], %swap3A_158 {strides = array<i32>} : memref<80x128xf32, #tpu.memory_space<vmem>>, vector<1x16xf32>,
      %swap3A_159 = arith.index_cast %scan3A_133 : i32 to index
      %swap3A_160 = arith.constant 80 : index
      %swap3A_161 = tpu.vector_load %arg4[%swap3A_159, %swap3A_160] {strides = array<i32>} : memref<80x128xf32, #tpu.memory_space<vmem>>, vector<1x16xf32>,
      %swap3A_162 = vector.shape_cast %swap3A_161 : vector<1x16xf32> to vector<16xf32>
      %swap3A_163 = vector.shape_cast %broadcast_in_dim3A_0 : vector<16xf32> to vector<1x16xf32>
      tpu.vector_store %arg4[%swap3A_159, %swap3A_160], %swap3A_163 {strides = array<i32>} : memref<80x128xf32, #tpu.memory_space<vmem>>, vector<1x16xf32>,
      %swap3A_164 = arith.index_cast %scan3A_133 : i32 to index
      %swap3A_165 = arith.constant 96 : index
      %swap3A_166 = tpu.vector_load %arg4[%swap3A_164, %swap3A_165] {strides = array<i32>} : memref<80x128xf32, #tpu.memory_space<vmem>>, vector<1x16xf32>,
      %swap3A_167 = vector.shape_cast %swap3A_166 : vector<1x16xf32> to vector<16xf32>
      %swap3A_168 = vector.shape_cast %broadcast_in_dim3A_0 : vector<16xf32> to vector<1x16xf32>
      tpu.vector_store %arg4[%swap3A_164, %swap3A_165], %swap3A_168 {strides = array<i32>} : memref<80x128xf32, #tpu.memory_space<vmem>>, vector<1x16xf32>,
      %swap3A_169 = arith.index_cast %scan3A_133 : i32 to index
      %swap3A_170 = arith.constant 112 : index
      %swap3A_171 = tpu.vector_load %arg4[%swap3A_169, %swap3A_170] {strides = array<i32>} : memref<80x128xf32, #tpu.memory_space<vmem>>, vector<1x16xf32>,
      %swap3A_172 = vector.shape_cast %swap3A_171 : vector<1x16xf32> to vector<16xf32>
      %swap3A_173 = vector.shape_cast %broadcast_in_dim3A_0 : vector<16xf32> to vector<1x16xf32>
      tpu.vector_store %arg4[%swap3A_169, %swap3A_170], %swap3A_173 {strides = array<i32>} : memref<80x128xf32, #tpu.memory_space<vmem>>, vector<1x16xf32>,
      %scan3A_174 = arith.constant 0 : i32
      scf.yield %scan3A_174 : i32
    }
    %scan3A_8 = arith.constant 80 : i32
    %add3A = arith.constant 0 : i32
    %add3A_9 = arith.addi %add3A, %arg1 : i32
    %lt3A = arith.constant 125 : i32
    %lt3A_10 = arith.cmpi slt, %add3A_9, %lt3A : i32
    %convert_element_type3A = arith.extui %lt3A_10 : i1 to i32
    %cond3A = arith.constant 0 : i32
    %cond3A_11 = arith.cmpi ne, %convert_element_type3A, %cond3A : i32
    scf.if %cond3A_11 {
      %mul3A_133 = arith.constant 80 : i32
      %mul3A_134 = arith.muli %add3A_9, %mul3A_133 : i32
      %multiple_of3A = tpu.assume_multiple %mul3A_134, 80 : i32
      "tpu.region"() ({
        %run_scoped3A = tpu.sem_alloc : memref<!tpu.dma_semaphore, #tpu.memory_space<semaphore_mem>>
        %dma_start3A = arith.constant 0 : i32
        %dma_start3A_135 = tpu.memref_slice %arg6[%multiple_of3A, %dma_start3A] : memref<10000x128xf32, #tpu.memory_space<vmem_shared>> -> memref<80x128xf32, #tpu.memory_space<vmem_shared>>
        %dma_start3A_136 = arith.constant 0 : i32
        %dma_start3A_137 = tpu.memref_slice %arg6[%multiple_of3A, %dma_start3A_136] : memref<10000x128xf32, #tpu.memory_space<vmem_shared>> -> memref<80x128xf32, #tpu.memory_space<vmem_shared>>
        tpu.enqueue_dma source(%arg4 : memref<80x128xf32, #tpu.memory_space<vmem>>) target(%dma_start3A_137 : memref<80x128xf32, #tpu.memory_space<vmem_shared>>) target_semaphore(%run_scoped3A : memref<!tpu.dma_semaphore, #tpu.memory_space<semaphore_mem>>)
        %dma_wait3A = arith.constant 0 : i32
        %dma_wait3A_138 = tpu.memref_slice %arg6[%multiple_of3A, %dma_wait3A] : memref<10000x128xf32, #tpu.memory_space<vmem_shared>> -> memref<80x128xf32, #tpu.memory_space<vmem_shared>>
        %dma_wait3A_139 = arith.constant 0 : i32
        %dma_wait3A_140 = tpu.memref_slice %arg6[%multiple_of3A, %dma_wait3A_139] : memref<10000x128xf32, #tpu.memory_space<vmem_shared>> -> memref<80x128xf32, #tpu.memory_space<vmem_shared>>
        tpu.wait_dma2 semaphore(%run_scoped3A : memref<!tpu.dma_semaphore, #tpu.memory_space<semaphore_mem>>) src(%arg4 : memref<80x128xf32, #tpu.memory_space<vmem>>) dst(%dma_wait3A_140 : memref<80x128xf32, #tpu.memory_space<vmem_shared>>)
        tpu.yield
      }) : () -> ()
    } else {
    }
    %add3A_12 = arith.constant 16 : i32
    %add3A_13 = arith.addi %add3A_12, %arg1 : i32
    %lt3A_14 = arith.constant 125 : i32
    %lt3A_15 = arith.cmpi slt, %add3A_13, %lt3A_14 : i32
    %convert_element_type3A_16 = arith.extui %lt3A_15 : i1 to i32
    %cond3A_17 = arith.constant 0 : i32
    %cond3A_18 = arith.cmpi ne, %convert_element_type3A_16, %cond3A_17 : i32
    scf.if %cond3A_18 {
      %mul3A_133 = arith.constant 80 : i32
      %mul3A_134 = arith.muli %add3A_13, %mul3A_133 : i32
      %multiple_of3A = tpu.assume_multiple %mul3A_134, 80 : i32
      "tpu.region"() ({
        %run_scoped3A = tpu.sem_alloc : memref<!tpu.dma_semaphore, #tpu.memory_space<semaphore_mem>>
        %dma_start3A = arith.constant 0 : i32
        %dma_start3A_135 = tpu.memref_slice %arg6[%multiple_of3A, %dma_start3A] : memref<10000x128xf32, #tpu.memory_space<vmem_shared>> -> memref<80x128xf32, #tpu.memory_space<vmem_shared>>
        %dma_start3A_136 = arith.constant 0 : i32
        %dma_start3A_137 = tpu.memref_slice %arg6[%multiple_of3A, %dma_start3A_136] : memref<10000x128xf32, #tpu.memory_space<vmem_shared>> -> memref<80x128xf32, #tpu.memory_space<vmem_shared>>
        tpu.enqueue_dma source(%arg4 : memref<80x128xf32, #tpu.memory_space<vmem>>) target(%dma_start3A_137 : memref<80x128xf32, #tpu.memory_space<vmem_shared>>) target_semaphore(%run_scoped3A : memref<!tpu.dma_semaphore, #tpu.memory_space<semaphore_mem>>)
        %dma_wait3A = arith.constant 0 : i32
        %dma_wait3A_138 = tpu.memref_slice %arg6[%multiple_of3A, %dma_wait3A] : memref<10000x128xf32, #tpu.memory_space<vmem_shared>> -> memref<80x128xf32, #tpu.memory_space<vmem_shared>>
        %dma_wait3A_139 = arith.constant 0 : i32
        %dma_wait3A_140 = tpu.memref_slice %arg6[%multiple_of3A, %dma_wait3A_139] : memref<10000x128xf32, #tpu.memory_space<vmem_shared>> -> memref<80x128xf32, #tpu.memory_space<vmem_shared>>
        tpu.wait_dma2 semaphore(%run_scoped3A : memref<!tpu.dma_semaphore, #tpu.memory_space<semaphore_mem>>) src(%arg4 : memref<80x128xf32, #tpu.memory_space<vmem>>) dst(%dma_wait3A_140 : memref<80x128xf32, #tpu.memory_space<vmem_shared>>)
        tpu.yield
      }) : () -> ()
    } else {
    }
    %add3A_19 = arith.constant 32 : i32
    %add3A_20 = arith.addi %add3A_19, %arg1 : i32
    %lt3A_21 = arith.constant 125 : i32
    %lt3A_22 = arith.cmpi slt, %add3A_20, %lt3A_21 : i32
    %convert_element_type3A_23 = arith.extui %lt3A_22 : i1 to i32
    %cond3A_24 = arith.constant 0 : i32
    %cond3A_25 = arith.cmpi ne, %convert_element_type3A_23, %cond3A_24 : i32
    scf.if %cond3A_25 {
      %mul3A_133 = arith.constant 80 : i32
      %mul3A_134 = arith.muli %add3A_20, %mul3A_133 : i32
      %multiple_of3A = tpu.assume_multiple %mul3A_134, 80 : i32
      "tpu.region"() ({
        %run_scoped3A = tpu.sem_alloc : memref<!tpu.dma_semaphore, #tpu.memory_space<semaphore_mem>>
        %dma_start3A = arith.constant 0 : i32
        %dma_start3A_135 = tpu.memref_slice %arg6[%multiple_of3A, %dma_start3A] : memref<10000x128xf32, #tpu.memory_space<vmem_shared>> -> memref<80x128xf32, #tpu.memory_space<vmem_shared>>
        %dma_start3A_136 = arith.constant 0 : i32
        %dma_start3A_137 = tpu.memref_slice %arg6[%multiple_of3A, %dma_start3A_136] : memref<10000x128xf32, #tpu.memory_space<vmem_shared>> -> memref<80x128xf32, #tpu.memory_space<vmem_shared>>
        tpu.enqueue_dma source(%arg4 : memref<80x128xf32, #tpu.memory_space<vmem>>) target(%dma_start3A_137 : memref<80x128xf32, #tpu.memory_space<vmem_shared>>) target_semaphore(%run_scoped3A : memref<!tpu.dma_semaphore, #tpu.memory_space<semaphore_mem>>)
        %dma_wait3A = arith.constant 0 : i32
        %dma_wait3A_138 = tpu.memref_slice %arg6[%multiple_of3A, %dma_wait3A] : memref<10000x128xf32, #tpu.memory_space<vmem_shared>> -> memref<80x128xf32, #tpu.memory_space<vmem_shared>>
        %dma_wait3A_139 = arith.constant 0 : i32
        %dma_wait3A_140 = tpu.memref_slice %arg6[%multiple_of3A, %dma_wait3A_139] : memref<10000x128xf32, #tpu.memory_space<vmem_shared>> -> memref<80x128xf32, #tpu.memory_space<vmem_shared>>
        tpu.wait_dma2 semaphore(%run_scoped3A : memref<!tpu.dma_semaphore, #tpu.memory_space<semaphore_mem>>) src(%arg4 : memref<80x128xf32, #tpu.memory_space<vmem>>) dst(%dma_wait3A_140 : memref<80x128xf32, #tpu.memory_space<vmem_shared>>)
        tpu.yield
      }) : () -> ()
    } else {
    }
    %add3A_26 = arith.constant 48 : i32
    %add3A_27 = arith.addi %add3A_26, %arg1 : i32
    %lt3A_28 = arith.constant 125 : i32
    %lt3A_29 = arith.cmpi slt, %add3A_27, %lt3A_28 : i32
    %convert_element_type3A_30 = arith.extui %lt3A_29 : i1 to i32
    %cond3A_31 = arith.constant 0 : i32
    %cond3A_32 = arith.cmpi ne, %convert_element_type3A_30, %cond3A_31 : i32
    scf.if %cond3A_32 {
      %mul3A_133 = arith.constant 80 : i32
      %mul3A_134 = arith.muli %add3A_27, %mul3A_133 : i32
      %multiple_of3A = tpu.assume_multiple %mul3A_134, 80 : i32
      "tpu.region"() ({
        %run_scoped3A = tpu.sem_alloc : memref<!tpu.dma_semaphore, #tpu.memory_space<semaphore_mem>>
        %dma_start3A = arith.constant 0 : i32
        %dma_start3A_135 = tpu.memref_slice %arg6[%multiple_of3A, %dma_start3A] : memref<10000x128xf32, #tpu.memory_space<vmem_shared>> -> memref<80x128xf32, #tpu.memory_space<vmem_shared>>
        %dma_start3A_136 = arith.constant 0 : i32
        %dma_start3A_137 = tpu.memref_slice %arg6[%multiple_of3A, %dma_start3A_136] : memref<10000x128xf32, #tpu.memory_space<vmem_shared>> -> memref<80x128xf32, #tpu.memory_space<vmem_shared>>
        tpu.enqueue_dma source(%arg4 : memref<80x128xf32, #tpu.memory_space<vmem>>) target(%dma_start3A_137 : memref<80x128xf32, #tpu.memory_space<vmem_shared>>) target_semaphore(%run_scoped3A : memref<!tpu.dma_semaphore, #tpu.memory_space<semaphore_mem>>)
        %dma_wait3A = arith.constant 0 : i32
        %dma_wait3A_138 = tpu.memref_slice %arg6[%multiple_of3A, %dma_wait3A] : memref<10000x128xf32, #tpu.memory_space<vmem_shared>> -> memref<80x128xf32, #tpu.memory_space<vmem_shared>>
        %dma_wait3A_139 = arith.constant 0 : i32
        %dma_wait3A_140 = tpu.memref_slice %arg6[%multiple_of3A, %dma_wait3A_139] : memref<10000x128xf32, #tpu.memory_space<vmem_shared>> -> memref<80x128xf32, #tpu.memory_space<vmem_shared>>
        tpu.wait_dma2 semaphore(%run_scoped3A : memref<!tpu.dma_semaphore, #tpu.memory_space<semaphore_mem>>) src(%arg4 : memref<80x128xf32, #tpu.memory_space<vmem>>) dst(%dma_wait3A_140 : memref<80x128xf32, #tpu.memory_space<vmem_shared>>)
        tpu.yield
      }) : () -> ()
    } else {
    }
    %add3A_33 = arith.constant 64 : i32
    %add3A_34 = arith.addi %add3A_33, %arg1 : i32
    %lt3A_35 = arith.constant 125 : i32
    %lt3A_36 = arith.cmpi slt, %add3A_34, %lt3A_35 : i32
    %convert_element_type3A_37 = arith.extui %lt3A_36 : i1 to i32
    %cond3A_38 = arith.constant 0 : i32
    %cond3A_39 = arith.cmpi ne, %convert_element_type3A_37, %cond3A_38 : i32
    scf.if %cond3A_39 {
      %mul3A_133 = arith.constant 80 : i32
      %mul3A_134 = arith.muli %add3A_34, %mul3A_133 : i32
      %multiple_of3A = tpu.assume_multiple %mul3A_134, 80 : i32
      "tpu.region"() ({
        %run_scoped3A = tpu.sem_alloc : memref<!tpu.dma_semaphore, #tpu.memory_space<semaphore_mem>>
        %dma_start3A = arith.constant 0 : i32
        %dma_start3A_135 = tpu.memref_slice %arg6[%multiple_of3A, %dma_start3A] : memref<10000x128xf32, #tpu.memory_space<vmem_shared>> -> memref<80x128xf32, #tpu.memory_space<vmem_shared>>
        %dma_start3A_136 = arith.constant 0 : i32
        %dma_start3A_137 = tpu.memref_slice %arg6[%multiple_of3A, %dma_start3A_136] : memref<10000x128xf32, #tpu.memory_space<vmem_shared>> -> memref<80x128xf32, #tpu.memory_space<vmem_shared>>
        tpu.enqueue_dma source(%arg4 : memref<80x128xf32, #tpu.memory_space<vmem>>) target(%dma_start3A_137 : memref<80x128xf32, #tpu.memory_space<vmem_shared>>) target_semaphore(%run_scoped3A : memref<!tpu.dma_semaphore, #tpu.memory_space<semaphore_mem>>)
        %dma_wait3A = arith.constant 0 : i32
        %dma_wait3A_138 = tpu.memref_slice %arg6[%multiple_of3A, %dma_wait3A] : memref<10000x128xf32, #tpu.memory_space<vmem_shared>> -> memref<80x128xf32, #tpu.memory_space<vmem_shared>>
        %dma_wait3A_139 = arith.constant 0 : i32
        %dma_wait3A_140 = tpu.memref_slice %arg6[%multiple_of3A, %dma_wait3A_139] : memref<10000x128xf32, #tpu.memory_space<vmem_shared>> -> memref<80x128xf32, #tpu.memory_space<vmem_shared>>
        tpu.wait_dma2 semaphore(%run_scoped3A : memref<!tpu.dma_semaphore, #tpu.memory_space<semaphore_mem>>) src(%arg4 : memref<80x128xf32, #tpu.memory_space<vmem>>) dst(%dma_wait3A_140 : memref<80x128xf32, #tpu.memory_space<vmem_shared>>)
        tpu.yield
      }) : () -> ()
    } else {
    }
    %add3A_40 = arith.constant 80 : i32
    %add3A_41 = arith.addi %add3A_40, %arg1 : i32
    %lt3A_42 = arith.constant 125 : i32
    %lt3A_43 = arith.cmpi slt, %add3A_41, %lt3A_42 : i32
    %convert_element_type3A_44 = arith.extui %lt3A_43 : i1 to i32
    %cond3A_45 = arith.constant 0 : i32
    %cond3A_46 = arith.cmpi ne, %convert_element_type3A_44, %cond3A_45 : i32
    scf.if %cond3A_46 {
      %mul3A_133 = arith.constant 80 : i32
      %mul3A_134 = arith.muli %add3A_41, %mul3A_133 : i32
      %multiple_of3A = tpu.assume_multiple %mul3A_134, 80 : i32
      "tpu.region"() ({
        %run_scoped3A = tpu.sem_alloc : memref<!tpu.dma_semaphore, #tpu.memory_space<semaphore_mem>>
        %dma_start3A = arith.constant 0 : i32
        %dma_start3A_135 = tpu.memref_slice %arg6[%multiple_of3A, %dma_start3A] : memref<10000x128xf32, #tpu.memory_space<vmem_shared>> -> memref<80x128xf32, #tpu.memory_space<vmem_shared>>
        %dma_start3A_136 = arith.constant 0 : i32
        %dma_start3A_137 = tpu.memref_slice %arg6[%multiple_of3A, %dma_start3A_136] : memref<10000x128xf32, #tpu.memory_space<vmem_shared>> -> memref<80x128xf32, #tpu.memory_space<vmem_shared>>
        tpu.enqueue_dma source(%arg4 : memref<80x128xf32, #tpu.memory_space<vmem>>) target(%dma_start3A_137 : memref<80x128xf32, #tpu.memory_space<vmem_shared>>) target_semaphore(%run_scoped3A : memref<!tpu.dma_semaphore, #tpu.memory_space<semaphore_mem>>)
        %dma_wait3A = arith.constant 0 : i32
        %dma_wait3A_138 = tpu.memref_slice %arg6[%multiple_of3A, %dma_wait3A] : memref<10000x128xf32, #tpu.memory_space<vmem_shared>> -> memref<80x128xf32, #tpu.memory_space<vmem_shared>>
        %dma_wait3A_139 = arith.constant 0 : i32
        %dma_wait3A_140 = tpu.memref_slice %arg6[%multiple_of3A, %dma_wait3A_139] : memref<10000x128xf32, #tpu.memory_space<vmem_shared>> -> memref<80x128xf32, #tpu.memory_space<vmem_shared>>
        tpu.wait_dma2 semaphore(%run_scoped3A : memref<!tpu.dma_semaphore, #tpu.memory_space<semaphore_mem>>) src(%arg4 : memref<80x128xf32, #tpu.memory_space<vmem>>) dst(%dma_wait3A_140 : memref<80x128xf32, #tpu.memory_space<vmem_shared>>)
        tpu.yield
      }) : () -> ()
    } else {
    }
    %add3A_47 = arith.constant 96 : i32
    %add3A_48 = arith.addi %add3A_47, %arg1 : i32
    %lt3A_49 = arith.constant 125 : i32
    %lt3A_50 = arith.cmpi slt, %add3A_48, %lt3A_49 : i32
    %convert_element_type3A_51 = arith.extui %lt3A_50 : i1 to i32
    %cond3A_52 = arith.constant 0 : i32
    %cond3A_53 = arith.cmpi ne, %convert_element_type3A_51, %cond3A_52 : i32
    scf.if %cond3A_53 {
      %mul3A_133 = arith.constant 80 : i32
      %mul3A_134 = arith.muli %add3A_48, %mul3A_133 : i32
      %multiple_of3A = tpu.assume_multiple %mul3A_134, 80 : i32
      "tpu.region"() ({
        %run_scoped3A = tpu.sem_alloc : memref<!tpu.dma_semaphore, #tpu.memory_space<semaphore_mem>>
        %dma_start3A = arith.constant 0 : i32
        %dma_start3A_135 = tpu.memref_slice %arg6[%multiple_of3A, %dma_start3A] : memref<10000x128xf32, #tpu.memory_space<vmem_shared>> -> memref<80x128xf32, #tpu.memory_space<vmem_shared>>
        %dma_start3A_136 = arith.constant 0 : i32
        %dma_start3A_137 = tpu.memref_slice %arg6[%multiple_of3A, %dma_start3A_136] : memref<10000x128xf32, #tpu.memory_space<vmem_shared>> -> memref<80x128xf32, #tpu.memory_space<vmem_shared>>
        tpu.enqueue_dma source(%arg4 : memref<80x128xf32, #tpu.memory_space<vmem>>) target(%dma_start3A_137 : memref<80x128xf32, #tpu.memory_space<vmem_shared>>) target_semaphore(%run_scoped3A : memref<!tpu.dma_semaphore, #tpu.memory_space<semaphore_mem>>)
        %dma_wait3A = arith.constant 0 : i32
        %dma_wait3A_138 = tpu.memref_slice %arg6[%multiple_of3A, %dma_wait3A] : memref<10000x128xf32, #tpu.memory_space<vmem_shared>> -> memref<80x128xf32, #tpu.memory_space<vmem_shared>>
        %dma_wait3A_139 = arith.constant 0 : i32
        %dma_wait3A_140 = tpu.memref_slice %arg6[%multiple_of3A, %dma_wait3A_139] : memref<10000x128xf32, #tpu.memory_space<vmem_shared>> -> memref<80x128xf32, #tpu.memory_space<vmem_shared>>
        tpu.wait_dma2 semaphore(%run_scoped3A : memref<!tpu.dma_semaphore, #tpu.memory_space<semaphore_mem>>) src(%arg4 : memref<80x128xf32, #tpu.memory_space<vmem>>) dst(%dma_wait3A_140 : memref<80x128xf32, #tpu.memory_space<vmem_shared>>)
        tpu.yield
      }) : () -> ()
    } else {
    }
    %add3A_54 = arith.constant 112 : i32
    %add3A_55 = arith.addi %add3A_54, %arg1 : i32
    %lt3A_56 = arith.constant 125 : i32
    %lt3A_57 = arith.cmpi slt, %add3A_55, %lt3A_56 : i32
    %convert_element_type3A_58 = arith.extui %lt3A_57 : i1 to i32
    %cond3A_59 = arith.constant 0 : i32
    %cond3A_60 = arith.cmpi ne, %convert_element_type3A_58, %cond3A_59 : i32
    scf.if %cond3A_60 {
      %mul3A_133 = arith.constant 80 : i32
      %mul3A_134 = arith.muli %add3A_55, %mul3A_133 : i32
      %multiple_of3A = tpu.assume_multiple %mul3A_134, 80 : i32
      "tpu.region"() ({
        %run_scoped3A = tpu.sem_alloc : memref<!tpu.dma_semaphore, #tpu.memory_space<semaphore_mem>>
        %dma_start3A = arith.constant 0 : i32
        %dma_start3A_135 = tpu.memref_slice %arg6[%multiple_of3A, %dma_start3A] : memref<10000x128xf32, #tpu.memory_space<vmem_shared>> -> memref<80x128xf32, #tpu.memory_space<vmem_shared>>
        %dma_start3A_136 = arith.constant 0 : i32
        %dma_start3A_137 = tpu.memref_slice %arg6[%multiple_of3A, %dma_start3A_136] : memref<10000x128xf32, #tpu.memory_space<vmem_shared>> -> memref<80x128xf32, #tpu.memory_space<vmem_shared>>
        tpu.enqueue_dma source(%arg4 : memref<80x128xf32, #tpu.memory_space<vmem>>) target(%dma_start3A_137 : memref<80x128xf32, #tpu.memory_space<vmem_shared>>) target_semaphore(%run_scoped3A : memref<!tpu.dma_semaphore, #tpu.memory_space<semaphore_mem>>)
        %dma_wait3A = arith.constant 0 : i32
        %dma_wait3A_138 = tpu.memref_slice %arg6[%multiple_of3A, %dma_wait3A] : memref<10000x128xf32, #tpu.memory_space<vmem_shared>> -> memref<80x128xf32, #tpu.memory_space<vmem_shared>>
        %dma_wait3A_139 = arith.constant 0 : i32
        %dma_wait3A_140 = tpu.memref_slice %arg6[%multiple_of3A, %dma_wait3A_139] : memref<10000x128xf32, #tpu.memory_space<vmem_shared>> -> memref<80x128xf32, #tpu.memory_space<vmem_shared>>
        tpu.wait_dma2 semaphore(%run_scoped3A : memref<!tpu.dma_semaphore, #tpu.memory_space<semaphore_mem>>) src(%arg4 : memref<80x128xf32, #tpu.memory_space<vmem>>) dst(%dma_wait3A_140 : memref<80x128xf32, #tpu.memory_space<vmem_shared>>)
        tpu.yield
      }) : () -> ()
    } else {
    }
    %scan3A_61 = arith.constant 0 : i32
    %scan3A_62 = arith.constant 0 : i32
    %scan3A_63 = arith.constant 80 : i32
    %scan3A_64 = arith.addi %scan3A_62, %scan3A_63 : i32
    %scan3A_65 = arith.constant 1 : i32
    %scan3A_66 = scf.for %scan3A_133 = %scan3A_62 to %scan3A_64 step %scan3A_65 iter_args(%scan3A_134 = %scan3A_61) -> (i32)  : i32 {
      %swap3A = arith.index_cast %scan3A_133 : i32 to index
      %swap3A_135 = arith.constant 0 : index
      %swap3A_136 = tpu.vector_load %arg4[%swap3A, %swap3A_135] {strides = array<i32>} : memref<80x128xf32, #tpu.memory_space<vmem>>, vector<1x16xf32>,
      %swap3A_137 = vector.shape_cast %swap3A_136 : vector<1x16xf32> to vector<16xf32>
      %swap3A_138 = vector.shape_cast %broadcast_in_dim3A_2 : vector<16xf32> to vector<1x16xf32>
      tpu.vector_store %arg4[%swap3A, %swap3A_135], %swap3A_138 {strides = array<i32>} : memref<80x128xf32, #tpu.memory_space<vmem>>, vector<1x16xf32>,
      %scan3A_139 = arith.constant 0 : i32
      scf.yield %scan3A_139 : i32
    }
    %scan3A_67 = arith.constant 80 : i32
    %barrier3A = arith.constant 0 : index
    tpu.barrier barrier_id(%barrier3A)
    %mul3A = arith.constant 20000 : i32
    %mul3A_68 = arith.muli %arg1, %mul3A : i32
    %scan3A_69 = arith.constant 0 : i32
    %scan3A_70 = arith.constant 0 : i32
    %scan3A_71 = arith.constant 125 : i32
    %scan3A_72 = arith.addi %scan3A_70, %scan3A_71 : i32
    %scan3A_73 = arith.constant 1 : i32
    %scan3A_74 = scf.for %scan3A_133 = %scan3A_70 to %scan3A_72 step %scan3A_73 iter_args(%scan3A_134 = %scan3A_69) -> (i32)  : i32 {
      %mul3A_135 = arith.constant 160 : i32
      %mul3A_136 = arith.muli %scan3A_133, %mul3A_135 : i32
      %add3A_137 = arith.addi %mul3A_68, %mul3A_136 : i32
      %multiple_of3A = tpu.assume_multiple %add3A_137, 80 : i32
      %add3A_138 = arith.constant 80 : i32
      %add3A_139 = arith.addi %multiple_of3A, %add3A_138 : i32
      %multiple_of3A_140 = tpu.assume_multiple %add3A_139, 80 : i32
      %dma_start3A = arith.constant 0 : i32
      %dma_start3A_141 = arith.constant 0 : i32
      %dma_start3A_142 = tpu.memref_slice %arg5[%dma_start3A, %dma_start3A_141] : memref<2x80xi32, #tpu.memory_space<vmem>> -> memref<1x80xi32, #tpu.memory_space<vmem>>
      %dma_start3A_143 = tpu.memref_squeeze %dma_start3A_142 : memref<1x80xi32, #tpu.memory_space<vmem>> -> memref<80xi32, #tpu.memory_space<vmem>>
      %dma_start3A_144 = tpu.memref_slice %arg2[%multiple_of3A] : memref<320000xi32, #tpu.memory_space<hbm>> -> memref<80xi32, #tpu.memory_space<hbm>>
      %dma_start3A_145 = arith.constant 0 : i32
      %dma_start3A_146 = tpu.memref_slice %arg5[%dma_start3A, %dma_start3A_145] : memref<2x80xi32, #tpu.memory_space<vmem>> -> memref<1x80xi32, #tpu.memory_space<vmem>>
      %dma_start3A_147 = tpu.memref_squeeze %dma_start3A_146 : memref<1x80xi32, #tpu.memory_space<vmem>> -> memref<80xi32, #tpu.memory_space<vmem>>
      %dma_start3A_148 = tpu.memref_slice %arg2[%multiple_of3A] : memref<320000xi32, #tpu.memory_space<hbm>> -> memref<80xi32, #tpu.memory_space<hbm>>
      tpu.enqueue_dma source(%dma_start3A_148 : memref<80xi32, #tpu.memory_space<hbm>>) target(%dma_start3A_147 : memref<80xi32, #tpu.memory_space<vmem>>) target_semaphore(%arg7 : memref<!tpu.dma_semaphore, #tpu.memory_space<semaphore_mem>>)
      %dma_start3A_149 = arith.constant 1 : i32
      %dma_start3A_150 = arith.constant 0 : i32
      %dma_start3A_151 = tpu.memref_slice %arg5[%dma_start3A_149, %dma_start3A_150] : memref<2x80xi32, #tpu.memory_space<vmem>> -> memref<1x80xi32, #tpu.memory_space<vmem>>
      %dma_start3A_152 = tpu.memref_squeeze %dma_start3A_151 : memref<1x80xi32, #tpu.memory_space<vmem>> -> memref<80xi32, #tpu.memory_space<vmem>>
      %dma_start3A_153 = tpu.memref_slice %arg2[%multiple_of3A_140] : memref<320000xi32, #tpu.memory_space<hbm>> -> memref<80xi32, #tpu.memory_space<hbm>>
      %dma_start3A_154 = arith.constant 0 : i32
      %dma_start3A_155 = tpu.memref_slice %arg5[%dma_start3A_149, %dma_start3A_154] : memref<2x80xi32, #tpu.memory_space<vmem>> -> memref<1x80xi32, #tpu.memory_space<vmem>>
      %dma_start3A_156 = tpu.memref_squeeze %dma_start3A_155 : memref<1x80xi32, #tpu.memory_space<vmem>> -> memref<80xi32, #tpu.memory_space<vmem>>
      %dma_start3A_157 = tpu.memref_slice %arg2[%multiple_of3A_140] : memref<320000xi32, #tpu.memory_space<hbm>> -> memref<80xi32, #tpu.memory_space<hbm>>
      tpu.enqueue_dma source(%dma_start3A_157 : memref<80xi32, #tpu.memory_space<hbm>>) target(%dma_start3A_156 : memref<80xi32, #tpu.memory_space<vmem>>) target_semaphore(%arg7 : memref<!tpu.dma_semaphore, #tpu.memory_space<semaphore_mem>>)
      %dma_wait3A = arith.constant 0 : i32
      %dma_wait3A_158 = arith.constant 0 : i32
      %dma_wait3A_159 = tpu.memref_slice %arg5[%dma_wait3A, %dma_wait3A_158] : memref<2x80xi32, #tpu.memory_space<vmem>> -> memref<1x80xi32, #tpu.memory_space<vmem>>
      %dma_wait3A_160 = tpu.memref_squeeze %dma_wait3A_159 : memref<1x80xi32, #tpu.memory_space<vmem>> -> memref<80xi32, #tpu.memory_space<vmem>>
      %dma_wait3A_161 = tpu.memref_slice %arg2[%multiple_of3A] : memref<320000xi32, #tpu.memory_space<hbm>> -> memref<80xi32, #tpu.memory_space<hbm>>
      %dma_wait3A_162 = arith.constant 0 : i32
      %dma_wait3A_163 = tpu.memref_slice %arg5[%dma_wait3A, %dma_wait3A_162] : memref<2x80xi32, #tpu.memory_space<vmem>> -> memref<1x80xi32, #tpu.memory_space<vmem>>
      %dma_wait3A_164 = tpu.memref_squeeze %dma_wait3A_163 : memref<1x80xi32, #tpu.memory_space<vmem>> -> memref<80xi32, #tpu.memory_space<vmem>>
      %dma_wait3A_165 = tpu.memref_slice %arg2[%multiple_of3A] : memref<320000xi32, #tpu.memory_space<hbm>> -> memref<80xi32, #tpu.memory_space<hbm>>
      tpu.wait_dma2 semaphore(%arg7 : memref<!tpu.dma_semaphore, #tpu.memory_space<semaphore_mem>>) src(%dma_wait3A_165 : memref<80xi32, #tpu.memory_space<hbm>>) dst(%dma_wait3A_164 : memref<80xi32, #tpu.memory_space<vmem>>)
      %dma_start3A_166 = arith.constant 0 : i32
      %dma_start3A_167 = arith.constant 0 : i32
      %dma_start3A_168 = tpu.memref_slice %arg5[%dma_start3A_166, %dma_start3A_167] : memref<2x80xi32, #tpu.memory_space<vmem>> -> memref<1x80xi32, #tpu.memory_space<vmem>>
      %dma_start3A_169 = tpu.memref_squeeze %dma_start3A_168 : memref<1x80xi32, #tpu.memory_space<vmem>> -> memref<80xi32, #tpu.memory_space<vmem>>
      %dma_start3A_170 = arith.constant 0 : i32
      %dma_start3A_171 = arith.constant 0 : i32
      %dma_start3A_172 = tpu.memref_slice %arg6[%dma_start3A_170, %dma_start3A_171] : memref<10000x128xf32, #tpu.memory_space<vmem_shared>> -> memref<10000x128xf32, #tpu.memory_space<vmem_shared>>
      tpu.enqueue_indirect_dma source(%arg4 : memref<80x128xf32, #tpu.memory_space<vmem>>) target(%dma_start3A_172 : memref<10000x128xf32, #tpu.memory_space<vmem_shared>>) offsets(%dma_start3A_169 : memref<80xi32, #tpu.memory_space<vmem>>) semaphore(%arg8 : memref<!tpu.dma_semaphore, #tpu.memory_space<semaphore_mem>>) {add = true}
      %dma_wait3A_173 = arith.constant 1 : i32
      %dma_wait3A_174 = arith.constant 0 : i32
      %dma_wait3A_175 = tpu.memref_slice %arg5[%dma_wait3A_173, %dma_wait3A_174] : memref<2x80xi32, #tpu.memory_space<vmem>> -> memref<1x80xi32, #tpu.memory_space<vmem>>
      %dma_wait3A_176 = tpu.memref_squeeze %dma_wait3A_175 : memref<1x80xi32, #tpu.memory_space<vmem>> -> memref<80xi32, #tpu.memory_space<vmem>>
      %dma_wait3A_177 = tpu.memref_slice %arg2[%multiple_of3A_140] : memref<320000xi32, #tpu.memory_space<hbm>> -> memref<80xi32, #tpu.memory_space<hbm>>
      %dma_wait3A_178 = arith.constant 0 : i32
      %dma_wait3A_179 = tpu.memref_slice %arg5[%dma_wait3A_173, %dma_wait3A_178] : memref<2x80xi32, #tpu.memory_space<vmem>> -> memref<1x80xi32, #tpu.memory_space<vmem>>
      %dma_wait3A_180 = tpu.memref_squeeze %dma_wait3A_179 : memref<1x80xi32, #tpu.memory_space<vmem>> -> memref<80xi32, #tpu.memory_space<vmem>>
      %dma_wait3A_181 = tpu.memref_slice %arg2[%multiple_of3A_140] : memref<320000xi32, #tpu.memory_space<hbm>> -> memref<80xi32, #tpu.memory_space<hbm>>
      tpu.wait_dma2 semaphore(%arg7 : memref<!tpu.dma_semaphore, #tpu.memory_space<semaphore_mem>>) src(%dma_wait3A_181 : memref<80xi32, #tpu.memory_space<hbm>>) dst(%dma_wait3A_180 : memref<80xi32, #tpu.memory_space<vmem>>)
      %dma_start3A_182 = arith.constant 1 : i32
      %dma_start3A_183 = arith.constant 0 : i32
      %dma_start3A_184 = tpu.memref_slice %arg5[%dma_start3A_182, %dma_start3A_183] : memref<2x80xi32, #tpu.memory_space<vmem>> -> memref<1x80xi32, #tpu.memory_space<vmem>>
      %dma_start3A_185 = tpu.memref_squeeze %dma_start3A_184 : memref<1x80xi32, #tpu.memory_space<vmem>> -> memref<80xi32, #tpu.memory_space<vmem>>
      %dma_start3A_186 = arith.constant 0 : i32
      %dma_start3A_187 = arith.constant 0 : i32
      %dma_start3A_188 = tpu.memref_slice %arg6[%dma_start3A_186, %dma_start3A_187] : memref<10000x128xf32, #tpu.memory_space<vmem_shared>> -> memref<10000x128xf32, #tpu.memory_space<vmem_shared>>
      tpu.enqueue_indirect_dma source(%arg4 : memref<80x128xf32, #tpu.memory_space<vmem>>) target(%dma_start3A_188 : memref<10000x128xf32, #tpu.memory_space<vmem_shared>>) offsets(%dma_start3A_185 : memref<80xi32, #tpu.memory_space<vmem>>) semaphore(%arg8 : memref<!tpu.dma_semaphore, #tpu.memory_space<semaphore_mem>>) {add = true}
      %dma_wait3A_189 = arith.constant 0 : i32
      %dma_wait3A_190 = arith.constant 0 : i32
      %dma_wait3A_191 = tpu.memref_slice %arg5[%dma_wait3A_189, %dma_wait3A_190] : memref<2x80xi32, #tpu.memory_space<vmem>> -> memref<1x80xi32, #tpu.memory_space<vmem>>
      %dma_wait3A_192 = tpu.memref_squeeze %dma_wait3A_191 : memref<1x80xi32, #tpu.memory_space<vmem>> -> memref<80xi32, #tpu.memory_space<vmem>>
      %dma_wait3A_193 = arith.constant 0 : i32
      %dma_wait3A_194 = arith.constant 0 : i32
      %dma_wait3A_195 = tpu.memref_slice %arg6[%dma_wait3A_193, %dma_wait3A_194] : memref<10000x128xf32, #tpu.memory_space<vmem_shared>> -> memref<10000x128xf32, #tpu.memory_space<vmem_shared>>
      tpu.wait_indirect_dma semaphore(%arg8 : memref<!tpu.dma_semaphore, #tpu.memory_space<semaphore_mem>>) src(%arg4 : memref<80x128xf32, #tpu.memory_space<vmem>>) dst(%dma_wait3A_195 : memref<10000x128xf32, #tpu.memory_space<vmem_shared>>)
      %dma_wait3A_196 = arith.constant 1 : i32
      %dma_wait3A_197 = arith.constant 0 : i32
      %dma_wait3A_198 = tpu.memref_slice %arg5[%dma_wait3A_196, %dma_wait3A_197] : memref<2x80xi32, #tpu.memory_space<vmem>> -> memref<1x80xi32, #tpu.memory_space<vmem>>
      %dma_wait3A_199 = tpu.memref_squeeze %dma_wait3A_198 : memref<1x80xi32, #tpu.memory_space<vmem>> -> memref<80xi32, #tpu.memory_space<vmem>>
      %dma_wait3A_200 = arith.constant 0 : i32
      %dma_wait3A_201 = arith.constant 0 : i32
      %dma_wait3A_202 = tpu.memref_slice %arg6[%dma_wait3A_200, %dma_wait3A_201] : memref<10000x128xf32, #tpu.memory_space<vmem_shared>> -> memref<10000x128xf32, #tpu.memory_space<vmem_shared>>
      tpu.wait_indirect_dma semaphore(%arg8 : memref<!tpu.dma_semaphore, #tpu.memory_space<semaphore_mem>>) src(%arg4 : memref<80x128xf32, #tpu.memory_space<vmem>>) dst(%dma_wait3A_202 : memref<10000x128xf32, #tpu.memory_space<vmem_shared>>)
      %scan3A_203 = arith.constant 0 : i32
      scf.yield %scan3A_203 : i32
    }
    %scan3A_75 = arith.constant 125 : i32
    %barrier3A_76 = arith.constant 0 : index
    tpu.barrier barrier_id(%barrier3A_76)
    %add3A_77 = arith.constant 0 : i32
    %add3A_78 = arith.addi %add3A_77, %arg1 : i32
    %lt3A_79 = arith.constant 125 : i32
    %lt3A_80 = arith.cmpi slt, %add3A_78, %lt3A_79 : i32
    %convert_element_type3A_81 = arith.extui %lt3A_80 : i1 to i32
    %cond3A_82 = arith.constant 0 : i32
    %cond3A_83 = arith.cmpi ne, %convert_element_type3A_81, %cond3A_82 : i32
    scf.if %cond3A_83 {
      %mul3A_133 = arith.constant 80 : i32
      %mul3A_134 = arith.muli %add3A_78, %mul3A_133 : i32
      %multiple_of3A = tpu.assume_multiple %mul3A_134, 80 : i32
      "tpu.region"() ({
        %run_scoped3A = tpu.sem_alloc : memref<!tpu.dma_semaphore, #tpu.memory_space<semaphore_mem>>
        %dma_start3A = arith.constant 0 : i32
        %dma_start3A_135 = tpu.memref_slice %arg3[%multiple_of3A, %dma_start3A] : memref<10000x128xf32, #tpu.memory_space<hbm>> -> memref<80x128xf32, #tpu.memory_space<hbm>>
        %dma_start3A_136 = arith.constant 0 : i32
        %dma_start3A_137 = tpu.memref_slice %arg6[%multiple_of3A, %dma_start3A_136] : memref<10000x128xf32, #tpu.memory_space<vmem_shared>> -> memref<80x128xf32, #tpu.memory_space<vmem_shared>>
        tpu.enqueue_dma source(%dma_start3A_137 : memref<80x128xf32, #tpu.memory_space<vmem_shared>>) target(%dma_start3A_135 : memref<80x128xf32, #tpu.memory_space<hbm>>) target_semaphore(%run_scoped3A : memref<!tpu.dma_semaphore, #tpu.memory_space<semaphore_mem>>)
        %dma_wait3A = arith.constant 0 : i32
        %dma_wait3A_138 = tpu.memref_slice %arg3[%multiple_of3A, %dma_wait3A] : memref<10000x128xf32, #tpu.memory_space<hbm>> -> memref<80x128xf32, #tpu.memory_space<hbm>>
        %dma_wait3A_139 = arith.constant 0 : i32
        %dma_wait3A_140 = tpu.memref_slice %arg6[%multiple_of3A, %dma_wait3A_139] : memref<10000x128xf32, #tpu.memory_space<vmem_shared>> -> memref<80x128xf32, #tpu.memory_space<vmem_shared>>
        tpu.wait_dma2 semaphore(%run_scoped3A : memref<!tpu.dma_semaphore, #tpu.memory_space<semaphore_mem>>) src(%dma_wait3A_140 : memref<80x128xf32, #tpu.memory_space<vmem_shared>>) dst(%dma_wait3A_138 : memref<80x128xf32, #tpu.memory_space<hbm>>)
        tpu.yield
      }) : () -> ()
    } else {
    }
    %add3A_84 = arith.constant 16 : i32
    %add3A_85 = arith.addi %add3A_84, %arg1 : i32
    %lt3A_86 = arith.constant 125 : i32
    %lt3A_87 = arith.cmpi slt, %add3A_85, %lt3A_86 : i32
    %convert_element_type3A_88 = arith.extui %lt3A_87 : i1 to i32
    %cond3A_89 = arith.constant 0 : i32
    %cond3A_90 = arith.cmpi ne, %convert_element_type3A_88, %cond3A_89 : i32
    scf.if %cond3A_90 {
      %mul3A_133 = arith.constant 80 : i32
      %mul3A_134 = arith.muli %add3A_85, %mul3A_133 : i32
      %multiple_of3A = tpu.assume_multiple %mul3A_134, 80 : i32
      "tpu.region"() ({
        %run_scoped3A = tpu.sem_alloc : memref<!tpu.dma_semaphore, #tpu.memory_space<semaphore_mem>>
        %dma_start3A = arith.constant 0 : i32
        %dma_start3A_135 = tpu.memref_slice %arg3[%multiple_of3A, %dma_start3A] : memref<10000x128xf32, #tpu.memory_space<hbm>> -> memref<80x128xf32, #tpu.memory_space<hbm>>
        %dma_start3A_136 = arith.constant 0 : i32
        %dma_start3A_137 = tpu.memref_slice %arg6[%multiple_of3A, %dma_start3A_136] : memref<10000x128xf32, #tpu.memory_space<vmem_shared>> -> memref<80x128xf32, #tpu.memory_space<vmem_shared>>
        tpu.enqueue_dma source(%dma_start3A_137 : memref<80x128xf32, #tpu.memory_space<vmem_shared>>) target(%dma_start3A_135 : memref<80x128xf32, #tpu.memory_space<hbm>>) target_semaphore(%run_scoped3A : memref<!tpu.dma_semaphore, #tpu.memory_space<semaphore_mem>>)
        %dma_wait3A = arith.constant 0 : i32
        %dma_wait3A_138 = tpu.memref_slice %arg3[%multiple_of3A, %dma_wait3A] : memref<10000x128xf32, #tpu.memory_space<hbm>> -> memref<80x128xf32, #tpu.memory_space<hbm>>
        %dma_wait3A_139 = arith.constant 0 : i32
        %dma_wait3A_140 = tpu.memref_slice %arg6[%multiple_of3A, %dma_wait3A_139] : memref<10000x128xf32, #tpu.memory_space<vmem_shared>> -> memref<80x128xf32, #tpu.memory_space<vmem_shared>>
        tpu.wait_dma2 semaphore(%run_scoped3A : memref<!tpu.dma_semaphore, #tpu.memory_space<semaphore_mem>>) src(%dma_wait3A_140 : memref<80x128xf32, #tpu.memory_space<vmem_shared>>) dst(%dma_wait3A_138 : memref<80x128xf32, #tpu.memory_space<hbm>>)
        tpu.yield
      }) : () -> ()
    } else {
    }
    %add3A_91 = arith.constant 32 : i32
    %add3A_92 = arith.addi %add3A_91, %arg1 : i32
    %lt3A_93 = arith.constant 125 : i32
    %lt3A_94 = arith.cmpi slt, %add3A_92, %lt3A_93 : i32
    %convert_element_type3A_95 = arith.extui %lt3A_94 : i1 to i32
    %cond3A_96 = arith.constant 0 : i32
    %cond3A_97 = arith.cmpi ne, %convert_element_type3A_95, %cond3A_96 : i32
    scf.if %cond3A_97 {
      %mul3A_133 = arith.constant 80 : i32
      %mul3A_134 = arith.muli %add3A_92, %mul3A_133 : i32
      %multiple_of3A = tpu.assume_multiple %mul3A_134, 80 : i32
      "tpu.region"() ({
        %run_scoped3A = tpu.sem_alloc : memref<!tpu.dma_semaphore, #tpu.memory_space<semaphore_mem>>
        %dma_start3A = arith.constant 0 : i32
        %dma_start3A_135 = tpu.memref_slice %arg3[%multiple_of3A, %dma_start3A] : memref<10000x128xf32, #tpu.memory_space<hbm>> -> memref<80x128xf32, #tpu.memory_space<hbm>>
        %dma_start3A_136 = arith.constant 0 : i32
        %dma_start3A_137 = tpu.memref_slice %arg6[%multiple_of3A, %dma_start3A_136] : memref<10000x128xf32, #tpu.memory_space<vmem_shared>> -> memref<80x128xf32, #tpu.memory_space<vmem_shared>>
        tpu.enqueue_dma source(%dma_start3A_137 : memref<80x128xf32, #tpu.memory_space<vmem_shared>>) target(%dma_start3A_135 : memref<80x128xf32, #tpu.memory_space<hbm>>) target_semaphore(%run_scoped3A : memref<!tpu.dma_semaphore, #tpu.memory_space<semaphore_mem>>)
        %dma_wait3A = arith.constant 0 : i32
        %dma_wait3A_138 = tpu.memref_slice %arg3[%multiple_of3A, %dma_wait3A] : memref<10000x128xf32, #tpu.memory_space<hbm>> -> memref<80x128xf32, #tpu.memory_space<hbm>>
        %dma_wait3A_139 = arith.constant 0 : i32
        %dma_wait3A_140 = tpu.memref_slice %arg6[%multiple_of3A, %dma_wait3A_139] : memref<10000x128xf32, #tpu.memory_space<vmem_shared>> -> memref<80x128xf32, #tpu.memory_space<vmem_shared>>
        tpu.wait_dma2 semaphore(%run_scoped3A : memref<!tpu.dma_semaphore, #tpu.memory_space<semaphore_mem>>) src(%dma_wait3A_140 : memref<80x128xf32, #tpu.memory_space<vmem_shared>>) dst(%dma_wait3A_138 : memref<80x128xf32, #tpu.memory_space<hbm>>)
        tpu.yield
      }) : () -> ()
    } else {
    }
    %add3A_98 = arith.constant 48 : i32
    %add3A_99 = arith.addi %add3A_98, %arg1 : i32
    %lt3A_100 = arith.constant 125 : i32
    %lt3A_101 = arith.cmpi slt, %add3A_99, %lt3A_100 : i32
    %convert_element_type3A_102 = arith.extui %lt3A_101 : i1 to i32
    %cond3A_103 = arith.constant 0 : i32
    %cond3A_104 = arith.cmpi ne, %convert_element_type3A_102, %cond3A_103 : i32
    scf.if %cond3A_104 {
      %mul3A_133 = arith.constant 80 : i32
      %mul3A_134 = arith.muli %add3A_99, %mul3A_133 : i32
      %multiple_of3A = tpu.assume_multiple %mul3A_134, 80 : i32
      "tpu.region"() ({
        %run_scoped3A = tpu.sem_alloc : memref<!tpu.dma_semaphore, #tpu.memory_space<semaphore_mem>>
        %dma_start3A = arith.constant 0 : i32
        %dma_start3A_135 = tpu.memref_slice %arg3[%multiple_of3A, %dma_start3A] : memref<10000x128xf32, #tpu.memory_space<hbm>> -> memref<80x128xf32, #tpu.memory_space<hbm>>
        %dma_start3A_136 = arith.constant 0 : i32
        %dma_start3A_137 = tpu.memref_slice %arg6[%multiple_of3A, %dma_start3A_136] : memref<10000x128xf32, #tpu.memory_space<vmem_shared>> -> memref<80x128xf32, #tpu.memory_space<vmem_shared>>
        tpu.enqueue_dma source(%dma_start3A_137 : memref<80x128xf32, #tpu.memory_space<vmem_shared>>) target(%dma_start3A_135 : memref<80x128xf32, #tpu.memory_space<hbm>>) target_semaphore(%run_scoped3A : memref<!tpu.dma_semaphore, #tpu.memory_space<semaphore_mem>>)
        %dma_wait3A = arith.constant 0 : i32
        %dma_wait3A_138 = tpu.memref_slice %arg3[%multiple_of3A, %dma_wait3A] : memref<10000x128xf32, #tpu.memory_space<hbm>> -> memref<80x128xf32, #tpu.memory_space<hbm>>
        %dma_wait3A_139 = arith.constant 0 : i32
        %dma_wait3A_140 = tpu.memref_slice %arg6[%multiple_of3A, %dma_wait3A_139] : memref<10000x128xf32, #tpu.memory_space<vmem_shared>> -> memref<80x128xf32, #tpu.memory_space<vmem_shared>>
        tpu.wait_dma2 semaphore(%run_scoped3A : memref<!tpu.dma_semaphore, #tpu.memory_space<semaphore_mem>>) src(%dma_wait3A_140 : memref<80x128xf32, #tpu.memory_space<vmem_shared>>) dst(%dma_wait3A_138 : memref<80x128xf32, #tpu.memory_space<hbm>>)
        tpu.yield
      }) : () -> ()
    } else {
    }
    %add3A_105 = arith.constant 64 : i32
    %add3A_106 = arith.addi %add3A_105, %arg1 : i32
    %lt3A_107 = arith.constant 125 : i32
    %lt3A_108 = arith.cmpi slt, %add3A_106, %lt3A_107 : i32
    %convert_element_type3A_109 = arith.extui %lt3A_108 : i1 to i32
    %cond3A_110 = arith.constant 0 : i32
    %cond3A_111 = arith.cmpi ne, %convert_element_type3A_109, %cond3A_110 : i32
    scf.if %cond3A_111 {
      %mul3A_133 = arith.constant 80 : i32
      %mul3A_134 = arith.muli %add3A_106, %mul3A_133 : i32
      %multiple_of3A = tpu.assume_multiple %mul3A_134, 80 : i32
      "tpu.region"() ({
        %run_scoped3A = tpu.sem_alloc : memref<!tpu.dma_semaphore, #tpu.memory_space<semaphore_mem>>
        %dma_start3A = arith.constant 0 : i32
        %dma_start3A_135 = tpu.memref_slice %arg3[%multiple_of3A, %dma_start3A] : memref<10000x128xf32, #tpu.memory_space<hbm>> -> memref<80x128xf32, #tpu.memory_space<hbm>>
        %dma_start3A_136 = arith.constant 0 : i32
        %dma_start3A_137 = tpu.memref_slice %arg6[%multiple_of3A, %dma_start3A_136] : memref<10000x128xf32, #tpu.memory_space<vmem_shared>> -> memref<80x128xf32, #tpu.memory_space<vmem_shared>>
        tpu.enqueue_dma source(%dma_start3A_137 : memref<80x128xf32, #tpu.memory_space<vmem_shared>>) target(%dma_start3A_135 : memref<80x128xf32, #tpu.memory_space<hbm>>) target_semaphore(%run_scoped3A : memref<!tpu.dma_semaphore, #tpu.memory_space<semaphore_mem>>)
        %dma_wait3A = arith.constant 0 : i32
        %dma_wait3A_138 = tpu.memref_slice %arg3[%multiple_of3A, %dma_wait3A] : memref<10000x128xf32, #tpu.memory_space<hbm>> -> memref<80x128xf32, #tpu.memory_space<hbm>>
        %dma_wait3A_139 = arith.constant 0 : i32
        %dma_wait3A_140 = tpu.memref_slice %arg6[%multiple_of3A, %dma_wait3A_139] : memref<10000x128xf32, #tpu.memory_space<vmem_shared>> -> memref<80x128xf32, #tpu.memory_space<vmem_shared>>
        tpu.wait_dma2 semaphore(%run_scoped3A : memref<!tpu.dma_semaphore, #tpu.memory_space<semaphore_mem>>) src(%dma_wait3A_140 : memref<80x128xf32, #tpu.memory_space<vmem_shared>>) dst(%dma_wait3A_138 : memref<80x128xf32, #tpu.memory_space<hbm>>)
        tpu.yield
      }) : () -> ()
    } else {
    }
    %add3A_112 = arith.constant 80 : i32
    %add3A_113 = arith.addi %add3A_112, %arg1 : i32
    %lt3A_114 = arith.constant 125 : i32
    %lt3A_115 = arith.cmpi slt, %add3A_113, %lt3A_114 : i32
    %convert_element_type3A_116 = arith.extui %lt3A_115 : i1 to i32
    %cond3A_117 = arith.constant 0 : i32
    %cond3A_118 = arith.cmpi ne, %convert_element_type3A_116, %cond3A_117 : i32
    scf.if %cond3A_118 {
      %mul3A_133 = arith.constant 80 : i32
      %mul3A_134 = arith.muli %add3A_113, %mul3A_133 : i32
      %multiple_of3A = tpu.assume_multiple %mul3A_134, 80 : i32
      "tpu.region"() ({
        %run_scoped3A = tpu.sem_alloc : memref<!tpu.dma_semaphore, #tpu.memory_space<semaphore_mem>>
        %dma_start3A = arith.constant 0 : i32
        %dma_start3A_135 = tpu.memref_slice %arg3[%multiple_of3A, %dma_start3A] : memref<10000x128xf32, #tpu.memory_space<hbm>> -> memref<80x128xf32, #tpu.memory_space<hbm>>
        %dma_start3A_136 = arith.constant 0 : i32
        %dma_start3A_137 = tpu.memref_slice %arg6[%multiple_of3A, %dma_start3A_136] : memref<10000x128xf32, #tpu.memory_space<vmem_shared>> -> memref<80x128xf32, #tpu.memory_space<vmem_shared>>
        tpu.enqueue_dma source(%dma_start3A_137 : memref<80x128xf32, #tpu.memory_space<vmem_shared>>) target(%dma_start3A_135 : memref<80x128xf32, #tpu.memory_space<hbm>>) target_semaphore(%run_scoped3A : memref<!tpu.dma_semaphore, #tpu.memory_space<semaphore_mem>>)
        %dma_wait3A = arith.constant 0 : i32
        %dma_wait3A_138 = tpu.memref_slice %arg3[%multiple_of3A, %dma_wait3A] : memref<10000x128xf32, #tpu.memory_space<hbm>> -> memref<80x128xf32, #tpu.memory_space<hbm>>
        %dma_wait3A_139 = arith.constant 0 : i32
        %dma_wait3A_140 = tpu.memref_slice %arg6[%multiple_of3A, %dma_wait3A_139] : memref<10000x128xf32, #tpu.memory_space<vmem_shared>> -> memref<80x128xf32, #tpu.memory_space<vmem_shared>>
        tpu.wait_dma2 semaphore(%run_scoped3A : memref<!tpu.dma_semaphore, #tpu.memory_space<semaphore_mem>>) src(%dma_wait3A_140 : memref<80x128xf32, #tpu.memory_space<vmem_shared>>) dst(%dma_wait3A_138 : memref<80x128xf32, #tpu.memory_space<hbm>>)
        tpu.yield
      }) : () -> ()
    } else {
    }
    %add3A_119 = arith.constant 96 : i32
    %add3A_120 = arith.addi %add3A_119, %arg1 : i32
    %lt3A_121 = arith.constant 125 : i32
    %lt3A_122 = arith.cmpi slt, %add3A_120, %lt3A_121 : i32
    %convert_element_type3A_123 = arith.extui %lt3A_122 : i1 to i32
    %cond3A_124 = arith.constant 0 : i32
    %cond3A_125 = arith.cmpi ne, %convert_element_type3A_123, %cond3A_124 : i32
    scf.if %cond3A_125 {
      %mul3A_133 = arith.constant 80 : i32
      %mul3A_134 = arith.muli %add3A_120, %mul3A_133 : i32
      %multiple_of3A = tpu.assume_multiple %mul3A_134, 80 : i32
      "tpu.region"() ({
        %run_scoped3A = tpu.sem_alloc : memref<!tpu.dma_semaphore, #tpu.memory_space<semaphore_mem>>
        %dma_start3A = arith.constant 0 : i32
        %dma_start3A_135 = tpu.memref_slice %arg3[%multiple_of3A, %dma_start3A] : memref<10000x128xf32, #tpu.memory_space<hbm>> -> memref<80x128xf32, #tpu.memory_space<hbm>>
        %dma_start3A_136 = arith.constant 0 : i32
        %dma_start3A_137 = tpu.memref_slice %arg6[%multiple_of3A, %dma_start3A_136] : memref<10000x128xf32, #tpu.memory_space<vmem_shared>> -> memref<80x128xf32, #tpu.memory_space<vmem_shared>>
        tpu.enqueue_dma source(%dma_start3A_137 : memref<80x128xf32, #tpu.memory_space<vmem_shared>>) target(%dma_start3A_135 : memref<80x128xf32, #tpu.memory_space<hbm>>) target_semaphore(%run_scoped3A : memref<!tpu.dma_semaphore, #tpu.memory_space<semaphore_mem>>)
        %dma_wait3A = arith.constant 0 : i32
        %dma_wait3A_138 = tpu.memref_slice %arg3[%multiple_of3A, %dma_wait3A] : memref<10000x128xf32, #tpu.memory_space<hbm>> -> memref<80x128xf32, #tpu.memory_space<hbm>>
        %dma_wait3A_139 = arith.constant 0 : i32
        %dma_wait3A_140 = tpu.memref_slice %arg6[%multiple_of3A, %dma_wait3A_139] : memref<10000x128xf32, #tpu.memory_space<vmem_shared>> -> memref<80x128xf32, #tpu.memory_space<vmem_shared>>
        tpu.wait_dma2 semaphore(%run_scoped3A : memref<!tpu.dma_semaphore, #tpu.memory_space<semaphore_mem>>) src(%dma_wait3A_140 : memref<80x128xf32, #tpu.memory_space<vmem_shared>>) dst(%dma_wait3A_138 : memref<80x128xf32, #tpu.memory_space<hbm>>)
        tpu.yield
      }) : () -> ()
    } else {
    }
    %add3A_126 = arith.constant 112 : i32
    %add3A_127 = arith.addi %add3A_126, %arg1 : i32
    %lt3A_128 = arith.constant 125 : i32
    %lt3A_129 = arith.cmpi slt, %add3A_127, %lt3A_128 : i32
    %convert_element_type3A_130 = arith.extui %lt3A_129 : i1 to i32
    %cond3A_131 = arith.constant 0 : i32
    %cond3A_132 = arith.cmpi ne, %convert_element_type3A_130, %cond3A_131 : i32
    scf.if %cond3A_132 {
      %mul3A_133 = arith.constant 80 : i32
      %mul3A_134 = arith.muli %add3A_127, %mul3A_133 : i32
      %multiple_of3A = tpu.assume_multiple %mul3A_134, 80 : i32
      "tpu.region"() ({
        %run_scoped3A = tpu.sem_alloc : memref<!tpu.dma_semaphore, #tpu.memory_space<semaphore_mem>>
        %dma_start3A = arith.constant 0 : i32
        %dma_start3A_135 = tpu.memref_slice %arg3[%multiple_of3A, %dma_start3A] : memref<10000x128xf32, #tpu.memory_space<hbm>> -> memref<80x128xf32, #tpu.memory_space<hbm>>
        %dma_start3A_136 = arith.constant 0 : i32
        %dma_start3A_137 = tpu.memref_slice %arg6[%multiple_of3A, %dma_start3A_136] : memref<10000x128xf32, #tpu.memory_space<vmem_shared>> -> memref<80x128xf32, #tpu.memory_space<vmem_shared>>
        tpu.enqueue_dma source(%dma_start3A_137 : memref<80x128xf32, #tpu.memory_space<vmem_shared>>) target(%dma_start3A_135 : memref<80x128xf32, #tpu.memory_space<hbm>>) target_semaphore(%run_scoped3A : memref<!tpu.dma_semaphore, #tpu.memory_space<semaphore_mem>>)
        %dma_wait3A = arith.constant 0 : i32
        %dma_wait3A_138 = tpu.memref_slice %arg3[%multiple_of3A, %dma_wait3A] : memref<10000x128xf32, #tpu.memory_space<hbm>> -> memref<80x128xf32, #tpu.memory_space<hbm>>
        %dma_wait3A_139 = arith.constant 0 : i32
        %dma_wait3A_140 = tpu.memref_slice %arg6[%multiple_of3A, %dma_wait3A_139] : memref<10000x128xf32, #tpu.memory_space<vmem_shared>> -> memref<80x128xf32, #tpu.memory_space<vmem_shared>>
        tpu.wait_dma2 semaphore(%run_scoped3A : memref<!tpu.dma_semaphore, #tpu.memory_space<semaphore_mem>>) src(%dma_wait3A_140 : memref<80x128xf32, #tpu.memory_space<vmem_shared>>) dst(%dma_wait3A_138 : memref<80x128xf32, #tpu.memory_space<hbm>>)
        tpu.yield
      }) : () -> ()
    } else {
    }
    return
  }
}

#map = affine_map<(d0, d1) -> (0, 0)>
#map1 = affine_map<(d0, d1) -> (0)>
module attributes {stable_mosaic.version = 14 : i64} {
  func.func @_edge_body(%arg0: i32, %arg1: i32, %arg2: memref<10000x128xf32, #tpu.memory_space<hbm>>, %arg3: memref<320000xi32, #tpu.memory_space<hbm>>, %arg4: memref<320000xi32, #tpu.memory_space<hbm>>, %arg5: memref<10000x128xf32, #tpu.memory_space<hbm>>, %arg6: memref<2x80xi32, #tpu.memory_space<vmem>>, %arg7: memref<2x80xi32, #tpu.memory_space<vmem>>, %arg8: memref<80x128xf32, #tpu.memory_space<vmem>>, %arg9: memref<80x128xf32, #tpu.memory_space<vmem>>, %arg10: memref<10000x128xf32, #tpu.memory_space<vmem_shared>>, %arg11: memref<!tpu.dma_semaphore, #tpu.memory_space<semaphore_mem>>, %arg12: memref<!tpu.dma_semaphore, #tpu.memory_space<semaphore_mem>>, %arg13: memref<!tpu.dma_semaphore, #tpu.memory_space<semaphore_mem>>) attributes {dimension_semantics = [#tpu.dimension_semantics<core_parallel>, #tpu.dimension_semantics<subcore_parallel>], iteration_bounds = array<i64: 1, 16>, scalar_prefetch = 0 : i64, scratch_operands = 8 : i64, tpu.core_type = #tpu.core_type<sc_vector_subcore>, window_params = [{transform_indices = #map}, {transform_indices = #map1}, {transform_indices = #map1}, {transform_indices = #map}]} {
    %broadcast_in_dim3A = arith.constant 0.000000e+00 : f32
    %broadcast_in_dim3A_0 = vector.broadcast %broadcast_in_dim3A : f32 to vector<16xf32>
    %scan3A = arith.constant 0 : i32
    %scan3A_1 = arith.constant 0 : i32
    %scan3A_2 = arith.constant 80 : i32
    %scan3A_3 = arith.addi %scan3A_1, %scan3A_2 : i32
    %scan3A_4 = arith.constant 1 : i32
    %scan3A_5 = scf.for %scan3A_124 = %scan3A_1 to %scan3A_3 step %scan3A_4 iter_args(%scan3A_125 = %scan3A) -> (i32)  : i32 {
      %swap3A = arith.index_cast %scan3A_124 : i32 to index
      %swap3A_126 = arith.constant 0 : index
      %swap3A_127 = tpu.vector_load %arg8[%swap3A, %swap3A_126] {strides = array<i32>} : memref<80x128xf32, #tpu.memory_space<vmem>>, vector<1x16xf32>,
      %swap3A_128 = vector.shape_cast %swap3A_127 : vector<1x16xf32> to vector<16xf32>
      %swap3A_129 = vector.shape_cast %broadcast_in_dim3A_0 : vector<16xf32> to vector<1x16xf32>
      tpu.vector_store %arg8[%swap3A, %swap3A_126], %swap3A_129 {strides = array<i32>} : memref<80x128xf32, #tpu.memory_space<vmem>>, vector<1x16xf32>,
      %swap3A_130 = arith.index_cast %scan3A_124 : i32 to index
      %swap3A_131 = arith.constant 16 : index
      %swap3A_132 = tpu.vector_load %arg8[%swap3A_130, %swap3A_131] {strides = array<i32>} : memref<80x128xf32, #tpu.memory_space<vmem>>, vector<1x16xf32>,
      %swap3A_133 = vector.shape_cast %swap3A_132 : vector<1x16xf32> to vector<16xf32>
      %swap3A_134 = vector.shape_cast %broadcast_in_dim3A_0 : vector<16xf32> to vector<1x16xf32>
      tpu.vector_store %arg8[%swap3A_130, %swap3A_131], %swap3A_134 {strides = array<i32>} : memref<80x128xf32, #tpu.memory_space<vmem>>, vector<1x16xf32>,
      %swap3A_135 = arith.index_cast %scan3A_124 : i32 to index
      %swap3A_136 = arith.constant 32 : index
      %swap3A_137 = tpu.vector_load %arg8[%swap3A_135, %swap3A_136] {strides = array<i32>} : memref<80x128xf32, #tpu.memory_space<vmem>>, vector<1x16xf32>,
      %swap3A_138 = vector.shape_cast %swap3A_137 : vector<1x16xf32> to vector<16xf32>
      %swap3A_139 = vector.shape_cast %broadcast_in_dim3A_0 : vector<16xf32> to vector<1x16xf32>
      tpu.vector_store %arg8[%swap3A_135, %swap3A_136], %swap3A_139 {strides = array<i32>} : memref<80x128xf32, #tpu.memory_space<vmem>>, vector<1x16xf32>,
      %swap3A_140 = arith.index_cast %scan3A_124 : i32 to index
      %swap3A_141 = arith.constant 48 : index
      %swap3A_142 = tpu.vector_load %arg8[%swap3A_140, %swap3A_141] {strides = array<i32>} : memref<80x128xf32, #tpu.memory_space<vmem>>, vector<1x16xf32>,
      %swap3A_143 = vector.shape_cast %swap3A_142 : vector<1x16xf32> to vector<16xf32>
      %swap3A_144 = vector.shape_cast %broadcast_in_dim3A_0 : vector<16xf32> to vector<1x16xf32>
      tpu.vector_store %arg8[%swap3A_140, %swap3A_141], %swap3A_144 {strides = array<i32>} : memref<80x128xf32, #tpu.memory_space<vmem>>, vector<1x16xf32>,
      %swap3A_145 = arith.index_cast %scan3A_124 : i32 to index
      %swap3A_146 = arith.constant 64 : index
      %swap3A_147 = tpu.vector_load %arg8[%swap3A_145, %swap3A_146] {strides = array<i32>} : memref<80x128xf32, #tpu.memory_space<vmem>>, vector<1x16xf32>,
      %swap3A_148 = vector.shape_cast %swap3A_147 : vector<1x16xf32> to vector<16xf32>
      %swap3A_149 = vector.shape_cast %broadcast_in_dim3A_0 : vector<16xf32> to vector<1x16xf32>
      tpu.vector_store %arg8[%swap3A_145, %swap3A_146], %swap3A_149 {strides = array<i32>} : memref<80x128xf32, #tpu.memory_space<vmem>>, vector<1x16xf32>,
      %swap3A_150 = arith.index_cast %scan3A_124 : i32 to index
      %swap3A_151 = arith.constant 80 : index
      %swap3A_152 = tpu.vector_load %arg8[%swap3A_150, %swap3A_151] {strides = array<i32>} : memref<80x128xf32, #tpu.memory_space<vmem>>, vector<1x16xf32>,
      %swap3A_153 = vector.shape_cast %swap3A_152 : vector<1x16xf32> to vector<16xf32>
      %swap3A_154 = vector.shape_cast %broadcast_in_dim3A_0 : vector<16xf32> to vector<1x16xf32>
      tpu.vector_store %arg8[%swap3A_150, %swap3A_151], %swap3A_154 {strides = array<i32>} : memref<80x128xf32, #tpu.memory_space<vmem>>, vector<1x16xf32>,
      %swap3A_155 = arith.index_cast %scan3A_124 : i32 to index
      %swap3A_156 = arith.constant 96 : index
      %swap3A_157 = tpu.vector_load %arg8[%swap3A_155, %swap3A_156] {strides = array<i32>} : memref<80x128xf32, #tpu.memory_space<vmem>>, vector<1x16xf32>,
      %swap3A_158 = vector.shape_cast %swap3A_157 : vector<1x16xf32> to vector<16xf32>
      %swap3A_159 = vector.shape_cast %broadcast_in_dim3A_0 : vector<16xf32> to vector<1x16xf32>
      tpu.vector_store %arg8[%swap3A_155, %swap3A_156], %swap3A_159 {strides = array<i32>} : memref<80x128xf32, #tpu.memory_space<vmem>>, vector<1x16xf32>,
      %swap3A_160 = arith.index_cast %scan3A_124 : i32 to index
      %swap3A_161 = arith.constant 112 : index
      %swap3A_162 = tpu.vector_load %arg8[%swap3A_160, %swap3A_161] {strides = array<i32>} : memref<80x128xf32, #tpu.memory_space<vmem>>, vector<1x16xf32>,
      %swap3A_163 = vector.shape_cast %swap3A_162 : vector<1x16xf32> to vector<16xf32>
      %swap3A_164 = vector.shape_cast %broadcast_in_dim3A_0 : vector<16xf32> to vector<1x16xf32>
      tpu.vector_store %arg8[%swap3A_160, %swap3A_161], %swap3A_164 {strides = array<i32>} : memref<80x128xf32, #tpu.memory_space<vmem>>, vector<1x16xf32>,
      %scan3A_165 = arith.constant 0 : i32
      scf.yield %scan3A_165 : i32
    }
    %scan3A_6 = arith.constant 80 : i32
    %add3A = arith.constant 0 : i32
    %add3A_7 = arith.addi %add3A, %arg1 : i32
    %lt3A = arith.constant 125 : i32
    %lt3A_8 = arith.cmpi slt, %add3A_7, %lt3A : i32
    %convert_element_type3A = arith.extui %lt3A_8 : i1 to i32
    %cond3A = arith.constant 0 : i32
    %cond3A_9 = arith.cmpi ne, %convert_element_type3A, %cond3A : i32
    scf.if %cond3A_9 {
      %mul3A_124 = arith.constant 80 : i32
      %mul3A_125 = arith.muli %add3A_7, %mul3A_124 : i32
      %multiple_of3A = tpu.assume_multiple %mul3A_125, 80 : i32
      "tpu.region"() ({
        %run_scoped3A = tpu.sem_alloc : memref<!tpu.dma_semaphore, #tpu.memory_space<semaphore_mem>>
        %dma_start3A = arith.constant 0 : i32
        %dma_start3A_126 = tpu.memref_slice %arg10[%multiple_of3A, %dma_start3A] : memref<10000x128xf32, #tpu.memory_space<vmem_shared>> -> memref<80x128xf32, #tpu.memory_space<vmem_shared>>
        %dma_start3A_127 = arith.constant 0 : i32
        %dma_start3A_128 = tpu.memref_slice %arg10[%multiple_of3A, %dma_start3A_127] : memref<10000x128xf32, #tpu.memory_space<vmem_shared>> -> memref<80x128xf32, #tpu.memory_space<vmem_shared>>
        tpu.enqueue_dma source(%arg8 : memref<80x128xf32, #tpu.memory_space<vmem>>) target(%dma_start3A_128 : memref<80x128xf32, #tpu.memory_space<vmem_shared>>) target_semaphore(%run_scoped3A : memref<!tpu.dma_semaphore, #tpu.memory_space<semaphore_mem>>)
        %dma_wait3A = arith.constant 0 : i32
        %dma_wait3A_129 = tpu.memref_slice %arg10[%multiple_of3A, %dma_wait3A] : memref<10000x128xf32, #tpu.memory_space<vmem_shared>> -> memref<80x128xf32, #tpu.memory_space<vmem_shared>>
        %dma_wait3A_130 = arith.constant 0 : i32
        %dma_wait3A_131 = tpu.memref_slice %arg10[%multiple_of3A, %dma_wait3A_130] : memref<10000x128xf32, #tpu.memory_space<vmem_shared>> -> memref<80x128xf32, #tpu.memory_space<vmem_shared>>
        tpu.wait_dma2 semaphore(%run_scoped3A : memref<!tpu.dma_semaphore, #tpu.memory_space<semaphore_mem>>) src(%arg8 : memref<80x128xf32, #tpu.memory_space<vmem>>) dst(%dma_wait3A_131 : memref<80x128xf32, #tpu.memory_space<vmem_shared>>)
        tpu.yield
      }) : () -> ()
    } else {
    }
    %add3A_10 = arith.constant 16 : i32
    %add3A_11 = arith.addi %add3A_10, %arg1 : i32
    %lt3A_12 = arith.constant 125 : i32
    %lt3A_13 = arith.cmpi slt, %add3A_11, %lt3A_12 : i32
    %convert_element_type3A_14 = arith.extui %lt3A_13 : i1 to i32
    %cond3A_15 = arith.constant 0 : i32
    %cond3A_16 = arith.cmpi ne, %convert_element_type3A_14, %cond3A_15 : i32
    scf.if %cond3A_16 {
      %mul3A_124 = arith.constant 80 : i32
      %mul3A_125 = arith.muli %add3A_11, %mul3A_124 : i32
      %multiple_of3A = tpu.assume_multiple %mul3A_125, 80 : i32
      "tpu.region"() ({
        %run_scoped3A = tpu.sem_alloc : memref<!tpu.dma_semaphore, #tpu.memory_space<semaphore_mem>>
        %dma_start3A = arith.constant 0 : i32
        %dma_start3A_126 = tpu.memref_slice %arg10[%multiple_of3A, %dma_start3A] : memref<10000x128xf32, #tpu.memory_space<vmem_shared>> -> memref<80x128xf32, #tpu.memory_space<vmem_shared>>
        %dma_start3A_127 = arith.constant 0 : i32
        %dma_start3A_128 = tpu.memref_slice %arg10[%multiple_of3A, %dma_start3A_127] : memref<10000x128xf32, #tpu.memory_space<vmem_shared>> -> memref<80x128xf32, #tpu.memory_space<vmem_shared>>
        tpu.enqueue_dma source(%arg8 : memref<80x128xf32, #tpu.memory_space<vmem>>) target(%dma_start3A_128 : memref<80x128xf32, #tpu.memory_space<vmem_shared>>) target_semaphore(%run_scoped3A : memref<!tpu.dma_semaphore, #tpu.memory_space<semaphore_mem>>)
        %dma_wait3A = arith.constant 0 : i32
        %dma_wait3A_129 = tpu.memref_slice %arg10[%multiple_of3A, %dma_wait3A] : memref<10000x128xf32, #tpu.memory_space<vmem_shared>> -> memref<80x128xf32, #tpu.memory_space<vmem_shared>>
        %dma_wait3A_130 = arith.constant 0 : i32
        %dma_wait3A_131 = tpu.memref_slice %arg10[%multiple_of3A, %dma_wait3A_130] : memref<10000x128xf32, #tpu.memory_space<vmem_shared>> -> memref<80x128xf32, #tpu.memory_space<vmem_shared>>
        tpu.wait_dma2 semaphore(%run_scoped3A : memref<!tpu.dma_semaphore, #tpu.memory_space<semaphore_mem>>) src(%arg8 : memref<80x128xf32, #tpu.memory_space<vmem>>) dst(%dma_wait3A_131 : memref<80x128xf32, #tpu.memory_space<vmem_shared>>)
        tpu.yield
      }) : () -> ()
    } else {
    }
    %add3A_17 = arith.constant 32 : i32
    %add3A_18 = arith.addi %add3A_17, %arg1 : i32
    %lt3A_19 = arith.constant 125 : i32
    %lt3A_20 = arith.cmpi slt, %add3A_18, %lt3A_19 : i32
    %convert_element_type3A_21 = arith.extui %lt3A_20 : i1 to i32
    %cond3A_22 = arith.constant 0 : i32
    %cond3A_23 = arith.cmpi ne, %convert_element_type3A_21, %cond3A_22 : i32
    scf.if %cond3A_23 {
      %mul3A_124 = arith.constant 80 : i32
      %mul3A_125 = arith.muli %add3A_18, %mul3A_124 : i32
      %multiple_of3A = tpu.assume_multiple %mul3A_125, 80 : i32
      "tpu.region"() ({
        %run_scoped3A = tpu.sem_alloc : memref<!tpu.dma_semaphore, #tpu.memory_space<semaphore_mem>>
        %dma_start3A = arith.constant 0 : i32
        %dma_start3A_126 = tpu.memref_slice %arg10[%multiple_of3A, %dma_start3A] : memref<10000x128xf32, #tpu.memory_space<vmem_shared>> -> memref<80x128xf32, #tpu.memory_space<vmem_shared>>
        %dma_start3A_127 = arith.constant 0 : i32
        %dma_start3A_128 = tpu.memref_slice %arg10[%multiple_of3A, %dma_start3A_127] : memref<10000x128xf32, #tpu.memory_space<vmem_shared>> -> memref<80x128xf32, #tpu.memory_space<vmem_shared>>
        tpu.enqueue_dma source(%arg8 : memref<80x128xf32, #tpu.memory_space<vmem>>) target(%dma_start3A_128 : memref<80x128xf32, #tpu.memory_space<vmem_shared>>) target_semaphore(%run_scoped3A : memref<!tpu.dma_semaphore, #tpu.memory_space<semaphore_mem>>)
        %dma_wait3A = arith.constant 0 : i32
        %dma_wait3A_129 = tpu.memref_slice %arg10[%multiple_of3A, %dma_wait3A] : memref<10000x128xf32, #tpu.memory_space<vmem_shared>> -> memref<80x128xf32, #tpu.memory_space<vmem_shared>>
        %dma_wait3A_130 = arith.constant 0 : i32
        %dma_wait3A_131 = tpu.memref_slice %arg10[%multiple_of3A, %dma_wait3A_130] : memref<10000x128xf32, #tpu.memory_space<vmem_shared>> -> memref<80x128xf32, #tpu.memory_space<vmem_shared>>
        tpu.wait_dma2 semaphore(%run_scoped3A : memref<!tpu.dma_semaphore, #tpu.memory_space<semaphore_mem>>) src(%arg8 : memref<80x128xf32, #tpu.memory_space<vmem>>) dst(%dma_wait3A_131 : memref<80x128xf32, #tpu.memory_space<vmem_shared>>)
        tpu.yield
      }) : () -> ()
    } else {
    }
    %add3A_24 = arith.constant 48 : i32
    %add3A_25 = arith.addi %add3A_24, %arg1 : i32
    %lt3A_26 = arith.constant 125 : i32
    %lt3A_27 = arith.cmpi slt, %add3A_25, %lt3A_26 : i32
    %convert_element_type3A_28 = arith.extui %lt3A_27 : i1 to i32
    %cond3A_29 = arith.constant 0 : i32
    %cond3A_30 = arith.cmpi ne, %convert_element_type3A_28, %cond3A_29 : i32
    scf.if %cond3A_30 {
      %mul3A_124 = arith.constant 80 : i32
      %mul3A_125 = arith.muli %add3A_25, %mul3A_124 : i32
      %multiple_of3A = tpu.assume_multiple %mul3A_125, 80 : i32
      "tpu.region"() ({
        %run_scoped3A = tpu.sem_alloc : memref<!tpu.dma_semaphore, #tpu.memory_space<semaphore_mem>>
        %dma_start3A = arith.constant 0 : i32
        %dma_start3A_126 = tpu.memref_slice %arg10[%multiple_of3A, %dma_start3A] : memref<10000x128xf32, #tpu.memory_space<vmem_shared>> -> memref<80x128xf32, #tpu.memory_space<vmem_shared>>
        %dma_start3A_127 = arith.constant 0 : i32
        %dma_start3A_128 = tpu.memref_slice %arg10[%multiple_of3A, %dma_start3A_127] : memref<10000x128xf32, #tpu.memory_space<vmem_shared>> -> memref<80x128xf32, #tpu.memory_space<vmem_shared>>
        tpu.enqueue_dma source(%arg8 : memref<80x128xf32, #tpu.memory_space<vmem>>) target(%dma_start3A_128 : memref<80x128xf32, #tpu.memory_space<vmem_shared>>) target_semaphore(%run_scoped3A : memref<!tpu.dma_semaphore, #tpu.memory_space<semaphore_mem>>)
        %dma_wait3A = arith.constant 0 : i32
        %dma_wait3A_129 = tpu.memref_slice %arg10[%multiple_of3A, %dma_wait3A] : memref<10000x128xf32, #tpu.memory_space<vmem_shared>> -> memref<80x128xf32, #tpu.memory_space<vmem_shared>>
        %dma_wait3A_130 = arith.constant 0 : i32
        %dma_wait3A_131 = tpu.memref_slice %arg10[%multiple_of3A, %dma_wait3A_130] : memref<10000x128xf32, #tpu.memory_space<vmem_shared>> -> memref<80x128xf32, #tpu.memory_space<vmem_shared>>
        tpu.wait_dma2 semaphore(%run_scoped3A : memref<!tpu.dma_semaphore, #tpu.memory_space<semaphore_mem>>) src(%arg8 : memref<80x128xf32, #tpu.memory_space<vmem>>) dst(%dma_wait3A_131 : memref<80x128xf32, #tpu.memory_space<vmem_shared>>)
        tpu.yield
      }) : () -> ()
    } else {
    }
    %add3A_31 = arith.constant 64 : i32
    %add3A_32 = arith.addi %add3A_31, %arg1 : i32
    %lt3A_33 = arith.constant 125 : i32
    %lt3A_34 = arith.cmpi slt, %add3A_32, %lt3A_33 : i32
    %convert_element_type3A_35 = arith.extui %lt3A_34 : i1 to i32
    %cond3A_36 = arith.constant 0 : i32
    %cond3A_37 = arith.cmpi ne, %convert_element_type3A_35, %cond3A_36 : i32
    scf.if %cond3A_37 {
      %mul3A_124 = arith.constant 80 : i32
      %mul3A_125 = arith.muli %add3A_32, %mul3A_124 : i32
      %multiple_of3A = tpu.assume_multiple %mul3A_125, 80 : i32
      "tpu.region"() ({
        %run_scoped3A = tpu.sem_alloc : memref<!tpu.dma_semaphore, #tpu.memory_space<semaphore_mem>>
        %dma_start3A = arith.constant 0 : i32
        %dma_start3A_126 = tpu.memref_slice %arg10[%multiple_of3A, %dma_start3A] : memref<10000x128xf32, #tpu.memory_space<vmem_shared>> -> memref<80x128xf32, #tpu.memory_space<vmem_shared>>
        %dma_start3A_127 = arith.constant 0 : i32
        %dma_start3A_128 = tpu.memref_slice %arg10[%multiple_of3A, %dma_start3A_127] : memref<10000x128xf32, #tpu.memory_space<vmem_shared>> -> memref<80x128xf32, #tpu.memory_space<vmem_shared>>
        tpu.enqueue_dma source(%arg8 : memref<80x128xf32, #tpu.memory_space<vmem>>) target(%dma_start3A_128 : memref<80x128xf32, #tpu.memory_space<vmem_shared>>) target_semaphore(%run_scoped3A : memref<!tpu.dma_semaphore, #tpu.memory_space<semaphore_mem>>)
        %dma_wait3A = arith.constant 0 : i32
        %dma_wait3A_129 = tpu.memref_slice %arg10[%multiple_of3A, %dma_wait3A] : memref<10000x128xf32, #tpu.memory_space<vmem_shared>> -> memref<80x128xf32, #tpu.memory_space<vmem_shared>>
        %dma_wait3A_130 = arith.constant 0 : i32
        %dma_wait3A_131 = tpu.memref_slice %arg10[%multiple_of3A, %dma_wait3A_130] : memref<10000x128xf32, #tpu.memory_space<vmem_shared>> -> memref<80x128xf32, #tpu.memory_space<vmem_shared>>
        tpu.wait_dma2 semaphore(%run_scoped3A : memref<!tpu.dma_semaphore, #tpu.memory_space<semaphore_mem>>) src(%arg8 : memref<80x128xf32, #tpu.memory_space<vmem>>) dst(%dma_wait3A_131 : memref<80x128xf32, #tpu.memory_space<vmem_shared>>)
        tpu.yield
      }) : () -> ()
    } else {
    }
    %add3A_38 = arith.constant 80 : i32
    %add3A_39 = arith.addi %add3A_38, %arg1 : i32
    %lt3A_40 = arith.constant 125 : i32
    %lt3A_41 = arith.cmpi slt, %add3A_39, %lt3A_40 : i32
    %convert_element_type3A_42 = arith.extui %lt3A_41 : i1 to i32
    %cond3A_43 = arith.constant 0 : i32
    %cond3A_44 = arith.cmpi ne, %convert_element_type3A_42, %cond3A_43 : i32
    scf.if %cond3A_44 {
      %mul3A_124 = arith.constant 80 : i32
      %mul3A_125 = arith.muli %add3A_39, %mul3A_124 : i32
      %multiple_of3A = tpu.assume_multiple %mul3A_125, 80 : i32
      "tpu.region"() ({
        %run_scoped3A = tpu.sem_alloc : memref<!tpu.dma_semaphore, #tpu.memory_space<semaphore_mem>>
        %dma_start3A = arith.constant 0 : i32
        %dma_start3A_126 = tpu.memref_slice %arg10[%multiple_of3A, %dma_start3A] : memref<10000x128xf32, #tpu.memory_space<vmem_shared>> -> memref<80x128xf32, #tpu.memory_space<vmem_shared>>
        %dma_start3A_127 = arith.constant 0 : i32
        %dma_start3A_128 = tpu.memref_slice %arg10[%multiple_of3A, %dma_start3A_127] : memref<10000x128xf32, #tpu.memory_space<vmem_shared>> -> memref<80x128xf32, #tpu.memory_space<vmem_shared>>
        tpu.enqueue_dma source(%arg8 : memref<80x128xf32, #tpu.memory_space<vmem>>) target(%dma_start3A_128 : memref<80x128xf32, #tpu.memory_space<vmem_shared>>) target_semaphore(%run_scoped3A : memref<!tpu.dma_semaphore, #tpu.memory_space<semaphore_mem>>)
        %dma_wait3A = arith.constant 0 : i32
        %dma_wait3A_129 = tpu.memref_slice %arg10[%multiple_of3A, %dma_wait3A] : memref<10000x128xf32, #tpu.memory_space<vmem_shared>> -> memref<80x128xf32, #tpu.memory_space<vmem_shared>>
        %dma_wait3A_130 = arith.constant 0 : i32
        %dma_wait3A_131 = tpu.memref_slice %arg10[%multiple_of3A, %dma_wait3A_130] : memref<10000x128xf32, #tpu.memory_space<vmem_shared>> -> memref<80x128xf32, #tpu.memory_space<vmem_shared>>
        tpu.wait_dma2 semaphore(%run_scoped3A : memref<!tpu.dma_semaphore, #tpu.memory_space<semaphore_mem>>) src(%arg8 : memref<80x128xf32, #tpu.memory_space<vmem>>) dst(%dma_wait3A_131 : memref<80x128xf32, #tpu.memory_space<vmem_shared>>)
        tpu.yield
      }) : () -> ()
    } else {
    }
    %add3A_45 = arith.constant 96 : i32
    %add3A_46 = arith.addi %add3A_45, %arg1 : i32
    %lt3A_47 = arith.constant 125 : i32
    %lt3A_48 = arith.cmpi slt, %add3A_46, %lt3A_47 : i32
    %convert_element_type3A_49 = arith.extui %lt3A_48 : i1 to i32
    %cond3A_50 = arith.constant 0 : i32
    %cond3A_51 = arith.cmpi ne, %convert_element_type3A_49, %cond3A_50 : i32
    scf.if %cond3A_51 {
      %mul3A_124 = arith.constant 80 : i32
      %mul3A_125 = arith.muli %add3A_46, %mul3A_124 : i32
      %multiple_of3A = tpu.assume_multiple %mul3A_125, 80 : i32
      "tpu.region"() ({
        %run_scoped3A = tpu.sem_alloc : memref<!tpu.dma_semaphore, #tpu.memory_space<semaphore_mem>>
        %dma_start3A = arith.constant 0 : i32
        %dma_start3A_126 = tpu.memref_slice %arg10[%multiple_of3A, %dma_start3A] : memref<10000x128xf32, #tpu.memory_space<vmem_shared>> -> memref<80x128xf32, #tpu.memory_space<vmem_shared>>
        %dma_start3A_127 = arith.constant 0 : i32
        %dma_start3A_128 = tpu.memref_slice %arg10[%multiple_of3A, %dma_start3A_127] : memref<10000x128xf32, #tpu.memory_space<vmem_shared>> -> memref<80x128xf32, #tpu.memory_space<vmem_shared>>
        tpu.enqueue_dma source(%arg8 : memref<80x128xf32, #tpu.memory_space<vmem>>) target(%dma_start3A_128 : memref<80x128xf32, #tpu.memory_space<vmem_shared>>) target_semaphore(%run_scoped3A : memref<!tpu.dma_semaphore, #tpu.memory_space<semaphore_mem>>)
        %dma_wait3A = arith.constant 0 : i32
        %dma_wait3A_129 = tpu.memref_slice %arg10[%multiple_of3A, %dma_wait3A] : memref<10000x128xf32, #tpu.memory_space<vmem_shared>> -> memref<80x128xf32, #tpu.memory_space<vmem_shared>>
        %dma_wait3A_130 = arith.constant 0 : i32
        %dma_wait3A_131 = tpu.memref_slice %arg10[%multiple_of3A, %dma_wait3A_130] : memref<10000x128xf32, #tpu.memory_space<vmem_shared>> -> memref<80x128xf32, #tpu.memory_space<vmem_shared>>
        tpu.wait_dma2 semaphore(%run_scoped3A : memref<!tpu.dma_semaphore, #tpu.memory_space<semaphore_mem>>) src(%arg8 : memref<80x128xf32, #tpu.memory_space<vmem>>) dst(%dma_wait3A_131 : memref<80x128xf32, #tpu.memory_space<vmem_shared>>)
        tpu.yield
      }) : () -> ()
    } else {
    }
    %add3A_52 = arith.constant 112 : i32
    %add3A_53 = arith.addi %add3A_52, %arg1 : i32
    %lt3A_54 = arith.constant 125 : i32
    %lt3A_55 = arith.cmpi slt, %add3A_53, %lt3A_54 : i32
    %convert_element_type3A_56 = arith.extui %lt3A_55 : i1 to i32
    %cond3A_57 = arith.constant 0 : i32
    %cond3A_58 = arith.cmpi ne, %convert_element_type3A_56, %cond3A_57 : i32
    scf.if %cond3A_58 {
      %mul3A_124 = arith.constant 80 : i32
      %mul3A_125 = arith.muli %add3A_53, %mul3A_124 : i32
      %multiple_of3A = tpu.assume_multiple %mul3A_125, 80 : i32
      "tpu.region"() ({
        %run_scoped3A = tpu.sem_alloc : memref<!tpu.dma_semaphore, #tpu.memory_space<semaphore_mem>>
        %dma_start3A = arith.constant 0 : i32
        %dma_start3A_126 = tpu.memref_slice %arg10[%multiple_of3A, %dma_start3A] : memref<10000x128xf32, #tpu.memory_space<vmem_shared>> -> memref<80x128xf32, #tpu.memory_space<vmem_shared>>
        %dma_start3A_127 = arith.constant 0 : i32
        %dma_start3A_128 = tpu.memref_slice %arg10[%multiple_of3A, %dma_start3A_127] : memref<10000x128xf32, #tpu.memory_space<vmem_shared>> -> memref<80x128xf32, #tpu.memory_space<vmem_shared>>
        tpu.enqueue_dma source(%arg8 : memref<80x128xf32, #tpu.memory_space<vmem>>) target(%dma_start3A_128 : memref<80x128xf32, #tpu.memory_space<vmem_shared>>) target_semaphore(%run_scoped3A : memref<!tpu.dma_semaphore, #tpu.memory_space<semaphore_mem>>)
        %dma_wait3A = arith.constant 0 : i32
        %dma_wait3A_129 = tpu.memref_slice %arg10[%multiple_of3A, %dma_wait3A] : memref<10000x128xf32, #tpu.memory_space<vmem_shared>> -> memref<80x128xf32, #tpu.memory_space<vmem_shared>>
        %dma_wait3A_130 = arith.constant 0 : i32
        %dma_wait3A_131 = tpu.memref_slice %arg10[%multiple_of3A, %dma_wait3A_130] : memref<10000x128xf32, #tpu.memory_space<vmem_shared>> -> memref<80x128xf32, #tpu.memory_space<vmem_shared>>
        tpu.wait_dma2 semaphore(%run_scoped3A : memref<!tpu.dma_semaphore, #tpu.memory_space<semaphore_mem>>) src(%arg8 : memref<80x128xf32, #tpu.memory_space<vmem>>) dst(%dma_wait3A_131 : memref<80x128xf32, #tpu.memory_space<vmem_shared>>)
        tpu.yield
      }) : () -> ()
    } else {
    }
    %barrier3A = arith.constant 0 : index
    tpu.barrier barrier_id(%barrier3A)
    %mul3A = arith.constant 20000 : i32
    %mul3A_59 = arith.muli %arg1, %mul3A : i32
    %scan3A_60 = arith.constant 0 : i32
    %scan3A_61 = arith.constant 0 : i32
    %scan3A_62 = arith.constant 125 : i32
    %scan3A_63 = arith.addi %scan3A_61, %scan3A_62 : i32
    %scan3A_64 = arith.constant 1 : i32
    %scan3A_65 = scf.for %scan3A_124 = %scan3A_61 to %scan3A_63 step %scan3A_64 iter_args(%scan3A_125 = %scan3A_60) -> (i32)  : i32 {
      %mul3A_126 = arith.constant 160 : i32
      %mul3A_127 = arith.muli %scan3A_124, %mul3A_126 : i32
      %add3A_128 = arith.addi %mul3A_59, %mul3A_127 : i32
      %multiple_of3A = tpu.assume_multiple %add3A_128, 80 : i32
      %add3A_129 = arith.constant 80 : i32
      %add3A_130 = arith.addi %multiple_of3A, %add3A_129 : i32
      %multiple_of3A_131 = tpu.assume_multiple %add3A_130, 80 : i32
      %dma_start3A = arith.constant 0 : i32
      %dma_start3A_132 = arith.constant 0 : i32
      %dma_start3A_133 = tpu.memref_slice %arg6[%dma_start3A, %dma_start3A_132] : memref<2x80xi32, #tpu.memory_space<vmem>> -> memref<1x80xi32, #tpu.memory_space<vmem>>
      %dma_start3A_134 = tpu.memref_squeeze %dma_start3A_133 : memref<1x80xi32, #tpu.memory_space<vmem>> -> memref<80xi32, #tpu.memory_space<vmem>>
      %dma_start3A_135 = tpu.memref_slice %arg3[%multiple_of3A] : memref<320000xi32, #tpu.memory_space<hbm>> -> memref<80xi32, #tpu.memory_space<hbm>>
      %dma_start3A_136 = arith.constant 0 : i32
      %dma_start3A_137 = tpu.memref_slice %arg6[%dma_start3A, %dma_start3A_136] : memref<2x80xi32, #tpu.memory_space<vmem>> -> memref<1x80xi32, #tpu.memory_space<vmem>>
      %dma_start3A_138 = tpu.memref_squeeze %dma_start3A_137 : memref<1x80xi32, #tpu.memory_space<vmem>> -> memref<80xi32, #tpu.memory_space<vmem>>
      %dma_start3A_139 = tpu.memref_slice %arg3[%multiple_of3A] : memref<320000xi32, #tpu.memory_space<hbm>> -> memref<80xi32, #tpu.memory_space<hbm>>
      tpu.enqueue_dma source(%dma_start3A_139 : memref<80xi32, #tpu.memory_space<hbm>>) target(%dma_start3A_138 : memref<80xi32, #tpu.memory_space<vmem>>) target_semaphore(%arg11 : memref<!tpu.dma_semaphore, #tpu.memory_space<semaphore_mem>>)
      %dma_start3A_140 = arith.constant 1 : i32
      %dma_start3A_141 = arith.constant 0 : i32
      %dma_start3A_142 = tpu.memref_slice %arg6[%dma_start3A_140, %dma_start3A_141] : memref<2x80xi32, #tpu.memory_space<vmem>> -> memref<1x80xi32, #tpu.memory_space<vmem>>
      %dma_start3A_143 = tpu.memref_squeeze %dma_start3A_142 : memref<1x80xi32, #tpu.memory_space<vmem>> -> memref<80xi32, #tpu.memory_space<vmem>>
      %dma_start3A_144 = tpu.memref_slice %arg3[%multiple_of3A_131] : memref<320000xi32, #tpu.memory_space<hbm>> -> memref<80xi32, #tpu.memory_space<hbm>>
      %dma_start3A_145 = arith.constant 0 : i32
      %dma_start3A_146 = tpu.memref_slice %arg6[%dma_start3A_140, %dma_start3A_145] : memref<2x80xi32, #tpu.memory_space<vmem>> -> memref<1x80xi32, #tpu.memory_space<vmem>>
      %dma_start3A_147 = tpu.memref_squeeze %dma_start3A_146 : memref<1x80xi32, #tpu.memory_space<vmem>> -> memref<80xi32, #tpu.memory_space<vmem>>
      %dma_start3A_148 = tpu.memref_slice %arg3[%multiple_of3A_131] : memref<320000xi32, #tpu.memory_space<hbm>> -> memref<80xi32, #tpu.memory_space<hbm>>
      tpu.enqueue_dma source(%dma_start3A_148 : memref<80xi32, #tpu.memory_space<hbm>>) target(%dma_start3A_147 : memref<80xi32, #tpu.memory_space<vmem>>) target_semaphore(%arg11 : memref<!tpu.dma_semaphore, #tpu.memory_space<semaphore_mem>>)
      %dma_start3A_149 = arith.constant 0 : i32
      %dma_start3A_150 = arith.constant 0 : i32
      %dma_start3A_151 = tpu.memref_slice %arg7[%dma_start3A_149, %dma_start3A_150] : memref<2x80xi32, #tpu.memory_space<vmem>> -> memref<1x80xi32, #tpu.memory_space<vmem>>
      %dma_start3A_152 = tpu.memref_squeeze %dma_start3A_151 : memref<1x80xi32, #tpu.memory_space<vmem>> -> memref<80xi32, #tpu.memory_space<vmem>>
      %dma_start3A_153 = tpu.memref_slice %arg4[%multiple_of3A] : memref<320000xi32, #tpu.memory_space<hbm>> -> memref<80xi32, #tpu.memory_space<hbm>>
      %dma_start3A_154 = arith.constant 0 : i32
      %dma_start3A_155 = tpu.memref_slice %arg7[%dma_start3A_149, %dma_start3A_154] : memref<2x80xi32, #tpu.memory_space<vmem>> -> memref<1x80xi32, #tpu.memory_space<vmem>>
      %dma_start3A_156 = tpu.memref_squeeze %dma_start3A_155 : memref<1x80xi32, #tpu.memory_space<vmem>> -> memref<80xi32, #tpu.memory_space<vmem>>
      %dma_start3A_157 = tpu.memref_slice %arg4[%multiple_of3A] : memref<320000xi32, #tpu.memory_space<hbm>> -> memref<80xi32, #tpu.memory_space<hbm>>
      tpu.enqueue_dma source(%dma_start3A_157 : memref<80xi32, #tpu.memory_space<hbm>>) target(%dma_start3A_156 : memref<80xi32, #tpu.memory_space<vmem>>) target_semaphore(%arg11 : memref<!tpu.dma_semaphore, #tpu.memory_space<semaphore_mem>>)
      %dma_start3A_158 = arith.constant 1 : i32
      %dma_start3A_159 = arith.constant 0 : i32
      %dma_start3A_160 = tpu.memref_slice %arg7[%dma_start3A_158, %dma_start3A_159] : memref<2x80xi32, #tpu.memory_space<vmem>> -> memref<1x80xi32, #tpu.memory_space<vmem>>
      %dma_start3A_161 = tpu.memref_squeeze %dma_start3A_160 : memref<1x80xi32, #tpu.memory_space<vmem>> -> memref<80xi32, #tpu.memory_space<vmem>>
      %dma_start3A_162 = tpu.memref_slice %arg4[%multiple_of3A_131] : memref<320000xi32, #tpu.memory_space<hbm>> -> memref<80xi32, #tpu.memory_space<hbm>>
      %dma_start3A_163 = arith.constant 0 : i32
      %dma_start3A_164 = tpu.memref_slice %arg7[%dma_start3A_158, %dma_start3A_163] : memref<2x80xi32, #tpu.memory_space<vmem>> -> memref<1x80xi32, #tpu.memory_space<vmem>>
      %dma_start3A_165 = tpu.memref_squeeze %dma_start3A_164 : memref<1x80xi32, #tpu.memory_space<vmem>> -> memref<80xi32, #tpu.memory_space<vmem>>
      %dma_start3A_166 = tpu.memref_slice %arg4[%multiple_of3A_131] : memref<320000xi32, #tpu.memory_space<hbm>> -> memref<80xi32, #tpu.memory_space<hbm>>
      tpu.enqueue_dma source(%dma_start3A_166 : memref<80xi32, #tpu.memory_space<hbm>>) target(%dma_start3A_165 : memref<80xi32, #tpu.memory_space<vmem>>) target_semaphore(%arg11 : memref<!tpu.dma_semaphore, #tpu.memory_space<semaphore_mem>>)
      %dma_wait3A = arith.constant 0 : i32
      %dma_wait3A_167 = arith.constant 0 : i32
      %dma_wait3A_168 = tpu.memref_slice %arg6[%dma_wait3A, %dma_wait3A_167] : memref<2x80xi32, #tpu.memory_space<vmem>> -> memref<1x80xi32, #tpu.memory_space<vmem>>
      %dma_wait3A_169 = tpu.memref_squeeze %dma_wait3A_168 : memref<1x80xi32, #tpu.memory_space<vmem>> -> memref<80xi32, #tpu.memory_space<vmem>>
      %dma_wait3A_170 = tpu.memref_slice %arg3[%multiple_of3A] : memref<320000xi32, #tpu.memory_space<hbm>> -> memref<80xi32, #tpu.memory_space<hbm>>
      %dma_wait3A_171 = arith.constant 0 : i32
      %dma_wait3A_172 = tpu.memref_slice %arg6[%dma_wait3A, %dma_wait3A_171] : memref<2x80xi32, #tpu.memory_space<vmem>> -> memref<1x80xi32, #tpu.memory_space<vmem>>
      %dma_wait3A_173 = tpu.memref_squeeze %dma_wait3A_172 : memref<1x80xi32, #tpu.memory_space<vmem>> -> memref<80xi32, #tpu.memory_space<vmem>>
      %dma_wait3A_174 = tpu.memref_slice %arg3[%multiple_of3A] : memref<320000xi32, #tpu.memory_space<hbm>> -> memref<80xi32, #tpu.memory_space<hbm>>
      tpu.wait_dma2 semaphore(%arg11 : memref<!tpu.dma_semaphore, #tpu.memory_space<semaphore_mem>>) src(%dma_wait3A_174 : memref<80xi32, #tpu.memory_space<hbm>>) dst(%dma_wait3A_173 : memref<80xi32, #tpu.memory_space<vmem>>)
      %dma_wait3A_175 = arith.constant 1 : i32
      %dma_wait3A_176 = arith.constant 0 : i32
      %dma_wait3A_177 = tpu.memref_slice %arg6[%dma_wait3A_175, %dma_wait3A_176] : memref<2x80xi32, #tpu.memory_space<vmem>> -> memref<1x80xi32, #tpu.memory_space<vmem>>
      %dma_wait3A_178 = tpu.memref_squeeze %dma_wait3A_177 : memref<1x80xi32, #tpu.memory_space<vmem>> -> memref<80xi32, #tpu.memory_space<vmem>>
      %dma_wait3A_179 = tpu.memref_slice %arg3[%multiple_of3A_131] : memref<320000xi32, #tpu.memory_space<hbm>> -> memref<80xi32, #tpu.memory_space<hbm>>
      %dma_wait3A_180 = arith.constant 0 : i32
      %dma_wait3A_181 = tpu.memref_slice %arg6[%dma_wait3A_175, %dma_wait3A_180] : memref<2x80xi32, #tpu.memory_space<vmem>> -> memref<1x80xi32, #tpu.memory_space<vmem>>
      %dma_wait3A_182 = tpu.memref_squeeze %dma_wait3A_181 : memref<1x80xi32, #tpu.memory_space<vmem>> -> memref<80xi32, #tpu.memory_space<vmem>>
      %dma_wait3A_183 = tpu.memref_slice %arg3[%multiple_of3A_131] : memref<320000xi32, #tpu.memory_space<hbm>> -> memref<80xi32, #tpu.memory_space<hbm>>
      tpu.wait_dma2 semaphore(%arg11 : memref<!tpu.dma_semaphore, #tpu.memory_space<semaphore_mem>>) src(%dma_wait3A_183 : memref<80xi32, #tpu.memory_space<hbm>>) dst(%dma_wait3A_182 : memref<80xi32, #tpu.memory_space<vmem>>)
      %dma_wait3A_184 = arith.constant 0 : i32
      %dma_wait3A_185 = arith.constant 0 : i32
      %dma_wait3A_186 = tpu.memref_slice %arg7[%dma_wait3A_184, %dma_wait3A_185] : memref<2x80xi32, #tpu.memory_space<vmem>> -> memref<1x80xi32, #tpu.memory_space<vmem>>
      %dma_wait3A_187 = tpu.memref_squeeze %dma_wait3A_186 : memref<1x80xi32, #tpu.memory_space<vmem>> -> memref<80xi32, #tpu.memory_space<vmem>>
      %dma_wait3A_188 = tpu.memref_slice %arg4[%multiple_of3A] : memref<320000xi32, #tpu.memory_space<hbm>> -> memref<80xi32, #tpu.memory_space<hbm>>
      %dma_wait3A_189 = arith.constant 0 : i32
      %dma_wait3A_190 = tpu.memref_slice %arg7[%dma_wait3A_184, %dma_wait3A_189] : memref<2x80xi32, #tpu.memory_space<vmem>> -> memref<1x80xi32, #tpu.memory_space<vmem>>
      %dma_wait3A_191 = tpu.memref_squeeze %dma_wait3A_190 : memref<1x80xi32, #tpu.memory_space<vmem>> -> memref<80xi32, #tpu.memory_space<vmem>>
      %dma_wait3A_192 = tpu.memref_slice %arg4[%multiple_of3A] : memref<320000xi32, #tpu.memory_space<hbm>> -> memref<80xi32, #tpu.memory_space<hbm>>
      tpu.wait_dma2 semaphore(%arg11 : memref<!tpu.dma_semaphore, #tpu.memory_space<semaphore_mem>>) src(%dma_wait3A_192 : memref<80xi32, #tpu.memory_space<hbm>>) dst(%dma_wait3A_191 : memref<80xi32, #tpu.memory_space<vmem>>)
      %dma_wait3A_193 = arith.constant 1 : i32
      %dma_wait3A_194 = arith.constant 0 : i32
      %dma_wait3A_195 = tpu.memref_slice %arg7[%dma_wait3A_193, %dma_wait3A_194] : memref<2x80xi32, #tpu.memory_space<vmem>> -> memref<1x80xi32, #tpu.memory_space<vmem>>
      %dma_wait3A_196 = tpu.memref_squeeze %dma_wait3A_195 : memref<1x80xi32, #tpu.memory_space<vmem>> -> memref<80xi32, #tpu.memory_space<vmem>>
      %dma_wait3A_197 = tpu.memref_slice %arg4[%multiple_of3A_131] : memref<320000xi32, #tpu.memory_space<hbm>> -> memref<80xi32, #tpu.memory_space<hbm>>
      %dma_wait3A_198 = arith.constant 0 : i32
      %dma_wait3A_199 = tpu.memref_slice %arg7[%dma_wait3A_193, %dma_wait3A_198] : memref<2x80xi32, #tpu.memory_space<vmem>> -> memref<1x80xi32, #tpu.memory_space<vmem>>
      %dma_wait3A_200 = tpu.memref_squeeze %dma_wait3A_199 : memref<1x80xi32, #tpu.memory_space<vmem>> -> memref<80xi32, #tpu.memory_space<vmem>>
      %dma_wait3A_201 = tpu.memref_slice %arg4[%multiple_of3A_131] : memref<320000xi32, #tpu.memory_space<hbm>> -> memref<80xi32, #tpu.memory_space<hbm>>
      tpu.wait_dma2 semaphore(%arg11 : memref<!tpu.dma_semaphore, #tpu.memory_space<semaphore_mem>>) src(%dma_wait3A_201 : memref<80xi32, #tpu.memory_space<hbm>>) dst(%dma_wait3A_200 : memref<80xi32, #tpu.memory_space<vmem>>)
      %dma_start3A_202 = arith.constant 0 : i32
      %dma_start3A_203 = arith.constant 0 : i32
      %dma_start3A_204 = tpu.memref_slice %arg6[%dma_start3A_202, %dma_start3A_203] : memref<2x80xi32, #tpu.memory_space<vmem>> -> memref<1x80xi32, #tpu.memory_space<vmem>>
      %dma_start3A_205 = tpu.memref_squeeze %dma_start3A_204 : memref<1x80xi32, #tpu.memory_space<vmem>> -> memref<80xi32, #tpu.memory_space<vmem>>
      %dma_start3A_206 = arith.constant 0 : i32
      %dma_start3A_207 = arith.constant 0 : i32
      %dma_start3A_208 = tpu.memref_slice %arg2[%dma_start3A_206, %dma_start3A_207] : memref<10000x128xf32, #tpu.memory_space<hbm>> -> memref<10000x128xf32, #tpu.memory_space<hbm>>
      tpu.enqueue_indirect_dma source(%dma_start3A_208 : memref<10000x128xf32, #tpu.memory_space<hbm>>) target(%arg8 : memref<80x128xf32, #tpu.memory_space<vmem>>) offsets(%dma_start3A_205 : memref<80xi32, #tpu.memory_space<vmem>>) semaphore(%arg12 : memref<!tpu.dma_semaphore, #tpu.memory_space<semaphore_mem>>)
      %dma_start3A_209 = arith.constant 1 : i32
      %dma_start3A_210 = arith.constant 0 : i32
      %dma_start3A_211 = tpu.memref_slice %arg6[%dma_start3A_209, %dma_start3A_210] : memref<2x80xi32, #tpu.memory_space<vmem>> -> memref<1x80xi32, #tpu.memory_space<vmem>>
      %dma_start3A_212 = tpu.memref_squeeze %dma_start3A_211 : memref<1x80xi32, #tpu.memory_space<vmem>> -> memref<80xi32, #tpu.memory_space<vmem>>
      %dma_start3A_213 = arith.constant 0 : i32
      %dma_start3A_214 = arith.constant 0 : i32
      %dma_start3A_215 = tpu.memref_slice %arg2[%dma_start3A_213, %dma_start3A_214] : memref<10000x128xf32, #tpu.memory_space<hbm>> -> memref<10000x128xf32, #tpu.memory_space<hbm>>
      tpu.enqueue_indirect_dma source(%dma_start3A_215 : memref<10000x128xf32, #tpu.memory_space<hbm>>) target(%arg9 : memref<80x128xf32, #tpu.memory_space<vmem>>) offsets(%dma_start3A_212 : memref<80xi32, #tpu.memory_space<vmem>>) semaphore(%arg12 : memref<!tpu.dma_semaphore, #tpu.memory_space<semaphore_mem>>)
      %dma_wait3A_216 = arith.constant 0 : i32
      %dma_wait3A_217 = arith.constant 0 : i32
      %dma_wait3A_218 = tpu.memref_slice %arg6[%dma_wait3A_216, %dma_wait3A_217] : memref<2x80xi32, #tpu.memory_space<vmem>> -> memref<1x80xi32, #tpu.memory_space<vmem>>
      %dma_wait3A_219 = tpu.memref_squeeze %dma_wait3A_218 : memref<1x80xi32, #tpu.memory_space<vmem>> -> memref<80xi32, #tpu.memory_space<vmem>>
      %dma_wait3A_220 = arith.constant 0 : i32
      %dma_wait3A_221 = arith.constant 0 : i32
      %dma_wait3A_222 = tpu.memref_slice %arg2[%dma_wait3A_220, %dma_wait3A_221] : memref<10000x128xf32, #tpu.memory_space<hbm>> -> memref<10000x128xf32, #tpu.memory_space<hbm>>
      tpu.wait_indirect_dma semaphore(%arg12 : memref<!tpu.dma_semaphore, #tpu.memory_space<semaphore_mem>>) src(%dma_wait3A_222 : memref<10000x128xf32, #tpu.memory_space<hbm>>) dst(%arg8 : memref<80x128xf32, #tpu.memory_space<vmem>>)
      %dma_start3A_223 = arith.constant 0 : i32
      %dma_start3A_224 = arith.constant 0 : i32
      %dma_start3A_225 = tpu.memref_slice %arg7[%dma_start3A_223, %dma_start3A_224] : memref<2x80xi32, #tpu.memory_space<vmem>> -> memref<1x80xi32, #tpu.memory_space<vmem>>
      %dma_start3A_226 = tpu.memref_squeeze %dma_start3A_225 : memref<1x80xi32, #tpu.memory_space<vmem>> -> memref<80xi32, #tpu.memory_space<vmem>>
      %dma_start3A_227 = arith.constant 0 : i32
      %dma_start3A_228 = arith.constant 0 : i32
      %dma_start3A_229 = tpu.memref_slice %arg10[%dma_start3A_227, %dma_start3A_228] : memref<10000x128xf32, #tpu.memory_space<vmem_shared>> -> memref<10000x128xf32, #tpu.memory_space<vmem_shared>>
      tpu.enqueue_indirect_dma source(%arg8 : memref<80x128xf32, #tpu.memory_space<vmem>>) target(%dma_start3A_229 : memref<10000x128xf32, #tpu.memory_space<vmem_shared>>) offsets(%dma_start3A_226 : memref<80xi32, #tpu.memory_space<vmem>>) semaphore(%arg13 : memref<!tpu.dma_semaphore, #tpu.memory_space<semaphore_mem>>) {add = true}
      %dma_wait3A_230 = arith.constant 1 : i32
      %dma_wait3A_231 = arith.constant 0 : i32
      %dma_wait3A_232 = tpu.memref_slice %arg6[%dma_wait3A_230, %dma_wait3A_231] : memref<2x80xi32, #tpu.memory_space<vmem>> -> memref<1x80xi32, #tpu.memory_space<vmem>>
      %dma_wait3A_233 = tpu.memref_squeeze %dma_wait3A_232 : memref<1x80xi32, #tpu.memory_space<vmem>> -> memref<80xi32, #tpu.memory_space<vmem>>
      %dma_wait3A_234 = arith.constant 0 : i32
      %dma_wait3A_235 = arith.constant 0 : i32
      %dma_wait3A_236 = tpu.memref_slice %arg2[%dma_wait3A_234, %dma_wait3A_235] : memref<10000x128xf32, #tpu.memory_space<hbm>> -> memref<10000x128xf32, #tpu.memory_space<hbm>>
      tpu.wait_indirect_dma semaphore(%arg12 : memref<!tpu.dma_semaphore, #tpu.memory_space<semaphore_mem>>) src(%dma_wait3A_236 : memref<10000x128xf32, #tpu.memory_space<hbm>>) dst(%arg9 : memref<80x128xf32, #tpu.memory_space<vmem>>)
      %dma_start3A_237 = arith.constant 1 : i32
      %dma_start3A_238 = arith.constant 0 : i32
      %dma_start3A_239 = tpu.memref_slice %arg7[%dma_start3A_237, %dma_start3A_238] : memref<2x80xi32, #tpu.memory_space<vmem>> -> memref<1x80xi32, #tpu.memory_space<vmem>>
      %dma_start3A_240 = tpu.memref_squeeze %dma_start3A_239 : memref<1x80xi32, #tpu.memory_space<vmem>> -> memref<80xi32, #tpu.memory_space<vmem>>
      %dma_start3A_241 = arith.constant 0 : i32
      %dma_start3A_242 = arith.constant 0 : i32
      %dma_start3A_243 = tpu.memref_slice %arg10[%dma_start3A_241, %dma_start3A_242] : memref<10000x128xf32, #tpu.memory_space<vmem_shared>> -> memref<10000x128xf32, #tpu.memory_space<vmem_shared>>
      tpu.enqueue_indirect_dma source(%arg9 : memref<80x128xf32, #tpu.memory_space<vmem>>) target(%dma_start3A_243 : memref<10000x128xf32, #tpu.memory_space<vmem_shared>>) offsets(%dma_start3A_240 : memref<80xi32, #tpu.memory_space<vmem>>) semaphore(%arg13 : memref<!tpu.dma_semaphore, #tpu.memory_space<semaphore_mem>>) {add = true}
      %dma_wait3A_244 = arith.constant 0 : i32
      %dma_wait3A_245 = arith.constant 0 : i32
      %dma_wait3A_246 = tpu.memref_slice %arg7[%dma_wait3A_244, %dma_wait3A_245] : memref<2x80xi32, #tpu.memory_space<vmem>> -> memref<1x80xi32, #tpu.memory_space<vmem>>
      %dma_wait3A_247 = tpu.memref_squeeze %dma_wait3A_246 : memref<1x80xi32, #tpu.memory_space<vmem>> -> memref<80xi32, #tpu.memory_space<vmem>>
      %dma_wait3A_248 = arith.constant 0 : i32
      %dma_wait3A_249 = arith.constant 0 : i32
      %dma_wait3A_250 = tpu.memref_slice %arg10[%dma_wait3A_248, %dma_wait3A_249] : memref<10000x128xf32, #tpu.memory_space<vmem_shared>> -> memref<10000x128xf32, #tpu.memory_space<vmem_shared>>
      tpu.wait_indirect_dma semaphore(%arg13 : memref<!tpu.dma_semaphore, #tpu.memory_space<semaphore_mem>>) src(%arg8 : memref<80x128xf32, #tpu.memory_space<vmem>>) dst(%dma_wait3A_250 : memref<10000x128xf32, #tpu.memory_space<vmem_shared>>)
      %dma_wait3A_251 = arith.constant 1 : i32
      %dma_wait3A_252 = arith.constant 0 : i32
      %dma_wait3A_253 = tpu.memref_slice %arg7[%dma_wait3A_251, %dma_wait3A_252] : memref<2x80xi32, #tpu.memory_space<vmem>> -> memref<1x80xi32, #tpu.memory_space<vmem>>
      %dma_wait3A_254 = tpu.memref_squeeze %dma_wait3A_253 : memref<1x80xi32, #tpu.memory_space<vmem>> -> memref<80xi32, #tpu.memory_space<vmem>>
      %dma_wait3A_255 = arith.constant 0 : i32
      %dma_wait3A_256 = arith.constant 0 : i32
      %dma_wait3A_257 = tpu.memref_slice %arg10[%dma_wait3A_255, %dma_wait3A_256] : memref<10000x128xf32, #tpu.memory_space<vmem_shared>> -> memref<10000x128xf32, #tpu.memory_space<vmem_shared>>
      tpu.wait_indirect_dma semaphore(%arg13 : memref<!tpu.dma_semaphore, #tpu.memory_space<semaphore_mem>>) src(%arg9 : memref<80x128xf32, #tpu.memory_space<vmem>>) dst(%dma_wait3A_257 : memref<10000x128xf32, #tpu.memory_space<vmem_shared>>)
      %scan3A_258 = arith.constant 0 : i32
      scf.yield %scan3A_258 : i32
    }
    %scan3A_66 = arith.constant 125 : i32
    %barrier3A_67 = arith.constant 0 : index
    tpu.barrier barrier_id(%barrier3A_67)
    %add3A_68 = arith.constant 0 : i32
    %add3A_69 = arith.addi %add3A_68, %arg1 : i32
    %lt3A_70 = arith.constant 125 : i32
    %lt3A_71 = arith.cmpi slt, %add3A_69, %lt3A_70 : i32
    %convert_element_type3A_72 = arith.extui %lt3A_71 : i1 to i32
    %cond3A_73 = arith.constant 0 : i32
    %cond3A_74 = arith.cmpi ne, %convert_element_type3A_72, %cond3A_73 : i32
    scf.if %cond3A_74 {
      %mul3A_124 = arith.constant 80 : i32
      %mul3A_125 = arith.muli %add3A_69, %mul3A_124 : i32
      %multiple_of3A = tpu.assume_multiple %mul3A_125, 80 : i32
      "tpu.region"() ({
        %run_scoped3A = tpu.sem_alloc : memref<!tpu.dma_semaphore, #tpu.memory_space<semaphore_mem>>
        %dma_start3A = arith.constant 0 : i32
        %dma_start3A_126 = tpu.memref_slice %arg5[%multiple_of3A, %dma_start3A] : memref<10000x128xf32, #tpu.memory_space<hbm>> -> memref<80x128xf32, #tpu.memory_space<hbm>>
        %dma_start3A_127 = arith.constant 0 : i32
        %dma_start3A_128 = tpu.memref_slice %arg10[%multiple_of3A, %dma_start3A_127] : memref<10000x128xf32, #tpu.memory_space<vmem_shared>> -> memref<80x128xf32, #tpu.memory_space<vmem_shared>>
        tpu.enqueue_dma source(%dma_start3A_128 : memref<80x128xf32, #tpu.memory_space<vmem_shared>>) target(%dma_start3A_126 : memref<80x128xf32, #tpu.memory_space<hbm>>) target_semaphore(%run_scoped3A : memref<!tpu.dma_semaphore, #tpu.memory_space<semaphore_mem>>)
        %dma_wait3A = arith.constant 0 : i32
        %dma_wait3A_129 = tpu.memref_slice %arg5[%multiple_of3A, %dma_wait3A] : memref<10000x128xf32, #tpu.memory_space<hbm>> -> memref<80x128xf32, #tpu.memory_space<hbm>>
        %dma_wait3A_130 = arith.constant 0 : i32
        %dma_wait3A_131 = tpu.memref_slice %arg10[%multiple_of3A, %dma_wait3A_130] : memref<10000x128xf32, #tpu.memory_space<vmem_shared>> -> memref<80x128xf32, #tpu.memory_space<vmem_shared>>
        tpu.wait_dma2 semaphore(%run_scoped3A : memref<!tpu.dma_semaphore, #tpu.memory_space<semaphore_mem>>) src(%dma_wait3A_131 : memref<80x128xf32, #tpu.memory_space<vmem_shared>>) dst(%dma_wait3A_129 : memref<80x128xf32, #tpu.memory_space<hbm>>)
        tpu.yield
      }) : () -> ()
    } else {
    }
    %add3A_75 = arith.constant 16 : i32
    %add3A_76 = arith.addi %add3A_75, %arg1 : i32
    %lt3A_77 = arith.constant 125 : i32
    %lt3A_78 = arith.cmpi slt, %add3A_76, %lt3A_77 : i32
    %convert_element_type3A_79 = arith.extui %lt3A_78 : i1 to i32
    %cond3A_80 = arith.constant 0 : i32
    %cond3A_81 = arith.cmpi ne, %convert_element_type3A_79, %cond3A_80 : i32
    scf.if %cond3A_81 {
      %mul3A_124 = arith.constant 80 : i32
      %mul3A_125 = arith.muli %add3A_76, %mul3A_124 : i32
      %multiple_of3A = tpu.assume_multiple %mul3A_125, 80 : i32
      "tpu.region"() ({
        %run_scoped3A = tpu.sem_alloc : memref<!tpu.dma_semaphore, #tpu.memory_space<semaphore_mem>>
        %dma_start3A = arith.constant 0 : i32
        %dma_start3A_126 = tpu.memref_slice %arg5[%multiple_of3A, %dma_start3A] : memref<10000x128xf32, #tpu.memory_space<hbm>> -> memref<80x128xf32, #tpu.memory_space<hbm>>
        %dma_start3A_127 = arith.constant 0 : i32
        %dma_start3A_128 = tpu.memref_slice %arg10[%multiple_of3A, %dma_start3A_127] : memref<10000x128xf32, #tpu.memory_space<vmem_shared>> -> memref<80x128xf32, #tpu.memory_space<vmem_shared>>
        tpu.enqueue_dma source(%dma_start3A_128 : memref<80x128xf32, #tpu.memory_space<vmem_shared>>) target(%dma_start3A_126 : memref<80x128xf32, #tpu.memory_space<hbm>>) target_semaphore(%run_scoped3A : memref<!tpu.dma_semaphore, #tpu.memory_space<semaphore_mem>>)
        %dma_wait3A = arith.constant 0 : i32
        %dma_wait3A_129 = tpu.memref_slice %arg5[%multiple_of3A, %dma_wait3A] : memref<10000x128xf32, #tpu.memory_space<hbm>> -> memref<80x128xf32, #tpu.memory_space<hbm>>
        %dma_wait3A_130 = arith.constant 0 : i32
        %dma_wait3A_131 = tpu.memref_slice %arg10[%multiple_of3A, %dma_wait3A_130] : memref<10000x128xf32, #tpu.memory_space<vmem_shared>> -> memref<80x128xf32, #tpu.memory_space<vmem_shared>>
        tpu.wait_dma2 semaphore(%run_scoped3A : memref<!tpu.dma_semaphore, #tpu.memory_space<semaphore_mem>>) src(%dma_wait3A_131 : memref<80x128xf32, #tpu.memory_space<vmem_shared>>) dst(%dma_wait3A_129 : memref<80x128xf32, #tpu.memory_space<hbm>>)
        tpu.yield
      }) : () -> ()
    } else {
    }
    %add3A_82 = arith.constant 32 : i32
    %add3A_83 = arith.addi %add3A_82, %arg1 : i32
    %lt3A_84 = arith.constant 125 : i32
    %lt3A_85 = arith.cmpi slt, %add3A_83, %lt3A_84 : i32
    %convert_element_type3A_86 = arith.extui %lt3A_85 : i1 to i32
    %cond3A_87 = arith.constant 0 : i32
    %cond3A_88 = arith.cmpi ne, %convert_element_type3A_86, %cond3A_87 : i32
    scf.if %cond3A_88 {
      %mul3A_124 = arith.constant 80 : i32
      %mul3A_125 = arith.muli %add3A_83, %mul3A_124 : i32
      %multiple_of3A = tpu.assume_multiple %mul3A_125, 80 : i32
      "tpu.region"() ({
        %run_scoped3A = tpu.sem_alloc : memref<!tpu.dma_semaphore, #tpu.memory_space<semaphore_mem>>
        %dma_start3A = arith.constant 0 : i32
        %dma_start3A_126 = tpu.memref_slice %arg5[%multiple_of3A, %dma_start3A] : memref<10000x128xf32, #tpu.memory_space<hbm>> -> memref<80x128xf32, #tpu.memory_space<hbm>>
        %dma_start3A_127 = arith.constant 0 : i32
        %dma_start3A_128 = tpu.memref_slice %arg10[%multiple_of3A, %dma_start3A_127] : memref<10000x128xf32, #tpu.memory_space<vmem_shared>> -> memref<80x128xf32, #tpu.memory_space<vmem_shared>>
        tpu.enqueue_dma source(%dma_start3A_128 : memref<80x128xf32, #tpu.memory_space<vmem_shared>>) target(%dma_start3A_126 : memref<80x128xf32, #tpu.memory_space<hbm>>) target_semaphore(%run_scoped3A : memref<!tpu.dma_semaphore, #tpu.memory_space<semaphore_mem>>)
        %dma_wait3A = arith.constant 0 : i32
        %dma_wait3A_129 = tpu.memref_slice %arg5[%multiple_of3A, %dma_wait3A] : memref<10000x128xf32, #tpu.memory_space<hbm>> -> memref<80x128xf32, #tpu.memory_space<hbm>>
        %dma_wait3A_130 = arith.constant 0 : i32
        %dma_wait3A_131 = tpu.memref_slice %arg10[%multiple_of3A, %dma_wait3A_130] : memref<10000x128xf32, #tpu.memory_space<vmem_shared>> -> memref<80x128xf32, #tpu.memory_space<vmem_shared>>
        tpu.wait_dma2 semaphore(%run_scoped3A : memref<!tpu.dma_semaphore, #tpu.memory_space<semaphore_mem>>) src(%dma_wait3A_131 : memref<80x128xf32, #tpu.memory_space<vmem_shared>>) dst(%dma_wait3A_129 : memref<80x128xf32, #tpu.memory_space<hbm>>)
        tpu.yield
      }) : () -> ()
    } else {
    }
    %add3A_89 = arith.constant 48 : i32
    %add3A_90 = arith.addi %add3A_89, %arg1 : i32
    %lt3A_91 = arith.constant 125 : i32
    %lt3A_92 = arith.cmpi slt, %add3A_90, %lt3A_91 : i32
    %convert_element_type3A_93 = arith.extui %lt3A_92 : i1 to i32
    %cond3A_94 = arith.constant 0 : i32
    %cond3A_95 = arith.cmpi ne, %convert_element_type3A_93, %cond3A_94 : i32
    scf.if %cond3A_95 {
      %mul3A_124 = arith.constant 80 : i32
      %mul3A_125 = arith.muli %add3A_90, %mul3A_124 : i32
      %multiple_of3A = tpu.assume_multiple %mul3A_125, 80 : i32
      "tpu.region"() ({
        %run_scoped3A = tpu.sem_alloc : memref<!tpu.dma_semaphore, #tpu.memory_space<semaphore_mem>>
        %dma_start3A = arith.constant 0 : i32
        %dma_start3A_126 = tpu.memref_slice %arg5[%multiple_of3A, %dma_start3A] : memref<10000x128xf32, #tpu.memory_space<hbm>> -> memref<80x128xf32, #tpu.memory_space<hbm>>
        %dma_start3A_127 = arith.constant 0 : i32
        %dma_start3A_128 = tpu.memref_slice %arg10[%multiple_of3A, %dma_start3A_127] : memref<10000x128xf32, #tpu.memory_space<vmem_shared>> -> memref<80x128xf32, #tpu.memory_space<vmem_shared>>
        tpu.enqueue_dma source(%dma_start3A_128 : memref<80x128xf32, #tpu.memory_space<vmem_shared>>) target(%dma_start3A_126 : memref<80x128xf32, #tpu.memory_space<hbm>>) target_semaphore(%run_scoped3A : memref<!tpu.dma_semaphore, #tpu.memory_space<semaphore_mem>>)
        %dma_wait3A = arith.constant 0 : i32
        %dma_wait3A_129 = tpu.memref_slice %arg5[%multiple_of3A, %dma_wait3A] : memref<10000x128xf32, #tpu.memory_space<hbm>> -> memref<80x128xf32, #tpu.memory_space<hbm>>
        %dma_wait3A_130 = arith.constant 0 : i32
        %dma_wait3A_131 = tpu.memref_slice %arg10[%multiple_of3A, %dma_wait3A_130] : memref<10000x128xf32, #tpu.memory_space<vmem_shared>> -> memref<80x128xf32, #tpu.memory_space<vmem_shared>>
        tpu.wait_dma2 semaphore(%run_scoped3A : memref<!tpu.dma_semaphore, #tpu.memory_space<semaphore_mem>>) src(%dma_wait3A_131 : memref<80x128xf32, #tpu.memory_space<vmem_shared>>) dst(%dma_wait3A_129 : memref<80x128xf32, #tpu.memory_space<hbm>>)
        tpu.yield
      }) : () -> ()
    } else {
    }
    %add3A_96 = arith.constant 64 : i32
    %add3A_97 = arith.addi %add3A_96, %arg1 : i32
    %lt3A_98 = arith.constant 125 : i32
    %lt3A_99 = arith.cmpi slt, %add3A_97, %lt3A_98 : i32
    %convert_element_type3A_100 = arith.extui %lt3A_99 : i1 to i32
    %cond3A_101 = arith.constant 0 : i32
    %cond3A_102 = arith.cmpi ne, %convert_element_type3A_100, %cond3A_101 : i32
    scf.if %cond3A_102 {
      %mul3A_124 = arith.constant 80 : i32
      %mul3A_125 = arith.muli %add3A_97, %mul3A_124 : i32
      %multiple_of3A = tpu.assume_multiple %mul3A_125, 80 : i32
      "tpu.region"() ({
        %run_scoped3A = tpu.sem_alloc : memref<!tpu.dma_semaphore, #tpu.memory_space<semaphore_mem>>
        %dma_start3A = arith.constant 0 : i32
        %dma_start3A_126 = tpu.memref_slice %arg5[%multiple_of3A, %dma_start3A] : memref<10000x128xf32, #tpu.memory_space<hbm>> -> memref<80x128xf32, #tpu.memory_space<hbm>>
        %dma_start3A_127 = arith.constant 0 : i32
        %dma_start3A_128 = tpu.memref_slice %arg10[%multiple_of3A, %dma_start3A_127] : memref<10000x128xf32, #tpu.memory_space<vmem_shared>> -> memref<80x128xf32, #tpu.memory_space<vmem_shared>>
        tpu.enqueue_dma source(%dma_start3A_128 : memref<80x128xf32, #tpu.memory_space<vmem_shared>>) target(%dma_start3A_126 : memref<80x128xf32, #tpu.memory_space<hbm>>) target_semaphore(%run_scoped3A : memref<!tpu.dma_semaphore, #tpu.memory_space<semaphore_mem>>)
        %dma_wait3A = arith.constant 0 : i32
        %dma_wait3A_129 = tpu.memref_slice %arg5[%multiple_of3A, %dma_wait3A] : memref<10000x128xf32, #tpu.memory_space<hbm>> -> memref<80x128xf32, #tpu.memory_space<hbm>>
        %dma_wait3A_130 = arith.constant 0 : i32
        %dma_wait3A_131 = tpu.memref_slice %arg10[%multiple_of3A, %dma_wait3A_130] : memref<10000x128xf32, #tpu.memory_space<vmem_shared>> -> memref<80x128xf32, #tpu.memory_space<vmem_shared>>
        tpu.wait_dma2 semaphore(%run_scoped3A : memref<!tpu.dma_semaphore, #tpu.memory_space<semaphore_mem>>) src(%dma_wait3A_131 : memref<80x128xf32, #tpu.memory_space<vmem_shared>>) dst(%dma_wait3A_129 : memref<80x128xf32, #tpu.memory_space<hbm>>)
        tpu.yield
      }) : () -> ()
    } else {
    }
    %add3A_103 = arith.constant 80 : i32
    %add3A_104 = arith.addi %add3A_103, %arg1 : i32
    %lt3A_105 = arith.constant 125 : i32
    %lt3A_106 = arith.cmpi slt, %add3A_104, %lt3A_105 : i32
    %convert_element_type3A_107 = arith.extui %lt3A_106 : i1 to i32
    %cond3A_108 = arith.constant 0 : i32
    %cond3A_109 = arith.cmpi ne, %convert_element_type3A_107, %cond3A_108 : i32
    scf.if %cond3A_109 {
      %mul3A_124 = arith.constant 80 : i32
      %mul3A_125 = arith.muli %add3A_104, %mul3A_124 : i32
      %multiple_of3A = tpu.assume_multiple %mul3A_125, 80 : i32
      "tpu.region"() ({
        %run_scoped3A = tpu.sem_alloc : memref<!tpu.dma_semaphore, #tpu.memory_space<semaphore_mem>>
        %dma_start3A = arith.constant 0 : i32
        %dma_start3A_126 = tpu.memref_slice %arg5[%multiple_of3A, %dma_start3A] : memref<10000x128xf32, #tpu.memory_space<hbm>> -> memref<80x128xf32, #tpu.memory_space<hbm>>
        %dma_start3A_127 = arith.constant 0 : i32
        %dma_start3A_128 = tpu.memref_slice %arg10[%multiple_of3A, %dma_start3A_127] : memref<10000x128xf32, #tpu.memory_space<vmem_shared>> -> memref<80x128xf32, #tpu.memory_space<vmem_shared>>
        tpu.enqueue_dma source(%dma_start3A_128 : memref<80x128xf32, #tpu.memory_space<vmem_shared>>) target(%dma_start3A_126 : memref<80x128xf32, #tpu.memory_space<hbm>>) target_semaphore(%run_scoped3A : memref<!tpu.dma_semaphore, #tpu.memory_space<semaphore_mem>>)
        %dma_wait3A = arith.constant 0 : i32
        %dma_wait3A_129 = tpu.memref_slice %arg5[%multiple_of3A, %dma_wait3A] : memref<10000x128xf32, #tpu.memory_space<hbm>> -> memref<80x128xf32, #tpu.memory_space<hbm>>
        %dma_wait3A_130 = arith.constant 0 : i32
        %dma_wait3A_131 = tpu.memref_slice %arg10[%multiple_of3A, %dma_wait3A_130] : memref<10000x128xf32, #tpu.memory_space<vmem_shared>> -> memref<80x128xf32, #tpu.memory_space<vmem_shared>>
        tpu.wait_dma2 semaphore(%run_scoped3A : memref<!tpu.dma_semaphore, #tpu.memory_space<semaphore_mem>>) src(%dma_wait3A_131 : memref<80x128xf32, #tpu.memory_space<vmem_shared>>) dst(%dma_wait3A_129 : memref<80x128xf32, #tpu.memory_space<hbm>>)
        tpu.yield
      }) : () -> ()
    } else {
    }
    %add3A_110 = arith.constant 96 : i32
    %add3A_111 = arith.addi %add3A_110, %arg1 : i32
    %lt3A_112 = arith.constant 125 : i32
    %lt3A_113 = arith.cmpi slt, %add3A_111, %lt3A_112 : i32
    %convert_element_type3A_114 = arith.extui %lt3A_113 : i1 to i32
    %cond3A_115 = arith.constant 0 : i32
    %cond3A_116 = arith.cmpi ne, %convert_element_type3A_114, %cond3A_115 : i32
    scf.if %cond3A_116 {
      %mul3A_124 = arith.constant 80 : i32
      %mul3A_125 = arith.muli %add3A_111, %mul3A_124 : i32
      %multiple_of3A = tpu.assume_multiple %mul3A_125, 80 : i32
      "tpu.region"() ({
        %run_scoped3A = tpu.sem_alloc : memref<!tpu.dma_semaphore, #tpu.memory_space<semaphore_mem>>
        %dma_start3A = arith.constant 0 : i32
        %dma_start3A_126 = tpu.memref_slice %arg5[%multiple_of3A, %dma_start3A] : memref<10000x128xf32, #tpu.memory_space<hbm>> -> memref<80x128xf32, #tpu.memory_space<hbm>>
        %dma_start3A_127 = arith.constant 0 : i32
        %dma_start3A_128 = tpu.memref_slice %arg10[%multiple_of3A, %dma_start3A_127] : memref<10000x128xf32, #tpu.memory_space<vmem_shared>> -> memref<80x128xf32, #tpu.memory_space<vmem_shared>>
        tpu.enqueue_dma source(%dma_start3A_128 : memref<80x128xf32, #tpu.memory_space<vmem_shared>>) target(%dma_start3A_126 : memref<80x128xf32, #tpu.memory_space<hbm>>) target_semaphore(%run_scoped3A : memref<!tpu.dma_semaphore, #tpu.memory_space<semaphore_mem>>)
        %dma_wait3A = arith.constant 0 : i32
        %dma_wait3A_129 = tpu.memref_slice %arg5[%multiple_of3A, %dma_wait3A] : memref<10000x128xf32, #tpu.memory_space<hbm>> -> memref<80x128xf32, #tpu.memory_space<hbm>>
        %dma_wait3A_130 = arith.constant 0 : i32
        %dma_wait3A_131 = tpu.memref_slice %arg10[%multiple_of3A, %dma_wait3A_130] : memref<10000x128xf32, #tpu.memory_space<vmem_shared>> -> memref<80x128xf32, #tpu.memory_space<vmem_shared>>
        tpu.wait_dma2 semaphore(%run_scoped3A : memref<!tpu.dma_semaphore, #tpu.memory_space<semaphore_mem>>) src(%dma_wait3A_131 : memref<80x128xf32, #tpu.memory_space<vmem_shared>>) dst(%dma_wait3A_129 : memref<80x128xf32, #tpu.memory_space<hbm>>)
        tpu.yield
      }) : () -> ()
    } else {
    }
    %add3A_117 = arith.constant 112 : i32
    %add3A_118 = arith.addi %add3A_117, %arg1 : i32
    %lt3A_119 = arith.constant 125 : i32
    %lt3A_120 = arith.cmpi slt, %add3A_118, %lt3A_119 : i32
    %convert_element_type3A_121 = arith.extui %lt3A_120 : i1 to i32
    %cond3A_122 = arith.constant 0 : i32
    %cond3A_123 = arith.cmpi ne, %convert_element_type3A_121, %cond3A_122 : i32
    scf.if %cond3A_123 {
      %mul3A_124 = arith.constant 80 : i32
      %mul3A_125 = arith.muli %add3A_118, %mul3A_124 : i32
      %multiple_of3A = tpu.assume_multiple %mul3A_125, 80 : i32
      "tpu.region"() ({
        %run_scoped3A = tpu.sem_alloc : memref<!tpu.dma_semaphore, #tpu.memory_space<semaphore_mem>>
        %dma_start3A = arith.constant 0 : i32
        %dma_start3A_126 = tpu.memref_slice %arg5[%multiple_of3A, %dma_start3A] : memref<10000x128xf32, #tpu.memory_space<hbm>> -> memref<80x128xf32, #tpu.memory_space<hbm>>
        %dma_start3A_127 = arith.constant 0 : i32
        %dma_start3A_128 = tpu.memref_slice %arg10[%multiple_of3A, %dma_start3A_127] : memref<10000x128xf32, #tpu.memory_space<vmem_shared>> -> memref<80x128xf32, #tpu.memory_space<vmem_shared>>
        tpu.enqueue_dma source(%dma_start3A_128 : memref<80x128xf32, #tpu.memory_space<vmem_shared>>) target(%dma_start3A_126 : memref<80x128xf32, #tpu.memory_space<hbm>>) target_semaphore(%run_scoped3A : memref<!tpu.dma_semaphore, #tpu.memory_space<semaphore_mem>>)
        %dma_wait3A = arith.constant 0 : i32
        %dma_wait3A_129 = tpu.memref_slice %arg5[%multiple_of3A, %dma_wait3A] : memref<10000x128xf32, #tpu.memory_space<hbm>> -> memref<80x128xf32, #tpu.memory_space<hbm>>
        %dma_wait3A_130 = arith.constant 0 : i32
        %dma_wait3A_131 = tpu.memref_slice %arg10[%multiple_of3A, %dma_wait3A_130] : memref<10000x128xf32, #tpu.memory_space<vmem_shared>> -> memref<80x128xf32, #tpu.memory_space<vmem_shared>>
        tpu.wait_dma2 semaphore(%run_scoped3A : memref<!tpu.dma_semaphore, #tpu.memory_space<semaphore_mem>>) src(%dma_wait3A_131 : memref<80x128xf32, #tpu.memory_space<vmem_shared>>) dst(%dma_wait3A_129 : memref<80x128xf32, #tpu.memory_space<hbm>>)
        tpu.yield
      }) : () -> ()
    } else {
    }
    return
  }
}

#map = affine_map<(d0, d1) -> (0, 0)>
#map1 = affine_map<(d0, d1) -> (0)>
module attributes {stable_mosaic.version = 14 : i64} {
  func.func @_sel_body(%arg0: i32, %arg1: i32, %arg2: memref<10000x128xf32, #tpu.memory_space<hbm>>, %arg3: memref<80000xi32, #tpu.memory_space<hbm>>, %arg4: memref<10000x128xf32, #tpu.memory_space<hbm>>, %arg5: memref<1x128xi32, #tpu.memory_space<vmem>>, %arg6: memref<128x128xf32, #tpu.memory_space<vmem>>, %arg7: memref<16x128xf32, #tpu.memory_space<vmem>>, %arg8: memref<!tpu.dma_semaphore, #tpu.memory_space<semaphore_mem>>) attributes {dimension_semantics = [#tpu.dimension_semantics<core_parallel>, #tpu.dimension_semantics<subcore_parallel>], iteration_bounds = array<i64: 2, 16>, scalar_prefetch = 0 : i64, scratch_operands = 4 : i64, tpu.core_type = #tpu.core_type<sc_vector_subcore>, window_params = [{transform_indices = #map}, {transform_indices = #map1}, {transform_indices = #map}]} {
    %mul3A = arith.constant 16 : i32
    %mul3A_0 = arith.muli %arg0, %mul3A : i32
    %add3A = arith.addi %mul3A_0, %arg1 : i32
    %scan3A = arith.constant 0 : i32
    %scan3A_1 = arith.constant 0 : i32
    %scan3A_2 = arith.constant 20 : i32
    %scan3A_3 = arith.addi %scan3A_1, %scan3A_2 : i32
    %scan3A_4 = arith.constant 1 : i32
    %scan3A_5 = scf.for %scan3A_7 = %scan3A_1 to %scan3A_3 step %scan3A_4 iter_args(%scan3A_8 = %scan3A) -> (i32)  : i32 {
      %mul3A_9 = arith.constant 32 : i32
      %mul3A_10 = arith.muli %scan3A_7, %mul3A_9 : i32
      %add3A_11 = arith.addi %mul3A_10, %add3A : i32
      %lt3A = arith.constant 625 : i32
      %lt3A_12 = arith.cmpi slt, %add3A_11, %lt3A : i32
      %convert_element_type3A = arith.extui %lt3A_12 : i1 to i32
      %cond3A = arith.constant 0 : i32
      %cond3A_13 = arith.cmpi ne, %convert_element_type3A, %cond3A : i32
      scf.if %cond3A_13 {
        %mul3A_15 = arith.constant 128 : i32
        %mul3A_16 = arith.muli %add3A_11, %mul3A_15 : i32
        %multiple_of3A = tpu.assume_multiple %mul3A_16, 128 : i32
        %run_scoped3A = arith.constant 0 : i32
        "tpu.region"() ({
          %run_scoped3A_39 = tpu.sem_alloc : memref<!tpu.dma_semaphore, #tpu.memory_space<semaphore_mem>>
          %dma_start3A_40 = arith.constant 0 : i32
          %dma_start3A_41 = tpu.memref_slice %arg5[%run_scoped3A, %dma_start3A_40] : memref<1x128xi32, #tpu.memory_space<vmem>> -> memref<1x128xi32, #tpu.memory_space<vmem>>
          %dma_start3A_42 = tpu.memref_squeeze %dma_start3A_41 : memref<1x128xi32, #tpu.memory_space<vmem>> -> memref<128xi32, #tpu.memory_space<vmem>>
          %dma_start3A_43 = tpu.memref_slice %arg3[%multiple_of3A] : memref<80000xi32, #tpu.memory_space<hbm>> -> memref<128xi32, #tpu.memory_space<hbm>>
          %dma_start3A_44 = arith.constant 0 : i32
          %dma_start3A_45 = tpu.memref_slice %arg5[%run_scoped3A, %dma_start3A_44] : memref<1x128xi32, #tpu.memory_space<vmem>> -> memref<1x128xi32, #tpu.memory_space<vmem>>
          %dma_start3A_46 = tpu.memref_squeeze %dma_start3A_45 : memref<1x128xi32, #tpu.memory_space<vmem>> -> memref<128xi32, #tpu.memory_space<vmem>>
          %dma_start3A_47 = tpu.memref_slice %arg3[%multiple_of3A] : memref<80000xi32, #tpu.memory_space<hbm>> -> memref<128xi32, #tpu.memory_space<hbm>>
          tpu.enqueue_dma source(%dma_start3A_47 : memref<128xi32, #tpu.memory_space<hbm>>) target(%dma_start3A_46 : memref<128xi32, #tpu.memory_space<vmem>>) target_semaphore(%run_scoped3A_39 : memref<!tpu.dma_semaphore, #tpu.memory_space<semaphore_mem>>)
          %dma_wait3A_48 = arith.constant 0 : i32
          %dma_wait3A_49 = tpu.memref_slice %arg5[%run_scoped3A, %dma_wait3A_48] : memref<1x128xi32, #tpu.memory_space<vmem>> -> memref<1x128xi32, #tpu.memory_space<vmem>>
          %dma_wait3A_50 = tpu.memref_squeeze %dma_wait3A_49 : memref<1x128xi32, #tpu.memory_space<vmem>> -> memref<128xi32, #tpu.memory_space<vmem>>
          %dma_wait3A_51 = tpu.memref_slice %arg3[%multiple_of3A] : memref<80000xi32, #tpu.memory_space<hbm>> -> memref<128xi32, #tpu.memory_space<hbm>>
          %dma_wait3A_52 = arith.constant 0 : i32
          %dma_wait3A_53 = tpu.memref_slice %arg5[%run_scoped3A, %dma_wait3A_52] : memref<1x128xi32, #tpu.memory_space<vmem>> -> memref<1x128xi32, #tpu.memory_space<vmem>>
          %dma_wait3A_54 = tpu.memref_squeeze %dma_wait3A_53 : memref<1x128xi32, #tpu.memory_space<vmem>> -> memref<128xi32, #tpu.memory_space<vmem>>
          %dma_wait3A_55 = tpu.memref_slice %arg3[%multiple_of3A] : memref<80000xi32, #tpu.memory_space<hbm>> -> memref<128xi32, #tpu.memory_space<hbm>>
          tpu.wait_dma2 semaphore(%run_scoped3A_39 : memref<!tpu.dma_semaphore, #tpu.memory_space<semaphore_mem>>) src(%dma_wait3A_55 : memref<128xi32, #tpu.memory_space<hbm>>) dst(%dma_wait3A_54 : memref<128xi32, #tpu.memory_space<vmem>>)
          tpu.yield
        }) : () -> ()
        %dma_start3A = arith.constant 0 : i32
        %dma_start3A_17 = arith.constant 0 : i32
        %dma_start3A_18 = tpu.memref_slice %arg5[%dma_start3A, %dma_start3A_17] : memref<1x128xi32, #tpu.memory_space<vmem>> -> memref<1x128xi32, #tpu.memory_space<vmem>>
        %dma_start3A_19 = tpu.memref_squeeze %dma_start3A_18 : memref<1x128xi32, #tpu.memory_space<vmem>> -> memref<128xi32, #tpu.memory_space<vmem>>
        %dma_start3A_20 = arith.constant 0 : i32
        %dma_start3A_21 = arith.constant 0 : i32
        %dma_start3A_22 = tpu.memref_slice %arg2[%dma_start3A_20, %dma_start3A_21] : memref<10000x128xf32, #tpu.memory_space<hbm>> -> memref<10000x128xf32, #tpu.memory_space<hbm>>
        tpu.enqueue_indirect_dma source(%dma_start3A_22 : memref<10000x128xf32, #tpu.memory_space<hbm>>) target(%arg6 : memref<128x128xf32, #tpu.memory_space<vmem>>) offsets(%dma_start3A_19 : memref<128xi32, #tpu.memory_space<vmem>>) semaphore(%arg8 : memref<!tpu.dma_semaphore, #tpu.memory_space<semaphore_mem>>)
        %dma_wait3A = arith.constant 0 : i32
        %dma_wait3A_23 = arith.constant 0 : i32
        %dma_wait3A_24 = tpu.memref_slice %arg5[%dma_wait3A, %dma_wait3A_23] : memref<1x128xi32, #tpu.memory_space<vmem>> -> memref<1x128xi32, #tpu.memory_space<vmem>>
        %dma_wait3A_25 = tpu.memref_squeeze %dma_wait3A_24 : memref<1x128xi32, #tpu.memory_space<vmem>> -> memref<128xi32, #tpu.memory_space<vmem>>
        %dma_wait3A_26 = arith.constant 0 : i32
        %dma_wait3A_27 = arith.constant 0 : i32
        %dma_wait3A_28 = tpu.memref_slice %arg2[%dma_wait3A_26, %dma_wait3A_27] : memref<10000x128xf32, #tpu.memory_space<hbm>> -> memref<10000x128xf32, #tpu.memory_space<hbm>>
        tpu.wait_indirect_dma semaphore(%arg8 : memref<!tpu.dma_semaphore, #tpu.memory_space<semaphore_mem>>) src(%dma_wait3A_28 : memref<10000x128xf32, #tpu.memory_space<hbm>>) dst(%arg6 : memref<128x128xf32, #tpu.memory_space<vmem>>)
        %scan3A_29 = arith.constant 0 : i32
        %scan3A_30 = arith.constant 0 : i32
        %scan3A_31 = arith.constant 16 : i32
        %scan3A_32 = arith.addi %scan3A_30, %scan3A_31 : i32
        %scan3A_33 = arith.constant 1 : i32
        %scan3A_34 = scf.for %scan3A_39 = %scan3A_30 to %scan3A_32 step %scan3A_33 iter_args(%scan3A_40 = %scan3A_29) -> (i32)  : i32 {
          %mul3A_41 = arith.constant 8 : i32
          %mul3A_42 = arith.muli %scan3A_39, %mul3A_41 : i32
          %get3A = arith.index_cast %mul3A_42 : i32 to index
          %get3A_43 = arith.constant 0 : index
          %get3A_44 = tpu.vector_load %arg6[%get3A, %get3A_43] {strides = array<i32>} : memref<128x128xf32, #tpu.memory_space<vmem>>, vector<1x16xf32>,
          %get3A_45 = vector.shape_cast %get3A_44 : vector<1x16xf32> to vector<16xf32>
          %add3A_46 = arith.constant 1 : i32
          %add3A_47 = arith.addi %mul3A_42, %add3A_46 : i32
          %get3A_48 = arith.index_cast %add3A_47 : i32 to index
          %get3A_49 = arith.constant 0 : index
          %get3A_50 = tpu.vector_load %arg6[%get3A_48, %get3A_49] {strides = array<i32>} : memref<128x128xf32, #tpu.memory_space<vmem>>, vector<1x16xf32>,
          %get3A_51 = vector.shape_cast %get3A_50 : vector<1x16xf32> to vector<16xf32>
          %add3A_52 = arith.addf %get3A_45, %get3A_51 : vector<16xf32>
          %add3A_53 = arith.constant 2 : i32
          %add3A_54 = arith.addi %mul3A_42, %add3A_53 : i32
          %get3A_55 = arith.index_cast %add3A_54 : i32 to index
          %get3A_56 = arith.constant 0 : index
          %get3A_57 = tpu.vector_load %arg6[%get3A_55, %get3A_56] {strides = array<i32>} : memref<128x128xf32, #tpu.memory_space<vmem>>, vector<1x16xf32>,
          %get3A_58 = vector.shape_cast %get3A_57 : vector<1x16xf32> to vector<16xf32>
          %add3A_59 = arith.addf %add3A_52, %get3A_58 : vector<16xf32>
          %add3A_60 = arith.constant 3 : i32
          %add3A_61 = arith.addi %mul3A_42, %add3A_60 : i32
          %get3A_62 = arith.index_cast %add3A_61 : i32 to index
          %get3A_63 = arith.constant 0 : index
          %get3A_64 = tpu.vector_load %arg6[%get3A_62, %get3A_63] {strides = array<i32>} : memref<128x128xf32, #tpu.memory_space<vmem>>, vector<1x16xf32>,
          %get3A_65 = vector.shape_cast %get3A_64 : vector<1x16xf32> to vector<16xf32>
          %add3A_66 = arith.addf %add3A_59, %get3A_65 : vector<16xf32>
          %add3A_67 = arith.constant 4 : i32
          %add3A_68 = arith.addi %mul3A_42, %add3A_67 : i32
          %get3A_69 = arith.index_cast %add3A_68 : i32 to index
          %get3A_70 = arith.constant 0 : index
          %get3A_71 = tpu.vector_load %arg6[%get3A_69, %get3A_70] {strides = array<i32>} : memref<128x128xf32, #tpu.memory_space<vmem>>, vector<1x16xf32>,
          %get3A_72 = vector.shape_cast %get3A_71 : vector<1x16xf32> to vector<16xf32>
          %add3A_73 = arith.addf %add3A_66, %get3A_72 : vector<16xf32>
          %add3A_74 = arith.constant 5 : i32
          %add3A_75 = arith.addi %mul3A_42, %add3A_74 : i32
          %get3A_76 = arith.index_cast %add3A_75 : i32 to index
          %get3A_77 = arith.constant 0 : index
          %get3A_78 = tpu.vector_load %arg6[%get3A_76, %get3A_77] {strides = array<i32>} : memref<128x128xf32, #tpu.memory_space<vmem>>, vector<1x16xf32>,
          %get3A_79 = vector.shape_cast %get3A_78 : vector<1x16xf32> to vector<16xf32>
          %add3A_80 = arith.addf %add3A_73, %get3A_79 : vector<16xf32>
          %add3A_81 = arith.constant 6 : i32
          %add3A_82 = arith.addi %mul3A_42, %add3A_81 : i32
          %get3A_83 = arith.index_cast %add3A_82 : i32 to index
          %get3A_84 = arith.constant 0 : index
          %get3A_85 = tpu.vector_load %arg6[%get3A_83, %get3A_84] {strides = array<i32>} : memref<128x128xf32, #tpu.memory_space<vmem>>, vector<1x16xf32>,
          %get3A_86 = vector.shape_cast %get3A_85 : vector<1x16xf32> to vector<16xf32>
          %add3A_87 = arith.addf %add3A_80, %get3A_86 : vector<16xf32>
          %add3A_88 = arith.constant 7 : i32
          %add3A_89 = arith.addi %mul3A_42, %add3A_88 : i32
          %get3A_90 = arith.index_cast %add3A_89 : i32 to index
          %get3A_91 = arith.constant 0 : index
          %get3A_92 = tpu.vector_load %arg6[%get3A_90, %get3A_91] {strides = array<i32>} : memref<128x128xf32, #tpu.memory_space<vmem>>, vector<1x16xf32>,
          %get3A_93 = vector.shape_cast %get3A_92 : vector<1x16xf32> to vector<16xf32>
          %add3A_94 = arith.addf %add3A_87, %get3A_93 : vector<16xf32>
          %swap3A = arith.index_cast %scan3A_39 : i32 to index
          %swap3A_95 = arith.constant 0 : index
          %swap3A_96 = tpu.vector_load %arg7[%swap3A, %swap3A_95] {strides = array<i32>} : memref<16x128xf32, #tpu.memory_space<vmem>>, vector<1x16xf32>,
          %swap3A_97 = vector.shape_cast %swap3A_96 : vector<1x16xf32> to vector<16xf32>
          %swap3A_98 = vector.shape_cast %add3A_94 : vector<16xf32> to vector<1x16xf32>
          tpu.vector_store %arg7[%swap3A, %swap3A_95], %swap3A_98 {strides = array<i32>} : memref<16x128xf32, #tpu.memory_space<vmem>>, vector<1x16xf32>,
          %get3A_99 = arith.index_cast %mul3A_42 : i32 to index
          %get3A_100 = arith.constant 16 : index
          %get3A_101 = tpu.vector_load %arg6[%get3A_99, %get3A_100] {strides = array<i32>} : memref<128x128xf32, #tpu.memory_space<vmem>>, vector<1x16xf32>,
          %get3A_102 = vector.shape_cast %get3A_101 : vector<1x16xf32> to vector<16xf32>
          %add3A_103 = arith.constant 1 : i32
          %add3A_104 = arith.addi %mul3A_42, %add3A_103 : i32
          %get3A_105 = arith.index_cast %add3A_104 : i32 to index
          %get3A_106 = arith.constant 16 : index
          %get3A_107 = tpu.vector_load %arg6[%get3A_105, %get3A_106] {strides = array<i32>} : memref<128x128xf32, #tpu.memory_space<vmem>>, vector<1x16xf32>,
          %get3A_108 = vector.shape_cast %get3A_107 : vector<1x16xf32> to vector<16xf32>
          %add3A_109 = arith.addf %get3A_102, %get3A_108 : vector<16xf32>
          %add3A_110 = arith.constant 2 : i32
          %add3A_111 = arith.addi %mul3A_42, %add3A_110 : i32
          %get3A_112 = arith.index_cast %add3A_111 : i32 to index
          %get3A_113 = arith.constant 16 : index
          %get3A_114 = tpu.vector_load %arg6[%get3A_112, %get3A_113] {strides = array<i32>} : memref<128x128xf32, #tpu.memory_space<vmem>>, vector<1x16xf32>,
          %get3A_115 = vector.shape_cast %get3A_114 : vector<1x16xf32> to vector<16xf32>
          %add3A_116 = arith.addf %add3A_109, %get3A_115 : vector<16xf32>
          %add3A_117 = arith.constant 3 : i32
          %add3A_118 = arith.addi %mul3A_42, %add3A_117 : i32
          %get3A_119 = arith.index_cast %add3A_118 : i32 to index
          %get3A_120 = arith.constant 16 : index
          %get3A_121 = tpu.vector_load %arg6[%get3A_119, %get3A_120] {strides = array<i32>} : memref<128x128xf32, #tpu.memory_space<vmem>>, vector<1x16xf32>,
          %get3A_122 = vector.shape_cast %get3A_121 : vector<1x16xf32> to vector<16xf32>
          %add3A_123 = arith.addf %add3A_116, %get3A_122 : vector<16xf32>
          %add3A_124 = arith.constant 4 : i32
          %add3A_125 = arith.addi %mul3A_42, %add3A_124 : i32
          %get3A_126 = arith.index_cast %add3A_125 : i32 to index
          %get3A_127 = arith.constant 16 : index
          %get3A_128 = tpu.vector_load %arg6[%get3A_126, %get3A_127] {strides = array<i32>} : memref<128x128xf32, #tpu.memory_space<vmem>>, vector<1x16xf32>,
          %get3A_129 = vector.shape_cast %get3A_128 : vector<1x16xf32> to vector<16xf32>
          %add3A_130 = arith.addf %add3A_123, %get3A_129 : vector<16xf32>
          %add3A_131 = arith.constant 5 : i32
          %add3A_132 = arith.addi %mul3A_42, %add3A_131 : i32
          %get3A_133 = arith.index_cast %add3A_132 : i32 to index
          %get3A_134 = arith.constant 16 : index
          %get3A_135 = tpu.vector_load %arg6[%get3A_133, %get3A_134] {strides = array<i32>} : memref<128x128xf32, #tpu.memory_space<vmem>>, vector<1x16xf32>,
          %get3A_136 = vector.shape_cast %get3A_135 : vector<1x16xf32> to vector<16xf32>
          %add3A_137 = arith.addf %add3A_130, %get3A_136 : vector<16xf32>
          %add3A_138 = arith.constant 6 : i32
          %add3A_139 = arith.addi %mul3A_42, %add3A_138 : i32
          %get3A_140 = arith.index_cast %add3A_139 : i32 to index
          %get3A_141 = arith.constant 16 : index
          %get3A_142 = tpu.vector_load %arg6[%get3A_140, %get3A_141] {strides = array<i32>} : memref<128x128xf32, #tpu.memory_space<vmem>>, vector<1x16xf32>,
          %get3A_143 = vector.shape_cast %get3A_142 : vector<1x16xf32> to vector<16xf32>
          %add3A_144 = arith.addf %add3A_137, %get3A_143 : vector<16xf32>
          %add3A_145 = arith.constant 7 : i32
          %add3A_146 = arith.addi %mul3A_42, %add3A_145 : i32
          %get3A_147 = arith.index_cast %add3A_146 : i32 to index
          %get3A_148 = arith.constant 16 : index
          %get3A_149 = tpu.vector_load %arg6[%get3A_147, %get3A_148] {strides = array<i32>} : memref<128x128xf32, #tpu.memory_space<vmem>>, vector<1x16xf32>,
          %get3A_150 = vector.shape_cast %get3A_149 : vector<1x16xf32> to vector<16xf32>
          %add3A_151 = arith.addf %add3A_144, %get3A_150 : vector<16xf32>
          %swap3A_152 = arith.index_cast %scan3A_39 : i32 to index
          %swap3A_153 = arith.constant 16 : index
          %swap3A_154 = tpu.vector_load %arg7[%swap3A_152, %swap3A_153] {strides = array<i32>} : memref<16x128xf32, #tpu.memory_space<vmem>>, vector<1x16xf32>,
          %swap3A_155 = vector.shape_cast %swap3A_154 : vector<1x16xf32> to vector<16xf32>
          %swap3A_156 = vector.shape_cast %add3A_151 : vector<16xf32> to vector<1x16xf32>
          tpu.vector_store %arg7[%swap3A_152, %swap3A_153], %swap3A_156 {strides = array<i32>} : memref<16x128xf32, #tpu.memory_space<vmem>>, vector<1x16xf32>,
          %get3A_157 = arith.index_cast %mul3A_42 : i32 to index
          %get3A_158 = arith.constant 32 : index
          %get3A_159 = tpu.vector_load %arg6[%get3A_157, %get3A_158] {strides = array<i32>} : memref<128x128xf32, #tpu.memory_space<vmem>>, vector<1x16xf32>,
          %get3A_160 = vector.shape_cast %get3A_159 : vector<1x16xf32> to vector<16xf32>
          %add3A_161 = arith.constant 1 : i32
          %add3A_162 = arith.addi %mul3A_42, %add3A_161 : i32
          %get3A_163 = arith.index_cast %add3A_162 : i32 to index
          %get3A_164 = arith.constant 32 : index
          %get3A_165 = tpu.vector_load %arg6[%get3A_163, %get3A_164] {strides = array<i32>} : memref<128x128xf32, #tpu.memory_space<vmem>>, vector<1x16xf32>,
          %get3A_166 = vector.shape_cast %get3A_165 : vector<1x16xf32> to vector<16xf32>
          %add3A_167 = arith.addf %get3A_160, %get3A_166 : vector<16xf32>
          %add3A_168 = arith.constant 2 : i32
          %add3A_169 = arith.addi %mul3A_42, %add3A_168 : i32
          %get3A_170 = arith.index_cast %add3A_169 : i32 to index
          %get3A_171 = arith.constant 32 : index
          %get3A_172 = tpu.vector_load %arg6[%get3A_170, %get3A_171] {strides = array<i32>} : memref<128x128xf32, #tpu.memory_space<vmem>>, vector<1x16xf32>,
          %get3A_173 = vector.shape_cast %get3A_172 : vector<1x16xf32> to vector<16xf32>
          %add3A_174 = arith.addf %add3A_167, %get3A_173 : vector<16xf32>
          %add3A_175 = arith.constant 3 : i32
          %add3A_176 = arith.addi %mul3A_42, %add3A_175 : i32
          %get3A_177 = arith.index_cast %add3A_176 : i32 to index
          %get3A_178 = arith.constant 32 : index
          %get3A_179 = tpu.vector_load %arg6[%get3A_177, %get3A_178] {strides = array<i32>} : memref<128x128xf32, #tpu.memory_space<vmem>>, vector<1x16xf32>,
          %get3A_180 = vector.shape_cast %get3A_179 : vector<1x16xf32> to vector<16xf32>
          %add3A_181 = arith.addf %add3A_174, %get3A_180 : vector<16xf32>
          %add3A_182 = arith.constant 4 : i32
          %add3A_183 = arith.addi %mul3A_42, %add3A_182 : i32
          %get3A_184 = arith.index_cast %add3A_183 : i32 to index
          %get3A_185 = arith.constant 32 : index
          %get3A_186 = tpu.vector_load %arg6[%get3A_184, %get3A_185] {strides = array<i32>} : memref<128x128xf32, #tpu.memory_space<vmem>>, vector<1x16xf32>,
          %get3A_187 = vector.shape_cast %get3A_186 : vector<1x16xf32> to vector<16xf32>
          %add3A_188 = arith.addf %add3A_181, %get3A_187 : vector<16xf32>
          %add3A_189 = arith.constant 5 : i32
          %add3A_190 = arith.addi %mul3A_42, %add3A_189 : i32
          %get3A_191 = arith.index_cast %add3A_190 : i32 to index
          %get3A_192 = arith.constant 32 : index
          %get3A_193 = tpu.vector_load %arg6[%get3A_191, %get3A_192] {strides = array<i32>} : memref<128x128xf32, #tpu.memory_space<vmem>>, vector<1x16xf32>,
          %get3A_194 = vector.shape_cast %get3A_193 : vector<1x16xf32> to vector<16xf32>
          %add3A_195 = arith.addf %add3A_188, %get3A_194 : vector<16xf32>
          %add3A_196 = arith.constant 6 : i32
          %add3A_197 = arith.addi %mul3A_42, %add3A_196 : i32
          %get3A_198 = arith.index_cast %add3A_197 : i32 to index
          %get3A_199 = arith.constant 32 : index
          %get3A_200 = tpu.vector_load %arg6[%get3A_198, %get3A_199] {strides = array<i32>} : memref<128x128xf32, #tpu.memory_space<vmem>>, vector<1x16xf32>,
          %get3A_201 = vector.shape_cast %get3A_200 : vector<1x16xf32> to vector<16xf32>
          %add3A_202 = arith.addf %add3A_195, %get3A_201 : vector<16xf32>
          %add3A_203 = arith.constant 7 : i32
          %add3A_204 = arith.addi %mul3A_42, %add3A_203 : i32
          %get3A_205 = arith.index_cast %add3A_204 : i32 to index
          %get3A_206 = arith.constant 32 : index
          %get3A_207 = tpu.vector_load %arg6[%get3A_205, %get3A_206] {strides = array<i32>} : memref<128x128xf32, #tpu.memory_space<vmem>>, vector<1x16xf32>,
          %get3A_208 = vector.shape_cast %get3A_207 : vector<1x16xf32> to vector<16xf32>
          %add3A_209 = arith.addf %add3A_202, %get3A_208 : vector<16xf32>
          %swap3A_210 = arith.index_cast %scan3A_39 : i32 to index
          %swap3A_211 = arith.constant 32 : index
          %swap3A_212 = tpu.vector_load %arg7[%swap3A_210, %swap3A_211] {strides = array<i32>} : memref<16x128xf32, #tpu.memory_space<vmem>>, vector<1x16xf32>,
          %swap3A_213 = vector.shape_cast %swap3A_212 : vector<1x16xf32> to vector<16xf32>
          %swap3A_214 = vector.shape_cast %add3A_209 : vector<16xf32> to vector<1x16xf32>
          tpu.vector_store %arg7[%swap3A_210, %swap3A_211], %swap3A_214 {strides = array<i32>} : memref<16x128xf32, #tpu.memory_space<vmem>>, vector<1x16xf32>,
          %get3A_215 = arith.index_cast %mul3A_42 : i32 to index
          %get3A_216 = arith.constant 48 : index
          %get3A_217 = tpu.vector_load %arg6[%get3A_215, %get3A_216] {strides = array<i32>} : memref<128x128xf32, #tpu.memory_space<vmem>>, vector<1x16xf32>,
          %get3A_218 = vector.shape_cast %get3A_217 : vector<1x16xf32> to vector<16xf32>
          %add3A_219 = arith.constant 1 : i32
          %add3A_220 = arith.addi %mul3A_42, %add3A_219 : i32
          %get3A_221 = arith.index_cast %add3A_220 : i32 to index
          %get3A_222 = arith.constant 48 : index
          %get3A_223 = tpu.vector_load %arg6[%get3A_221, %get3A_222] {strides = array<i32>} : memref<128x128xf32, #tpu.memory_space<vmem>>, vector<1x16xf32>,
          %get3A_224 = vector.shape_cast %get3A_223 : vector<1x16xf32> to vector<16xf32>
          %add3A_225 = arith.addf %get3A_218, %get3A_224 : vector<16xf32>
          %add3A_226 = arith.constant 2 : i32
          %add3A_227 = arith.addi %mul3A_42, %add3A_226 : i32
          %get3A_228 = arith.index_cast %add3A_227 : i32 to index
          %get3A_229 = arith.constant 48 : index
          %get3A_230 = tpu.vector_load %arg6[%get3A_228, %get3A_229] {strides = array<i32>} : memref<128x128xf32, #tpu.memory_space<vmem>>, vector<1x16xf32>,
          %get3A_231 = vector.shape_cast %get3A_230 : vector<1x16xf32> to vector<16xf32>
          %add3A_232 = arith.addf %add3A_225, %get3A_231 : vector<16xf32>
          %add3A_233 = arith.constant 3 : i32
          %add3A_234 = arith.addi %mul3A_42, %add3A_233 : i32
          %get3A_235 = arith.index_cast %add3A_234 : i32 to index
          %get3A_236 = arith.constant 48 : index
          %get3A_237 = tpu.vector_load %arg6[%get3A_235, %get3A_236] {strides = array<i32>} : memref<128x128xf32, #tpu.memory_space<vmem>>, vector<1x16xf32>,
          %get3A_238 = vector.shape_cast %get3A_237 : vector<1x16xf32> to vector<16xf32>
          %add3A_239 = arith.addf %add3A_232, %get3A_238 : vector<16xf32>
          %add3A_240 = arith.constant 4 : i32
          %add3A_241 = arith.addi %mul3A_42, %add3A_240 : i32
          %get3A_242 = arith.index_cast %add3A_241 : i32 to index
          %get3A_243 = arith.constant 48 : index
          %get3A_244 = tpu.vector_load %arg6[%get3A_242, %get3A_243] {strides = array<i32>} : memref<128x128xf32, #tpu.memory_space<vmem>>, vector<1x16xf32>,
          %get3A_245 = vector.shape_cast %get3A_244 : vector<1x16xf32> to vector<16xf32>
          %add3A_246 = arith.addf %add3A_239, %get3A_245 : vector<16xf32>
          %add3A_247 = arith.constant 5 : i32
          %add3A_248 = arith.addi %mul3A_42, %add3A_247 : i32
          %get3A_249 = arith.index_cast %add3A_248 : i32 to index
          %get3A_250 = arith.constant 48 : index
          %get3A_251 = tpu.vector_load %arg6[%get3A_249, %get3A_250] {strides = array<i32>} : memref<128x128xf32, #tpu.memory_space<vmem>>, vector<1x16xf32>,
          %get3A_252 = vector.shape_cast %get3A_251 : vector<1x16xf32> to vector<16xf32>
          %add3A_253 = arith.addf %add3A_246, %get3A_252 : vector<16xf32>
          %add3A_254 = arith.constant 6 : i32
          %add3A_255 = arith.addi %mul3A_42, %add3A_254 : i32
          %get3A_256 = arith.index_cast %add3A_255 : i32 to index
          %get3A_257 = arith.constant 48 : index
          %get3A_258 = tpu.vector_load %arg6[%get3A_256, %get3A_257] {strides = array<i32>} : memref<128x128xf32, #tpu.memory_space<vmem>>, vector<1x16xf32>,
          %get3A_259 = vector.shape_cast %get3A_258 : vector<1x16xf32> to vector<16xf32>
          %add3A_260 = arith.addf %add3A_253, %get3A_259 : vector<16xf32>
          %add3A_261 = arith.constant 7 : i32
          %add3A_262 = arith.addi %mul3A_42, %add3A_261 : i32
          %get3A_263 = arith.index_cast %add3A_262 : i32 to index
          %get3A_264 = arith.constant 48 : index
          %get3A_265 = tpu.vector_load %arg6[%get3A_263, %get3A_264] {strides = array<i32>} : memref<128x128xf32, #tpu.memory_space<vmem>>, vector<1x16xf32>,
          %get3A_266 = vector.shape_cast %get3A_265 : vector<1x16xf32> to vector<16xf32>
          %add3A_267 = arith.addf %add3A_260, %get3A_266 : vector<16xf32>
          %swap3A_268 = arith.index_cast %scan3A_39 : i32 to index
          %swap3A_269 = arith.constant 48 : index
          %swap3A_270 = tpu.vector_load %arg7[%swap3A_268, %swap3A_269] {strides = array<i32>} : memref<16x128xf32, #tpu.memory_space<vmem>>, vector<1x16xf32>,
          %swap3A_271 = vector.shape_cast %swap3A_270 : vector<1x16xf32> to vector<16xf32>
          %swap3A_272 = vector.shape_cast %add3A_267 : vector<16xf32> to vector<1x16xf32>
          tpu.vector_store %arg7[%swap3A_268, %swap3A_269], %swap3A_272 {strides = array<i32>} : memref<16x128xf32, #tpu.memory_space<vmem>>, vector<1x16xf32>,
          %get3A_273 = arith.index_cast %mul3A_42 : i32 to index
          %get3A_274 = arith.constant 64 : index
          %get3A_275 = tpu.vector_load %arg6[%get3A_273, %get3A_274] {strides = array<i32>} : memref<128x128xf32, #tpu.memory_space<vmem>>, vector<1x16xf32>,
          %get3A_276 = vector.shape_cast %get3A_275 : vector<1x16xf32> to vector<16xf32>
          %add3A_277 = arith.constant 1 : i32
          %add3A_278 = arith.addi %mul3A_42, %add3A_277 : i32
          %get3A_279 = arith.index_cast %add3A_278 : i32 to index
          %get3A_280 = arith.constant 64 : index
          %get3A_281 = tpu.vector_load %arg6[%get3A_279, %get3A_280] {strides = array<i32>} : memref<128x128xf32, #tpu.memory_space<vmem>>, vector<1x16xf32>,
          %get3A_282 = vector.shape_cast %get3A_281 : vector<1x16xf32> to vector<16xf32>
          %add3A_283 = arith.addf %get3A_276, %get3A_282 : vector<16xf32>
          %add3A_284 = arith.constant 2 : i32
          %add3A_285 = arith.addi %mul3A_42, %add3A_284 : i32
          %get3A_286 = arith.index_cast %add3A_285 : i32 to index
          %get3A_287 = arith.constant 64 : index
          %get3A_288 = tpu.vector_load %arg6[%get3A_286, %get3A_287] {strides = array<i32>} : memref<128x128xf32, #tpu.memory_space<vmem>>, vector<1x16xf32>,
          %get3A_289 = vector.shape_cast %get3A_288 : vector<1x16xf32> to vector<16xf32>
          %add3A_290 = arith.addf %add3A_283, %get3A_289 : vector<16xf32>
          %add3A_291 = arith.constant 3 : i32
          %add3A_292 = arith.addi %mul3A_42, %add3A_291 : i32
          %get3A_293 = arith.index_cast %add3A_292 : i32 to index
          %get3A_294 = arith.constant 64 : index
          %get3A_295 = tpu.vector_load %arg6[%get3A_293, %get3A_294] {strides = array<i32>} : memref<128x128xf32, #tpu.memory_space<vmem>>, vector<1x16xf32>,
          %get3A_296 = vector.shape_cast %get3A_295 : vector<1x16xf32> to vector<16xf32>
          %add3A_297 = arith.addf %add3A_290, %get3A_296 : vector<16xf32>
          %add3A_298 = arith.constant 4 : i32
          %add3A_299 = arith.addi %mul3A_42, %add3A_298 : i32
          %get3A_300 = arith.index_cast %add3A_299 : i32 to index
          %get3A_301 = arith.constant 64 : index
          %get3A_302 = tpu.vector_load %arg6[%get3A_300, %get3A_301] {strides = array<i32>} : memref<128x128xf32, #tpu.memory_space<vmem>>, vector<1x16xf32>,
          %get3A_303 = vector.shape_cast %get3A_302 : vector<1x16xf32> to vector<16xf32>
          %add3A_304 = arith.addf %add3A_297, %get3A_303 : vector<16xf32>
          %add3A_305 = arith.constant 5 : i32
          %add3A_306 = arith.addi %mul3A_42, %add3A_305 : i32
          %get3A_307 = arith.index_cast %add3A_306 : i32 to index
          %get3A_308 = arith.constant 64 : index
          %get3A_309 = tpu.vector_load %arg6[%get3A_307, %get3A_308] {strides = array<i32>} : memref<128x128xf32, #tpu.memory_space<vmem>>, vector<1x16xf32>,
          %get3A_310 = vector.shape_cast %get3A_309 : vector<1x16xf32> to vector<16xf32>
          %add3A_311 = arith.addf %add3A_304, %get3A_310 : vector<16xf32>
          %add3A_312 = arith.constant 6 : i32
          %add3A_313 = arith.addi %mul3A_42, %add3A_312 : i32
          %get3A_314 = arith.index_cast %add3A_313 : i32 to index
          %get3A_315 = arith.constant 64 : index
          %get3A_316 = tpu.vector_load %arg6[%get3A_314, %get3A_315] {strides = array<i32>} : memref<128x128xf32, #tpu.memory_space<vmem>>, vector<1x16xf32>,
          %get3A_317 = vector.shape_cast %get3A_316 : vector<1x16xf32> to vector<16xf32>
          %add3A_318 = arith.addf %add3A_311, %get3A_317 : vector<16xf32>
          %add3A_319 = arith.constant 7 : i32
          %add3A_320 = arith.addi %mul3A_42, %add3A_319 : i32
          %get3A_321 = arith.index_cast %add3A_320 : i32 to index
          %get3A_322 = arith.constant 64 : index
          %get3A_323 = tpu.vector_load %arg6[%get3A_321, %get3A_322] {strides = array<i32>} : memref<128x128xf32, #tpu.memory_space<vmem>>, vector<1x16xf32>,
          %get3A_324 = vector.shape_cast %get3A_323 : vector<1x16xf32> to vector<16xf32>
          %add3A_325 = arith.addf %add3A_318, %get3A_324 : vector<16xf32>
          %swap3A_326 = arith.index_cast %scan3A_39 : i32 to index
          %swap3A_327 = arith.constant 64 : index
          %swap3A_328 = tpu.vector_load %arg7[%swap3A_326, %swap3A_327] {strides = array<i32>} : memref<16x128xf32, #tpu.memory_space<vmem>>, vector<1x16xf32>,
          %swap3A_329 = vector.shape_cast %swap3A_328 : vector<1x16xf32> to vector<16xf32>
          %swap3A_330 = vector.shape_cast %add3A_325 : vector<16xf32> to vector<1x16xf32>
          tpu.vector_store %arg7[%swap3A_326, %swap3A_327], %swap3A_330 {strides = array<i32>} : memref<16x128xf32, #tpu.memory_space<vmem>>, vector<1x16xf32>,
          %get3A_331 = arith.index_cast %mul3A_42 : i32 to index
          %get3A_332 = arith.constant 80 : index
          %get3A_333 = tpu.vector_load %arg6[%get3A_331, %get3A_332] {strides = array<i32>} : memref<128x128xf32, #tpu.memory_space<vmem>>, vector<1x16xf32>,
          %get3A_334 = vector.shape_cast %get3A_333 : vector<1x16xf32> to vector<16xf32>
          %add3A_335 = arith.constant 1 : i32
          %add3A_336 = arith.addi %mul3A_42, %add3A_335 : i32
          %get3A_337 = arith.index_cast %add3A_336 : i32 to index
          %get3A_338 = arith.constant 80 : index
          %get3A_339 = tpu.vector_load %arg6[%get3A_337, %get3A_338] {strides = array<i32>} : memref<128x128xf32, #tpu.memory_space<vmem>>, vector<1x16xf32>,
          %get3A_340 = vector.shape_cast %get3A_339 : vector<1x16xf32> to vector<16xf32>
          %add3A_341 = arith.addf %get3A_334, %get3A_340 : vector<16xf32>
          %add3A_342 = arith.constant 2 : i32
          %add3A_343 = arith.addi %mul3A_42, %add3A_342 : i32
          %get3A_344 = arith.index_cast %add3A_343 : i32 to index
          %get3A_345 = arith.constant 80 : index
          %get3A_346 = tpu.vector_load %arg6[%get3A_344, %get3A_345] {strides = array<i32>} : memref<128x128xf32, #tpu.memory_space<vmem>>, vector<1x16xf32>,
          %get3A_347 = vector.shape_cast %get3A_346 : vector<1x16xf32> to vector<16xf32>
          %add3A_348 = arith.addf %add3A_341, %get3A_347 : vector<16xf32>
          %add3A_349 = arith.constant 3 : i32
          %add3A_350 = arith.addi %mul3A_42, %add3A_349 : i32
          %get3A_351 = arith.index_cast %add3A_350 : i32 to index
          %get3A_352 = arith.constant 80 : index
          %get3A_353 = tpu.vector_load %arg6[%get3A_351, %get3A_352] {strides = array<i32>} : memref<128x128xf32, #tpu.memory_space<vmem>>, vector<1x16xf32>,
          %get3A_354 = vector.shape_cast %get3A_353 : vector<1x16xf32> to vector<16xf32>
          %add3A_355 = arith.addf %add3A_348, %get3A_354 : vector<16xf32>
          %add3A_356 = arith.constant 4 : i32
          %add3A_357 = arith.addi %mul3A_42, %add3A_356 : i32
          %get3A_358 = arith.index_cast %add3A_357 : i32 to index
          %get3A_359 = arith.constant 80 : index
          %get3A_360 = tpu.vector_load %arg6[%get3A_358, %get3A_359] {strides = array<i32>} : memref<128x128xf32, #tpu.memory_space<vmem>>, vector<1x16xf32>,
          %get3A_361 = vector.shape_cast %get3A_360 : vector<1x16xf32> to vector<16xf32>
          %add3A_362 = arith.addf %add3A_355, %get3A_361 : vector<16xf32>
          %add3A_363 = arith.constant 5 : i32
          %add3A_364 = arith.addi %mul3A_42, %add3A_363 : i32
          %get3A_365 = arith.index_cast %add3A_364 : i32 to index
          %get3A_366 = arith.constant 80 : index
          %get3A_367 = tpu.vector_load %arg6[%get3A_365, %get3A_366] {strides = array<i32>} : memref<128x128xf32, #tpu.memory_space<vmem>>, vector<1x16xf32>,
          %get3A_368 = vector.shape_cast %get3A_367 : vector<1x16xf32> to vector<16xf32>
          %add3A_369 = arith.addf %add3A_362, %get3A_368 : vector<16xf32>
          %add3A_370 = arith.constant 6 : i32
          %add3A_371 = arith.addi %mul3A_42, %add3A_370 : i32
          %get3A_372 = arith.index_cast %add3A_371 : i32 to index
          %get3A_373 = arith.constant 80 : index
          %get3A_374 = tpu.vector_load %arg6[%get3A_372, %get3A_373] {strides = array<i32>} : memref<128x128xf32, #tpu.memory_space<vmem>>, vector<1x16xf32>,
          %get3A_375 = vector.shape_cast %get3A_374 : vector<1x16xf32> to vector<16xf32>
          %add3A_376 = arith.addf %add3A_369, %get3A_375 : vector<16xf32>
          %add3A_377 = arith.constant 7 : i32
          %add3A_378 = arith.addi %mul3A_42, %add3A_377 : i32
          %get3A_379 = arith.index_cast %add3A_378 : i32 to index
          %get3A_380 = arith.constant 80 : index
          %get3A_381 = tpu.vector_load %arg6[%get3A_379, %get3A_380] {strides = array<i32>} : memref<128x128xf32, #tpu.memory_space<vmem>>, vector<1x16xf32>,
          %get3A_382 = vector.shape_cast %get3A_381 : vector<1x16xf32> to vector<16xf32>
          %add3A_383 = arith.addf %add3A_376, %get3A_382 : vector<16xf32>
          %swap3A_384 = arith.index_cast %scan3A_39 : i32 to index
          %swap3A_385 = arith.constant 80 : index
          %swap3A_386 = tpu.vector_load %arg7[%swap3A_384, %swap3A_385] {strides = array<i32>} : memref<16x128xf32, #tpu.memory_space<vmem>>, vector<1x16xf32>,
          %swap3A_387 = vector.shape_cast %swap3A_386 : vector<1x16xf32> to vector<16xf32>
          %swap3A_388 = vector.shape_cast %add3A_383 : vector<16xf32> to vector<1x16xf32>
          tpu.vector_store %arg7[%swap3A_384, %swap3A_385], %swap3A_388 {strides = array<i32>} : memref<16x128xf32, #tpu.memory_space<vmem>>, vector<1x16xf32>,
          %get3A_389 = arith.index_cast %mul3A_42 : i32 to index
          %get3A_390 = arith.constant 96 : index
          %get3A_391 = tpu.vector_load %arg6[%get3A_389, %get3A_390] {strides = array<i32>} : memref<128x128xf32, #tpu.memory_space<vmem>>, vector<1x16xf32>,
          %get3A_392 = vector.shape_cast %get3A_391 : vector<1x16xf32> to vector<16xf32>
          %add3A_393 = arith.constant 1 : i32
          %add3A_394 = arith.addi %mul3A_42, %add3A_393 : i32
          %get3A_395 = arith.index_cast %add3A_394 : i32 to index
          %get3A_396 = arith.constant 96 : index
          %get3A_397 = tpu.vector_load %arg6[%get3A_395, %get3A_396] {strides = array<i32>} : memref<128x128xf32, #tpu.memory_space<vmem>>, vector<1x16xf32>,
          %get3A_398 = vector.shape_cast %get3A_397 : vector<1x16xf32> to vector<16xf32>
          %add3A_399 = arith.addf %get3A_392, %get3A_398 : vector<16xf32>
          %add3A_400 = arith.constant 2 : i32
          %add3A_401 = arith.addi %mul3A_42, %add3A_400 : i32
          %get3A_402 = arith.index_cast %add3A_401 : i32 to index
          %get3A_403 = arith.constant 96 : index
          %get3A_404 = tpu.vector_load %arg6[%get3A_402, %get3A_403] {strides = array<i32>} : memref<128x128xf32, #tpu.memory_space<vmem>>, vector<1x16xf32>,
          %get3A_405 = vector.shape_cast %get3A_404 : vector<1x16xf32> to vector<16xf32>
          %add3A_406 = arith.addf %add3A_399, %get3A_405 : vector<16xf32>
          %add3A_407 = arith.constant 3 : i32
          %add3A_408 = arith.addi %mul3A_42, %add3A_407 : i32
          %get3A_409 = arith.index_cast %add3A_408 : i32 to index
          %get3A_410 = arith.constant 96 : index
          %get3A_411 = tpu.vector_load %arg6[%get3A_409, %get3A_410] {strides = array<i32>} : memref<128x128xf32, #tpu.memory_space<vmem>>, vector<1x16xf32>,
          %get3A_412 = vector.shape_cast %get3A_411 : vector<1x16xf32> to vector<16xf32>
          %add3A_413 = arith.addf %add3A_406, %get3A_412 : vector<16xf32>
          %add3A_414 = arith.constant 4 : i32
          %add3A_415 = arith.addi %mul3A_42, %add3A_414 : i32
          %get3A_416 = arith.index_cast %add3A_415 : i32 to index
          %get3A_417 = arith.constant 96 : index
          %get3A_418 = tpu.vector_load %arg6[%get3A_416, %get3A_417] {strides = array<i32>} : memref<128x128xf32, #tpu.memory_space<vmem>>, vector<1x16xf32>,
          %get3A_419 = vector.shape_cast %get3A_418 : vector<1x16xf32> to vector<16xf32>
          %add3A_420 = arith.addf %add3A_413, %get3A_419 : vector<16xf32>
          %add3A_421 = arith.constant 5 : i32
          %add3A_422 = arith.addi %mul3A_42, %add3A_421 : i32
          %get3A_423 = arith.index_cast %add3A_422 : i32 to index
          %get3A_424 = arith.constant 96 : index
          %get3A_425 = tpu.vector_load %arg6[%get3A_423, %get3A_424] {strides = array<i32>} : memref<128x128xf32, #tpu.memory_space<vmem>>, vector<1x16xf32>,
          %get3A_426 = vector.shape_cast %get3A_425 : vector<1x16xf32> to vector<16xf32>
          %add3A_427 = arith.addf %add3A_420, %get3A_426 : vector<16xf32>
          %add3A_428 = arith.constant 6 : i32
          %add3A_429 = arith.addi %mul3A_42, %add3A_428 : i32
          %get3A_430 = arith.index_cast %add3A_429 : i32 to index
          %get3A_431 = arith.constant 96 : index
          %get3A_432 = tpu.vector_load %arg6[%get3A_430, %get3A_431] {strides = array<i32>} : memref<128x128xf32, #tpu.memory_space<vmem>>, vector<1x16xf32>,
          %get3A_433 = vector.shape_cast %get3A_432 : vector<1x16xf32> to vector<16xf32>
          %add3A_434 = arith.addf %add3A_427, %get3A_433 : vector<16xf32>
          %add3A_435 = arith.constant 7 : i32
          %add3A_436 = arith.addi %mul3A_42, %add3A_435 : i32
          %get3A_437 = arith.index_cast %add3A_436 : i32 to index
          %get3A_438 = arith.constant 96 : index
          %get3A_439 = tpu.vector_load %arg6[%get3A_437, %get3A_438] {strides = array<i32>} : memref<128x128xf32, #tpu.memory_space<vmem>>, vector<1x16xf32>,
          %get3A_440 = vector.shape_cast %get3A_439 : vector<1x16xf32> to vector<16xf32>
          %add3A_441 = arith.addf %add3A_434, %get3A_440 : vector<16xf32>
          %swap3A_442 = arith.index_cast %scan3A_39 : i32 to index
          %swap3A_443 = arith.constant 96 : index
          %swap3A_444 = tpu.vector_load %arg7[%swap3A_442, %swap3A_443] {strides = array<i32>} : memref<16x128xf32, #tpu.memory_space<vmem>>, vector<1x16xf32>,
          %swap3A_445 = vector.shape_cast %swap3A_444 : vector<1x16xf32> to vector<16xf32>
          %swap3A_446 = vector.shape_cast %add3A_441 : vector<16xf32> to vector<1x16xf32>
          tpu.vector_store %arg7[%swap3A_442, %swap3A_443], %swap3A_446 {strides = array<i32>} : memref<16x128xf32, #tpu.memory_space<vmem>>, vector<1x16xf32>,
          %get3A_447 = arith.index_cast %mul3A_42 : i32 to index
          %get3A_448 = arith.constant 112 : index
          %get3A_449 = tpu.vector_load %arg6[%get3A_447, %get3A_448] {strides = array<i32>} : memref<128x128xf32, #tpu.memory_space<vmem>>, vector<1x16xf32>,
          %get3A_450 = vector.shape_cast %get3A_449 : vector<1x16xf32> to vector<16xf32>
          %add3A_451 = arith.constant 1 : i32
          %add3A_452 = arith.addi %mul3A_42, %add3A_451 : i32
          %get3A_453 = arith.index_cast %add3A_452 : i32 to index
          %get3A_454 = arith.constant 112 : index
          %get3A_455 = tpu.vector_load %arg6[%get3A_453, %get3A_454] {strides = array<i32>} : memref<128x128xf32, #tpu.memory_space<vmem>>, vector<1x16xf32>,
          %get3A_456 = vector.shape_cast %get3A_455 : vector<1x16xf32> to vector<16xf32>
          %add3A_457 = arith.addf %get3A_450, %get3A_456 : vector<16xf32>
          %add3A_458 = arith.constant 2 : i32
          %add3A_459 = arith.addi %mul3A_42, %add3A_458 : i32
          %get3A_460 = arith.index_cast %add3A_459 : i32 to index
          %get3A_461 = arith.constant 112 : index
          %get3A_462 = tpu.vector_load %arg6[%get3A_460, %get3A_461] {strides = array<i32>} : memref<128x128xf32, #tpu.memory_space<vmem>>, vector<1x16xf32>,
          %get3A_463 = vector.shape_cast %get3A_462 : vector<1x16xf32> to vector<16xf32>
          %add3A_464 = arith.addf %add3A_457, %get3A_463 : vector<16xf32>
          %add3A_465 = arith.constant 3 : i32
          %add3A_466 = arith.addi %mul3A_42, %add3A_465 : i32
          %get3A_467 = arith.index_cast %add3A_466 : i32 to index
          %get3A_468 = arith.constant 112 : index
          %get3A_469 = tpu.vector_load %arg6[%get3A_467, %get3A_468] {strides = array<i32>} : memref<128x128xf32, #tpu.memory_space<vmem>>, vector<1x16xf32>,
          %get3A_470 = vector.shape_cast %get3A_469 : vector<1x16xf32> to vector<16xf32>
          %add3A_471 = arith.addf %add3A_464, %get3A_470 : vector<16xf32>
          %add3A_472 = arith.constant 4 : i32
          %add3A_473 = arith.addi %mul3A_42, %add3A_472 : i32
          %get3A_474 = arith.index_cast %add3A_473 : i32 to index
          %get3A_475 = arith.constant 112 : index
          %get3A_476 = tpu.vector_load %arg6[%get3A_474, %get3A_475] {strides = array<i32>} : memref<128x128xf32, #tpu.memory_space<vmem>>, vector<1x16xf32>,
          %get3A_477 = vector.shape_cast %get3A_476 : vector<1x16xf32> to vector<16xf32>
          %add3A_478 = arith.addf %add3A_471, %get3A_477 : vector<16xf32>
          %add3A_479 = arith.constant 5 : i32
          %add3A_480 = arith.addi %mul3A_42, %add3A_479 : i32
          %get3A_481 = arith.index_cast %add3A_480 : i32 to index
          %get3A_482 = arith.constant 112 : index
          %get3A_483 = tpu.vector_load %arg6[%get3A_481, %get3A_482] {strides = array<i32>} : memref<128x128xf32, #tpu.memory_space<vmem>>, vector<1x16xf32>,
          %get3A_484 = vector.shape_cast %get3A_483 : vector<1x16xf32> to vector<16xf32>
          %add3A_485 = arith.addf %add3A_478, %get3A_484 : vector<16xf32>
          %add3A_486 = arith.constant 6 : i32
          %add3A_487 = arith.addi %mul3A_42, %add3A_486 : i32
          %get3A_488 = arith.index_cast %add3A_487 : i32 to index
          %get3A_489 = arith.constant 112 : index
          %get3A_490 = tpu.vector_load %arg6[%get3A_488, %get3A_489] {strides = array<i32>} : memref<128x128xf32, #tpu.memory_space<vmem>>, vector<1x16xf32>,
          %get3A_491 = vector.shape_cast %get3A_490 : vector<1x16xf32> to vector<16xf32>
          %add3A_492 = arith.addf %add3A_485, %get3A_491 : vector<16xf32>
          %add3A_493 = arith.constant 7 : i32
          %add3A_494 = arith.addi %mul3A_42, %add3A_493 : i32
          %get3A_495 = arith.index_cast %add3A_494 : i32 to index
          %get3A_496 = arith.constant 112 : index
          %get3A_497 = tpu.vector_load %arg6[%get3A_495, %get3A_496] {strides = array<i32>} : memref<128x128xf32, #tpu.memory_space<vmem>>, vector<1x16xf32>,
          %get3A_498 = vector.shape_cast %get3A_497 : vector<1x16xf32> to vector<16xf32>
          %add3A_499 = arith.addf %add3A_492, %get3A_498 : vector<16xf32>
          %swap3A_500 = arith.index_cast %scan3A_39 : i32 to index
          %swap3A_501 = arith.constant 112 : index
          %swap3A_502 = tpu.vector_load %arg7[%swap3A_500, %swap3A_501] {strides = array<i32>} : memref<16x128xf32, #tpu.memory_space<vmem>>, vector<1x16xf32>,
          %swap3A_503 = vector.shape_cast %swap3A_502 : vector<1x16xf32> to vector<16xf32>
          %swap3A_504 = vector.shape_cast %add3A_499 : vector<16xf32> to vector<1x16xf32>
          tpu.vector_store %arg7[%swap3A_500, %swap3A_501], %swap3A_504 {strides = array<i32>} : memref<16x128xf32, #tpu.memory_space<vmem>>, vector<1x16xf32>,
          %scan3A_505 = arith.constant 0 : i32
          scf.yield %scan3A_505 : i32
        }
        %scan3A_35 = arith.constant 16 : i32
        %mul3A_36 = arith.constant 16 : i32
        %mul3A_37 = arith.muli %add3A_11, %mul3A_36 : i32
        %multiple_of3A_38 = tpu.assume_multiple %mul3A_37, 16 : i32
        "tpu.region"() ({
          %run_scoped3A_39 = tpu.sem_alloc : memref<!tpu.dma_semaphore, #tpu.memory_space<semaphore_mem>>
          %dma_start3A_40 = arith.constant 0 : i32
          %dma_start3A_41 = tpu.memref_slice %arg4[%multiple_of3A_38, %dma_start3A_40] : memref<10000x128xf32, #tpu.memory_space<hbm>> -> memref<16x128xf32, #tpu.memory_space<hbm>>
          %dma_start3A_42 = arith.constant 0 : i32
          %dma_start3A_43 = tpu.memref_slice %arg4[%multiple_of3A_38, %dma_start3A_42] : memref<10000x128xf32, #tpu.memory_space<hbm>> -> memref<16x128xf32, #tpu.memory_space<hbm>>
          tpu.enqueue_dma source(%arg7 : memref<16x128xf32, #tpu.memory_space<vmem>>) target(%dma_start3A_43 : memref<16x128xf32, #tpu.memory_space<hbm>>) target_semaphore(%run_scoped3A_39 : memref<!tpu.dma_semaphore, #tpu.memory_space<semaphore_mem>>)
          %dma_wait3A_44 = arith.constant 0 : i32
          %dma_wait3A_45 = tpu.memref_slice %arg4[%multiple_of3A_38, %dma_wait3A_44] : memref<10000x128xf32, #tpu.memory_space<hbm>> -> memref<16x128xf32, #tpu.memory_space<hbm>>
          %dma_wait3A_46 = arith.constant 0 : i32
          %dma_wait3A_47 = tpu.memref_slice %arg4[%multiple_of3A_38, %dma_wait3A_46] : memref<10000x128xf32, #tpu.memory_space<hbm>> -> memref<16x128xf32, #tpu.memory_space<hbm>>
          tpu.wait_dma2 semaphore(%run_scoped3A_39 : memref<!tpu.dma_semaphore, #tpu.memory_space<semaphore_mem>>) src(%arg7 : memref<16x128xf32, #tpu.memory_space<vmem>>) dst(%dma_wait3A_47 : memref<16x128xf32, #tpu.memory_space<hbm>>)
          tpu.yield
        }) : () -> ()
      } else {
      }
      %scan3A_14 = arith.constant 0 : i32
      scf.yield %scan3A_14 : i32
    }
    %scan3A_6 = arith.constant 20 : i32
    return
  }
}

#map = affine_map<(d0, d1) -> (0, 0)>
#map1 = affine_map<(d0, d1) -> (0)>
module attributes {stable_mosaic.version = 14 : i64} {
  func.func @_edge_body(%arg0: i32, %arg1: i32, %arg2: memref<10000x128xf32, #tpu.memory_space<hbm>>, %arg3: memref<320000xi32, #tpu.memory_space<hbm>>, %arg4: memref<320000xi32, #tpu.memory_space<hbm>>, %arg5: memref<10000x128xf32, #tpu.memory_space<hbm>>, %arg6: memref<2x80xi32, #tpu.memory_space<vmem>>, %arg7: memref<2x80xi32, #tpu.memory_space<vmem>>, %arg8: memref<80x128xf32, #tpu.memory_space<vmem>>, %arg9: memref<80x128xf32, #tpu.memory_space<vmem>>, %arg10: memref<10000x128xf32, #tpu.memory_space<vmem_shared>>, %arg11: memref<!tpu.dma_semaphore, #tpu.memory_space<semaphore_mem>>, %arg12: memref<!tpu.dma_semaphore, #tpu.memory_space<semaphore_mem>>, %arg13: memref<!tpu.dma_semaphore, #tpu.memory_space<semaphore_mem>>) attributes {dimension_semantics = [#tpu.dimension_semantics<core_parallel>, #tpu.dimension_semantics<subcore_parallel>], iteration_bounds = array<i64: 1, 16>, scalar_prefetch = 0 : i64, scratch_operands = 8 : i64, tpu.core_type = #tpu.core_type<sc_vector_subcore>, window_params = [{transform_indices = #map}, {transform_indices = #map1}, {transform_indices = #map1}, {transform_indices = #map}]} {
    %broadcast_in_dim3A = arith.constant 0.000000e+00 : f32
    %broadcast_in_dim3A_0 = vector.broadcast %broadcast_in_dim3A : f32 to vector<16xf32>
    %scan3A = arith.constant 0 : i32
    %scan3A_1 = arith.constant 0 : i32
    %scan3A_2 = arith.constant 80 : i32
    %scan3A_3 = arith.addi %scan3A_1, %scan3A_2 : i32
    %scan3A_4 = arith.constant 1 : i32
    %scan3A_5 = scf.for %scan3A_124 = %scan3A_1 to %scan3A_3 step %scan3A_4 iter_args(%scan3A_125 = %scan3A) -> (i32)  : i32 {
      %swap3A = arith.index_cast %scan3A_124 : i32 to index
      %swap3A_126 = arith.constant 0 : index
      %swap3A_127 = tpu.vector_load %arg8[%swap3A, %swap3A_126] {strides = array<i32>} : memref<80x128xf32, #tpu.memory_space<vmem>>, vector<1x16xf32>,
      %swap3A_128 = vector.shape_cast %swap3A_127 : vector<1x16xf32> to vector<16xf32>
      %swap3A_129 = vector.shape_cast %broadcast_in_dim3A_0 : vector<16xf32> to vector<1x16xf32>
      tpu.vector_store %arg8[%swap3A, %swap3A_126], %swap3A_129 {strides = array<i32>} : memref<80x128xf32, #tpu.memory_space<vmem>>, vector<1x16xf32>,
      %swap3A_130 = arith.index_cast %scan3A_124 : i32 to index
      %swap3A_131 = arith.constant 16 : index
      %swap3A_132 = tpu.vector_load %arg8[%swap3A_130, %swap3A_131] {strides = array<i32>} : memref<80x128xf32, #tpu.memory_space<vmem>>, vector<1x16xf32>,
      %swap3A_133 = vector.shape_cast %swap3A_132 : vector<1x16xf32> to vector<16xf32>
      %swap3A_134 = vector.shape_cast %broadcast_in_dim3A_0 : vector<16xf32> to vector<1x16xf32>
      tpu.vector_store %arg8[%swap3A_130, %swap3A_131], %swap3A_134 {strides = array<i32>} : memref<80x128xf32, #tpu.memory_space<vmem>>, vector<1x16xf32>,
      %swap3A_135 = arith.index_cast %scan3A_124 : i32 to index
      %swap3A_136 = arith.constant 32 : index
      %swap3A_137 = tpu.vector_load %arg8[%swap3A_135, %swap3A_136] {strides = array<i32>} : memref<80x128xf32, #tpu.memory_space<vmem>>, vector<1x16xf32>,
      %swap3A_138 = vector.shape_cast %swap3A_137 : vector<1x16xf32> to vector<16xf32>
      %swap3A_139 = vector.shape_cast %broadcast_in_dim3A_0 : vector<16xf32> to vector<1x16xf32>
      tpu.vector_store %arg8[%swap3A_135, %swap3A_136], %swap3A_139 {strides = array<i32>} : memref<80x128xf32, #tpu.memory_space<vmem>>, vector<1x16xf32>,
      %swap3A_140 = arith.index_cast %scan3A_124 : i32 to index
      %swap3A_141 = arith.constant 48 : index
      %swap3A_142 = tpu.vector_load %arg8[%swap3A_140, %swap3A_141] {strides = array<i32>} : memref<80x128xf32, #tpu.memory_space<vmem>>, vector<1x16xf32>,
      %swap3A_143 = vector.shape_cast %swap3A_142 : vector<1x16xf32> to vector<16xf32>
      %swap3A_144 = vector.shape_cast %broadcast_in_dim3A_0 : vector<16xf32> to vector<1x16xf32>
      tpu.vector_store %arg8[%swap3A_140, %swap3A_141], %swap3A_144 {strides = array<i32>} : memref<80x128xf32, #tpu.memory_space<vmem>>, vector<1x16xf32>,
      %swap3A_145 = arith.index_cast %scan3A_124 : i32 to index
      %swap3A_146 = arith.constant 64 : index
      %swap3A_147 = tpu.vector_load %arg8[%swap3A_145, %swap3A_146] {strides = array<i32>} : memref<80x128xf32, #tpu.memory_space<vmem>>, vector<1x16xf32>,
      %swap3A_148 = vector.shape_cast %swap3A_147 : vector<1x16xf32> to vector<16xf32>
      %swap3A_149 = vector.shape_cast %broadcast_in_dim3A_0 : vector<16xf32> to vector<1x16xf32>
      tpu.vector_store %arg8[%swap3A_145, %swap3A_146], %swap3A_149 {strides = array<i32>} : memref<80x128xf32, #tpu.memory_space<vmem>>, vector<1x16xf32>,
      %swap3A_150 = arith.index_cast %scan3A_124 : i32 to index
      %swap3A_151 = arith.constant 80 : index
      %swap3A_152 = tpu.vector_load %arg8[%swap3A_150, %swap3A_151] {strides = array<i32>} : memref<80x128xf32, #tpu.memory_space<vmem>>, vector<1x16xf32>,
      %swap3A_153 = vector.shape_cast %swap3A_152 : vector<1x16xf32> to vector<16xf32>
      %swap3A_154 = vector.shape_cast %broadcast_in_dim3A_0 : vector<16xf32> to vector<1x16xf32>
      tpu.vector_store %arg8[%swap3A_150, %swap3A_151], %swap3A_154 {strides = array<i32>} : memref<80x128xf32, #tpu.memory_space<vmem>>, vector<1x16xf32>,
      %swap3A_155 = arith.index_cast %scan3A_124 : i32 to index
      %swap3A_156 = arith.constant 96 : index
      %swap3A_157 = tpu.vector_load %arg8[%swap3A_155, %swap3A_156] {strides = array<i32>} : memref<80x128xf32, #tpu.memory_space<vmem>>, vector<1x16xf32>,
      %swap3A_158 = vector.shape_cast %swap3A_157 : vector<1x16xf32> to vector<16xf32>
      %swap3A_159 = vector.shape_cast %broadcast_in_dim3A_0 : vector<16xf32> to vector<1x16xf32>
      tpu.vector_store %arg8[%swap3A_155, %swap3A_156], %swap3A_159 {strides = array<i32>} : memref<80x128xf32, #tpu.memory_space<vmem>>, vector<1x16xf32>,
      %swap3A_160 = arith.index_cast %scan3A_124 : i32 to index
      %swap3A_161 = arith.constant 112 : index
      %swap3A_162 = tpu.vector_load %arg8[%swap3A_160, %swap3A_161] {strides = array<i32>} : memref<80x128xf32, #tpu.memory_space<vmem>>, vector<1x16xf32>,
      %swap3A_163 = vector.shape_cast %swap3A_162 : vector<1x16xf32> to vector<16xf32>
      %swap3A_164 = vector.shape_cast %broadcast_in_dim3A_0 : vector<16xf32> to vector<1x16xf32>
      tpu.vector_store %arg8[%swap3A_160, %swap3A_161], %swap3A_164 {strides = array<i32>} : memref<80x128xf32, #tpu.memory_space<vmem>>, vector<1x16xf32>,
      %scan3A_165 = arith.constant 0 : i32
      scf.yield %scan3A_165 : i32
    }
    %scan3A_6 = arith.constant 80 : i32
    %add3A = arith.constant 0 : i32
    %add3A_7 = arith.addi %add3A, %arg1 : i32
    %lt3A = arith.constant 125 : i32
    %lt3A_8 = arith.cmpi slt, %add3A_7, %lt3A : i32
    %convert_element_type3A = arith.extui %lt3A_8 : i1 to i32
    %cond3A = arith.constant 0 : i32
    %cond3A_9 = arith.cmpi ne, %convert_element_type3A, %cond3A : i32
    scf.if %cond3A_9 {
      %mul3A_124 = arith.constant 80 : i32
      %mul3A_125 = arith.muli %add3A_7, %mul3A_124 : i32
      %multiple_of3A = tpu.assume_multiple %mul3A_125, 80 : i32
      "tpu.region"() ({
        %run_scoped3A = tpu.sem_alloc : memref<!tpu.dma_semaphore, #tpu.memory_space<semaphore_mem>>
        %dma_start3A = arith.constant 0 : i32
        %dma_start3A_126 = tpu.memref_slice %arg10[%multiple_of3A, %dma_start3A] : memref<10000x128xf32, #tpu.memory_space<vmem_shared>> -> memref<80x128xf32, #tpu.memory_space<vmem_shared>>
        %dma_start3A_127 = arith.constant 0 : i32
        %dma_start3A_128 = tpu.memref_slice %arg10[%multiple_of3A, %dma_start3A_127] : memref<10000x128xf32, #tpu.memory_space<vmem_shared>> -> memref<80x128xf32, #tpu.memory_space<vmem_shared>>
        tpu.enqueue_dma source(%arg8 : memref<80x128xf32, #tpu.memory_space<vmem>>) target(%dma_start3A_128 : memref<80x128xf32, #tpu.memory_space<vmem_shared>>) target_semaphore(%run_scoped3A : memref<!tpu.dma_semaphore, #tpu.memory_space<semaphore_mem>>)
        %dma_wait3A = arith.constant 0 : i32
        %dma_wait3A_129 = tpu.memref_slice %arg10[%multiple_of3A, %dma_wait3A] : memref<10000x128xf32, #tpu.memory_space<vmem_shared>> -> memref<80x128xf32, #tpu.memory_space<vmem_shared>>
        %dma_wait3A_130 = arith.constant 0 : i32
        %dma_wait3A_131 = tpu.memref_slice %arg10[%multiple_of3A, %dma_wait3A_130] : memref<10000x128xf32, #tpu.memory_space<vmem_shared>> -> memref<80x128xf32, #tpu.memory_space<vmem_shared>>
        tpu.wait_dma2 semaphore(%run_scoped3A : memref<!tpu.dma_semaphore, #tpu.memory_space<semaphore_mem>>) src(%arg8 : memref<80x128xf32, #tpu.memory_space<vmem>>) dst(%dma_wait3A_131 : memref<80x128xf32, #tpu.memory_space<vmem_shared>>)
        tpu.yield
      }) : () -> ()
    } else {
    }
    %add3A_10 = arith.constant 16 : i32
    %add3A_11 = arith.addi %add3A_10, %arg1 : i32
    %lt3A_12 = arith.constant 125 : i32
    %lt3A_13 = arith.cmpi slt, %add3A_11, %lt3A_12 : i32
    %convert_element_type3A_14 = arith.extui %lt3A_13 : i1 to i32
    %cond3A_15 = arith.constant 0 : i32
    %cond3A_16 = arith.cmpi ne, %convert_element_type3A_14, %cond3A_15 : i32
    scf.if %cond3A_16 {
      %mul3A_124 = arith.constant 80 : i32
      %mul3A_125 = arith.muli %add3A_11, %mul3A_124 : i32
      %multiple_of3A = tpu.assume_multiple %mul3A_125, 80 : i32
      "tpu.region"() ({
        %run_scoped3A = tpu.sem_alloc : memref<!tpu.dma_semaphore, #tpu.memory_space<semaphore_mem>>
        %dma_start3A = arith.constant 0 : i32
        %dma_start3A_126 = tpu.memref_slice %arg10[%multiple_of3A, %dma_start3A] : memref<10000x128xf32, #tpu.memory_space<vmem_shared>> -> memref<80x128xf32, #tpu.memory_space<vmem_shared>>
        %dma_start3A_127 = arith.constant 0 : i32
        %dma_start3A_128 = tpu.memref_slice %arg10[%multiple_of3A, %dma_start3A_127] : memref<10000x128xf32, #tpu.memory_space<vmem_shared>> -> memref<80x128xf32, #tpu.memory_space<vmem_shared>>
        tpu.enqueue_dma source(%arg8 : memref<80x128xf32, #tpu.memory_space<vmem>>) target(%dma_start3A_128 : memref<80x128xf32, #tpu.memory_space<vmem_shared>>) target_semaphore(%run_scoped3A : memref<!tpu.dma_semaphore, #tpu.memory_space<semaphore_mem>>)
        %dma_wait3A = arith.constant 0 : i32
        %dma_wait3A_129 = tpu.memref_slice %arg10[%multiple_of3A, %dma_wait3A] : memref<10000x128xf32, #tpu.memory_space<vmem_shared>> -> memref<80x128xf32, #tpu.memory_space<vmem_shared>>
        %dma_wait3A_130 = arith.constant 0 : i32
        %dma_wait3A_131 = tpu.memref_slice %arg10[%multiple_of3A, %dma_wait3A_130] : memref<10000x128xf32, #tpu.memory_space<vmem_shared>> -> memref<80x128xf32, #tpu.memory_space<vmem_shared>>
        tpu.wait_dma2 semaphore(%run_scoped3A : memref<!tpu.dma_semaphore, #tpu.memory_space<semaphore_mem>>) src(%arg8 : memref<80x128xf32, #tpu.memory_space<vmem>>) dst(%dma_wait3A_131 : memref<80x128xf32, #tpu.memory_space<vmem_shared>>)
        tpu.yield
      }) : () -> ()
    } else {
    }
    %add3A_17 = arith.constant 32 : i32
    %add3A_18 = arith.addi %add3A_17, %arg1 : i32
    %lt3A_19 = arith.constant 125 : i32
    %lt3A_20 = arith.cmpi slt, %add3A_18, %lt3A_19 : i32
    %convert_element_type3A_21 = arith.extui %lt3A_20 : i1 to i32
    %cond3A_22 = arith.constant 0 : i32
    %cond3A_23 = arith.cmpi ne, %convert_element_type3A_21, %cond3A_22 : i32
    scf.if %cond3A_23 {
      %mul3A_124 = arith.constant 80 : i32
      %mul3A_125 = arith.muli %add3A_18, %mul3A_124 : i32
      %multiple_of3A = tpu.assume_multiple %mul3A_125, 80 : i32
      "tpu.region"() ({
        %run_scoped3A = tpu.sem_alloc : memref<!tpu.dma_semaphore, #tpu.memory_space<semaphore_mem>>
        %dma_start3A = arith.constant 0 : i32
        %dma_start3A_126 = tpu.memref_slice %arg10[%multiple_of3A, %dma_start3A] : memref<10000x128xf32, #tpu.memory_space<vmem_shared>> -> memref<80x128xf32, #tpu.memory_space<vmem_shared>>
        %dma_start3A_127 = arith.constant 0 : i32
        %dma_start3A_128 = tpu.memref_slice %arg10[%multiple_of3A, %dma_start3A_127] : memref<10000x128xf32, #tpu.memory_space<vmem_shared>> -> memref<80x128xf32, #tpu.memory_space<vmem_shared>>
        tpu.enqueue_dma source(%arg8 : memref<80x128xf32, #tpu.memory_space<vmem>>) target(%dma_start3A_128 : memref<80x128xf32, #tpu.memory_space<vmem_shared>>) target_semaphore(%run_scoped3A : memref<!tpu.dma_semaphore, #tpu.memory_space<semaphore_mem>>)
        %dma_wait3A = arith.constant 0 : i32
        %dma_wait3A_129 = tpu.memref_slice %arg10[%multiple_of3A, %dma_wait3A] : memref<10000x128xf32, #tpu.memory_space<vmem_shared>> -> memref<80x128xf32, #tpu.memory_space<vmem_shared>>
        %dma_wait3A_130 = arith.constant 0 : i32
        %dma_wait3A_131 = tpu.memref_slice %arg10[%multiple_of3A, %dma_wait3A_130] : memref<10000x128xf32, #tpu.memory_space<vmem_shared>> -> memref<80x128xf32, #tpu.memory_space<vmem_shared>>
        tpu.wait_dma2 semaphore(%run_scoped3A : memref<!tpu.dma_semaphore, #tpu.memory_space<semaphore_mem>>) src(%arg8 : memref<80x128xf32, #tpu.memory_space<vmem>>) dst(%dma_wait3A_131 : memref<80x128xf32, #tpu.memory_space<vmem_shared>>)
        tpu.yield
      }) : () -> ()
    } else {
    }
    %add3A_24 = arith.constant 48 : i32
    %add3A_25 = arith.addi %add3A_24, %arg1 : i32
    %lt3A_26 = arith.constant 125 : i32
    %lt3A_27 = arith.cmpi slt, %add3A_25, %lt3A_26 : i32
    %convert_element_type3A_28 = arith.extui %lt3A_27 : i1 to i32
    %cond3A_29 = arith.constant 0 : i32
    %cond3A_30 = arith.cmpi ne, %convert_element_type3A_28, %cond3A_29 : i32
    scf.if %cond3A_30 {
      %mul3A_124 = arith.constant 80 : i32
      %mul3A_125 = arith.muli %add3A_25, %mul3A_124 : i32
      %multiple_of3A = tpu.assume_multiple %mul3A_125, 80 : i32
      "tpu.region"() ({
        %run_scoped3A = tpu.sem_alloc : memref<!tpu.dma_semaphore, #tpu.memory_space<semaphore_mem>>
        %dma_start3A = arith.constant 0 : i32
        %dma_start3A_126 = tpu.memref_slice %arg10[%multiple_of3A, %dma_start3A] : memref<10000x128xf32, #tpu.memory_space<vmem_shared>> -> memref<80x128xf32, #tpu.memory_space<vmem_shared>>
        %dma_start3A_127 = arith.constant 0 : i32
        %dma_start3A_128 = tpu.memref_slice %arg10[%multiple_of3A, %dma_start3A_127] : memref<10000x128xf32, #tpu.memory_space<vmem_shared>> -> memref<80x128xf32, #tpu.memory_space<vmem_shared>>
        tpu.enqueue_dma source(%arg8 : memref<80x128xf32, #tpu.memory_space<vmem>>) target(%dma_start3A_128 : memref<80x128xf32, #tpu.memory_space<vmem_shared>>) target_semaphore(%run_scoped3A : memref<!tpu.dma_semaphore, #tpu.memory_space<semaphore_mem>>)
        %dma_wait3A = arith.constant 0 : i32
        %dma_wait3A_129 = tpu.memref_slice %arg10[%multiple_of3A, %dma_wait3A] : memref<10000x128xf32, #tpu.memory_space<vmem_shared>> -> memref<80x128xf32, #tpu.memory_space<vmem_shared>>
        %dma_wait3A_130 = arith.constant 0 : i32
        %dma_wait3A_131 = tpu.memref_slice %arg10[%multiple_of3A, %dma_wait3A_130] : memref<10000x128xf32, #tpu.memory_space<vmem_shared>> -> memref<80x128xf32, #tpu.memory_space<vmem_shared>>
        tpu.wait_dma2 semaphore(%run_scoped3A : memref<!tpu.dma_semaphore, #tpu.memory_space<semaphore_mem>>) src(%arg8 : memref<80x128xf32, #tpu.memory_space<vmem>>) dst(%dma_wait3A_131 : memref<80x128xf32, #tpu.memory_space<vmem_shared>>)
        tpu.yield
      }) : () -> ()
    } else {
    }
    %add3A_31 = arith.constant 64 : i32
    %add3A_32 = arith.addi %add3A_31, %arg1 : i32
    %lt3A_33 = arith.constant 125 : i32
    %lt3A_34 = arith.cmpi slt, %add3A_32, %lt3A_33 : i32
    %convert_element_type3A_35 = arith.extui %lt3A_34 : i1 to i32
    %cond3A_36 = arith.constant 0 : i32
    %cond3A_37 = arith.cmpi ne, %convert_element_type3A_35, %cond3A_36 : i32
    scf.if %cond3A_37 {
      %mul3A_124 = arith.constant 80 : i32
      %mul3A_125 = arith.muli %add3A_32, %mul3A_124 : i32
      %multiple_of3A = tpu.assume_multiple %mul3A_125, 80 : i32
      "tpu.region"() ({
        %run_scoped3A = tpu.sem_alloc : memref<!tpu.dma_semaphore, #tpu.memory_space<semaphore_mem>>
        %dma_start3A = arith.constant 0 : i32
        %dma_start3A_126 = tpu.memref_slice %arg10[%multiple_of3A, %dma_start3A] : memref<10000x128xf32, #tpu.memory_space<vmem_shared>> -> memref<80x128xf32, #tpu.memory_space<vmem_shared>>
        %dma_start3A_127 = arith.constant 0 : i32
        %dma_start3A_128 = tpu.memref_slice %arg10[%multiple_of3A, %dma_start3A_127] : memref<10000x128xf32, #tpu.memory_space<vmem_shared>> -> memref<80x128xf32, #tpu.memory_space<vmem_shared>>
        tpu.enqueue_dma source(%arg8 : memref<80x128xf32, #tpu.memory_space<vmem>>) target(%dma_start3A_128 : memref<80x128xf32, #tpu.memory_space<vmem_shared>>) target_semaphore(%run_scoped3A : memref<!tpu.dma_semaphore, #tpu.memory_space<semaphore_mem>>)
        %dma_wait3A = arith.constant 0 : i32
        %dma_wait3A_129 = tpu.memref_slice %arg10[%multiple_of3A, %dma_wait3A] : memref<10000x128xf32, #tpu.memory_space<vmem_shared>> -> memref<80x128xf32, #tpu.memory_space<vmem_shared>>
        %dma_wait3A_130 = arith.constant 0 : i32
        %dma_wait3A_131 = tpu.memref_slice %arg10[%multiple_of3A, %dma_wait3A_130] : memref<10000x128xf32, #tpu.memory_space<vmem_shared>> -> memref<80x128xf32, #tpu.memory_space<vmem_shared>>
        tpu.wait_dma2 semaphore(%run_scoped3A : memref<!tpu.dma_semaphore, #tpu.memory_space<semaphore_mem>>) src(%arg8 : memref<80x128xf32, #tpu.memory_space<vmem>>) dst(%dma_wait3A_131 : memref<80x128xf32, #tpu.memory_space<vmem_shared>>)
        tpu.yield
      }) : () -> ()
    } else {
    }
    %add3A_38 = arith.constant 80 : i32
    %add3A_39 = arith.addi %add3A_38, %arg1 : i32
    %lt3A_40 = arith.constant 125 : i32
    %lt3A_41 = arith.cmpi slt, %add3A_39, %lt3A_40 : i32
    %convert_element_type3A_42 = arith.extui %lt3A_41 : i1 to i32
    %cond3A_43 = arith.constant 0 : i32
    %cond3A_44 = arith.cmpi ne, %convert_element_type3A_42, %cond3A_43 : i32
    scf.if %cond3A_44 {
      %mul3A_124 = arith.constant 80 : i32
      %mul3A_125 = arith.muli %add3A_39, %mul3A_124 : i32
      %multiple_of3A = tpu.assume_multiple %mul3A_125, 80 : i32
      "tpu.region"() ({
        %run_scoped3A = tpu.sem_alloc : memref<!tpu.dma_semaphore, #tpu.memory_space<semaphore_mem>>
        %dma_start3A = arith.constant 0 : i32
        %dma_start3A_126 = tpu.memref_slice %arg10[%multiple_of3A, %dma_start3A] : memref<10000x128xf32, #tpu.memory_space<vmem_shared>> -> memref<80x128xf32, #tpu.memory_space<vmem_shared>>
        %dma_start3A_127 = arith.constant 0 : i32
        %dma_start3A_128 = tpu.memref_slice %arg10[%multiple_of3A, %dma_start3A_127] : memref<10000x128xf32, #tpu.memory_space<vmem_shared>> -> memref<80x128xf32, #tpu.memory_space<vmem_shared>>
        tpu.enqueue_dma source(%arg8 : memref<80x128xf32, #tpu.memory_space<vmem>>) target(%dma_start3A_128 : memref<80x128xf32, #tpu.memory_space<vmem_shared>>) target_semaphore(%run_scoped3A : memref<!tpu.dma_semaphore, #tpu.memory_space<semaphore_mem>>)
        %dma_wait3A = arith.constant 0 : i32
        %dma_wait3A_129 = tpu.memref_slice %arg10[%multiple_of3A, %dma_wait3A] : memref<10000x128xf32, #tpu.memory_space<vmem_shared>> -> memref<80x128xf32, #tpu.memory_space<vmem_shared>>
        %dma_wait3A_130 = arith.constant 0 : i32
        %dma_wait3A_131 = tpu.memref_slice %arg10[%multiple_of3A, %dma_wait3A_130] : memref<10000x128xf32, #tpu.memory_space<vmem_shared>> -> memref<80x128xf32, #tpu.memory_space<vmem_shared>>
        tpu.wait_dma2 semaphore(%run_scoped3A : memref<!tpu.dma_semaphore, #tpu.memory_space<semaphore_mem>>) src(%arg8 : memref<80x128xf32, #tpu.memory_space<vmem>>) dst(%dma_wait3A_131 : memref<80x128xf32, #tpu.memory_space<vmem_shared>>)
        tpu.yield
      }) : () -> ()
    } else {
    }
    %add3A_45 = arith.constant 96 : i32
    %add3A_46 = arith.addi %add3A_45, %arg1 : i32
    %lt3A_47 = arith.constant 125 : i32
    %lt3A_48 = arith.cmpi slt, %add3A_46, %lt3A_47 : i32
    %convert_element_type3A_49 = arith.extui %lt3A_48 : i1 to i32
    %cond3A_50 = arith.constant 0 : i32
    %cond3A_51 = arith.cmpi ne, %convert_element_type3A_49, %cond3A_50 : i32
    scf.if %cond3A_51 {
      %mul3A_124 = arith.constant 80 : i32
      %mul3A_125 = arith.muli %add3A_46, %mul3A_124 : i32
      %multiple_of3A = tpu.assume_multiple %mul3A_125, 80 : i32
      "tpu.region"() ({
        %run_scoped3A = tpu.sem_alloc : memref<!tpu.dma_semaphore, #tpu.memory_space<semaphore_mem>>
        %dma_start3A = arith.constant 0 : i32
        %dma_start3A_126 = tpu.memref_slice %arg10[%multiple_of3A, %dma_start3A] : memref<10000x128xf32, #tpu.memory_space<vmem_shared>> -> memref<80x128xf32, #tpu.memory_space<vmem_shared>>
        %dma_start3A_127 = arith.constant 0 : i32
        %dma_start3A_128 = tpu.memref_slice %arg10[%multiple_of3A, %dma_start3A_127] : memref<10000x128xf32, #tpu.memory_space<vmem_shared>> -> memref<80x128xf32, #tpu.memory_space<vmem_shared>>
        tpu.enqueue_dma source(%arg8 : memref<80x128xf32, #tpu.memory_space<vmem>>) target(%dma_start3A_128 : memref<80x128xf32, #tpu.memory_space<vmem_shared>>) target_semaphore(%run_scoped3A : memref<!tpu.dma_semaphore, #tpu.memory_space<semaphore_mem>>)
        %dma_wait3A = arith.constant 0 : i32
        %dma_wait3A_129 = tpu.memref_slice %arg10[%multiple_of3A, %dma_wait3A] : memref<10000x128xf32, #tpu.memory_space<vmem_shared>> -> memref<80x128xf32, #tpu.memory_space<vmem_shared>>
        %dma_wait3A_130 = arith.constant 0 : i32
        %dma_wait3A_131 = tpu.memref_slice %arg10[%multiple_of3A, %dma_wait3A_130] : memref<10000x128xf32, #tpu.memory_space<vmem_shared>> -> memref<80x128xf32, #tpu.memory_space<vmem_shared>>
        tpu.wait_dma2 semaphore(%run_scoped3A : memref<!tpu.dma_semaphore, #tpu.memory_space<semaphore_mem>>) src(%arg8 : memref<80x128xf32, #tpu.memory_space<vmem>>) dst(%dma_wait3A_131 : memref<80x128xf32, #tpu.memory_space<vmem_shared>>)
        tpu.yield
      }) : () -> ()
    } else {
    }
    %add3A_52 = arith.constant 112 : i32
    %add3A_53 = arith.addi %add3A_52, %arg1 : i32
    %lt3A_54 = arith.constant 125 : i32
    %lt3A_55 = arith.cmpi slt, %add3A_53, %lt3A_54 : i32
    %convert_element_type3A_56 = arith.extui %lt3A_55 : i1 to i32
    %cond3A_57 = arith.constant 0 : i32
    %cond3A_58 = arith.cmpi ne, %convert_element_type3A_56, %cond3A_57 : i32
    scf.if %cond3A_58 {
      %mul3A_124 = arith.constant 80 : i32
      %mul3A_125 = arith.muli %add3A_53, %mul3A_124 : i32
      %multiple_of3A = tpu.assume_multiple %mul3A_125, 80 : i32
      "tpu.region"() ({
        %run_scoped3A = tpu.sem_alloc : memref<!tpu.dma_semaphore, #tpu.memory_space<semaphore_mem>>
        %dma_start3A = arith.constant 0 : i32
        %dma_start3A_126 = tpu.memref_slice %arg10[%multiple_of3A, %dma_start3A] : memref<10000x128xf32, #tpu.memory_space<vmem_shared>> -> memref<80x128xf32, #tpu.memory_space<vmem_shared>>
        %dma_start3A_127 = arith.constant 0 : i32
        %dma_start3A_128 = tpu.memref_slice %arg10[%multiple_of3A, %dma_start3A_127] : memref<10000x128xf32, #tpu.memory_space<vmem_shared>> -> memref<80x128xf32, #tpu.memory_space<vmem_shared>>
        tpu.enqueue_dma source(%arg8 : memref<80x128xf32, #tpu.memory_space<vmem>>) target(%dma_start3A_128 : memref<80x128xf32, #tpu.memory_space<vmem_shared>>) target_semaphore(%run_scoped3A : memref<!tpu.dma_semaphore, #tpu.memory_space<semaphore_mem>>)
        %dma_wait3A = arith.constant 0 : i32
        %dma_wait3A_129 = tpu.memref_slice %arg10[%multiple_of3A, %dma_wait3A] : memref<10000x128xf32, #tpu.memory_space<vmem_shared>> -> memref<80x128xf32, #tpu.memory_space<vmem_shared>>
        %dma_wait3A_130 = arith.constant 0 : i32
        %dma_wait3A_131 = tpu.memref_slice %arg10[%multiple_of3A, %dma_wait3A_130] : memref<10000x128xf32, #tpu.memory_space<vmem_shared>> -> memref<80x128xf32, #tpu.memory_space<vmem_shared>>
        tpu.wait_dma2 semaphore(%run_scoped3A : memref<!tpu.dma_semaphore, #tpu.memory_space<semaphore_mem>>) src(%arg8 : memref<80x128xf32, #tpu.memory_space<vmem>>) dst(%dma_wait3A_131 : memref<80x128xf32, #tpu.memory_space<vmem_shared>>)
        tpu.yield
      }) : () -> ()
    } else {
    }
    %barrier3A = arith.constant 0 : index
    tpu.barrier barrier_id(%barrier3A)
    %mul3A = arith.constant 20000 : i32
    %mul3A_59 = arith.muli %arg1, %mul3A : i32
    %scan3A_60 = arith.constant 0 : i32
    %scan3A_61 = arith.constant 0 : i32
    %scan3A_62 = arith.constant 125 : i32
    %scan3A_63 = arith.addi %scan3A_61, %scan3A_62 : i32
    %scan3A_64 = arith.constant 1 : i32
    %scan3A_65 = scf.for %scan3A_124 = %scan3A_61 to %scan3A_63 step %scan3A_64 iter_args(%scan3A_125 = %scan3A_60) -> (i32)  : i32 {
      %mul3A_126 = arith.constant 160 : i32
      %mul3A_127 = arith.muli %scan3A_124, %mul3A_126 : i32
      %add3A_128 = arith.addi %mul3A_59, %mul3A_127 : i32
      %multiple_of3A = tpu.assume_multiple %add3A_128, 80 : i32
      %add3A_129 = arith.constant 80 : i32
      %add3A_130 = arith.addi %multiple_of3A, %add3A_129 : i32
      %multiple_of3A_131 = tpu.assume_multiple %add3A_130, 80 : i32
      %dma_start3A = arith.constant 0 : i32
      %dma_start3A_132 = arith.constant 0 : i32
      %dma_start3A_133 = tpu.memref_slice %arg6[%dma_start3A, %dma_start3A_132] : memref<2x80xi32, #tpu.memory_space<vmem>> -> memref<1x80xi32, #tpu.memory_space<vmem>>
      %dma_start3A_134 = tpu.memref_squeeze %dma_start3A_133 : memref<1x80xi32, #tpu.memory_space<vmem>> -> memref<80xi32, #tpu.memory_space<vmem>>
      %dma_start3A_135 = tpu.memref_slice %arg3[%multiple_of3A] : memref<320000xi32, #tpu.memory_space<hbm>> -> memref<80xi32, #tpu.memory_space<hbm>>
      %dma_start3A_136 = arith.constant 0 : i32
      %dma_start3A_137 = tpu.memref_slice %arg6[%dma_start3A, %dma_start3A_136] : memref<2x80xi32, #tpu.memory_space<vmem>> -> memref<1x80xi32, #tpu.memory_space<vmem>>
      %dma_start3A_138 = tpu.memref_squeeze %dma_start3A_137 : memref<1x80xi32, #tpu.memory_space<vmem>> -> memref<80xi32, #tpu.memory_space<vmem>>
      %dma_start3A_139 = tpu.memref_slice %arg3[%multiple_of3A] : memref<320000xi32, #tpu.memory_space<hbm>> -> memref<80xi32, #tpu.memory_space<hbm>>
      tpu.enqueue_dma source(%dma_start3A_139 : memref<80xi32, #tpu.memory_space<hbm>>) target(%dma_start3A_138 : memref<80xi32, #tpu.memory_space<vmem>>) target_semaphore(%arg11 : memref<!tpu.dma_semaphore, #tpu.memory_space<semaphore_mem>>)
      %dma_start3A_140 = arith.constant 1 : i32
      %dma_start3A_141 = arith.constant 0 : i32
      %dma_start3A_142 = tpu.memref_slice %arg6[%dma_start3A_140, %dma_start3A_141] : memref<2x80xi32, #tpu.memory_space<vmem>> -> memref<1x80xi32, #tpu.memory_space<vmem>>
      %dma_start3A_143 = tpu.memref_squeeze %dma_start3A_142 : memref<1x80xi32, #tpu.memory_space<vmem>> -> memref<80xi32, #tpu.memory_space<vmem>>
      %dma_start3A_144 = tpu.memref_slice %arg3[%multiple_of3A_131] : memref<320000xi32, #tpu.memory_space<hbm>> -> memref<80xi32, #tpu.memory_space<hbm>>
      %dma_start3A_145 = arith.constant 0 : i32
      %dma_start3A_146 = tpu.memref_slice %arg6[%dma_start3A_140, %dma_start3A_145] : memref<2x80xi32, #tpu.memory_space<vmem>> -> memref<1x80xi32, #tpu.memory_space<vmem>>
      %dma_start3A_147 = tpu.memref_squeeze %dma_start3A_146 : memref<1x80xi32, #tpu.memory_space<vmem>> -> memref<80xi32, #tpu.memory_space<vmem>>
      %dma_start3A_148 = tpu.memref_slice %arg3[%multiple_of3A_131] : memref<320000xi32, #tpu.memory_space<hbm>> -> memref<80xi32, #tpu.memory_space<hbm>>
      tpu.enqueue_dma source(%dma_start3A_148 : memref<80xi32, #tpu.memory_space<hbm>>) target(%dma_start3A_147 : memref<80xi32, #tpu.memory_space<vmem>>) target_semaphore(%arg11 : memref<!tpu.dma_semaphore, #tpu.memory_space<semaphore_mem>>)
      %dma_start3A_149 = arith.constant 0 : i32
      %dma_start3A_150 = arith.constant 0 : i32
      %dma_start3A_151 = tpu.memref_slice %arg7[%dma_start3A_149, %dma_start3A_150] : memref<2x80xi32, #tpu.memory_space<vmem>> -> memref<1x80xi32, #tpu.memory_space<vmem>>
      %dma_start3A_152 = tpu.memref_squeeze %dma_start3A_151 : memref<1x80xi32, #tpu.memory_space<vmem>> -> memref<80xi32, #tpu.memory_space<vmem>>
      %dma_start3A_153 = tpu.memref_slice %arg4[%multiple_of3A] : memref<320000xi32, #tpu.memory_space<hbm>> -> memref<80xi32, #tpu.memory_space<hbm>>
      %dma_start3A_154 = arith.constant 0 : i32
      %dma_start3A_155 = tpu.memref_slice %arg7[%dma_start3A_149, %dma_start3A_154] : memref<2x80xi32, #tpu.memory_space<vmem>> -> memref<1x80xi32, #tpu.memory_space<vmem>>
      %dma_start3A_156 = tpu.memref_squeeze %dma_start3A_155 : memref<1x80xi32, #tpu.memory_space<vmem>> -> memref<80xi32, #tpu.memory_space<vmem>>
      %dma_start3A_157 = tpu.memref_slice %arg4[%multiple_of3A] : memref<320000xi32, #tpu.memory_space<hbm>> -> memref<80xi32, #tpu.memory_space<hbm>>
      tpu.enqueue_dma source(%dma_start3A_157 : memref<80xi32, #tpu.memory_space<hbm>>) target(%dma_start3A_156 : memref<80xi32, #tpu.memory_space<vmem>>) target_semaphore(%arg11 : memref<!tpu.dma_semaphore, #tpu.memory_space<semaphore_mem>>)
      %dma_start3A_158 = arith.constant 1 : i32
      %dma_start3A_159 = arith.constant 0 : i32
      %dma_start3A_160 = tpu.memref_slice %arg7[%dma_start3A_158, %dma_start3A_159] : memref<2x80xi32, #tpu.memory_space<vmem>> -> memref<1x80xi32, #tpu.memory_space<vmem>>
      %dma_start3A_161 = tpu.memref_squeeze %dma_start3A_160 : memref<1x80xi32, #tpu.memory_space<vmem>> -> memref<80xi32, #tpu.memory_space<vmem>>
      %dma_start3A_162 = tpu.memref_slice %arg4[%multiple_of3A_131] : memref<320000xi32, #tpu.memory_space<hbm>> -> memref<80xi32, #tpu.memory_space<hbm>>
      %dma_start3A_163 = arith.constant 0 : i32
      %dma_start3A_164 = tpu.memref_slice %arg7[%dma_start3A_158, %dma_start3A_163] : memref<2x80xi32, #tpu.memory_space<vmem>> -> memref<1x80xi32, #tpu.memory_space<vmem>>
      %dma_start3A_165 = tpu.memref_squeeze %dma_start3A_164 : memref<1x80xi32, #tpu.memory_space<vmem>> -> memref<80xi32, #tpu.memory_space<vmem>>
      %dma_start3A_166 = tpu.memref_slice %arg4[%multiple_of3A_131] : memref<320000xi32, #tpu.memory_space<hbm>> -> memref<80xi32, #tpu.memory_space<hbm>>
      tpu.enqueue_dma source(%dma_start3A_166 : memref<80xi32, #tpu.memory_space<hbm>>) target(%dma_start3A_165 : memref<80xi32, #tpu.memory_space<vmem>>) target_semaphore(%arg11 : memref<!tpu.dma_semaphore, #tpu.memory_space<semaphore_mem>>)
      %dma_wait3A = arith.constant 0 : i32
      %dma_wait3A_167 = arith.constant 0 : i32
      %dma_wait3A_168 = tpu.memref_slice %arg6[%dma_wait3A, %dma_wait3A_167] : memref<2x80xi32, #tpu.memory_space<vmem>> -> memref<1x80xi32, #tpu.memory_space<vmem>>
      %dma_wait3A_169 = tpu.memref_squeeze %dma_wait3A_168 : memref<1x80xi32, #tpu.memory_space<vmem>> -> memref<80xi32, #tpu.memory_space<vmem>>
      %dma_wait3A_170 = tpu.memref_slice %arg3[%multiple_of3A] : memref<320000xi32, #tpu.memory_space<hbm>> -> memref<80xi32, #tpu.memory_space<hbm>>
      %dma_wait3A_171 = arith.constant 0 : i32
      %dma_wait3A_172 = tpu.memref_slice %arg6[%dma_wait3A, %dma_wait3A_171] : memref<2x80xi32, #tpu.memory_space<vmem>> -> memref<1x80xi32, #tpu.memory_space<vmem>>
      %dma_wait3A_173 = tpu.memref_squeeze %dma_wait3A_172 : memref<1x80xi32, #tpu.memory_space<vmem>> -> memref<80xi32, #tpu.memory_space<vmem>>
      %dma_wait3A_174 = tpu.memref_slice %arg3[%multiple_of3A] : memref<320000xi32, #tpu.memory_space<hbm>> -> memref<80xi32, #tpu.memory_space<hbm>>
      tpu.wait_dma2 semaphore(%arg11 : memref<!tpu.dma_semaphore, #tpu.memory_space<semaphore_mem>>) src(%dma_wait3A_174 : memref<80xi32, #tpu.memory_space<hbm>>) dst(%dma_wait3A_173 : memref<80xi32, #tpu.memory_space<vmem>>)
      %dma_wait3A_175 = arith.constant 1 : i32
      %dma_wait3A_176 = arith.constant 0 : i32
      %dma_wait3A_177 = tpu.memref_slice %arg6[%dma_wait3A_175, %dma_wait3A_176] : memref<2x80xi32, #tpu.memory_space<vmem>> -> memref<1x80xi32, #tpu.memory_space<vmem>>
      %dma_wait3A_178 = tpu.memref_squeeze %dma_wait3A_177 : memref<1x80xi32, #tpu.memory_space<vmem>> -> memref<80xi32, #tpu.memory_space<vmem>>
      %dma_wait3A_179 = tpu.memref_slice %arg3[%multiple_of3A_131] : memref<320000xi32, #tpu.memory_space<hbm>> -> memref<80xi32, #tpu.memory_space<hbm>>
      %dma_wait3A_180 = arith.constant 0 : i32
      %dma_wait3A_181 = tpu.memref_slice %arg6[%dma_wait3A_175, %dma_wait3A_180] : memref<2x80xi32, #tpu.memory_space<vmem>> -> memref<1x80xi32, #tpu.memory_space<vmem>>
      %dma_wait3A_182 = tpu.memref_squeeze %dma_wait3A_181 : memref<1x80xi32, #tpu.memory_space<vmem>> -> memref<80xi32, #tpu.memory_space<vmem>>
      %dma_wait3A_183 = tpu.memref_slice %arg3[%multiple_of3A_131] : memref<320000xi32, #tpu.memory_space<hbm>> -> memref<80xi32, #tpu.memory_space<hbm>>
      tpu.wait_dma2 semaphore(%arg11 : memref<!tpu.dma_semaphore, #tpu.memory_space<semaphore_mem>>) src(%dma_wait3A_183 : memref<80xi32, #tpu.memory_space<hbm>>) dst(%dma_wait3A_182 : memref<80xi32, #tpu.memory_space<vmem>>)
      %dma_wait3A_184 = arith.constant 0 : i32
      %dma_wait3A_185 = arith.constant 0 : i32
      %dma_wait3A_186 = tpu.memref_slice %arg7[%dma_wait3A_184, %dma_wait3A_185] : memref<2x80xi32, #tpu.memory_space<vmem>> -> memref<1x80xi32, #tpu.memory_space<vmem>>
      %dma_wait3A_187 = tpu.memref_squeeze %dma_wait3A_186 : memref<1x80xi32, #tpu.memory_space<vmem>> -> memref<80xi32, #tpu.memory_space<vmem>>
      %dma_wait3A_188 = tpu.memref_slice %arg4[%multiple_of3A] : memref<320000xi32, #tpu.memory_space<hbm>> -> memref<80xi32, #tpu.memory_space<hbm>>
      %dma_wait3A_189 = arith.constant 0 : i32
      %dma_wait3A_190 = tpu.memref_slice %arg7[%dma_wait3A_184, %dma_wait3A_189] : memref<2x80xi32, #tpu.memory_space<vmem>> -> memref<1x80xi32, #tpu.memory_space<vmem>>
      %dma_wait3A_191 = tpu.memref_squeeze %dma_wait3A_190 : memref<1x80xi32, #tpu.memory_space<vmem>> -> memref<80xi32, #tpu.memory_space<vmem>>
      %dma_wait3A_192 = tpu.memref_slice %arg4[%multiple_of3A] : memref<320000xi32, #tpu.memory_space<hbm>> -> memref<80xi32, #tpu.memory_space<hbm>>
      tpu.wait_dma2 semaphore(%arg11 : memref<!tpu.dma_semaphore, #tpu.memory_space<semaphore_mem>>) src(%dma_wait3A_192 : memref<80xi32, #tpu.memory_space<hbm>>) dst(%dma_wait3A_191 : memref<80xi32, #tpu.memory_space<vmem>>)
      %dma_wait3A_193 = arith.constant 1 : i32
      %dma_wait3A_194 = arith.constant 0 : i32
      %dma_wait3A_195 = tpu.memref_slice %arg7[%dma_wait3A_193, %dma_wait3A_194] : memref<2x80xi32, #tpu.memory_space<vmem>> -> memref<1x80xi32, #tpu.memory_space<vmem>>
      %dma_wait3A_196 = tpu.memref_squeeze %dma_wait3A_195 : memref<1x80xi32, #tpu.memory_space<vmem>> -> memref<80xi32, #tpu.memory_space<vmem>>
      %dma_wait3A_197 = tpu.memref_slice %arg4[%multiple_of3A_131] : memref<320000xi32, #tpu.memory_space<hbm>> -> memref<80xi32, #tpu.memory_space<hbm>>
      %dma_wait3A_198 = arith.constant 0 : i32
      %dma_wait3A_199 = tpu.memref_slice %arg7[%dma_wait3A_193, %dma_wait3A_198] : memref<2x80xi32, #tpu.memory_space<vmem>> -> memref<1x80xi32, #tpu.memory_space<vmem>>
      %dma_wait3A_200 = tpu.memref_squeeze %dma_wait3A_199 : memref<1x80xi32, #tpu.memory_space<vmem>> -> memref<80xi32, #tpu.memory_space<vmem>>
      %dma_wait3A_201 = tpu.memref_slice %arg4[%multiple_of3A_131] : memref<320000xi32, #tpu.memory_space<hbm>> -> memref<80xi32, #tpu.memory_space<hbm>>
      tpu.wait_dma2 semaphore(%arg11 : memref<!tpu.dma_semaphore, #tpu.memory_space<semaphore_mem>>) src(%dma_wait3A_201 : memref<80xi32, #tpu.memory_space<hbm>>) dst(%dma_wait3A_200 : memref<80xi32, #tpu.memory_space<vmem>>)
      %dma_start3A_202 = arith.constant 0 : i32
      %dma_start3A_203 = arith.constant 0 : i32
      %dma_start3A_204 = tpu.memref_slice %arg6[%dma_start3A_202, %dma_start3A_203] : memref<2x80xi32, #tpu.memory_space<vmem>> -> memref<1x80xi32, #tpu.memory_space<vmem>>
      %dma_start3A_205 = tpu.memref_squeeze %dma_start3A_204 : memref<1x80xi32, #tpu.memory_space<vmem>> -> memref<80xi32, #tpu.memory_space<vmem>>
      %dma_start3A_206 = arith.constant 0 : i32
      %dma_start3A_207 = arith.constant 0 : i32
      %dma_start3A_208 = tpu.memref_slice %arg2[%dma_start3A_206, %dma_start3A_207] : memref<10000x128xf32, #tpu.memory_space<hbm>> -> memref<10000x128xf32, #tpu.memory_space<hbm>>
      tpu.enqueue_indirect_dma source(%dma_start3A_208 : memref<10000x128xf32, #tpu.memory_space<hbm>>) target(%arg8 : memref<80x128xf32, #tpu.memory_space<vmem>>) offsets(%dma_start3A_205 : memref<80xi32, #tpu.memory_space<vmem>>) semaphore(%arg12 : memref<!tpu.dma_semaphore, #tpu.memory_space<semaphore_mem>>)
      %dma_start3A_209 = arith.constant 1 : i32
      %dma_start3A_210 = arith.constant 0 : i32
      %dma_start3A_211 = tpu.memref_slice %arg6[%dma_start3A_209, %dma_start3A_210] : memref<2x80xi32, #tpu.memory_space<vmem>> -> memref<1x80xi32, #tpu.memory_space<vmem>>
      %dma_start3A_212 = tpu.memref_squeeze %dma_start3A_211 : memref<1x80xi32, #tpu.memory_space<vmem>> -> memref<80xi32, #tpu.memory_space<vmem>>
      %dma_start3A_213 = arith.constant 0 : i32
      %dma_start3A_214 = arith.constant 0 : i32
      %dma_start3A_215 = tpu.memref_slice %arg2[%dma_start3A_213, %dma_start3A_214] : memref<10000x128xf32, #tpu.memory_space<hbm>> -> memref<10000x128xf32, #tpu.memory_space<hbm>>
      tpu.enqueue_indirect_dma source(%dma_start3A_215 : memref<10000x128xf32, #tpu.memory_space<hbm>>) target(%arg9 : memref<80x128xf32, #tpu.memory_space<vmem>>) offsets(%dma_start3A_212 : memref<80xi32, #tpu.memory_space<vmem>>) semaphore(%arg12 : memref<!tpu.dma_semaphore, #tpu.memory_space<semaphore_mem>>)
      %dma_wait3A_216 = arith.constant 0 : i32
      %dma_wait3A_217 = arith.constant 0 : i32
      %dma_wait3A_218 = tpu.memref_slice %arg6[%dma_wait3A_216, %dma_wait3A_217] : memref<2x80xi32, #tpu.memory_space<vmem>> -> memref<1x80xi32, #tpu.memory_space<vmem>>
      %dma_wait3A_219 = tpu.memref_squeeze %dma_wait3A_218 : memref<1x80xi32, #tpu.memory_space<vmem>> -> memref<80xi32, #tpu.memory_space<vmem>>
      %dma_wait3A_220 = arith.constant 0 : i32
      %dma_wait3A_221 = arith.constant 0 : i32
      %dma_wait3A_222 = tpu.memref_slice %arg2[%dma_wait3A_220, %dma_wait3A_221] : memref<10000x128xf32, #tpu.memory_space<hbm>> -> memref<10000x128xf32, #tpu.memory_space<hbm>>
      tpu.wait_indirect_dma semaphore(%arg12 : memref<!tpu.dma_semaphore, #tpu.memory_space<semaphore_mem>>) src(%dma_wait3A_222 : memref<10000x128xf32, #tpu.memory_space<hbm>>) dst(%arg8 : memref<80x128xf32, #tpu.memory_space<vmem>>)
      %dma_start3A_223 = arith.constant 0 : i32
      %dma_start3A_224 = arith.constant 0 : i32
      %dma_start3A_225 = tpu.memref_slice %arg7[%dma_start3A_223, %dma_start3A_224] : memref<2x80xi32, #tpu.memory_space<vmem>> -> memref<1x80xi32, #tpu.memory_space<vmem>>
      %dma_start3A_226 = tpu.memref_squeeze %dma_start3A_225 : memref<1x80xi32, #tpu.memory_space<vmem>> -> memref<80xi32, #tpu.memory_space<vmem>>
      %dma_start3A_227 = arith.constant 0 : i32
      %dma_start3A_228 = arith.constant 0 : i32
      %dma_start3A_229 = tpu.memref_slice %arg10[%dma_start3A_227, %dma_start3A_228] : memref<10000x128xf32, #tpu.memory_space<vmem_shared>> -> memref<10000x128xf32, #tpu.memory_space<vmem_shared>>
      tpu.enqueue_indirect_dma source(%arg8 : memref<80x128xf32, #tpu.memory_space<vmem>>) target(%dma_start3A_229 : memref<10000x128xf32, #tpu.memory_space<vmem_shared>>) offsets(%dma_start3A_226 : memref<80xi32, #tpu.memory_space<vmem>>) semaphore(%arg13 : memref<!tpu.dma_semaphore, #tpu.memory_space<semaphore_mem>>) {add = true}
      %dma_wait3A_230 = arith.constant 1 : i32
      %dma_wait3A_231 = arith.constant 0 : i32
      %dma_wait3A_232 = tpu.memref_slice %arg6[%dma_wait3A_230, %dma_wait3A_231] : memref<2x80xi32, #tpu.memory_space<vmem>> -> memref<1x80xi32, #tpu.memory_space<vmem>>
      %dma_wait3A_233 = tpu.memref_squeeze %dma_wait3A_232 : memref<1x80xi32, #tpu.memory_space<vmem>> -> memref<80xi32, #tpu.memory_space<vmem>>
      %dma_wait3A_234 = arith.constant 0 : i32
      %dma_wait3A_235 = arith.constant 0 : i32
      %dma_wait3A_236 = tpu.memref_slice %arg2[%dma_wait3A_234, %dma_wait3A_235] : memref<10000x128xf32, #tpu.memory_space<hbm>> -> memref<10000x128xf32, #tpu.memory_space<hbm>>
      tpu.wait_indirect_dma semaphore(%arg12 : memref<!tpu.dma_semaphore, #tpu.memory_space<semaphore_mem>>) src(%dma_wait3A_236 : memref<10000x128xf32, #tpu.memory_space<hbm>>) dst(%arg9 : memref<80x128xf32, #tpu.memory_space<vmem>>)
      %dma_start3A_237 = arith.constant 1 : i32
      %dma_start3A_238 = arith.constant 0 : i32
      %dma_start3A_239 = tpu.memref_slice %arg7[%dma_start3A_237, %dma_start3A_238] : memref<2x80xi32, #tpu.memory_space<vmem>> -> memref<1x80xi32, #tpu.memory_space<vmem>>
      %dma_start3A_240 = tpu.memref_squeeze %dma_start3A_239 : memref<1x80xi32, #tpu.memory_space<vmem>> -> memref<80xi32, #tpu.memory_space<vmem>>
      %dma_start3A_241 = arith.constant 0 : i32
      %dma_start3A_242 = arith.constant 0 : i32
      %dma_start3A_243 = tpu.memref_slice %arg10[%dma_start3A_241, %dma_start3A_242] : memref<10000x128xf32, #tpu.memory_space<vmem_shared>> -> memref<10000x128xf32, #tpu.memory_space<vmem_shared>>
      tpu.enqueue_indirect_dma source(%arg9 : memref<80x128xf32, #tpu.memory_space<vmem>>) target(%dma_start3A_243 : memref<10000x128xf32, #tpu.memory_space<vmem_shared>>) offsets(%dma_start3A_240 : memref<80xi32, #tpu.memory_space<vmem>>) semaphore(%arg13 : memref<!tpu.dma_semaphore, #tpu.memory_space<semaphore_mem>>) {add = true}
      %dma_wait3A_244 = arith.constant 0 : i32
      %dma_wait3A_245 = arith.constant 0 : i32
      %dma_wait3A_246 = tpu.memref_slice %arg7[%dma_wait3A_244, %dma_wait3A_245] : memref<2x80xi32, #tpu.memory_space<vmem>> -> memref<1x80xi32, #tpu.memory_space<vmem>>
      %dma_wait3A_247 = tpu.memref_squeeze %dma_wait3A_246 : memref<1x80xi32, #tpu.memory_space<vmem>> -> memref<80xi32, #tpu.memory_space<vmem>>
      %dma_wait3A_248 = arith.constant 0 : i32
      %dma_wait3A_249 = arith.constant 0 : i32
      %dma_wait3A_250 = tpu.memref_slice %arg10[%dma_wait3A_248, %dma_wait3A_249] : memref<10000x128xf32, #tpu.memory_space<vmem_shared>> -> memref<10000x128xf32, #tpu.memory_space<vmem_shared>>
      tpu.wait_indirect_dma semaphore(%arg13 : memref<!tpu.dma_semaphore, #tpu.memory_space<semaphore_mem>>) src(%arg8 : memref<80x128xf32, #tpu.memory_space<vmem>>) dst(%dma_wait3A_250 : memref<10000x128xf32, #tpu.memory_space<vmem_shared>>)
      %dma_wait3A_251 = arith.constant 1 : i32
      %dma_wait3A_252 = arith.constant 0 : i32
      %dma_wait3A_253 = tpu.memref_slice %arg7[%dma_wait3A_251, %dma_wait3A_252] : memref<2x80xi32, #tpu.memory_space<vmem>> -> memref<1x80xi32, #tpu.memory_space<vmem>>
      %dma_wait3A_254 = tpu.memref_squeeze %dma_wait3A_253 : memref<1x80xi32, #tpu.memory_space<vmem>> -> memref<80xi32, #tpu.memory_space<vmem>>
      %dma_wait3A_255 = arith.constant 0 : i32
      %dma_wait3A_256 = arith.constant 0 : i32
      %dma_wait3A_257 = tpu.memref_slice %arg10[%dma_wait3A_255, %dma_wait3A_256] : memref<10000x128xf32, #tpu.memory_space<vmem_shared>> -> memref<10000x128xf32, #tpu.memory_space<vmem_shared>>
      tpu.wait_indirect_dma semaphore(%arg13 : memref<!tpu.dma_semaphore, #tpu.memory_space<semaphore_mem>>) src(%arg9 : memref<80x128xf32, #tpu.memory_space<vmem>>) dst(%dma_wait3A_257 : memref<10000x128xf32, #tpu.memory_space<vmem_shared>>)
      %scan3A_258 = arith.constant 0 : i32
      scf.yield %scan3A_258 : i32
    }
    %scan3A_66 = arith.constant 125 : i32
    %barrier3A_67 = arith.constant 0 : index
    tpu.barrier barrier_id(%barrier3A_67)
    %add3A_68 = arith.constant 0 : i32
    %add3A_69 = arith.addi %add3A_68, %arg1 : i32
    %lt3A_70 = arith.constant 125 : i32
    %lt3A_71 = arith.cmpi slt, %add3A_69, %lt3A_70 : i32
    %convert_element_type3A_72 = arith.extui %lt3A_71 : i1 to i32
    %cond3A_73 = arith.constant 0 : i32
    %cond3A_74 = arith.cmpi ne, %convert_element_type3A_72, %cond3A_73 : i32
    scf.if %cond3A_74 {
      %mul3A_124 = arith.constant 80 : i32
      %mul3A_125 = arith.muli %add3A_69, %mul3A_124 : i32
      %multiple_of3A = tpu.assume_multiple %mul3A_125, 80 : i32
      "tpu.region"() ({
        %run_scoped3A = tpu.sem_alloc : memref<!tpu.dma_semaphore, #tpu.memory_space<semaphore_mem>>
        %dma_start3A = arith.constant 0 : i32
        %dma_start3A_126 = tpu.memref_slice %arg5[%multiple_of3A, %dma_start3A] : memref<10000x128xf32, #tpu.memory_space<hbm>> -> memref<80x128xf32, #tpu.memory_space<hbm>>
        %dma_start3A_127 = arith.constant 0 : i32
        %dma_start3A_128 = tpu.memref_slice %arg10[%multiple_of3A, %dma_start3A_127] : memref<10000x128xf32, #tpu.memory_space<vmem_shared>> -> memref<80x128xf32, #tpu.memory_space<vmem_shared>>
        tpu.enqueue_dma source(%dma_start3A_128 : memref<80x128xf32, #tpu.memory_space<vmem_shared>>) target(%dma_start3A_126 : memref<80x128xf32, #tpu.memory_space<hbm>>) target_semaphore(%run_scoped3A : memref<!tpu.dma_semaphore, #tpu.memory_space<semaphore_mem>>)
        %dma_wait3A = arith.constant 0 : i32
        %dma_wait3A_129 = tpu.memref_slice %arg5[%multiple_of3A, %dma_wait3A] : memref<10000x128xf32, #tpu.memory_space<hbm>> -> memref<80x128xf32, #tpu.memory_space<hbm>>
        %dma_wait3A_130 = arith.constant 0 : i32
        %dma_wait3A_131 = tpu.memref_slice %arg10[%multiple_of3A, %dma_wait3A_130] : memref<10000x128xf32, #tpu.memory_space<vmem_shared>> -> memref<80x128xf32, #tpu.memory_space<vmem_shared>>
        tpu.wait_dma2 semaphore(%run_scoped3A : memref<!tpu.dma_semaphore, #tpu.memory_space<semaphore_mem>>) src(%dma_wait3A_131 : memref<80x128xf32, #tpu.memory_space<vmem_shared>>) dst(%dma_wait3A_129 : memref<80x128xf32, #tpu.memory_space<hbm>>)
        tpu.yield
      }) : () -> ()
    } else {
    }
    %add3A_75 = arith.constant 16 : i32
    %add3A_76 = arith.addi %add3A_75, %arg1 : i32
    %lt3A_77 = arith.constant 125 : i32
    %lt3A_78 = arith.cmpi slt, %add3A_76, %lt3A_77 : i32
    %convert_element_type3A_79 = arith.extui %lt3A_78 : i1 to i32
    %cond3A_80 = arith.constant 0 : i32
    %cond3A_81 = arith.cmpi ne, %convert_element_type3A_79, %cond3A_80 : i32
    scf.if %cond3A_81 {
      %mul3A_124 = arith.constant 80 : i32
      %mul3A_125 = arith.muli %add3A_76, %mul3A_124 : i32
      %multiple_of3A = tpu.assume_multiple %mul3A_125, 80 : i32
      "tpu.region"() ({
        %run_scoped3A = tpu.sem_alloc : memref<!tpu.dma_semaphore, #tpu.memory_space<semaphore_mem>>
        %dma_start3A = arith.constant 0 : i32
        %dma_start3A_126 = tpu.memref_slice %arg5[%multiple_of3A, %dma_start3A] : memref<10000x128xf32, #tpu.memory_space<hbm>> -> memref<80x128xf32, #tpu.memory_space<hbm>>
        %dma_start3A_127 = arith.constant 0 : i32
        %dma_start3A_128 = tpu.memref_slice %arg10[%multiple_of3A, %dma_start3A_127] : memref<10000x128xf32, #tpu.memory_space<vmem_shared>> -> memref<80x128xf32, #tpu.memory_space<vmem_shared>>
        tpu.enqueue_dma source(%dma_start3A_128 : memref<80x128xf32, #tpu.memory_space<vmem_shared>>) target(%dma_start3A_126 : memref<80x128xf32, #tpu.memory_space<hbm>>) target_semaphore(%run_scoped3A : memref<!tpu.dma_semaphore, #tpu.memory_space<semaphore_mem>>)
        %dma_wait3A = arith.constant 0 : i32
        %dma_wait3A_129 = tpu.memref_slice %arg5[%multiple_of3A, %dma_wait3A] : memref<10000x128xf32, #tpu.memory_space<hbm>> -> memref<80x128xf32, #tpu.memory_space<hbm>>
        %dma_wait3A_130 = arith.constant 0 : i32
        %dma_wait3A_131 = tpu.memref_slice %arg10[%multiple_of3A, %dma_wait3A_130] : memref<10000x128xf32, #tpu.memory_space<vmem_shared>> -> memref<80x128xf32, #tpu.memory_space<vmem_shared>>
        tpu.wait_dma2 semaphore(%run_scoped3A : memref<!tpu.dma_semaphore, #tpu.memory_space<semaphore_mem>>) src(%dma_wait3A_131 : memref<80x128xf32, #tpu.memory_space<vmem_shared>>) dst(%dma_wait3A_129 : memref<80x128xf32, #tpu.memory_space<hbm>>)
        tpu.yield
      }) : () -> ()
    } else {
    }
    %add3A_82 = arith.constant 32 : i32
    %add3A_83 = arith.addi %add3A_82, %arg1 : i32
    %lt3A_84 = arith.constant 125 : i32
    %lt3A_85 = arith.cmpi slt, %add3A_83, %lt3A_84 : i32
    %convert_element_type3A_86 = arith.extui %lt3A_85 : i1 to i32
    %cond3A_87 = arith.constant 0 : i32
    %cond3A_88 = arith.cmpi ne, %convert_element_type3A_86, %cond3A_87 : i32
    scf.if %cond3A_88 {
      %mul3A_124 = arith.constant 80 : i32
      %mul3A_125 = arith.muli %add3A_83, %mul3A_124 : i32
      %multiple_of3A = tpu.assume_multiple %mul3A_125, 80 : i32
      "tpu.region"() ({
        %run_scoped3A = tpu.sem_alloc : memref<!tpu.dma_semaphore, #tpu.memory_space<semaphore_mem>>
        %dma_start3A = arith.constant 0 : i32
        %dma_start3A_126 = tpu.memref_slice %arg5[%multiple_of3A, %dma_start3A] : memref<10000x128xf32, #tpu.memory_space<hbm>> -> memref<80x128xf32, #tpu.memory_space<hbm>>
        %dma_start3A_127 = arith.constant 0 : i32
        %dma_start3A_128 = tpu.memref_slice %arg10[%multiple_of3A, %dma_start3A_127] : memref<10000x128xf32, #tpu.memory_space<vmem_shared>> -> memref<80x128xf32, #tpu.memory_space<vmem_shared>>
        tpu.enqueue_dma source(%dma_start3A_128 : memref<80x128xf32, #tpu.memory_space<vmem_shared>>) target(%dma_start3A_126 : memref<80x128xf32, #tpu.memory_space<hbm>>) target_semaphore(%run_scoped3A : memref<!tpu.dma_semaphore, #tpu.memory_space<semaphore_mem>>)
        %dma_wait3A = arith.constant 0 : i32
        %dma_wait3A_129 = tpu.memref_slice %arg5[%multiple_of3A, %dma_wait3A] : memref<10000x128xf32, #tpu.memory_space<hbm>> -> memref<80x128xf32, #tpu.memory_space<hbm>>
        %dma_wait3A_130 = arith.constant 0 : i32
        %dma_wait3A_131 = tpu.memref_slice %arg10[%multiple_of3A, %dma_wait3A_130] : memref<10000x128xf32, #tpu.memory_space<vmem_shared>> -> memref<80x128xf32, #tpu.memory_space<vmem_shared>>
        tpu.wait_dma2 semaphore(%run_scoped3A : memref<!tpu.dma_semaphore, #tpu.memory_space<semaphore_mem>>) src(%dma_wait3A_131 : memref<80x128xf32, #tpu.memory_space<vmem_shared>>) dst(%dma_wait3A_129 : memref<80x128xf32, #tpu.memory_space<hbm>>)
        tpu.yield
      }) : () -> ()
    } else {
    }
    %add3A_89 = arith.constant 48 : i32
    %add3A_90 = arith.addi %add3A_89, %arg1 : i32
    %lt3A_91 = arith.constant 125 : i32
    %lt3A_92 = arith.cmpi slt, %add3A_90, %lt3A_91 : i32
    %convert_element_type3A_93 = arith.extui %lt3A_92 : i1 to i32
    %cond3A_94 = arith.constant 0 : i32
    %cond3A_95 = arith.cmpi ne, %convert_element_type3A_93, %cond3A_94 : i32
    scf.if %cond3A_95 {
      %mul3A_124 = arith.constant 80 : i32
      %mul3A_125 = arith.muli %add3A_90, %mul3A_124 : i32
      %multiple_of3A = tpu.assume_multiple %mul3A_125, 80 : i32
      "tpu.region"() ({
        %run_scoped3A = tpu.sem_alloc : memref<!tpu.dma_semaphore, #tpu.memory_space<semaphore_mem>>
        %dma_start3A = arith.constant 0 : i32
        %dma_start3A_126 = tpu.memref_slice %arg5[%multiple_of3A, %dma_start3A] : memref<10000x128xf32, #tpu.memory_space<hbm>> -> memref<80x128xf32, #tpu.memory_space<hbm>>
        %dma_start3A_127 = arith.constant 0 : i32
        %dma_start3A_128 = tpu.memref_slice %arg10[%multiple_of3A, %dma_start3A_127] : memref<10000x128xf32, #tpu.memory_space<vmem_shared>> -> memref<80x128xf32, #tpu.memory_space<vmem_shared>>
        tpu.enqueue_dma source(%dma_start3A_128 : memref<80x128xf32, #tpu.memory_space<vmem_shared>>) target(%dma_start3A_126 : memref<80x128xf32, #tpu.memory_space<hbm>>) target_semaphore(%run_scoped3A : memref<!tpu.dma_semaphore, #tpu.memory_space<semaphore_mem>>)
        %dma_wait3A = arith.constant 0 : i32
        %dma_wait3A_129 = tpu.memref_slice %arg5[%multiple_of3A, %dma_wait3A] : memref<10000x128xf32, #tpu.memory_space<hbm>> -> memref<80x128xf32, #tpu.memory_space<hbm>>
        %dma_wait3A_130 = arith.constant 0 : i32
        %dma_wait3A_131 = tpu.memref_slice %arg10[%multiple_of3A, %dma_wait3A_130] : memref<10000x128xf32, #tpu.memory_space<vmem_shared>> -> memref<80x128xf32, #tpu.memory_space<vmem_shared>>
        tpu.wait_dma2 semaphore(%run_scoped3A : memref<!tpu.dma_semaphore, #tpu.memory_space<semaphore_mem>>) src(%dma_wait3A_131 : memref<80x128xf32, #tpu.memory_space<vmem_shared>>) dst(%dma_wait3A_129 : memref<80x128xf32, #tpu.memory_space<hbm>>)
        tpu.yield
      }) : () -> ()
    } else {
    }
    %add3A_96 = arith.constant 64 : i32
    %add3A_97 = arith.addi %add3A_96, %arg1 : i32
    %lt3A_98 = arith.constant 125 : i32
    %lt3A_99 = arith.cmpi slt, %add3A_97, %lt3A_98 : i32
    %convert_element_type3A_100 = arith.extui %lt3A_99 : i1 to i32
    %cond3A_101 = arith.constant 0 : i32
    %cond3A_102 = arith.cmpi ne, %convert_element_type3A_100, %cond3A_101 : i32
    scf.if %cond3A_102 {
      %mul3A_124 = arith.constant 80 : i32
      %mul3A_125 = arith.muli %add3A_97, %mul3A_124 : i32
      %multiple_of3A = tpu.assume_multiple %mul3A_125, 80 : i32
      "tpu.region"() ({
        %run_scoped3A = tpu.sem_alloc : memref<!tpu.dma_semaphore, #tpu.memory_space<semaphore_mem>>
        %dma_start3A = arith.constant 0 : i32
        %dma_start3A_126 = tpu.memref_slice %arg5[%multiple_of3A, %dma_start3A] : memref<10000x128xf32, #tpu.memory_space<hbm>> -> memref<80x128xf32, #tpu.memory_space<hbm>>
        %dma_start3A_127 = arith.constant 0 : i32
        %dma_start3A_128 = tpu.memref_slice %arg10[%multiple_of3A, %dma_start3A_127] : memref<10000x128xf32, #tpu.memory_space<vmem_shared>> -> memref<80x128xf32, #tpu.memory_space<vmem_shared>>
        tpu.enqueue_dma source(%dma_start3A_128 : memref<80x128xf32, #tpu.memory_space<vmem_shared>>) target(%dma_start3A_126 : memref<80x128xf32, #tpu.memory_space<hbm>>) target_semaphore(%run_scoped3A : memref<!tpu.dma_semaphore, #tpu.memory_space<semaphore_mem>>)
        %dma_wait3A = arith.constant 0 : i32
        %dma_wait3A_129 = tpu.memref_slice %arg5[%multiple_of3A, %dma_wait3A] : memref<10000x128xf32, #tpu.memory_space<hbm>> -> memref<80x128xf32, #tpu.memory_space<hbm>>
        %dma_wait3A_130 = arith.constant 0 : i32
        %dma_wait3A_131 = tpu.memref_slice %arg10[%multiple_of3A, %dma_wait3A_130] : memref<10000x128xf32, #tpu.memory_space<vmem_shared>> -> memref<80x128xf32, #tpu.memory_space<vmem_shared>>
        tpu.wait_dma2 semaphore(%run_scoped3A : memref<!tpu.dma_semaphore, #tpu.memory_space<semaphore_mem>>) src(%dma_wait3A_131 : memref<80x128xf32, #tpu.memory_space<vmem_shared>>) dst(%dma_wait3A_129 : memref<80x128xf32, #tpu.memory_space<hbm>>)
        tpu.yield
      }) : () -> ()
    } else {
    }
    %add3A_103 = arith.constant 80 : i32
    %add3A_104 = arith.addi %add3A_103, %arg1 : i32
    %lt3A_105 = arith.constant 125 : i32
    %lt3A_106 = arith.cmpi slt, %add3A_104, %lt3A_105 : i32
    %convert_element_type3A_107 = arith.extui %lt3A_106 : i1 to i32
    %cond3A_108 = arith.constant 0 : i32
    %cond3A_109 = arith.cmpi ne, %convert_element_type3A_107, %cond3A_108 : i32
    scf.if %cond3A_109 {
      %mul3A_124 = arith.constant 80 : i32
      %mul3A_125 = arith.muli %add3A_104, %mul3A_124 : i32
      %multiple_of3A = tpu.assume_multiple %mul3A_125, 80 : i32
      "tpu.region"() ({
        %run_scoped3A = tpu.sem_alloc : memref<!tpu.dma_semaphore, #tpu.memory_space<semaphore_mem>>
        %dma_start3A = arith.constant 0 : i32
        %dma_start3A_126 = tpu.memref_slice %arg5[%multiple_of3A, %dma_start3A] : memref<10000x128xf32, #tpu.memory_space<hbm>> -> memref<80x128xf32, #tpu.memory_space<hbm>>
        %dma_start3A_127 = arith.constant 0 : i32
        %dma_start3A_128 = tpu.memref_slice %arg10[%multiple_of3A, %dma_start3A_127] : memref<10000x128xf32, #tpu.memory_space<vmem_shared>> -> memref<80x128xf32, #tpu.memory_space<vmem_shared>>
        tpu.enqueue_dma source(%dma_start3A_128 : memref<80x128xf32, #tpu.memory_space<vmem_shared>>) target(%dma_start3A_126 : memref<80x128xf32, #tpu.memory_space<hbm>>) target_semaphore(%run_scoped3A : memref<!tpu.dma_semaphore, #tpu.memory_space<semaphore_mem>>)
        %dma_wait3A = arith.constant 0 : i32
        %dma_wait3A_129 = tpu.memref_slice %arg5[%multiple_of3A, %dma_wait3A] : memref<10000x128xf32, #tpu.memory_space<hbm>> -> memref<80x128xf32, #tpu.memory_space<hbm>>
        %dma_wait3A_130 = arith.constant 0 : i32
        %dma_wait3A_131 = tpu.memref_slice %arg10[%multiple_of3A, %dma_wait3A_130] : memref<10000x128xf32, #tpu.memory_space<vmem_shared>> -> memref<80x128xf32, #tpu.memory_space<vmem_shared>>
        tpu.wait_dma2 semaphore(%run_scoped3A : memref<!tpu.dma_semaphore, #tpu.memory_space<semaphore_mem>>) src(%dma_wait3A_131 : memref<80x128xf32, #tpu.memory_space<vmem_shared>>) dst(%dma_wait3A_129 : memref<80x128xf32, #tpu.memory_space<hbm>>)
        tpu.yield
      }) : () -> ()
    } else {
    }
    %add3A_110 = arith.constant 96 : i32
    %add3A_111 = arith.addi %add3A_110, %arg1 : i32
    %lt3A_112 = arith.constant 125 : i32
    %lt3A_113 = arith.cmpi slt, %add3A_111, %lt3A_112 : i32
    %convert_element_type3A_114 = arith.extui %lt3A_113 : i1 to i32
    %cond3A_115 = arith.constant 0 : i32
    %cond3A_116 = arith.cmpi ne, %convert_element_type3A_114, %cond3A_115 : i32
    scf.if %cond3A_116 {
      %mul3A_124 = arith.constant 80 : i32
      %mul3A_125 = arith.muli %add3A_111, %mul3A_124 : i32
      %multiple_of3A = tpu.assume_multiple %mul3A_125, 80 : i32
      "tpu.region"() ({
        %run_scoped3A = tpu.sem_alloc : memref<!tpu.dma_semaphore, #tpu.memory_space<semaphore_mem>>
        %dma_start3A = arith.constant 0 : i32
        %dma_start3A_126 = tpu.memref_slice %arg5[%multiple_of3A, %dma_start3A] : memref<10000x128xf32, #tpu.memory_space<hbm>> -> memref<80x128xf32, #tpu.memory_space<hbm>>
        %dma_start3A_127 = arith.constant 0 : i32
        %dma_start3A_128 = tpu.memref_slice %arg10[%multiple_of3A, %dma_start3A_127] : memref<10000x128xf32, #tpu.memory_space<vmem_shared>> -> memref<80x128xf32, #tpu.memory_space<vmem_shared>>
        tpu.enqueue_dma source(%dma_start3A_128 : memref<80x128xf32, #tpu.memory_space<vmem_shared>>) target(%dma_start3A_126 : memref<80x128xf32, #tpu.memory_space<hbm>>) target_semaphore(%run_scoped3A : memref<!tpu.dma_semaphore, #tpu.memory_space<semaphore_mem>>)
        %dma_wait3A = arith.constant 0 : i32
        %dma_wait3A_129 = tpu.memref_slice %arg5[%multiple_of3A, %dma_wait3A] : memref<10000x128xf32, #tpu.memory_space<hbm>> -> memref<80x128xf32, #tpu.memory_space<hbm>>
        %dma_wait3A_130 = arith.constant 0 : i32
        %dma_wait3A_131 = tpu.memref_slice %arg10[%multiple_of3A, %dma_wait3A_130] : memref<10000x128xf32, #tpu.memory_space<vmem_shared>> -> memref<80x128xf32, #tpu.memory_space<vmem_shared>>
        tpu.wait_dma2 semaphore(%run_scoped3A : memref<!tpu.dma_semaphore, #tpu.memory_space<semaphore_mem>>) src(%dma_wait3A_131 : memref<80x128xf32, #tpu.memory_space<vmem_shared>>) dst(%dma_wait3A_129 : memref<80x128xf32, #tpu.memory_space<hbm>>)
        tpu.yield
      }) : () -> ()
    } else {
    }
    %add3A_117 = arith.constant 112 : i32
    %add3A_118 = arith.addi %add3A_117, %arg1 : i32
    %lt3A_119 = arith.constant 125 : i32
    %lt3A_120 = arith.cmpi slt, %add3A_118, %lt3A_119 : i32
    %convert_element_type3A_121 = arith.extui %lt3A_120 : i1 to i32
    %cond3A_122 = arith.constant 0 : i32
    %cond3A_123 = arith.cmpi ne, %convert_element_type3A_121, %cond3A_122 : i32
    scf.if %cond3A_123 {
      %mul3A_124 = arith.constant 80 : i32
      %mul3A_125 = arith.muli %add3A_118, %mul3A_124 : i32
      %multiple_of3A = tpu.assume_multiple %mul3A_125, 80 : i32
      "tpu.region"() ({
        %run_scoped3A = tpu.sem_alloc : memref<!tpu.dma_semaphore, #tpu.memory_space<semaphore_mem>>
        %dma_start3A = arith.constant 0 : i32
        %dma_start3A_126 = tpu.memref_slice %arg5[%multiple_of3A, %dma_start3A] : memref<10000x128xf32, #tpu.memory_space<hbm>> -> memref<80x128xf32, #tpu.memory_space<hbm>>
        %dma_start3A_127 = arith.constant 0 : i32
        %dma_start3A_128 = tpu.memref_slice %arg10[%multiple_of3A, %dma_start3A_127] : memref<10000x128xf32, #tpu.memory_space<vmem_shared>> -> memref<80x128xf32, #tpu.memory_space<vmem_shared>>
        tpu.enqueue_dma source(%dma_start3A_128 : memref<80x128xf32, #tpu.memory_space<vmem_shared>>) target(%dma_start3A_126 : memref<80x128xf32, #tpu.memory_space<hbm>>) target_semaphore(%run_scoped3A : memref<!tpu.dma_semaphore, #tpu.memory_space<semaphore_mem>>)
        %dma_wait3A = arith.constant 0 : i32
        %dma_wait3A_129 = tpu.memref_slice %arg5[%multiple_of3A, %dma_wait3A] : memref<10000x128xf32, #tpu.memory_space<hbm>> -> memref<80x128xf32, #tpu.memory_space<hbm>>
        %dma_wait3A_130 = arith.constant 0 : i32
        %dma_wait3A_131 = tpu.memref_slice %arg10[%multiple_of3A, %dma_wait3A_130] : memref<10000x128xf32, #tpu.memory_space<vmem_shared>> -> memref<80x128xf32, #tpu.memory_space<vmem_shared>>
        tpu.wait_dma2 semaphore(%run_scoped3A : memref<!tpu.dma_semaphore, #tpu.memory_space<semaphore_mem>>) src(%dma_wait3A_131 : memref<80x128xf32, #tpu.memory_space<vmem_shared>>) dst(%dma_wait3A_129 : memref<80x128xf32, #tpu.memory_space<hbm>>)
        tpu.yield
      }) : () -> ()
    } else {
    }
    return
  }
}

#map = affine_map<(d0, d1) -> (0, 0)>
#map1 = affine_map<(d0, d1) -> (0)>
module attributes {stable_mosaic.version = 14 : i64} {
  func.func @_sel_body(%arg0: i32, %arg1: i32, %arg2: memref<10000x128xf32, #tpu.memory_space<hbm>>, %arg3: memref<80000xi32, #tpu.memory_space<hbm>>, %arg4: memref<10000x128xf32, #tpu.memory_space<hbm>>, %arg5: memref<1x128xi32, #tpu.memory_space<vmem>>, %arg6: memref<128x128xf32, #tpu.memory_space<vmem>>, %arg7: memref<16x128xf32, #tpu.memory_space<vmem>>, %arg8: memref<!tpu.dma_semaphore, #tpu.memory_space<semaphore_mem>>) attributes {dimension_semantics = [#tpu.dimension_semantics<core_parallel>, #tpu.dimension_semantics<subcore_parallel>], iteration_bounds = array<i64: 2, 16>, scalar_prefetch = 0 : i64, scratch_operands = 4 : i64, tpu.core_type = #tpu.core_type<sc_vector_subcore>, window_params = [{transform_indices = #map}, {transform_indices = #map1}, {transform_indices = #map}]} {
    %mul3A = arith.constant 16 : i32
    %mul3A_0 = arith.muli %arg0, %mul3A : i32
    %add3A = arith.addi %mul3A_0, %arg1 : i32
    %scan3A = arith.constant 0 : i32
    %scan3A_1 = arith.constant 0 : i32
    %scan3A_2 = arith.constant 20 : i32
    %scan3A_3 = arith.addi %scan3A_1, %scan3A_2 : i32
    %scan3A_4 = arith.constant 1 : i32
    %scan3A_5 = scf.for %scan3A_7 = %scan3A_1 to %scan3A_3 step %scan3A_4 iter_args(%scan3A_8 = %scan3A) -> (i32)  : i32 {
      %mul3A_9 = arith.constant 32 : i32
      %mul3A_10 = arith.muli %scan3A_7, %mul3A_9 : i32
      %add3A_11 = arith.addi %mul3A_10, %add3A : i32
      %lt3A = arith.constant 625 : i32
      %lt3A_12 = arith.cmpi slt, %add3A_11, %lt3A : i32
      %convert_element_type3A = arith.extui %lt3A_12 : i1 to i32
      %cond3A = arith.constant 0 : i32
      %cond3A_13 = arith.cmpi ne, %convert_element_type3A, %cond3A : i32
      scf.if %cond3A_13 {
        %mul3A_15 = arith.constant 128 : i32
        %mul3A_16 = arith.muli %add3A_11, %mul3A_15 : i32
        %multiple_of3A = tpu.assume_multiple %mul3A_16, 128 : i32
        %run_scoped3A = arith.constant 0 : i32
        "tpu.region"() ({
          %run_scoped3A_39 = tpu.sem_alloc : memref<!tpu.dma_semaphore, #tpu.memory_space<semaphore_mem>>
          %dma_start3A_40 = arith.constant 0 : i32
          %dma_start3A_41 = tpu.memref_slice %arg5[%run_scoped3A, %dma_start3A_40] : memref<1x128xi32, #tpu.memory_space<vmem>> -> memref<1x128xi32, #tpu.memory_space<vmem>>
          %dma_start3A_42 = tpu.memref_squeeze %dma_start3A_41 : memref<1x128xi32, #tpu.memory_space<vmem>> -> memref<128xi32, #tpu.memory_space<vmem>>
          %dma_start3A_43 = tpu.memref_slice %arg3[%multiple_of3A] : memref<80000xi32, #tpu.memory_space<hbm>> -> memref<128xi32, #tpu.memory_space<hbm>>
          %dma_start3A_44 = arith.constant 0 : i32
          %dma_start3A_45 = tpu.memref_slice %arg5[%run_scoped3A, %dma_start3A_44] : memref<1x128xi32, #tpu.memory_space<vmem>> -> memref<1x128xi32, #tpu.memory_space<vmem>>
          %dma_start3A_46 = tpu.memref_squeeze %dma_start3A_45 : memref<1x128xi32, #tpu.memory_space<vmem>> -> memref<128xi32, #tpu.memory_space<vmem>>
          %dma_start3A_47 = tpu.memref_slice %arg3[%multiple_of3A] : memref<80000xi32, #tpu.memory_space<hbm>> -> memref<128xi32, #tpu.memory_space<hbm>>
          tpu.enqueue_dma source(%dma_start3A_47 : memref<128xi32, #tpu.memory_space<hbm>>) target(%dma_start3A_46 : memref<128xi32, #tpu.memory_space<vmem>>) target_semaphore(%run_scoped3A_39 : memref<!tpu.dma_semaphore, #tpu.memory_space<semaphore_mem>>)
          %dma_wait3A_48 = arith.constant 0 : i32
          %dma_wait3A_49 = tpu.memref_slice %arg5[%run_scoped3A, %dma_wait3A_48] : memref<1x128xi32, #tpu.memory_space<vmem>> -> memref<1x128xi32, #tpu.memory_space<vmem>>
          %dma_wait3A_50 = tpu.memref_squeeze %dma_wait3A_49 : memref<1x128xi32, #tpu.memory_space<vmem>> -> memref<128xi32, #tpu.memory_space<vmem>>
          %dma_wait3A_51 = tpu.memref_slice %arg3[%multiple_of3A] : memref<80000xi32, #tpu.memory_space<hbm>> -> memref<128xi32, #tpu.memory_space<hbm>>
          %dma_wait3A_52 = arith.constant 0 : i32
          %dma_wait3A_53 = tpu.memref_slice %arg5[%run_scoped3A, %dma_wait3A_52] : memref<1x128xi32, #tpu.memory_space<vmem>> -> memref<1x128xi32, #tpu.memory_space<vmem>>
          %dma_wait3A_54 = tpu.memref_squeeze %dma_wait3A_53 : memref<1x128xi32, #tpu.memory_space<vmem>> -> memref<128xi32, #tpu.memory_space<vmem>>
          %dma_wait3A_55 = tpu.memref_slice %arg3[%multiple_of3A] : memref<80000xi32, #tpu.memory_space<hbm>> -> memref<128xi32, #tpu.memory_space<hbm>>
          tpu.wait_dma2 semaphore(%run_scoped3A_39 : memref<!tpu.dma_semaphore, #tpu.memory_space<semaphore_mem>>) src(%dma_wait3A_55 : memref<128xi32, #tpu.memory_space<hbm>>) dst(%dma_wait3A_54 : memref<128xi32, #tpu.memory_space<vmem>>)
          tpu.yield
        }) : () -> ()
        %dma_start3A = arith.constant 0 : i32
        %dma_start3A_17 = arith.constant 0 : i32
        %dma_start3A_18 = tpu.memref_slice %arg5[%dma_start3A, %dma_start3A_17] : memref<1x128xi32, #tpu.memory_space<vmem>> -> memref<1x128xi32, #tpu.memory_space<vmem>>
        %dma_start3A_19 = tpu.memref_squeeze %dma_start3A_18 : memref<1x128xi32, #tpu.memory_space<vmem>> -> memref<128xi32, #tpu.memory_space<vmem>>
        %dma_start3A_20 = arith.constant 0 : i32
        %dma_start3A_21 = arith.constant 0 : i32
        %dma_start3A_22 = tpu.memref_slice %arg2[%dma_start3A_20, %dma_start3A_21] : memref<10000x128xf32, #tpu.memory_space<hbm>> -> memref<10000x128xf32, #tpu.memory_space<hbm>>
        tpu.enqueue_indirect_dma source(%dma_start3A_22 : memref<10000x128xf32, #tpu.memory_space<hbm>>) target(%arg6 : memref<128x128xf32, #tpu.memory_space<vmem>>) offsets(%dma_start3A_19 : memref<128xi32, #tpu.memory_space<vmem>>) semaphore(%arg8 : memref<!tpu.dma_semaphore, #tpu.memory_space<semaphore_mem>>)
        %dma_wait3A = arith.constant 0 : i32
        %dma_wait3A_23 = arith.constant 0 : i32
        %dma_wait3A_24 = tpu.memref_slice %arg5[%dma_wait3A, %dma_wait3A_23] : memref<1x128xi32, #tpu.memory_space<vmem>> -> memref<1x128xi32, #tpu.memory_space<vmem>>
        %dma_wait3A_25 = tpu.memref_squeeze %dma_wait3A_24 : memref<1x128xi32, #tpu.memory_space<vmem>> -> memref<128xi32, #tpu.memory_space<vmem>>
        %dma_wait3A_26 = arith.constant 0 : i32
        %dma_wait3A_27 = arith.constant 0 : i32
        %dma_wait3A_28 = tpu.memref_slice %arg2[%dma_wait3A_26, %dma_wait3A_27] : memref<10000x128xf32, #tpu.memory_space<hbm>> -> memref<10000x128xf32, #tpu.memory_space<hbm>>
        tpu.wait_indirect_dma semaphore(%arg8 : memref<!tpu.dma_semaphore, #tpu.memory_space<semaphore_mem>>) src(%dma_wait3A_28 : memref<10000x128xf32, #tpu.memory_space<hbm>>) dst(%arg6 : memref<128x128xf32, #tpu.memory_space<vmem>>)
        %scan3A_29 = arith.constant 0 : i32
        %scan3A_30 = arith.constant 0 : i32
        %scan3A_31 = arith.constant 16 : i32
        %scan3A_32 = arith.addi %scan3A_30, %scan3A_31 : i32
        %scan3A_33 = arith.constant 1 : i32
        %scan3A_34 = scf.for %scan3A_39 = %scan3A_30 to %scan3A_32 step %scan3A_33 iter_args(%scan3A_40 = %scan3A_29) -> (i32)  : i32 {
          %mul3A_41 = arith.constant 8 : i32
          %mul3A_42 = arith.muli %scan3A_39, %mul3A_41 : i32
          %get3A = arith.index_cast %mul3A_42 : i32 to index
          %get3A_43 = arith.constant 0 : index
          %get3A_44 = tpu.vector_load %arg6[%get3A, %get3A_43] {strides = array<i32>} : memref<128x128xf32, #tpu.memory_space<vmem>>, vector<1x16xf32>,
          %get3A_45 = vector.shape_cast %get3A_44 : vector<1x16xf32> to vector<16xf32>
          %add3A_46 = arith.constant 1 : i32
          %add3A_47 = arith.addi %mul3A_42, %add3A_46 : i32
          %get3A_48 = arith.index_cast %add3A_47 : i32 to index
          %get3A_49 = arith.constant 0 : index
          %get3A_50 = tpu.vector_load %arg6[%get3A_48, %get3A_49] {strides = array<i32>} : memref<128x128xf32, #tpu.memory_space<vmem>>, vector<1x16xf32>,
          %get3A_51 = vector.shape_cast %get3A_50 : vector<1x16xf32> to vector<16xf32>
          %add3A_52 = arith.addf %get3A_45, %get3A_51 : vector<16xf32>
          %add3A_53 = arith.constant 2 : i32
          %add3A_54 = arith.addi %mul3A_42, %add3A_53 : i32
          %get3A_55 = arith.index_cast %add3A_54 : i32 to index
          %get3A_56 = arith.constant 0 : index
          %get3A_57 = tpu.vector_load %arg6[%get3A_55, %get3A_56] {strides = array<i32>} : memref<128x128xf32, #tpu.memory_space<vmem>>, vector<1x16xf32>,
          %get3A_58 = vector.shape_cast %get3A_57 : vector<1x16xf32> to vector<16xf32>
          %add3A_59 = arith.addf %add3A_52, %get3A_58 : vector<16xf32>
          %add3A_60 = arith.constant 3 : i32
          %add3A_61 = arith.addi %mul3A_42, %add3A_60 : i32
          %get3A_62 = arith.index_cast %add3A_61 : i32 to index
          %get3A_63 = arith.constant 0 : index
          %get3A_64 = tpu.vector_load %arg6[%get3A_62, %get3A_63] {strides = array<i32>} : memref<128x128xf32, #tpu.memory_space<vmem>>, vector<1x16xf32>,
          %get3A_65 = vector.shape_cast %get3A_64 : vector<1x16xf32> to vector<16xf32>
          %add3A_66 = arith.addf %add3A_59, %get3A_65 : vector<16xf32>
          %add3A_67 = arith.constant 4 : i32
          %add3A_68 = arith.addi %mul3A_42, %add3A_67 : i32
          %get3A_69 = arith.index_cast %add3A_68 : i32 to index
          %get3A_70 = arith.constant 0 : index
          %get3A_71 = tpu.vector_load %arg6[%get3A_69, %get3A_70] {strides = array<i32>} : memref<128x128xf32, #tpu.memory_space<vmem>>, vector<1x16xf32>,
          %get3A_72 = vector.shape_cast %get3A_71 : vector<1x16xf32> to vector<16xf32>
          %add3A_73 = arith.addf %add3A_66, %get3A_72 : vector<16xf32>
          %add3A_74 = arith.constant 5 : i32
          %add3A_75 = arith.addi %mul3A_42, %add3A_74 : i32
          %get3A_76 = arith.index_cast %add3A_75 : i32 to index
          %get3A_77 = arith.constant 0 : index
          %get3A_78 = tpu.vector_load %arg6[%get3A_76, %get3A_77] {strides = array<i32>} : memref<128x128xf32, #tpu.memory_space<vmem>>, vector<1x16xf32>,
          %get3A_79 = vector.shape_cast %get3A_78 : vector<1x16xf32> to vector<16xf32>
          %add3A_80 = arith.addf %add3A_73, %get3A_79 : vector<16xf32>
          %add3A_81 = arith.constant 6 : i32
          %add3A_82 = arith.addi %mul3A_42, %add3A_81 : i32
          %get3A_83 = arith.index_cast %add3A_82 : i32 to index
          %get3A_84 = arith.constant 0 : index
          %get3A_85 = tpu.vector_load %arg6[%get3A_83, %get3A_84] {strides = array<i32>} : memref<128x128xf32, #tpu.memory_space<vmem>>, vector<1x16xf32>,
          %get3A_86 = vector.shape_cast %get3A_85 : vector<1x16xf32> to vector<16xf32>
          %add3A_87 = arith.addf %add3A_80, %get3A_86 : vector<16xf32>
          %add3A_88 = arith.constant 7 : i32
          %add3A_89 = arith.addi %mul3A_42, %add3A_88 : i32
          %get3A_90 = arith.index_cast %add3A_89 : i32 to index
          %get3A_91 = arith.constant 0 : index
          %get3A_92 = tpu.vector_load %arg6[%get3A_90, %get3A_91] {strides = array<i32>} : memref<128x128xf32, #tpu.memory_space<vmem>>, vector<1x16xf32>,
          %get3A_93 = vector.shape_cast %get3A_92 : vector<1x16xf32> to vector<16xf32>
          %add3A_94 = arith.addf %add3A_87, %get3A_93 : vector<16xf32>
          %swap3A = arith.index_cast %scan3A_39 : i32 to index
          %swap3A_95 = arith.constant 0 : index
          %swap3A_96 = tpu.vector_load %arg7[%swap3A, %swap3A_95] {strides = array<i32>} : memref<16x128xf32, #tpu.memory_space<vmem>>, vector<1x16xf32>,
          %swap3A_97 = vector.shape_cast %swap3A_96 : vector<1x16xf32> to vector<16xf32>
          %swap3A_98 = vector.shape_cast %add3A_94 : vector<16xf32> to vector<1x16xf32>
          tpu.vector_store %arg7[%swap3A, %swap3A_95], %swap3A_98 {strides = array<i32>} : memref<16x128xf32, #tpu.memory_space<vmem>>, vector<1x16xf32>,
          %get3A_99 = arith.index_cast %mul3A_42 : i32 to index
          %get3A_100 = arith.constant 16 : index
          %get3A_101 = tpu.vector_load %arg6[%get3A_99, %get3A_100] {strides = array<i32>} : memref<128x128xf32, #tpu.memory_space<vmem>>, vector<1x16xf32>,
          %get3A_102 = vector.shape_cast %get3A_101 : vector<1x16xf32> to vector<16xf32>
          %add3A_103 = arith.constant 1 : i32
          %add3A_104 = arith.addi %mul3A_42, %add3A_103 : i32
          %get3A_105 = arith.index_cast %add3A_104 : i32 to index
          %get3A_106 = arith.constant 16 : index
          %get3A_107 = tpu.vector_load %arg6[%get3A_105, %get3A_106] {strides = array<i32>} : memref<128x128xf32, #tpu.memory_space<vmem>>, vector<1x16xf32>,
          %get3A_108 = vector.shape_cast %get3A_107 : vector<1x16xf32> to vector<16xf32>
          %add3A_109 = arith.addf %get3A_102, %get3A_108 : vector<16xf32>
          %add3A_110 = arith.constant 2 : i32
          %add3A_111 = arith.addi %mul3A_42, %add3A_110 : i32
          %get3A_112 = arith.index_cast %add3A_111 : i32 to index
          %get3A_113 = arith.constant 16 : index
          %get3A_114 = tpu.vector_load %arg6[%get3A_112, %get3A_113] {strides = array<i32>} : memref<128x128xf32, #tpu.memory_space<vmem>>, vector<1x16xf32>,
          %get3A_115 = vector.shape_cast %get3A_114 : vector<1x16xf32> to vector<16xf32>
          %add3A_116 = arith.addf %add3A_109, %get3A_115 : vector<16xf32>
          %add3A_117 = arith.constant 3 : i32
          %add3A_118 = arith.addi %mul3A_42, %add3A_117 : i32
          %get3A_119 = arith.index_cast %add3A_118 : i32 to index
          %get3A_120 = arith.constant 16 : index
          %get3A_121 = tpu.vector_load %arg6[%get3A_119, %get3A_120] {strides = array<i32>} : memref<128x128xf32, #tpu.memory_space<vmem>>, vector<1x16xf32>,
          %get3A_122 = vector.shape_cast %get3A_121 : vector<1x16xf32> to vector<16xf32>
          %add3A_123 = arith.addf %add3A_116, %get3A_122 : vector<16xf32>
          %add3A_124 = arith.constant 4 : i32
          %add3A_125 = arith.addi %mul3A_42, %add3A_124 : i32
          %get3A_126 = arith.index_cast %add3A_125 : i32 to index
          %get3A_127 = arith.constant 16 : index
          %get3A_128 = tpu.vector_load %arg6[%get3A_126, %get3A_127] {strides = array<i32>} : memref<128x128xf32, #tpu.memory_space<vmem>>, vector<1x16xf32>,
          %get3A_129 = vector.shape_cast %get3A_128 : vector<1x16xf32> to vector<16xf32>
          %add3A_130 = arith.addf %add3A_123, %get3A_129 : vector<16xf32>
          %add3A_131 = arith.constant 5 : i32
          %add3A_132 = arith.addi %mul3A_42, %add3A_131 : i32
          %get3A_133 = arith.index_cast %add3A_132 : i32 to index
          %get3A_134 = arith.constant 16 : index
          %get3A_135 = tpu.vector_load %arg6[%get3A_133, %get3A_134] {strides = array<i32>} : memref<128x128xf32, #tpu.memory_space<vmem>>, vector<1x16xf32>,
          %get3A_136 = vector.shape_cast %get3A_135 : vector<1x16xf32> to vector<16xf32>
          %add3A_137 = arith.addf %add3A_130, %get3A_136 : vector<16xf32>
          %add3A_138 = arith.constant 6 : i32
          %add3A_139 = arith.addi %mul3A_42, %add3A_138 : i32
          %get3A_140 = arith.index_cast %add3A_139 : i32 to index
          %get3A_141 = arith.constant 16 : index
          %get3A_142 = tpu.vector_load %arg6[%get3A_140, %get3A_141] {strides = array<i32>} : memref<128x128xf32, #tpu.memory_space<vmem>>, vector<1x16xf32>,
          %get3A_143 = vector.shape_cast %get3A_142 : vector<1x16xf32> to vector<16xf32>
          %add3A_144 = arith.addf %add3A_137, %get3A_143 : vector<16xf32>
          %add3A_145 = arith.constant 7 : i32
          %add3A_146 = arith.addi %mul3A_42, %add3A_145 : i32
          %get3A_147 = arith.index_cast %add3A_146 : i32 to index
          %get3A_148 = arith.constant 16 : index
          %get3A_149 = tpu.vector_load %arg6[%get3A_147, %get3A_148] {strides = array<i32>} : memref<128x128xf32, #tpu.memory_space<vmem>>, vector<1x16xf32>,
          %get3A_150 = vector.shape_cast %get3A_149 : vector<1x16xf32> to vector<16xf32>
          %add3A_151 = arith.addf %add3A_144, %get3A_150 : vector<16xf32>
          %swap3A_152 = arith.index_cast %scan3A_39 : i32 to index
          %swap3A_153 = arith.constant 16 : index
          %swap3A_154 = tpu.vector_load %arg7[%swap3A_152, %swap3A_153] {strides = array<i32>} : memref<16x128xf32, #tpu.memory_space<vmem>>, vector<1x16xf32>,
          %swap3A_155 = vector.shape_cast %swap3A_154 : vector<1x16xf32> to vector<16xf32>
          %swap3A_156 = vector.shape_cast %add3A_151 : vector<16xf32> to vector<1x16xf32>
          tpu.vector_store %arg7[%swap3A_152, %swap3A_153], %swap3A_156 {strides = array<i32>} : memref<16x128xf32, #tpu.memory_space<vmem>>, vector<1x16xf32>,
          %get3A_157 = arith.index_cast %mul3A_42 : i32 to index
          %get3A_158 = arith.constant 32 : index
          %get3A_159 = tpu.vector_load %arg6[%get3A_157, %get3A_158] {strides = array<i32>} : memref<128x128xf32, #tpu.memory_space<vmem>>, vector<1x16xf32>,
          %get3A_160 = vector.shape_cast %get3A_159 : vector<1x16xf32> to vector<16xf32>
          %add3A_161 = arith.constant 1 : i32
          %add3A_162 = arith.addi %mul3A_42, %add3A_161 : i32
          %get3A_163 = arith.index_cast %add3A_162 : i32 to index
          %get3A_164 = arith.constant 32 : index
          %get3A_165 = tpu.vector_load %arg6[%get3A_163, %get3A_164] {strides = array<i32>} : memref<128x128xf32, #tpu.memory_space<vmem>>, vector<1x16xf32>,
          %get3A_166 = vector.shape_cast %get3A_165 : vector<1x16xf32> to vector<16xf32>
          %add3A_167 = arith.addf %get3A_160, %get3A_166 : vector<16xf32>
          %add3A_168 = arith.constant 2 : i32
          %add3A_169 = arith.addi %mul3A_42, %add3A_168 : i32
          %get3A_170 = arith.index_cast %add3A_169 : i32 to index
          %get3A_171 = arith.constant 32 : index
          %get3A_172 = tpu.vector_load %arg6[%get3A_170, %get3A_171] {strides = array<i32>} : memref<128x128xf32, #tpu.memory_space<vmem>>, vector<1x16xf32>,
          %get3A_173 = vector.shape_cast %get3A_172 : vector<1x16xf32> to vector<16xf32>
          %add3A_174 = arith.addf %add3A_167, %get3A_173 : vector<16xf32>
          %add3A_175 = arith.constant 3 : i32
          %add3A_176 = arith.addi %mul3A_42, %add3A_175 : i32
          %get3A_177 = arith.index_cast %add3A_176 : i32 to index
          %get3A_178 = arith.constant 32 : index
          %get3A_179 = tpu.vector_load %arg6[%get3A_177, %get3A_178] {strides = array<i32>} : memref<128x128xf32, #tpu.memory_space<vmem>>, vector<1x16xf32>,
          %get3A_180 = vector.shape_cast %get3A_179 : vector<1x16xf32> to vector<16xf32>
          %add3A_181 = arith.addf %add3A_174, %get3A_180 : vector<16xf32>
          %add3A_182 = arith.constant 4 : i32
          %add3A_183 = arith.addi %mul3A_42, %add3A_182 : i32
          %get3A_184 = arith.index_cast %add3A_183 : i32 to index
          %get3A_185 = arith.constant 32 : index
          %get3A_186 = tpu.vector_load %arg6[%get3A_184, %get3A_185] {strides = array<i32>} : memref<128x128xf32, #tpu.memory_space<vmem>>, vector<1x16xf32>,
          %get3A_187 = vector.shape_cast %get3A_186 : vector<1x16xf32> to vector<16xf32>
          %add3A_188 = arith.addf %add3A_181, %get3A_187 : vector<16xf32>
          %add3A_189 = arith.constant 5 : i32
          %add3A_190 = arith.addi %mul3A_42, %add3A_189 : i32
          %get3A_191 = arith.index_cast %add3A_190 : i32 to index
          %get3A_192 = arith.constant 32 : index
          %get3A_193 = tpu.vector_load %arg6[%get3A_191, %get3A_192] {strides = array<i32>} : memref<128x128xf32, #tpu.memory_space<vmem>>, vector<1x16xf32>,
          %get3A_194 = vector.shape_cast %get3A_193 : vector<1x16xf32> to vector<16xf32>
          %add3A_195 = arith.addf %add3A_188, %get3A_194 : vector<16xf32>
          %add3A_196 = arith.constant 6 : i32
          %add3A_197 = arith.addi %mul3A_42, %add3A_196 : i32
          %get3A_198 = arith.index_cast %add3A_197 : i32 to index
          %get3A_199 = arith.constant 32 : index
          %get3A_200 = tpu.vector_load %arg6[%get3A_198, %get3A_199] {strides = array<i32>} : memref<128x128xf32, #tpu.memory_space<vmem>>, vector<1x16xf32>,
          %get3A_201 = vector.shape_cast %get3A_200 : vector<1x16xf32> to vector<16xf32>
          %add3A_202 = arith.addf %add3A_195, %get3A_201 : vector<16xf32>
          %add3A_203 = arith.constant 7 : i32
          %add3A_204 = arith.addi %mul3A_42, %add3A_203 : i32
          %get3A_205 = arith.index_cast %add3A_204 : i32 to index
          %get3A_206 = arith.constant 32 : index
          %get3A_207 = tpu.vector_load %arg6[%get3A_205, %get3A_206] {strides = array<i32>} : memref<128x128xf32, #tpu.memory_space<vmem>>, vector<1x16xf32>,
          %get3A_208 = vector.shape_cast %get3A_207 : vector<1x16xf32> to vector<16xf32>
          %add3A_209 = arith.addf %add3A_202, %get3A_208 : vector<16xf32>
          %swap3A_210 = arith.index_cast %scan3A_39 : i32 to index
          %swap3A_211 = arith.constant 32 : index
          %swap3A_212 = tpu.vector_load %arg7[%swap3A_210, %swap3A_211] {strides = array<i32>} : memref<16x128xf32, #tpu.memory_space<vmem>>, vector<1x16xf32>,
          %swap3A_213 = vector.shape_cast %swap3A_212 : vector<1x16xf32> to vector<16xf32>
          %swap3A_214 = vector.shape_cast %add3A_209 : vector<16xf32> to vector<1x16xf32>
          tpu.vector_store %arg7[%swap3A_210, %swap3A_211], %swap3A_214 {strides = array<i32>} : memref<16x128xf32, #tpu.memory_space<vmem>>, vector<1x16xf32>,
          %get3A_215 = arith.index_cast %mul3A_42 : i32 to index
          %get3A_216 = arith.constant 48 : index
          %get3A_217 = tpu.vector_load %arg6[%get3A_215, %get3A_216] {strides = array<i32>} : memref<128x128xf32, #tpu.memory_space<vmem>>, vector<1x16xf32>,
          %get3A_218 = vector.shape_cast %get3A_217 : vector<1x16xf32> to vector<16xf32>
          %add3A_219 = arith.constant 1 : i32
          %add3A_220 = arith.addi %mul3A_42, %add3A_219 : i32
          %get3A_221 = arith.index_cast %add3A_220 : i32 to index
          %get3A_222 = arith.constant 48 : index
          %get3A_223 = tpu.vector_load %arg6[%get3A_221, %get3A_222] {strides = array<i32>} : memref<128x128xf32, #tpu.memory_space<vmem>>, vector<1x16xf32>,
          %get3A_224 = vector.shape_cast %get3A_223 : vector<1x16xf32> to vector<16xf32>
          %add3A_225 = arith.addf %get3A_218, %get3A_224 : vector<16xf32>
          %add3A_226 = arith.constant 2 : i32
          %add3A_227 = arith.addi %mul3A_42, %add3A_226 : i32
          %get3A_228 = arith.index_cast %add3A_227 : i32 to index
          %get3A_229 = arith.constant 48 : index
          %get3A_230 = tpu.vector_load %arg6[%get3A_228, %get3A_229] {strides = array<i32>} : memref<128x128xf32, #tpu.memory_space<vmem>>, vector<1x16xf32>,
          %get3A_231 = vector.shape_cast %get3A_230 : vector<1x16xf32> to vector<16xf32>
          %add3A_232 = arith.addf %add3A_225, %get3A_231 : vector<16xf32>
          %add3A_233 = arith.constant 3 : i32
          %add3A_234 = arith.addi %mul3A_42, %add3A_233 : i32
          %get3A_235 = arith.index_cast %add3A_234 : i32 to index
          %get3A_236 = arith.constant 48 : index
          %get3A_237 = tpu.vector_load %arg6[%get3A_235, %get3A_236] {strides = array<i32>} : memref<128x128xf32, #tpu.memory_space<vmem>>, vector<1x16xf32>,
          %get3A_238 = vector.shape_cast %get3A_237 : vector<1x16xf32> to vector<16xf32>
          %add3A_239 = arith.addf %add3A_232, %get3A_238 : vector<16xf32>
          %add3A_240 = arith.constant 4 : i32
          %add3A_241 = arith.addi %mul3A_42, %add3A_240 : i32
          %get3A_242 = arith.index_cast %add3A_241 : i32 to index
          %get3A_243 = arith.constant 48 : index
          %get3A_244 = tpu.vector_load %arg6[%get3A_242, %get3A_243] {strides = array<i32>} : memref<128x128xf32, #tpu.memory_space<vmem>>, vector<1x16xf32>,
          %get3A_245 = vector.shape_cast %get3A_244 : vector<1x16xf32> to vector<16xf32>
          %add3A_246 = arith.addf %add3A_239, %get3A_245 : vector<16xf32>
          %add3A_247 = arith.constant 5 : i32
          %add3A_248 = arith.addi %mul3A_42, %add3A_247 : i32
          %get3A_249 = arith.index_cast %add3A_248 : i32 to index
          %get3A_250 = arith.constant 48 : index
          %get3A_251 = tpu.vector_load %arg6[%get3A_249, %get3A_250] {strides = array<i32>} : memref<128x128xf32, #tpu.memory_space<vmem>>, vector<1x16xf32>,
          %get3A_252 = vector.shape_cast %get3A_251 : vector<1x16xf32> to vector<16xf32>
          %add3A_253 = arith.addf %add3A_246, %get3A_252 : vector<16xf32>
          %add3A_254 = arith.constant 6 : i32
          %add3A_255 = arith.addi %mul3A_42, %add3A_254 : i32
          %get3A_256 = arith.index_cast %add3A_255 : i32 to index
          %get3A_257 = arith.constant 48 : index
          %get3A_258 = tpu.vector_load %arg6[%get3A_256, %get3A_257] {strides = array<i32>} : memref<128x128xf32, #tpu.memory_space<vmem>>, vector<1x16xf32>,
          %get3A_259 = vector.shape_cast %get3A_258 : vector<1x16xf32> to vector<16xf32>
          %add3A_260 = arith.addf %add3A_253, %get3A_259 : vector<16xf32>
          %add3A_261 = arith.constant 7 : i32
          %add3A_262 = arith.addi %mul3A_42, %add3A_261 : i32
          %get3A_263 = arith.index_cast %add3A_262 : i32 to index
          %get3A_264 = arith.constant 48 : index
          %get3A_265 = tpu.vector_load %arg6[%get3A_263, %get3A_264] {strides = array<i32>} : memref<128x128xf32, #tpu.memory_space<vmem>>, vector<1x16xf32>,
          %get3A_266 = vector.shape_cast %get3A_265 : vector<1x16xf32> to vector<16xf32>
          %add3A_267 = arith.addf %add3A_260, %get3A_266 : vector<16xf32>
          %swap3A_268 = arith.index_cast %scan3A_39 : i32 to index
          %swap3A_269 = arith.constant 48 : index
          %swap3A_270 = tpu.vector_load %arg7[%swap3A_268, %swap3A_269] {strides = array<i32>} : memref<16x128xf32, #tpu.memory_space<vmem>>, vector<1x16xf32>,
          %swap3A_271 = vector.shape_cast %swap3A_270 : vector<1x16xf32> to vector<16xf32>
          %swap3A_272 = vector.shape_cast %add3A_267 : vector<16xf32> to vector<1x16xf32>
          tpu.vector_store %arg7[%swap3A_268, %swap3A_269], %swap3A_272 {strides = array<i32>} : memref<16x128xf32, #tpu.memory_space<vmem>>, vector<1x16xf32>,
          %get3A_273 = arith.index_cast %mul3A_42 : i32 to index
          %get3A_274 = arith.constant 64 : index
          %get3A_275 = tpu.vector_load %arg6[%get3A_273, %get3A_274] {strides = array<i32>} : memref<128x128xf32, #tpu.memory_space<vmem>>, vector<1x16xf32>,
          %get3A_276 = vector.shape_cast %get3A_275 : vector<1x16xf32> to vector<16xf32>
          %add3A_277 = arith.constant 1 : i32
          %add3A_278 = arith.addi %mul3A_42, %add3A_277 : i32
          %get3A_279 = arith.index_cast %add3A_278 : i32 to index
          %get3A_280 = arith.constant 64 : index
          %get3A_281 = tpu.vector_load %arg6[%get3A_279, %get3A_280] {strides = array<i32>} : memref<128x128xf32, #tpu.memory_space<vmem>>, vector<1x16xf32>,
          %get3A_282 = vector.shape_cast %get3A_281 : vector<1x16xf32> to vector<16xf32>
          %add3A_283 = arith.addf %get3A_276, %get3A_282 : vector<16xf32>
          %add3A_284 = arith.constant 2 : i32
          %add3A_285 = arith.addi %mul3A_42, %add3A_284 : i32
          %get3A_286 = arith.index_cast %add3A_285 : i32 to index
          %get3A_287 = arith.constant 64 : index
          %get3A_288 = tpu.vector_load %arg6[%get3A_286, %get3A_287] {strides = array<i32>} : memref<128x128xf32, #tpu.memory_space<vmem>>, vector<1x16xf32>,
          %get3A_289 = vector.shape_cast %get3A_288 : vector<1x16xf32> to vector<16xf32>
          %add3A_290 = arith.addf %add3A_283, %get3A_289 : vector<16xf32>
          %add3A_291 = arith.constant 3 : i32
          %add3A_292 = arith.addi %mul3A_42, %add3A_291 : i32
          %get3A_293 = arith.index_cast %add3A_292 : i32 to index
          %get3A_294 = arith.constant 64 : index
          %get3A_295 = tpu.vector_load %arg6[%get3A_293, %get3A_294] {strides = array<i32>} : memref<128x128xf32, #tpu.memory_space<vmem>>, vector<1x16xf32>,
          %get3A_296 = vector.shape_cast %get3A_295 : vector<1x16xf32> to vector<16xf32>
          %add3A_297 = arith.addf %add3A_290, %get3A_296 : vector<16xf32>
          %add3A_298 = arith.constant 4 : i32
          %add3A_299 = arith.addi %mul3A_42, %add3A_298 : i32
          %get3A_300 = arith.index_cast %add3A_299 : i32 to index
          %get3A_301 = arith.constant 64 : index
          %get3A_302 = tpu.vector_load %arg6[%get3A_300, %get3A_301] {strides = array<i32>} : memref<128x128xf32, #tpu.memory_space<vmem>>, vector<1x16xf32>,
          %get3A_303 = vector.shape_cast %get3A_302 : vector<1x16xf32> to vector<16xf32>
          %add3A_304 = arith.addf %add3A_297, %get3A_303 : vector<16xf32>
          %add3A_305 = arith.constant 5 : i32
          %add3A_306 = arith.addi %mul3A_42, %add3A_305 : i32
          %get3A_307 = arith.index_cast %add3A_306 : i32 to index
          %get3A_308 = arith.constant 64 : index
          %get3A_309 = tpu.vector_load %arg6[%get3A_307, %get3A_308] {strides = array<i32>} : memref<128x128xf32, #tpu.memory_space<vmem>>, vector<1x16xf32>,
          %get3A_310 = vector.shape_cast %get3A_309 : vector<1x16xf32> to vector<16xf32>
          %add3A_311 = arith.addf %add3A_304, %get3A_310 : vector<16xf32>
          %add3A_312 = arith.constant 6 : i32
          %add3A_313 = arith.addi %mul3A_42, %add3A_312 : i32
          %get3A_314 = arith.index_cast %add3A_313 : i32 to index
          %get3A_315 = arith.constant 64 : index
          %get3A_316 = tpu.vector_load %arg6[%get3A_314, %get3A_315] {strides = array<i32>} : memref<128x128xf32, #tpu.memory_space<vmem>>, vector<1x16xf32>,
          %get3A_317 = vector.shape_cast %get3A_316 : vector<1x16xf32> to vector<16xf32>
          %add3A_318 = arith.addf %add3A_311, %get3A_317 : vector<16xf32>
          %add3A_319 = arith.constant 7 : i32
          %add3A_320 = arith.addi %mul3A_42, %add3A_319 : i32
          %get3A_321 = arith.index_cast %add3A_320 : i32 to index
          %get3A_322 = arith.constant 64 : index
          %get3A_323 = tpu.vector_load %arg6[%get3A_321, %get3A_322] {strides = array<i32>} : memref<128x128xf32, #tpu.memory_space<vmem>>, vector<1x16xf32>,
          %get3A_324 = vector.shape_cast %get3A_323 : vector<1x16xf32> to vector<16xf32>
          %add3A_325 = arith.addf %add3A_318, %get3A_324 : vector<16xf32>
          %swap3A_326 = arith.index_cast %scan3A_39 : i32 to index
          %swap3A_327 = arith.constant 64 : index
          %swap3A_328 = tpu.vector_load %arg7[%swap3A_326, %swap3A_327] {strides = array<i32>} : memref<16x128xf32, #tpu.memory_space<vmem>>, vector<1x16xf32>,
          %swap3A_329 = vector.shape_cast %swap3A_328 : vector<1x16xf32> to vector<16xf32>
          %swap3A_330 = vector.shape_cast %add3A_325 : vector<16xf32> to vector<1x16xf32>
          tpu.vector_store %arg7[%swap3A_326, %swap3A_327], %swap3A_330 {strides = array<i32>} : memref<16x128xf32, #tpu.memory_space<vmem>>, vector<1x16xf32>,
          %get3A_331 = arith.index_cast %mul3A_42 : i32 to index
          %get3A_332 = arith.constant 80 : index
          %get3A_333 = tpu.vector_load %arg6[%get3A_331, %get3A_332] {strides = array<i32>} : memref<128x128xf32, #tpu.memory_space<vmem>>, vector<1x16xf32>,
          %get3A_334 = vector.shape_cast %get3A_333 : vector<1x16xf32> to vector<16xf32>
          %add3A_335 = arith.constant 1 : i32
          %add3A_336 = arith.addi %mul3A_42, %add3A_335 : i32
          %get3A_337 = arith.index_cast %add3A_336 : i32 to index
          %get3A_338 = arith.constant 80 : index
          %get3A_339 = tpu.vector_load %arg6[%get3A_337, %get3A_338] {strides = array<i32>} : memref<128x128xf32, #tpu.memory_space<vmem>>, vector<1x16xf32>,
          %get3A_340 = vector.shape_cast %get3A_339 : vector<1x16xf32> to vector<16xf32>
          %add3A_341 = arith.addf %get3A_334, %get3A_340 : vector<16xf32>
          %add3A_342 = arith.constant 2 : i32
          %add3A_343 = arith.addi %mul3A_42, %add3A_342 : i32
          %get3A_344 = arith.index_cast %add3A_343 : i32 to index
          %get3A_345 = arith.constant 80 : index
          %get3A_346 = tpu.vector_load %arg6[%get3A_344, %get3A_345] {strides = array<i32>} : memref<128x128xf32, #tpu.memory_space<vmem>>, vector<1x16xf32>,
          %get3A_347 = vector.shape_cast %get3A_346 : vector<1x16xf32> to vector<16xf32>
          %add3A_348 = arith.addf %add3A_341, %get3A_347 : vector<16xf32>
          %add3A_349 = arith.constant 3 : i32
          %add3A_350 = arith.addi %mul3A_42, %add3A_349 : i32
          %get3A_351 = arith.index_cast %add3A_350 : i32 to index
          %get3A_352 = arith.constant 80 : index
          %get3A_353 = tpu.vector_load %arg6[%get3A_351, %get3A_352] {strides = array<i32>} : memref<128x128xf32, #tpu.memory_space<vmem>>, vector<1x16xf32>,
          %get3A_354 = vector.shape_cast %get3A_353 : vector<1x16xf32> to vector<16xf32>
          %add3A_355 = arith.addf %add3A_348, %get3A_354 : vector<16xf32>
          %add3A_356 = arith.constant 4 : i32
          %add3A_357 = arith.addi %mul3A_42, %add3A_356 : i32
          %get3A_358 = arith.index_cast %add3A_357 : i32 to index
          %get3A_359 = arith.constant 80 : index
          %get3A_360 = tpu.vector_load %arg6[%get3A_358, %get3A_359] {strides = array<i32>} : memref<128x128xf32, #tpu.memory_space<vmem>>, vector<1x16xf32>,
          %get3A_361 = vector.shape_cast %get3A_360 : vector<1x16xf32> to vector<16xf32>
          %add3A_362 = arith.addf %add3A_355, %get3A_361 : vector<16xf32>
          %add3A_363 = arith.constant 5 : i32
          %add3A_364 = arith.addi %mul3A_42, %add3A_363 : i32
          %get3A_365 = arith.index_cast %add3A_364 : i32 to index
          %get3A_366 = arith.constant 80 : index
          %get3A_367 = tpu.vector_load %arg6[%get3A_365, %get3A_366] {strides = array<i32>} : memref<128x128xf32, #tpu.memory_space<vmem>>, vector<1x16xf32>,
          %get3A_368 = vector.shape_cast %get3A_367 : vector<1x16xf32> to vector<16xf32>
          %add3A_369 = arith.addf %add3A_362, %get3A_368 : vector<16xf32>
          %add3A_370 = arith.constant 6 : i32
          %add3A_371 = arith.addi %mul3A_42, %add3A_370 : i32
          %get3A_372 = arith.index_cast %add3A_371 : i32 to index
          %get3A_373 = arith.constant 80 : index
          %get3A_374 = tpu.vector_load %arg6[%get3A_372, %get3A_373] {strides = array<i32>} : memref<128x128xf32, #tpu.memory_space<vmem>>, vector<1x16xf32>,
          %get3A_375 = vector.shape_cast %get3A_374 : vector<1x16xf32> to vector<16xf32>
          %add3A_376 = arith.addf %add3A_369, %get3A_375 : vector<16xf32>
          %add3A_377 = arith.constant 7 : i32
          %add3A_378 = arith.addi %mul3A_42, %add3A_377 : i32
          %get3A_379 = arith.index_cast %add3A_378 : i32 to index
          %get3A_380 = arith.constant 80 : index
          %get3A_381 = tpu.vector_load %arg6[%get3A_379, %get3A_380] {strides = array<i32>} : memref<128x128xf32, #tpu.memory_space<vmem>>, vector<1x16xf32>,
          %get3A_382 = vector.shape_cast %get3A_381 : vector<1x16xf32> to vector<16xf32>
          %add3A_383 = arith.addf %add3A_376, %get3A_382 : vector<16xf32>
          %swap3A_384 = arith.index_cast %scan3A_39 : i32 to index
          %swap3A_385 = arith.constant 80 : index
          %swap3A_386 = tpu.vector_load %arg7[%swap3A_384, %swap3A_385] {strides = array<i32>} : memref<16x128xf32, #tpu.memory_space<vmem>>, vector<1x16xf32>,
          %swap3A_387 = vector.shape_cast %swap3A_386 : vector<1x16xf32> to vector<16xf32>
          %swap3A_388 = vector.shape_cast %add3A_383 : vector<16xf32> to vector<1x16xf32>
          tpu.vector_store %arg7[%swap3A_384, %swap3A_385], %swap3A_388 {strides = array<i32>} : memref<16x128xf32, #tpu.memory_space<vmem>>, vector<1x16xf32>,
          %get3A_389 = arith.index_cast %mul3A_42 : i32 to index
          %get3A_390 = arith.constant 96 : index
          %get3A_391 = tpu.vector_load %arg6[%get3A_389, %get3A_390] {strides = array<i32>} : memref<128x128xf32, #tpu.memory_space<vmem>>, vector<1x16xf32>,
          %get3A_392 = vector.shape_cast %get3A_391 : vector<1x16xf32> to vector<16xf32>
          %add3A_393 = arith.constant 1 : i32
          %add3A_394 = arith.addi %mul3A_42, %add3A_393 : i32
          %get3A_395 = arith.index_cast %add3A_394 : i32 to index
          %get3A_396 = arith.constant 96 : index
          %get3A_397 = tpu.vector_load %arg6[%get3A_395, %get3A_396] {strides = array<i32>} : memref<128x128xf32, #tpu.memory_space<vmem>>, vector<1x16xf32>,
          %get3A_398 = vector.shape_cast %get3A_397 : vector<1x16xf32> to vector<16xf32>
          %add3A_399 = arith.addf %get3A_392, %get3A_398 : vector<16xf32>
          %add3A_400 = arith.constant 2 : i32
          %add3A_401 = arith.addi %mul3A_42, %add3A_400 : i32
          %get3A_402 = arith.index_cast %add3A_401 : i32 to index
          %get3A_403 = arith.constant 96 : index
          %get3A_404 = tpu.vector_load %arg6[%get3A_402, %get3A_403] {strides = array<i32>} : memref<128x128xf32, #tpu.memory_space<vmem>>, vector<1x16xf32>,
          %get3A_405 = vector.shape_cast %get3A_404 : vector<1x16xf32> to vector<16xf32>
          %add3A_406 = arith.addf %add3A_399, %get3A_405 : vector<16xf32>
          %add3A_407 = arith.constant 3 : i32
          %add3A_408 = arith.addi %mul3A_42, %add3A_407 : i32
          %get3A_409 = arith.index_cast %add3A_408 : i32 to index
          %get3A_410 = arith.constant 96 : index
          %get3A_411 = tpu.vector_load %arg6[%get3A_409, %get3A_410] {strides = array<i32>} : memref<128x128xf32, #tpu.memory_space<vmem>>, vector<1x16xf32>,
          %get3A_412 = vector.shape_cast %get3A_411 : vector<1x16xf32> to vector<16xf32>
          %add3A_413 = arith.addf %add3A_406, %get3A_412 : vector<16xf32>
          %add3A_414 = arith.constant 4 : i32
          %add3A_415 = arith.addi %mul3A_42, %add3A_414 : i32
          %get3A_416 = arith.index_cast %add3A_415 : i32 to index
          %get3A_417 = arith.constant 96 : index
          %get3A_418 = tpu.vector_load %arg6[%get3A_416, %get3A_417] {strides = array<i32>} : memref<128x128xf32, #tpu.memory_space<vmem>>, vector<1x16xf32>,
          %get3A_419 = vector.shape_cast %get3A_418 : vector<1x16xf32> to vector<16xf32>
          %add3A_420 = arith.addf %add3A_413, %get3A_419 : vector<16xf32>
          %add3A_421 = arith.constant 5 : i32
          %add3A_422 = arith.addi %mul3A_42, %add3A_421 : i32
          %get3A_423 = arith.index_cast %add3A_422 : i32 to index
          %get3A_424 = arith.constant 96 : index
          %get3A_425 = tpu.vector_load %arg6[%get3A_423, %get3A_424] {strides = array<i32>} : memref<128x128xf32, #tpu.memory_space<vmem>>, vector<1x16xf32>,
          %get3A_426 = vector.shape_cast %get3A_425 : vector<1x16xf32> to vector<16xf32>
          %add3A_427 = arith.addf %add3A_420, %get3A_426 : vector<16xf32>
          %add3A_428 = arith.constant 6 : i32
          %add3A_429 = arith.addi %mul3A_42, %add3A_428 : i32
          %get3A_430 = arith.index_cast %add3A_429 : i32 to index
          %get3A_431 = arith.constant 96 : index
          %get3A_432 = tpu.vector_load %arg6[%get3A_430, %get3A_431] {strides = array<i32>} : memref<128x128xf32, #tpu.memory_space<vmem>>, vector<1x16xf32>,
          %get3A_433 = vector.shape_cast %get3A_432 : vector<1x16xf32> to vector<16xf32>
          %add3A_434 = arith.addf %add3A_427, %get3A_433 : vector<16xf32>
          %add3A_435 = arith.constant 7 : i32
          %add3A_436 = arith.addi %mul3A_42, %add3A_435 : i32
          %get3A_437 = arith.index_cast %add3A_436 : i32 to index
          %get3A_438 = arith.constant 96 : index
          %get3A_439 = tpu.vector_load %arg6[%get3A_437, %get3A_438] {strides = array<i32>} : memref<128x128xf32, #tpu.memory_space<vmem>>, vector<1x16xf32>,
          %get3A_440 = vector.shape_cast %get3A_439 : vector<1x16xf32> to vector<16xf32>
          %add3A_441 = arith.addf %add3A_434, %get3A_440 : vector<16xf32>
          %swap3A_442 = arith.index_cast %scan3A_39 : i32 to index
          %swap3A_443 = arith.constant 96 : index
          %swap3A_444 = tpu.vector_load %arg7[%swap3A_442, %swap3A_443] {strides = array<i32>} : memref<16x128xf32, #tpu.memory_space<vmem>>, vector<1x16xf32>,
          %swap3A_445 = vector.shape_cast %swap3A_444 : vector<1x16xf32> to vector<16xf32>
          %swap3A_446 = vector.shape_cast %add3A_441 : vector<16xf32> to vector<1x16xf32>
          tpu.vector_store %arg7[%swap3A_442, %swap3A_443], %swap3A_446 {strides = array<i32>} : memref<16x128xf32, #tpu.memory_space<vmem>>, vector<1x16xf32>,
          %get3A_447 = arith.index_cast %mul3A_42 : i32 to index
          %get3A_448 = arith.constant 112 : index
          %get3A_449 = tpu.vector_load %arg6[%get3A_447, %get3A_448] {strides = array<i32>} : memref<128x128xf32, #tpu.memory_space<vmem>>, vector<1x16xf32>,
          %get3A_450 = vector.shape_cast %get3A_449 : vector<1x16xf32> to vector<16xf32>
          %add3A_451 = arith.constant 1 : i32
          %add3A_452 = arith.addi %mul3A_42, %add3A_451 : i32
          %get3A_453 = arith.index_cast %add3A_452 : i32 to index
          %get3A_454 = arith.constant 112 : index
          %get3A_455 = tpu.vector_load %arg6[%get3A_453, %get3A_454] {strides = array<i32>} : memref<128x128xf32, #tpu.memory_space<vmem>>, vector<1x16xf32>,
          %get3A_456 = vector.shape_cast %get3A_455 : vector<1x16xf32> to vector<16xf32>
          %add3A_457 = arith.addf %get3A_450, %get3A_456 : vector<16xf32>
          %add3A_458 = arith.constant 2 : i32
          %add3A_459 = arith.addi %mul3A_42, %add3A_458 : i32
          %get3A_460 = arith.index_cast %add3A_459 : i32 to index
          %get3A_461 = arith.constant 112 : index
          %get3A_462 = tpu.vector_load %arg6[%get3A_460, %get3A_461] {strides = array<i32>} : memref<128x128xf32, #tpu.memory_space<vmem>>, vector<1x16xf32>,
          %get3A_463 = vector.shape_cast %get3A_462 : vector<1x16xf32> to vector<16xf32>
          %add3A_464 = arith.addf %add3A_457, %get3A_463 : vector<16xf32>
          %add3A_465 = arith.constant 3 : i32
          %add3A_466 = arith.addi %mul3A_42, %add3A_465 : i32
          %get3A_467 = arith.index_cast %add3A_466 : i32 to index
          %get3A_468 = arith.constant 112 : index
          %get3A_469 = tpu.vector_load %arg6[%get3A_467, %get3A_468] {strides = array<i32>} : memref<128x128xf32, #tpu.memory_space<vmem>>, vector<1x16xf32>,
          %get3A_470 = vector.shape_cast %get3A_469 : vector<1x16xf32> to vector<16xf32>
          %add3A_471 = arith.addf %add3A_464, %get3A_470 : vector<16xf32>
          %add3A_472 = arith.constant 4 : i32
          %add3A_473 = arith.addi %mul3A_42, %add3A_472 : i32
          %get3A_474 = arith.index_cast %add3A_473 : i32 to index
          %get3A_475 = arith.constant 112 : index
          %get3A_476 = tpu.vector_load %arg6[%get3A_474, %get3A_475] {strides = array<i32>} : memref<128x128xf32, #tpu.memory_space<vmem>>, vector<1x16xf32>,
          %get3A_477 = vector.shape_cast %get3A_476 : vector<1x16xf32> to vector<16xf32>
          %add3A_478 = arith.addf %add3A_471, %get3A_477 : vector<16xf32>
          %add3A_479 = arith.constant 5 : i32
          %add3A_480 = arith.addi %mul3A_42, %add3A_479 : i32
          %get3A_481 = arith.index_cast %add3A_480 : i32 to index
          %get3A_482 = arith.constant 112 : index
          %get3A_483 = tpu.vector_load %arg6[%get3A_481, %get3A_482] {strides = array<i32>} : memref<128x128xf32, #tpu.memory_space<vmem>>, vector<1x16xf32>,
          %get3A_484 = vector.shape_cast %get3A_483 : vector<1x16xf32> to vector<16xf32>
          %add3A_485 = arith.addf %add3A_478, %get3A_484 : vector<16xf32>
          %add3A_486 = arith.constant 6 : i32
          %add3A_487 = arith.addi %mul3A_42, %add3A_486 : i32
          %get3A_488 = arith.index_cast %add3A_487 : i32 to index
          %get3A_489 = arith.constant 112 : index
          %get3A_490 = tpu.vector_load %arg6[%get3A_488, %get3A_489] {strides = array<i32>} : memref<128x128xf32, #tpu.memory_space<vmem>>, vector<1x16xf32>,
          %get3A_491 = vector.shape_cast %get3A_490 : vector<1x16xf32> to vector<16xf32>
          %add3A_492 = arith.addf %add3A_485, %get3A_491 : vector<16xf32>
          %add3A_493 = arith.constant 7 : i32
          %add3A_494 = arith.addi %mul3A_42, %add3A_493 : i32
          %get3A_495 = arith.index_cast %add3A_494 : i32 to index
          %get3A_496 = arith.constant 112 : index
          %get3A_497 = tpu.vector_load %arg6[%get3A_495, %get3A_496] {strides = array<i32>} : memref<128x128xf32, #tpu.memory_space<vmem>>, vector<1x16xf32>,
          %get3A_498 = vector.shape_cast %get3A_497 : vector<1x16xf32> to vector<16xf32>
          %add3A_499 = arith.addf %add3A_492, %get3A_498 : vector<16xf32>
          %swap3A_500 = arith.index_cast %scan3A_39 : i32 to index
          %swap3A_501 = arith.constant 112 : index
          %swap3A_502 = tpu.vector_load %arg7[%swap3A_500, %swap3A_501] {strides = array<i32>} : memref<16x128xf32, #tpu.memory_space<vmem>>, vector<1x16xf32>,
          %swap3A_503 = vector.shape_cast %swap3A_502 : vector<1x16xf32> to vector<16xf32>
          %swap3A_504 = vector.shape_cast %add3A_499 : vector<16xf32> to vector<1x16xf32>
          tpu.vector_store %arg7[%swap3A_500, %swap3A_501], %swap3A_504 {strides = array<i32>} : memref<16x128xf32, #tpu.memory_space<vmem>>, vector<1x16xf32>,
          %scan3A_505 = arith.constant 0 : i32
          scf.yield %scan3A_505 : i32
        }
        %scan3A_35 = arith.constant 16 : i32
        %mul3A_36 = arith.constant 16 : i32
        %mul3A_37 = arith.muli %add3A_11, %mul3A_36 : i32
        %multiple_of3A_38 = tpu.assume_multiple %mul3A_37, 16 : i32
        "tpu.region"() ({
          %run_scoped3A_39 = tpu.sem_alloc : memref<!tpu.dma_semaphore, #tpu.memory_space<semaphore_mem>>
          %dma_start3A_40 = arith.constant 0 : i32
          %dma_start3A_41 = tpu.memref_slice %arg4[%multiple_of3A_38, %dma_start3A_40] : memref<10000x128xf32, #tpu.memory_space<hbm>> -> memref<16x128xf32, #tpu.memory_space<hbm>>
          %dma_start3A_42 = arith.constant 0 : i32
          %dma_start3A_43 = tpu.memref_slice %arg4[%multiple_of3A_38, %dma_start3A_42] : memref<10000x128xf32, #tpu.memory_space<hbm>> -> memref<16x128xf32, #tpu.memory_space<hbm>>
          tpu.enqueue_dma source(%arg7 : memref<16x128xf32, #tpu.memory_space<vmem>>) target(%dma_start3A_43 : memref<16x128xf32, #tpu.memory_space<hbm>>) target_semaphore(%run_scoped3A_39 : memref<!tpu.dma_semaphore, #tpu.memory_space<semaphore_mem>>)
          %dma_wait3A_44 = arith.constant 0 : i32
          %dma_wait3A_45 = tpu.memref_slice %arg4[%multiple_of3A_38, %dma_wait3A_44] : memref<10000x128xf32, #tpu.memory_space<hbm>> -> memref<16x128xf32, #tpu.memory_space<hbm>>
          %dma_wait3A_46 = arith.constant 0 : i32
          %dma_wait3A_47 = tpu.memref_slice %arg4[%multiple_of3A_38, %dma_wait3A_46] : memref<10000x128xf32, #tpu.memory_space<hbm>> -> memref<16x128xf32, #tpu.memory_space<hbm>>
          tpu.wait_dma2 semaphore(%run_scoped3A_39 : memref<!tpu.dma_semaphore, #tpu.memory_space<semaphore_mem>>) src(%arg7 : memref<16x128xf32, #tpu.memory_space<vmem>>) dst(%dma_wait3A_47 : memref<16x128xf32, #tpu.memory_space<hbm>>)
          tpu.yield
        }) : () -> ()
      } else {
      }
      %scan3A_14 = arith.constant 0 : i32
      scf.yield %scan3A_14 : i32
    }
    %scan3A_6 = arith.constant 20 : i32
    return
  }
}

module attributes {stable_mosaic.version = 14 : i64} {
  func.func @_mm3_body(%arg0: i32, %arg1: memref<400x128xf32, #tpu.memory_space<vmem>>, %arg2: memref<128x128xf32, #tpu.memory_space<vmem>>, %arg3: memref<128x128xf32, #tpu.memory_space<vmem>>, %arg4: memref<128x128xf32, #tpu.memory_space<vmem>>, %arg5: memref<1x128xf32, #tpu.memory_space<vmem>>, %arg6: memref<400x128xf32, #tpu.memory_space<vmem>>, %arg7: memref<400x128xf32, #tpu.memory_space<vmem>>, %arg8: memref<400x128xf32, #tpu.memory_space<vmem>>) attributes {dimension_semantics = [#tpu.dimension_semantics<arbitrary>], iteration_bounds = array<i64: 25>, scalar_prefetch = 0 : i64, scratch_operands = 0 : i64, tpu.core_type = #tpu.core_type<tc>, window_params = [{transform_indices = @transform_0, window_bounds = array<i64: 400, 128>}, {pipeline_mode = #tpu.pipeline_mode<synchronous>, transform_indices = @transform_1, window_bounds = array<i64: 128, 128>}, {pipeline_mode = #tpu.pipeline_mode<synchronous>, transform_indices = @transform_2, window_bounds = array<i64: 128, 128>}, {pipeline_mode = #tpu.pipeline_mode<synchronous>, transform_indices = @transform_3, window_bounds = array<i64: 128, 128>}, {pipeline_mode = #tpu.pipeline_mode<synchronous>, transform_indices = @transform_4, window_bounds = array<i64: 1, 128>}, {transform_indices = @transform_5, window_bounds = array<i64: 400, 128>}, {transform_indices = @transform_6, window_bounds = array<i64: 400, 128>}, {transform_indices = @transform_7, window_bounds = array<i64: 400, 128>}]} {
    %get3A = arith.constant 0 : index
    %get3A_0 = arith.constant 0 : index
    %get3A_1 = vector.load %arg1[%get3A, %get3A_0] : memref<400x128xf32, #tpu.memory_space<vmem>>, vector<400x128xf32>
    %get3A_2 = arith.constant 0 : index
    %get3A_3 = arith.constant 0 : index
    %get3A_4 = vector.load %arg2[%get3A_2, %get3A_3] : memref<128x128xf32, #tpu.memory_space<vmem>>, vector<128x128xf32>
    %dot_general3A = arith.constant dense<0.000000e+00> : vector<400x128xf32>
    %dot_general3A_5 = tpu.matmul %get3A_1, %get3A_4, %dot_general3A {dimension_numbers = #tpu.dot_dimension_numbers<[1], [0], [0], [1], [0, 0, 1, 1], [], []>, transpose_lhs_hint = false} : vector<400x128xf32>, vector<128x128xf32>, vector<400x128xf32> -> vector<400x128xf32>
    %swap3A = arith.constant 0 : index
    %swap3A_6 = arith.constant 0 : index
    %swap3A_7 = vector.load %arg6[%swap3A, %swap3A_6] : memref<400x128xf32, #tpu.memory_space<vmem>>, vector<400x128xf32>
    tpu.vector_store %arg6[%swap3A, %swap3A_6], %dot_general3A_5 {strides = array<i32>} : memref<400x128xf32, #tpu.memory_space<vmem>>, vector<400x128xf32>,
    %get3A_8 = arith.constant 0 : index
    %get3A_9 = arith.constant 0 : index
    %get3A_10 = vector.load %arg3[%get3A_8, %get3A_9] : memref<128x128xf32, #tpu.memory_space<vmem>>, vector<128x128xf32>
    %mul3A = arith.constant 1.250000e-01 : f32
    %mul3A_11 = vector.broadcast %mul3A : f32 to vector<128x128xf32>
    %mul3A_12 = arith.mulf %get3A_10, %mul3A_11 : vector<128x128xf32>
    %dot_general3A_13 = arith.constant dense<0.000000e+00> : vector<400x128xf32>
    %dot_general3A_14 = tpu.matmul %get3A_1, %mul3A_12, %dot_general3A_13 {dimension_numbers = #tpu.dot_dimension_numbers<[1], [0], [0], [1], [0, 0, 1, 1], [], []>, transpose_lhs_hint = false} : vector<400x128xf32>, vector<128x128xf32>, vector<400x128xf32> -> vector<400x128xf32>
    %swap3A_15 = arith.constant 0 : index
    %swap3A_16 = arith.constant 0 : index
    %swap3A_17 = vector.load %arg7[%swap3A_15, %swap3A_16] : memref<400x128xf32, #tpu.memory_space<vmem>>, vector<400x128xf32>
    tpu.vector_store %arg7[%swap3A_15, %swap3A_16], %dot_general3A_14 {strides = array<i32>} : memref<400x128xf32, #tpu.memory_space<vmem>>, vector<400x128xf32>,
    %get3A_18 = arith.constant 0 : index
    %get3A_19 = arith.constant 0 : index
    %get3A_20 = vector.load %arg4[%get3A_18, %get3A_19] : memref<128x128xf32, #tpu.memory_space<vmem>>, vector<128x128xf32>
    %dot_general3A_21 = arith.constant dense<0.000000e+00> : vector<400x128xf32>
    %dot_general3A_22 = tpu.matmul %get3A_1, %get3A_20, %dot_general3A_21 {dimension_numbers = #tpu.dot_dimension_numbers<[1], [0], [0], [1], [0, 0, 1, 1], [], []>, transpose_lhs_hint = false} : vector<400x128xf32>, vector<128x128xf32>, vector<400x128xf32> -> vector<400x128xf32>
    %get3A_23 = arith.constant 0 : index
    %get3A_24 = arith.constant 0 : index
    %get3A_25 = vector.load %arg5[%get3A_23, %get3A_24] : memref<1x128xf32, #tpu.memory_space<vmem>>, vector<1x128xf32>
    %add3A = vector.broadcast %get3A_25 : vector<1x128xf32> to vector<400x128xf32>
    %add3A_26 = arith.addf %dot_general3A_22, %add3A : vector<400x128xf32>
    %swap3A_27 = arith.constant 0 : index
    %swap3A_28 = arith.constant 0 : index
    %swap3A_29 = vector.load %arg8[%swap3A_27, %swap3A_28] : memref<400x128xf32, #tpu.memory_space<vmem>>, vector<400x128xf32>
    tpu.vector_store %arg8[%swap3A_27, %swap3A_28], %add3A_26 {strides = array<i32>} : memref<400x128xf32, #tpu.memory_space<vmem>>, vector<400x128xf32>,
    return
  }
  func.func @transform_0(%arg0: i32) -> (i32, i32) {
    %c0_i32 = arith.constant 0 : i32
    %c0_i32_0 = arith.constant 0 : i32
    return %arg0, %c0_i32 : i32, i32
  }
  func.func @transform_1(%arg0: i32) -> (i32, i32) {
    %c0_i32 = arith.constant 0 : i32
    %c0_i32_0 = arith.constant 0 : i32
    %c0_i32_1 = arith.constant 0 : i32
    return %c0_i32, %c0_i32_0 : i32, i32
  }
  func.func @transform_2(%arg0: i32) -> (i32, i32) {
    %c0_i32 = arith.constant 0 : i32
    %c0_i32_0 = arith.constant 0 : i32
    %c0_i32_1 = arith.constant 0 : i32
    return %c0_i32, %c0_i32_0 : i32, i32
  }
  func.func @transform_3(%arg0: i32) -> (i32, i32) {
    %c0_i32 = arith.constant 0 : i32
    %c0_i32_0 = arith.constant 0 : i32
    %c0_i32_1 = arith.constant 0 : i32
    return %c0_i32, %c0_i32_0 : i32, i32
  }
  func.func @transform_4(%arg0: i32) -> (i32, i32) {
    %c0_i32 = arith.constant 0 : i32
    %c0_i32_0 = arith.constant 0 : i32
    %c0_i32_1 = arith.constant 0 : i32
    return %c0_i32, %c0_i32_0 : i32, i32
  }
  func.func @transform_5(%arg0: i32) -> (i32, i32) {
    %c0_i32 = arith.constant 0 : i32
    %c0_i32_0 = arith.constant 0 : i32
    return %arg0, %c0_i32 : i32, i32
  }
  func.func @transform_6(%arg0: i32) -> (i32, i32) {
    %c0_i32 = arith.constant 0 : i32
    %c0_i32_0 = arith.constant 0 : i32
    return %arg0, %c0_i32 : i32, i32
  }
  func.func @transform_7(%arg0: i32) -> (i32, i32) {
    %c0_i32 = arith.constant 0 : i32
    %c0_i32_0 = arith.constant 0 : i32
    return %arg0, %c0_i32 : i32, i32
  }
}

module attributes {stable_mosaic.version = 14 : i64} {
  func.func @_mid_body(%arg0: i32, %arg1: memref<400x128xf32, #tpu.memory_space<vmem>>, %arg2: memref<400x128xf32, #tpu.memory_space<vmem>>, %arg3: memref<400x128xf32, #tpu.memory_space<vmem>>, %arg4: memref<400x128xf32, #tpu.memory_space<vmem>>, %arg5: memref<128x128xf32, #tpu.memory_space<vmem>>, %arg6: memref<128x128xf32, #tpu.memory_space<vmem>>, %arg7: memref<128x128xf32, #tpu.memory_space<vmem>>, %arg8: memref<1x128xf32, #tpu.memory_space<vmem>>, %arg9: memref<400x128xf32, #tpu.memory_space<vmem>>, %arg10: memref<400x128xf32, #tpu.memory_space<vmem>>, %arg11: memref<400x128xf32, #tpu.memory_space<vmem>>) attributes {dimension_semantics = [#tpu.dimension_semantics<arbitrary>], iteration_bounds = array<i64: 25>, scalar_prefetch = 0 : i64, scratch_operands = 0 : i64, tpu.core_type = #tpu.core_type<tc>, window_params = [{transform_indices = @transform_0, window_bounds = array<i64: 400, 128>}, {transform_indices = @transform_1, window_bounds = array<i64: 400, 128>}, {transform_indices = @transform_2, window_bounds = array<i64: 400, 128>}, {transform_indices = @transform_3, window_bounds = array<i64: 400, 128>}, {pipeline_mode = #tpu.pipeline_mode<synchronous>, transform_indices = @transform_4, window_bounds = array<i64: 128, 128>}, {pipeline_mode = #tpu.pipeline_mode<synchronous>, transform_indices = @transform_5, window_bounds = array<i64: 128, 128>}, {pipeline_mode = #tpu.pipeline_mode<synchronous>, transform_indices = @transform_6, window_bounds = array<i64: 128, 128>}, {pipeline_mode = #tpu.pipeline_mode<synchronous>, transform_indices = @transform_7, window_bounds = array<i64: 1, 128>}, {transform_indices = @transform_8, window_bounds = array<i64: 400, 128>}, {transform_indices = @transform_9, window_bounds = array<i64: 400, 128>}, {transform_indices = @transform_10, window_bounds = array<i64: 400, 128>}]} {
    %get3A = arith.constant 0 : index
    %get3A_0 = arith.constant 0 : index
    %get3A_1 = vector.load %arg3[%get3A, %get3A_0] : memref<400x128xf32, #tpu.memory_space<vmem>>, vector<400x1xf32>
    %max3A = arith.constant 1.000000e+00 : f32
    %max3A_2 = vector.broadcast %max3A : f32 to vector<400x1xf32>
    %max3A_3 = arith.maximumf %get3A_1, %max3A_2 : vector<400x1xf32>
    %get3A_4 = arith.constant 0 : index
    %get3A_5 = arith.constant 0 : index
    %get3A_6 = vector.load %arg1[%get3A_4, %get3A_5] : memref<400x128xf32, #tpu.memory_space<vmem>>, vector<400x128xf32>
    %get3A_7 = arith.constant 0 : index
    %get3A_8 = arith.constant 0 : index
    %get3A_9 = vector.load %arg2[%get3A_7, %get3A_8] : memref<400x128xf32, #tpu.memory_space<vmem>>, vector<400x128xf32>
    %div3A = vector.broadcast %max3A_3 : vector<400x1xf32> to vector<400x128xf32>
    %div3A_10 = arith.divf %get3A_9, %div3A : vector<400x128xf32>
    %add3A = arith.addf %get3A_6, %div3A_10 : vector<400x128xf32>
    %get3A_11 = arith.constant 0 : index
    %get3A_12 = arith.constant 0 : index
    %get3A_13 = vector.load %arg4[%get3A_11, %get3A_12] : memref<400x128xf32, #tpu.memory_space<vmem>>, vector<400x128xf32>
    %add3A_14 = arith.addf %add3A, %get3A_13 : vector<400x128xf32>
    %gt3A = arith.constant 0.000000e+00 : f32
    %gt3A_15 = vector.broadcast %gt3A : f32 to vector<400x128xf32>
    %gt3A_16 = arith.cmpf ogt, %add3A_14, %gt3A_15 : vector<400x128xf32>
    %min3A = arith.constant 0.000000e+00 : f32
    %min3A_17 = vector.broadcast %min3A : f32 to vector<400x128xf32>
    %min3A_18 = arith.minimumf %add3A_14, %min3A_17 : vector<400x128xf32>
    %exp3A = math.exp %min3A_18 : vector<400x128xf32>
    %sub3A = arith.constant 1.000000e+00 : f32
    %sub3A_19 = vector.broadcast %sub3A : f32 to vector<400x128xf32>
    %sub3A_20 = arith.subf %exp3A, %sub3A_19 : vector<400x128xf32>
    %select_n3A = arith.select %gt3A_16, %add3A_14, %sub3A_20 : vector<400x128xi1>, vector<400x128xf32>
    %get3A_21 = arith.constant 0 : index
    %get3A_22 = arith.constant 0 : index
    %get3A_23 = vector.load %arg5[%get3A_21, %get3A_22] : memref<128x128xf32, #tpu.memory_space<vmem>>, vector<128x128xf32>
    %dot_general3A = arith.constant dense<0.000000e+00> : vector<400x128xf32>
    %dot_general3A_24 = tpu.matmul %select_n3A, %get3A_23, %dot_general3A {dimension_numbers = #tpu.dot_dimension_numbers<[1], [0], [0], [1], [0, 0, 1, 1], [], []>, transpose_lhs_hint = false} : vector<400x128xf32>, vector<128x128xf32>, vector<400x128xf32> -> vector<400x128xf32>
    %swap3A = arith.constant 0 : index
    %swap3A_25 = arith.constant 0 : index
    %swap3A_26 = vector.load %arg9[%swap3A, %swap3A_25] : memref<400x128xf32, #tpu.memory_space<vmem>>, vector<400x128xf32>
    tpu.vector_store %arg9[%swap3A, %swap3A_25], %dot_general3A_24 {strides = array<i32>} : memref<400x128xf32, #tpu.memory_space<vmem>>, vector<400x128xf32>,
    %get3A_27 = arith.constant 0 : index
    %get3A_28 = arith.constant 0 : index
    %get3A_29 = vector.load %arg6[%get3A_27, %get3A_28] : memref<128x128xf32, #tpu.memory_space<vmem>>, vector<128x128xf32>
    %mul3A = arith.constant 1.250000e-01 : f32
    %mul3A_30 = vector.broadcast %mul3A : f32 to vector<128x128xf32>
    %mul3A_31 = arith.mulf %get3A_29, %mul3A_30 : vector<128x128xf32>
    %dot_general3A_32 = arith.constant dense<0.000000e+00> : vector<400x128xf32>
    %dot_general3A_33 = tpu.matmul %select_n3A, %mul3A_31, %dot_general3A_32 {dimension_numbers = #tpu.dot_dimension_numbers<[1], [0], [0], [1], [0, 0, 1, 1], [], []>, transpose_lhs_hint = false} : vector<400x128xf32>, vector<128x128xf32>, vector<400x128xf32> -> vector<400x128xf32>
    %swap3A_34 = arith.constant 0 : index
    %swap3A_35 = arith.constant 0 : index
    %swap3A_36 = vector.load %arg10[%swap3A_34, %swap3A_35] : memref<400x128xf32, #tpu.memory_space<vmem>>, vector<400x128xf32>
    tpu.vector_store %arg10[%swap3A_34, %swap3A_35], %dot_general3A_33 {strides = array<i32>} : memref<400x128xf32, #tpu.memory_space<vmem>>, vector<400x128xf32>,
    %get3A_37 = arith.constant 0 : index
    %get3A_38 = arith.constant 0 : index
    %get3A_39 = vector.load %arg7[%get3A_37, %get3A_38] : memref<128x128xf32, #tpu.memory_space<vmem>>, vector<128x128xf32>
    %dot_general3A_40 = arith.constant dense<0.000000e+00> : vector<400x128xf32>
    %dot_general3A_41 = tpu.matmul %select_n3A, %get3A_39, %dot_general3A_40 {dimension_numbers = #tpu.dot_dimension_numbers<[1], [0], [0], [1], [0, 0, 1, 1], [], []>, transpose_lhs_hint = false} : vector<400x128xf32>, vector<128x128xf32>, vector<400x128xf32> -> vector<400x128xf32>
    %get3A_42 = arith.constant 0 : index
    %get3A_43 = arith.constant 0 : index
    %get3A_44 = vector.load %arg8[%get3A_42, %get3A_43] : memref<1x128xf32, #tpu.memory_space<vmem>>, vector<1x128xf32>
    %add3A_45 = vector.broadcast %get3A_44 : vector<1x128xf32> to vector<400x128xf32>
    %add3A_46 = arith.addf %dot_general3A_41, %add3A_45 : vector<400x128xf32>
    %swap3A_47 = arith.constant 0 : index
    %swap3A_48 = arith.constant 0 : index
    %swap3A_49 = vector.load %arg11[%swap3A_47, %swap3A_48] : memref<400x128xf32, #tpu.memory_space<vmem>>, vector<400x128xf32>
    tpu.vector_store %arg11[%swap3A_47, %swap3A_48], %add3A_46 {strides = array<i32>} : memref<400x128xf32, #tpu.memory_space<vmem>>, vector<400x128xf32>,
    return
  }
  func.func @transform_0(%arg0: i32) -> (i32, i32) {
    %c0_i32 = arith.constant 0 : i32
    %c0_i32_0 = arith.constant 0 : i32
    return %arg0, %c0_i32 : i32, i32
  }
  func.func @transform_1(%arg0: i32) -> (i32, i32) {
    %c0_i32 = arith.constant 0 : i32
    %c0_i32_0 = arith.constant 0 : i32
    return %arg0, %c0_i32 : i32, i32
  }
  func.func @transform_2(%arg0: i32) -> (i32, i32) {
    %c0_i32 = arith.constant 0 : i32
    %c0_i32_0 = arith.constant 0 : i32
    return %arg0, %c0_i32 : i32, i32
  }
  func.func @transform_3(%arg0: i32) -> (i32, i32) {
    %c0_i32 = arith.constant 0 : i32
    %c0_i32_0 = arith.constant 0 : i32
    return %arg0, %c0_i32 : i32, i32
  }
  func.func @transform_4(%arg0: i32) -> (i32, i32) {
    %c0_i32 = arith.constant 0 : i32
    %c0_i32_0 = arith.constant 0 : i32
    %c0_i32_1 = arith.constant 0 : i32
    return %c0_i32, %c0_i32_0 : i32, i32
  }
  func.func @transform_5(%arg0: i32) -> (i32, i32) {
    %c0_i32 = arith.constant 0 : i32
    %c0_i32_0 = arith.constant 0 : i32
    %c0_i32_1 = arith.constant 0 : i32
    return %c0_i32, %c0_i32_0 : i32, i32
  }
  func.func @transform_6(%arg0: i32) -> (i32, i32) {
    %c0_i32 = arith.constant 0 : i32
    %c0_i32_0 = arith.constant 0 : i32
    %c0_i32_1 = arith.constant 0 : i32
    return %c0_i32, %c0_i32_0 : i32, i32
  }
  func.func @transform_7(%arg0: i32) -> (i32, i32) {
    %c0_i32 = arith.constant 0 : i32
    %c0_i32_0 = arith.constant 0 : i32
    %c0_i32_1 = arith.constant 0 : i32
    return %c0_i32, %c0_i32_0 : i32, i32
  }
  func.func @transform_8(%arg0: i32) -> (i32, i32) {
    %c0_i32 = arith.constant 0 : i32
    %c0_i32_0 = arith.constant 0 : i32
    return %arg0, %c0_i32 : i32, i32
  }
  func.func @transform_9(%arg0: i32) -> (i32, i32) {
    %c0_i32 = arith.constant 0 : i32
    %c0_i32_0 = arith.constant 0 : i32
    return %arg0, %c0_i32 : i32, i32
  }
  func.func @transform_10(%arg0: i32) -> (i32, i32) {
    %c0_i32 = arith.constant 0 : i32
    %c0_i32_0 = arith.constant 0 : i32
    return %arg0, %c0_i32 : i32, i32
  }
}

module attributes {stable_mosaic.version = 14 : i64} {
  func.func @_back_body(%arg0: i32, %arg1: memref<400x128xf32, #tpu.memory_space<vmem>>, %arg2: memref<400x128xf32, #tpu.memory_space<vmem>>, %arg3: memref<400x128xf32, #tpu.memory_space<vmem>>, %arg4: memref<400x128xf32, #tpu.memory_space<vmem>>, %arg5: memref<400x128xf32, #tpu.memory_space<vmem>>) attributes {dimension_semantics = [#tpu.dimension_semantics<arbitrary>], iteration_bounds = array<i64: 25>, scalar_prefetch = 0 : i64, scratch_operands = 0 : i64, tpu.core_type = #tpu.core_type<tc>, window_params = [{transform_indices = @transform_0, window_bounds = array<i64: 400, 128>}, {transform_indices = @transform_1, window_bounds = array<i64: 400, 128>}, {transform_indices = @transform_2, window_bounds = array<i64: 400, 128>}, {transform_indices = @transform_3, window_bounds = array<i64: 400, 128>}, {transform_indices = @transform_4, window_bounds = array<i64: 400, 128>}]} {
    %get3A = arith.constant 0 : index
    %get3A_0 = arith.constant 0 : index
    %get3A_1 = vector.load %arg3[%get3A, %get3A_0] : memref<400x128xf32, #tpu.memory_space<vmem>>, vector<400x1xf32>
    %max3A = arith.constant 1.000000e+00 : f32
    %max3A_2 = vector.broadcast %max3A : f32 to vector<400x1xf32>
    %max3A_3 = arith.maximumf %get3A_1, %max3A_2 : vector<400x1xf32>
    %get3A_4 = arith.constant 0 : index
    %get3A_5 = arith.constant 0 : index
    %get3A_6 = vector.load %arg1[%get3A_4, %get3A_5] : memref<400x128xf32, #tpu.memory_space<vmem>>, vector<400x128xf32>
    %get3A_7 = arith.constant 0 : index
    %get3A_8 = arith.constant 0 : index
    %get3A_9 = vector.load %arg2[%get3A_7, %get3A_8] : memref<400x128xf32, #tpu.memory_space<vmem>>, vector<400x128xf32>
    %div3A = vector.broadcast %max3A_3 : vector<400x1xf32> to vector<400x128xf32>
    %div3A_10 = arith.divf %get3A_9, %div3A : vector<400x128xf32>
    %add3A = arith.addf %get3A_6, %div3A_10 : vector<400x128xf32>
    %get3A_11 = arith.constant 0 : index
    %get3A_12 = arith.constant 0 : index
    %get3A_13 = vector.load %arg4[%get3A_11, %get3A_12] : memref<400x128xf32, #tpu.memory_space<vmem>>, vector<400x128xf32>
    %add3A_14 = arith.addf %add3A, %get3A_13 : vector<400x128xf32>
    %swap3A = arith.constant 0 : index
    %swap3A_15 = arith.constant 0 : index
    %swap3A_16 = vector.load %arg5[%swap3A, %swap3A_15] : memref<400x128xf32, #tpu.memory_space<vmem>>, vector<400x128xf32>
    tpu.vector_store %arg5[%swap3A, %swap3A_15], %add3A_14 {strides = array<i32>} : memref<400x128xf32, #tpu.memory_space<vmem>>, vector<400x128xf32>,
    return
  }
  func.func @transform_0(%arg0: i32) -> (i32, i32) {
    %c0_i32 = arith.constant 0 : i32
    %c0_i32_0 = arith.constant 0 : i32
    return %arg0, %c0_i32 : i32, i32
  }
  func.func @transform_1(%arg0: i32) -> (i32, i32) {
    %c0_i32 = arith.constant 0 : i32
    %c0_i32_0 = arith.constant 0 : i32
    return %arg0, %c0_i32 : i32, i32
  }
  func.func @transform_2(%arg0: i32) -> (i32, i32) {
    %c0_i32 = arith.constant 0 : i32
    %c0_i32_0 = arith.constant 0 : i32
    return %arg0, %c0_i32 : i32, i32
  }
  func.func @transform_3(%arg0: i32) -> (i32, i32) {
    %c0_i32 = arith.constant 0 : i32
    %c0_i32_0 = arith.constant 0 : i32
    return %arg0, %c0_i32 : i32, i32
  }
  func.func @transform_4(%arg0: i32) -> (i32, i32) {
    %c0_i32 = arith.constant 0 : i32
    %c0_i32_0 = arith.constant 0 : i32
    return %arg0, %c0_i32 : i32, i32
  }
}

</mosaic_0001>

<sc_bundles>
// kernel: kernel.10.cloned.1.call-start
scs
__scs_entry_jumppad:
0x0: {  	(pc) =	sbr.rel $0x88, $3  }
0x1: {  	(tag) =	ssettag $0x0;
	lr =	simm.s32 $0x1  }
0x2: {  	[smem:$0x3F96] =	sst lr;
	_ =	strace $0xD0000000  }
0x3: {  	_ = 	snop  }
0x4: {  	_ = 	snop  }
0x5: {  	_ = 	snop  }
0x6: {  	_ = 	snop  }
0x7: {  	_ = 	snop  }
__scs_overlays_trampoline_lowered:
0x8: {  	[smem:$0x3FA5] =	sst s0  }
0x9: {  	[smem:$0x3FA6] =	sst s1  }
0xa: {  	[smem:$0x3FA7] =	sst s2  }
0xb: {  	[smem:$0x3FA8] =	sst s3  }
0xc: {  	[smem:$0x3FA9] =	sst s4  }
0xd: {  	[smem:$0x3FAA] =	sst s5  }
0xe: {  	[smem:$0x3FAB] =	sst s6  }
0xf: {  	[smem:$0x3FAC] =	sst s7  }
0x10: {  	[smem:$0x3FAD] =	sst s8  }
0x11: {  	[smem:$0x3FAE] =	sst s9;
	s0 =	simm.s32 @!p0 $0x0  }
0x12: {  	s1 =	sld [smem:$0x3F94];
	s0 =	simm.s32 @p0 $0x1  }
0x13: {  	[smem:$0x3FAF] =	sst s0;
	s0 =	simm.s32 @!p1 $0x0  }
0x14: {  	s2 =	sld [smem:$0x3F93];
	s0 =	simm.s32 @p1 $0x1  }
0x15: {  	[smem:$0x3FB0] =	sst s0;
	s0 =	simm.s32 @!p2 $0x0  }
0x16: {  	s3 =	sld [smem:$0x3FDB];
	s0 =	simm.s32 @p2 $0x1  }
0x17: {  	s4 =	simm.s32 $0x1BF5;
	[smem:$0x3FB2] =	sst s0  }
0x18: {  	s0 =	sld [smem:$0x3F95];
	_ =	swait.ge [sflag:s4], $0x0  }
0x19: {  	s7 =	sld [smem:$0x3F96]  }
0x1a: {  	s8 =	sadd.s32 $0xFFFFE003, lr  }
0x1b: {  	s9 =	sadd.s32 $0xFFFFFEF7, lr;
	s5 =	simm.s32 $0xFFFFFFFF;
	p2 =	slt.u32 s8, $0xFFFFF086  }
0x1c: {  	p1 =	slt.u32 s9, $0xF7A;
	s5 =	simm.s32 @!p2 $0x0  }
0x1d: {  	s5 =	simm.s32 @p1 $0x1;
	p0 =	seq.s32 s7, s2  }
0x1e: {  	s7 =	smul.u32 @!p0 $0xF7A, s2;
	p2 =	seq.s32 @!p0 s5, $0x0  }
0x1f: {  	s9 =	smul.u32 $0xF7A, s1;
	s8 =	simm.s32 @!p0 $0x1BF5;
	p2 =	por !p2, p0  }
0x20: {  	[sflag:s8] =	ssyncset.s32 @!p0 $0xFFFFF086;
	s6 =	sadd.s32 @!p0 s3, s7;
	s7 =	simm.s32 @!p0 $0x108  }
0x21: {  	s3 =	sadd.s32 s3, s9;
	s6 =	sadd.s32 @!p0 $0x88, s6;
	s7 =	simm.s32 @p2 $0x1082  }
0x22: {  	[simem:s7], [sflag:s8] =	dma.local @!p0 [hbm:s6], $0xF7A  }
0x23: {  	s9 =	sor.u32 $0xD0000000, s2;
	s6 =	simm.s32 $0x108;
	_ =	swait.ge @!p0 [sflag:s8], $0x0  }
0x24: {  	s3 =	sadd.s32 $0x88, s3;
	s6 =	simm.s32 @!p1 $0x1082;
	[sflag:s4] =	ssyncset.s32 $0xFFFFF086  }
0x25: {  	[simem:s6], [sflag:s4] =	dma.local [hbm:s3], $0xF7A  }
0x26: {  	[smem:$0x3F96] =	sst s1;
	(tag) =	ssettag s2;
	_ =	strace s9  }
0x27: {  	s1 =	sld [smem:$0x3FA6]  }
0x28: {  	s2 =	sld [smem:$0x3FA7]  }
0x29: {  	s4 =	sld [smem:$0x3FA9]  }
0x2a: {  	p0 =	seq.s32 s5, $0x0;
	s5 =	sld [smem:$0x3FAA]  }
0x2b: {  	s6 =	sld [smem:$0x3FAB]  }
0x2c: {  	s7 =	sld [smem:$0x3FAC]  }
0x2d: {  	s3 =	simm.s32 $0x108;
	s8 =	sld [smem:$0x3FAD]  }
0x2e: {  	s3 =	simm.s32 @!p0 $0x1082;
	s9 =	sld [smem:$0x3FAE]  }
0x2f: {  	lr =	sadd.s32 s0, s3;
	s0 =	sld [smem:$0x3FA5]  }
0x30: {  	s3 =	sld [smem:$0x3FA8]  }
0x31: {  	[smem:$0x3FB1] =	sst s10  }
0x32: {  	s10 =	sld [smem:$0x3FAF];
	_ =	sdelay $0x3  }
0x33: {  	p0 =	seq.s32 s10, $0x1;
	s10 =	sld [smem:$0x3FB1];
	_ =	sdelay $0x3  }
0x34: {  	[smem:$0x3FB1] =	sst s10  }
0x35: {  	s10 =	sld [smem:$0x3FB0];
	_ =	sdelay $0x3  }
0x36: {  	p1 =	seq.s32 s10, $0x1;
	s10 =	sld [smem:$0x3FB1];
	_ =	sdelay $0x3  }
0x37: {  	[smem:$0x3FB1] =	sst s10  }
0x38: {  	s10 =	sld [smem:$0x3FB2]  }
0x39: {  	_ = 	snop;
	(pc) =	sbr.ind lr, $3  }
0x3a: {  	_ = 	snop  }
0x3b: {  	_ = 	snop  }
0x3c: {  	p2 =	seq.s32 s10, $0x1;
	s10 =	sld [smem:$0x3FB1]  }
0x3d: {  	_ =	shalt  }
0x3e: {  	_ =	shalt  }
0x3f: {  	_ =	shalt  }
0x40: {  	_ =	shalt  }
0x41: {  	_ =	shalt  }
0x42: {  	_ =	shalt  }
0x43: {  	_ =	shalt  }
0x44: {  	_ =	shalt  }
0x45: {  	_ =	shalt  }
0x46: {  	_ =	shalt  }
0x47: {  	_ =	shalt  }
0x48: {  	_ =	shalt  }
0x49: {  	_ =	shalt  }
0x4a: {  	_ =	shalt  }
0x4b: {  	_ =	shalt  }
0x4c: {  	_ =	shalt  }
0x4d: {  	_ =	shalt  }
0x4e: {  	_ =	shalt  }
0x4f: {  	_ =	shalt  }
0x50: {  	_ =	shalt  }
0x51: {  	_ =	shalt  }
0x52: {  	_ =	shalt  }
0x53: {  	_ =	shalt  }
0x54: {  	_ =	shalt  }
0x55: {  	_ =	shalt  }
0x56: {  	_ =	shalt  }
0x57: {  	_ =	shalt  }
0x58: {  	_ =	shalt  }
0x59: {  	_ =	shalt  }
0x5a: {  	_ =	shalt  }
0x5b: {  	_ =	shalt  }
0x5c: {  	_ =	shalt  }
0x5d: {  	_ =	shalt  }
0x5e: {  	_ =	shalt  }
0x5f: {  	_ =	shalt  }
0x60: {  	_ =	shalt  }
0x61: {  	_ =	shalt  }
0x62: {  	_ =	shalt  }
0x63: {  	_ =	shalt  }
0x64: {  	_ =	shalt  }
0x65: {  	_ =	shalt  }
0x66: {  	_ =	shalt  }
0x67: {  	_ =	shalt  }
0x68: {  	_ =	shalt  }
0x69: {  	_ =	shalt  }
0x6a: {  	_ =	shalt  }
0x6b: {  	_ =	shalt  }
0x6c: {  	_ =	shalt  }
0x6d: {  	_ =	shalt  }
0x6e: {  	_ =	shalt  }
0x6f: {  	_ =	shalt  }
0x70: {  	_ =	shalt  }
0x71: {  	_ =	shalt  }
0x72: {  	_ =	shalt  }
0x73: {  	_ =	shalt  }
0x74: {  	_ =	shalt  }
0x75: {  	_ =	shalt  }
0x76: {  	_ =	shalt  }
0x77: {  	_ =	shalt  }
0x78: {  	_ =	shalt  }
0x79: {  	_ =	shalt  }
0x7a: {  	_ =	shalt  }
0x7b: {  	_ =	shalt  }
0x7c: {  	_ =	shalt  }
0x7d: {  	_ =	shalt  }
0x7e: {  	_ =	shalt  }
0x7f: {  	_ =	shalt  }
0x80: {  	_ =	shalt  }
0x81: {  	_ =	shalt  }
0x82: {  	_ =	shalt  }
0x83: {  	_ =	shalt  }
0x84: {  	_ =	shalt  }
0x85: {  	_ =	shalt  }
0x86: {  	_ =	shalt  }
0x87: {  	_ =	shalt  }
.Lfunc_end0:
.L_simem_size_0:
called_computation_lowered:
.L_overlay_start_0:
0x88: {  	s0 =	sld [smem:$0x3FD9]  }
0x89: {  	s1 =	sld [smem:$0x3FFE];
	_ =	sdelay $0x3  }
0x8a: {  	s0 =	sadd.s32 s1, s0  }
0x8b: {  	[smem:$0x3FBD] =	sst s0  }
0x8c: {  	_ = 	snop  }
0x8d: {  	(tm) =	ssettm $0x1  }
0x8e: {  	s15 =	sld [smem:$0x3FFB];
	_ =	sdelay $0x3  }
0x8f: {  	_ =	strace s15  }
0x90: {  	s0 =	sld [smem:$0x3FFC];
	_ =	sdelay $0x3  }
0x91: {  	_ =	strace s0  }
0x92: {  	s0 =	sld [smem:$0x3FFD];
	_ =	sdelay $0x3  }
0x93: {  	_ =	strace s0  }
0x94: {  	_ =	strace $0x8FFFFFFF  }
0x95: {  	s16 =	sld [smem:$0x3FDB];
	_ =	sdelay $0x1  }
0x96: {  	s17 =	simm.s32 $_scs_section_size  }
0x97: {  	s2 =	simm.s32 $_size__tile_overlayer_lowered;
	s3 =	simm.s32 $_tile_overlayer_lowered  }
0x98: {  	s20 =	simm.s32 $0x1BFF;
	s19 =	sshll.u32 s3, $0x1;
	s0 =	sadd.s32 s17, s16  }
0x99: {  	s4 =	simm.s32 $0x0;
	s18 =	sshll.u32 s2, $0x1;
	s2 =	sadd.s32 s19, s0  }
0x9a: {  	[timem:s4], [sflag:s20] =	dma.local [hbm:s2], s18  }
0x9b: {  	_ =	swait.ge [sflag:s20], s18  }
0x9c: {  	s1 =	ssub.s32 $0x0, s18;
	[sflag:s20] =	ssyncset.done $0x0  }
0x9d: {  	[sflag:s20] =	ssyncadd.s32 s1;
	_ =	sdelay $0x1  }
0x9e: {  	s21 =	simm.s32 $0x1B8B  }
0x9f: {  	_ =	swait.ge [sflag:s21], $0x1  }
0xa0: {  	[sflag:s21] =	ssyncset.done $0x0  }
0xa1: {  	s23 =	simm.s32 $0x1B8E;
	s22 =	sld [smem:$0x3FFE];
	[sflag:s21] =	ssyncadd.s32 $0xFFFFFFFF  }
0xa2: {  	s24 =	simm.s32 $execute0_lowered;
	[smem:$0x3FD2] =	sst s23  }
0xa3: {  	s2 =	sshll.u32 s24, $0x1;
	_ =	strace $0x80000046;
	[dreg:$0x1] =	wrdreg $0xFFFFFFFF  }
0xa4: {  	s25 =	simm.s32 $_size_execute0_lowered;
	s0 =	sadd.s32 s0, s2;
	[dreg:$0x0] =	wrdreg $0x0  }
0xa5: {  	s2 =	sshll.u32 s25, $0x1;
	[dreg:$0x2] =	wrdreg s0  }
0xa6: {  	[dreg:$0x3] =	wrdreg s2  }
0xa7: {  	[dreg:$0x4] =	wrdreg $0xC0  }
0xa8: {  	_ =	task [dreg:s4], $0x5FFFF  }
0xa9: {  	[dreg:$0x1] =	wrdreg $0xFFFFFFFF  }
0xaa: {  	[dreg:$0x0] =	wrdreg $0x60  }
0xab: {  	[dreg:$0x2] =	wrdreg s22  }
0xac: {  	[dreg:$0x3] =	wrdreg $0x29000  }
0xad: {  	[dreg:$0x4] =	wrdreg $0x9  }
0xae: {  	_ =	task.clear_ibuf [dreg:s4], $0x5FFFF;
	_ =	strace $0x90000046  }
0xaf: {  	s26 =	simm.s32 $0x9;
	_ =	strace $0x80000048  }
0xb0: {  	_ =	swait.ge [sflag:s26], $0x1  }
0xb1: {  	[sflag:s26] =	ssyncadd.s32 $0xFFFFFFFF  }
0xb2: {  	_ =	strace $0x90000048  }
0xb3: {  	_ =	sfence  }
0xb4: {  	s28 =	sld [smem:$0x0];
	_ =	sdelay $0x1  }
0xb5: {  	s29 =	srdreg.scid  }
0xb6: {  	s30 =	sshll.u32 s29, $0xD;
	s31 =	sshrl.u32 s29, $0x2  }
0xb7: {  	s1 =	sand.u32 $0x1, s29;
	s2 =	sand.u32 $0x4000, s30;
	s0 =	sadd.s32 s31, s28  }
0xb8: {  	s1 =	sor.u32 s2, s1;
	s0 =	sshll.u32 s0, $0x11  }
0xb9: {  	s0 =	sor.u32 s0, s1  }
0xba: {  	s0 =	sadd.s32 $0x8F2B, s0  }
0xbb: {  	[sflag:s0] =	ssyncadd.remote.s32 $0x1  }
0xbc: {  	_ =	sfence.sel $0xFFFF  }
0xbd: {  	[dreg:$0x0] =	wrdreg $0xFFFFFFFF;
	(pc) =	sbr.abs _section_cstart, $3  }
0xbe: {  	[dreg:$0x1] =	wrdreg $0xFFFFFFFF  }
0xbf: {  	_ =	task.clear_ibuf [dreg:s4], $0x2FFFF;
	_ =	strace $0x9FFFFFFF  }
0xc0: {  	(tm) =	ssettm $0x7FFFFFFF  }
0xc1: {  	_ =	shalt  }
tec
execute0_lowered:
.L_overlay_start_1:
0x0: {  	(tag) =	ssettag $0x1  }
0x1: {  	s1 =	rddreg [dreg:$0x0]  }
0x2: {  	s2 =	rddreg [dreg:$0x1]  }
0x3: {  	s0 =	rddreg [dreg:$0x2];
	s3 =	simm.s32 $0x0;
	s4 =	simm.s32 $0x200  }
0x4: {  	[smem:$0x7FF] =	sst s3;
	s14 =	sadd.s32 $0x3200, s1;
	s11 =	sadd.s32 $0x16E00, s1  }
0x5: {  	v0 =	vimm.f32 $0.0e+00;
	s1 =	stileid.u32;
	s3 =	simm.s32 $0x0;
	_ =	strace $0x80000047  }
.LBB2_1:
0x6: {  	p0 =	sne.s32 s4, $0x9E00;
	[tilespmem:s3+$0x70] =	vst v0  }
0x7: {  	[tilespmem:s3+$0x0] =	vst v0  }
0x8: {  	[tilespmem:s3+$0x10] =	vst v0  }
.Ltmp0:
0x9: {  	[tilespmem:s3+$0x20] =	vst v0;
	(pc) =	sbr.rel @p0 .LBB2_1-.Ltmp0, $4  }
0xa: {  	[tilespmem:s3+$0x30] =	vst v0  }
0xb: {  	[tilespmem:s3+$0x40] =	vst v0  }
0xc: {  	[tilespmem:s3+$0x50] =	vst v0  }
0xd: {  	[tilespmem:s3+$0x60] =	vst v0;
	s3 =	sshra.s32 s4, $0x2;
	s4 =	sadd.s32 $0x200, s4  }
0xe: {  	[tilespmem:s3+$0x70] =	vst v0  }
0xf: {  	[tilespmem:s3+$0x0] =	vst v0  }
0x10: {  	[tilespmem:s3+$0x10] =	vst v0  }
0x11: {  	[tilespmem:s3+$0x20] =	vst v0  }
0x12: {  	[tilespmem:s3+$0x30] =	vst v0;
	s4 =	smul.u32 $0xA000, s1  }
0x13: {  	[tilespmem:s3+$0x40] =	vst v0;
	s10 =	sor.u32 $0x10, s1  }
0x14: {  	[tilespmem:s3+$0x50] =	vst v0;
	s13 =	simm.s32 $0x0;
	s12 =	simm.s32 $0x3;
	s4 =	sshrl.u32 s4, $0x2  }
0x15: {  	[tilespmem:s3+$0x60] =	vst v0;
	s15 =	sor.u32 $0x20, s1;
	s26 =	smul.u32 $0xA000, s10;
	s3 =	sadd.s32 s4, s2  }
0x16: {  	[spmem:s3] =	stream.linear.scatter [tilespmem:s13], [sflag:$0x3], $0x2800, $0x38;
	[tilespmem:$0x16180] =	vst v63  }
0x17: {  	s16 =	sor.u32 $0x30, s1;
	s18 =	sor.u32 $0x40, s1;
	_ =	swait.ge [sflag:s12], $0x2800  }
0x18: {  	s20 =	sor.u32 $0x50, s1;
	s4 =	sshrl.u32 s26, $0x2;
	[sflag:s12] =	ssyncset.done $0x0  }
0x19: {  	s5 =	smul.u32 $0xA000, s15;
	s4 =	sadd.s32 s4, s2;
	[sflag:s12] =	ssyncadd.s32 $0xFFFFD800  }
0x1a: {  	[spmem:s4] =	stream.linear.scatter [tilespmem:s13], [sflag:$0x3], $0x2800, $0x38;
	[tilespmem:$0x16180] =	vst v63  }
0x1b: {  	s21 =	sor.u32 $0x60, s1;
	s28 =	smul.u32 $0x500, s1;
	_ =	swait.ge [sflag:s12], $0x2800  }
0x1c: {  	s6 =	smul.u32 $0xA000, s16;
	s5 =	sshrl.u32 s5, $0x2;
	[sflag:s12] =	ssyncset.done $0x0  }
0x1d: {  	s7 =	smul.u32 $0xA000, s18;
	s5 =	sadd.s32 s5, s2;
	[sflag:s12] =	ssyncadd.s32 $0xFFFFD800  }
0x1e: {  	[spmem:s5] =	stream.linear.scatter [tilespmem:s13], [sflag:$0x3], $0x2800, $0x38;
	[tilespmem:$0x16180] =	vst v63  }
0x1f: {  	s22 =	sor.u32 $0x70, s1;
	s8 =	smul.u32 $0xA000, s20;
	_ =	swait.ge [sflag:s12], $0x2800  }
0x20: {  	s9 =	smul.u32 $0xA000, s21;
	s6 =	sshrl.u32 s6, $0x2;
	[sflag:s12] =	ssyncset.done $0x0  }
0x21: {  	s17 =	smul.u32 $0xA000, s22;
	s6 =	sadd.s32 s6, s2;
	[sflag:s12] =	ssyncadd.s32 $0xFFFFD800  }
0x22: {  	[spmem:s6] =	stream.linear.scatter [tilespmem:s13], [sflag:$0x3], $0x2800, $0x38;
	[tilespmem:$0x16180] =	vst v63  }
0x23: {  	s23 =	smul.u32 $0x500, s10;
	_ =	swait.ge [sflag:s12], $0x2800  }
0x24: {  	s15 =	smul.u32 $0x500, s15;
	s7 =	sshrl.u32 s7, $0x2;
	[sflag:s12] =	ssyncset.done $0x0  }
0x25: {  	s30 =	smul.u32 $0x500, s16;
	s7 =	sadd.s32 s7, s2;
	[sflag:s12] =	ssyncadd.s32 $0xFFFFD800  }
0x26: {  	[spmem:s7] =	stream.linear.scatter [tilespmem:s13], [sflag:$0x3], $0x2800, $0x38;
	[tilespmem:$0x16180] =	vst v63  }
0x27: {  	s31 =	smul.u32 $0x500, s18;
	_ =	swait.ge [sflag:s12], $0x2800  }
0x28: {  	s20 =	smul.u32 $0x500, s20;
	s8 =	sshrl.u32 s8, $0x2;
	[sflag:s12] =	ssyncset.done $0x0  }
0x29: {  	s21 =	smul.u32 $0x500, s21;
	s8 =	sadd.s32 s8, s2;
	[sflag:s12] =	ssyncadd.s32 $0xFFFFD800  }
0x2a: {  	[spmem:s8] =	stream.linear.scatter [tilespmem:s13], [sflag:$0x3], $0x2800, $0x38;
	[tilespmem:$0x16180] =	vst v63  }
0x2b: {  	p0 =	sgt.u32 s1, $0xC;
	s22 =	smul.u32 $0x500, s22;
	_ =	swait.ge [sflag:s12], $0x2800  }
0x2c: {  	s19 =	sadd.s32 s11, s28;
	s9 =	sshrl.u32 s9, $0x2;
	[sflag:s12] =	ssyncset.done $0x0  }
0x2d: {  	s29 =	sshrl.u32 s17, $0x2;
	s9 =	sadd.s32 s9, s2;
	[sflag:s12] =	ssyncadd.s32 $0xFFFFD800  }
0x2e: {  	[spmem:s9] =	stream.linear.scatter [tilespmem:s13], [sflag:$0x3], $0x2800, $0x38;
	[tilespmem:$0x16180] =	vst v63  }
0x2f: {  	s17 =	sadd.s32 s11, s23;
	s15 =	sadd.s32 s11, s15;
	_ =	swait.ge [sflag:s12], $0x2800  }
0x30: {  	s18 =	sadd.s32 s11, s30;
	s23 =	simm.s32 @!p0 $0x3;
	[sflag:s12] =	ssyncset.done $0x0  }
0x31: {  	s10 =	sadd.s32 s29, s2;
	[sflag:s12] =	ssyncadd.s32 $0xFFFFD800;
	s12 =	simm.s32 @!p0 $0x0  }
0x32: {  	[spmem:s10] =	stream.linear.scatter @!p0 [tilespmem:s12], [sflag:$0x3], $0x2800, $0x38;
	[tilespmem:$0x16180] =	vst v63  }
0x33: {  	s16 =	sadd.s32 s11, s31;
	s13 =	sadd.s32 s11, s20;
	_ =	swait.ge @!p0 [sflag:s23], $0x2800  }
0x34: {  	s20 =	simm.s32 $0x200;
	s12 =	sadd.s32 s11, s21;
	[sflag:s23] =	ssyncset.done @!p0 $0x0  }
0x35: {  	v0 =	vimm.f32 $1.000000000e+00;
	s11 =	sadd.s32 s11, s22;
	s21 =	simm.s32 $0x0;
	[sflag:s23] =	ssyncadd.s32 @!p0 $0xFFFFD800  }
.LBB2_3:
0x36: {  	p1 =	sne.s32 s20, $0x9E00;
	[tilespmem:s21+$0x0] =	vst v0;
	s21 =	smov.u32 s20;
	s20 =	sadd.s32 $0x200, s20  }
.Ltmp1:
0x37: {  	(pc) =	sbr.rel @p1 .LBB2_3-.Ltmp1, $2  }
0x38: {  	_ =	sdelay $0x2  }
0x39: {  	s21 =	sshra.s32 s21, $0x2  }
0x3a: {  	s20 =	smul.u32 $0x9C4, s1;
	_ =	sdelay $0x1  }
0x3b: {  	[tilespmem:s21+$0x0] =	vst v0;
	s21 =	simm.s32 $0x2800;
	s25 =	sadd.s32 s20, s14  }
0x3c: {  	[bflag:$0x0] =	sbarrier.arrive $0xFFFF;
	s14 =	simm.s32 $0x0;
	s23 =	sadd.s32 $0x0, s25  }
0x3d: {  	[tilespmem:s21], [sflag:$0x1] =	stream.linear.gather [hbm4b:s23+s14], $0x50, $0x38;
	[tilespmem:$0x16180] =	vst v63  }
0x3e: {  	s22 =	simm.s32 $0x1;
	s20 =	simm.s32 $0x2880;
	s23 =	sadd.s32 $0xA, s23  }
0x3f: {  	[tilespmem:s20], [sflag:$0x1] =	stream.linear.gather [hbm4b:s23+s14], $0x50, $0x38;
	[tilespmem:$0x16180] =	vst v63  }
0x40: {  	_ =	swait.ge [sflag:s22], $0x50  }
0x41: {  	[sflag:s22] =	ssyncset.done $0x0  }
0x42: {  	s24 =	simm.s32 $0x50;
	[sflag:s22] =	ssyncadd.s32 $0xFFFFFFB0  }
0x43: {  	[spmem:s2] =	stream.indirect.scatter.add.f32 [tilespmem:s14], [sflag:$0x2], $0x80, s21, s24, $0xb8;
	[tilespmem:$0x16180] =	vst v63  }
0x44: {  	_ =	swait.ge [sflag:s22], $0x50  }
0x45: {  	[sflag:s22] =	ssyncset.done $0x0  }
0x46: {  	s23 =	simm.s32 $0x2;
	[sflag:s22] =	ssyncadd.s32 $0xFFFFFFB0  }
0x47: {  	[spmem:s2] =	stream.indirect.scatter.add.f32 [tilespmem:s14], [sflag:$0x2], $0x80, s20, s24, $0xb8;
	[tilespmem:$0x16180] =	vst v63  }
0x48: {  	_ =	swait.ge [sflag:s23], $0x2800  }
0x49: {  	[sflag:s23] =	ssyncset.done $0x0  }
0x4a: {  	[sflag:s23] =	ssyncadd.s32 $0xFFFFD800  }
0x4b: {  	_ =	swait.ge [sflag:s23], $0x2800  }
0x4c: {  	s26 =	simm.s32 $0x14;
	s28 =	simm.s32 $0x28;
	[sflag:s23] =	ssyncset.done $0x0  }
.LBB2_5:
0x4d: {  	s29 =	sadd.s32 s26, s25  }
0x4e: {  	[sflag:s23] =	ssyncadd.s32 $0xFFFFD800;
	s26 =	smov.u32 s28;
	s30 =	sadd.s32 $0x14, s28  }
0x4f: {  	[tilespmem:s21], [sflag:$0x1] =	stream.linear.gather [hbm4b:s29+s14], $0x50, $0x38;
	[tilespmem:$0x16180] =	vst v63  }
0x50: {  	p1 =	sne.s32 s28, $0x9B0;
	s28 =	sadd.s32 $0xA, s29  }
0x51: {  	[tilespmem:s20], [sflag:$0x1] =	stream.linear.gather [hbm4b:s28+s14], $0x50, $0x38;
	[tilespmem:$0x16180] =	vst v63  }
0x52: {  	_ =	swait.ge [sflag:s22], $0x50  }
0x53: {  	[sflag:s22] =	ssyncset.done $0x0  }
0x54: {  	[sflag:s22] =	ssyncadd.s32 $0xFFFFFFB0  }
0x55: {  	[spmem:s2] =	stream.indirect.scatter.add.f32 [tilespmem:s14], [sflag:$0x2], $0x80, s21, s24, $0xb8;
	[tilespmem:$0x16180] =	vst v63  }
0x56: {  	_ =	swait.ge [sflag:s22], $0x50  }
0x57: {  	[sflag:s22] =	ssyncset.done $0x0  }
0x58: {  	[sflag:s22] =	ssyncadd.s32 $0xFFFFFFB0  }
0x59: {  	[spmem:s2] =	stream.indirect.scatter.add.f32 [tilespmem:s14], [sflag:$0x2], $0x80, s20, s24, $0xb8;
	[tilespmem:$0x16180] =	vst v63  }
.Ltmp2:
0x5a: {  	_ =	swait.ge [sflag:s23], $0x2800;
	(pc) =	sbr.rel @p1 .LBB2_5-.Ltmp2, $4  }
0x5b: {  	[sflag:s23] =	ssyncset.done $0x0  }
0x5c: {  	[sflag:s23] =	ssyncadd.s32 $0xFFFFD800  }
0x5d: {  	_ =	swait.ge [sflag:s23], $0x2800  }
0x5e: {  	s28 =	smov.u32 s30;
	[sflag:s23] =	ssyncset.done $0x0  }
0x5f: {  	s25 =	sadd.s32 s26, s25;
	[sflag:s23] =	ssyncadd.s32 $0xFFFFD800  }
0x60: {  	[tilespmem:s21], [sflag:$0x1] =	stream.linear.gather [hbm4b:s25+s14], $0x50, $0x38;
	[tilespmem:$0x16180] =	vst v63  }
0x61: {  	s25 =	sadd.s32 $0xA, s25  }
0x62: {  	[tilespmem:s20], [sflag:$0x1] =	stream.linear.gather [hbm4b:s25+s14], $0x50, $0x38;
	[tilespmem:$0x16180] =	vst v63  }
0x63: {  	_ =	swait.ge [sflag:s22], $0x50  }
0x64: {  	[sflag:s22] =	ssyncset.done $0x0  }
0x65: {  	[sflag:s22] =	ssyncadd.s32 $0xFFFFFFB0  }
0x66: {  	[spmem:s2] =	stream.indirect.scatter.add.f32 [tilespmem:s14], [sflag:$0x2], $0x80, s21, s24, $0xb8;
	[tilespmem:$0x16180] =	vst v63  }
0x67: {  	_ =	swait.ge [sflag:s22], $0x50  }
0x68: {  	[sflag:s22] =	ssyncset.done $0x0  }
0x69: {  	[sflag:s22] =	ssyncadd.s32 $0xFFFFFFB0  }
0x6a: {  	[spmem:s2] =	stream.indirect.scatter.add.f32 [tilespmem:s14], [sflag:$0x2], $0x80, s20, s24, $0xb8;
	[tilespmem:$0x16180] =	vst v63  }
0x6b: {  	_ =	swait.ge [sflag:s23], $0x2800  }
0x6c: {  	[sflag:s23] =	ssyncset.done $0x0  }
0x6d: {  	[sflag:s23] =	ssyncadd.s32 $0xFFFFD800  }
0x6e: {  	_ =	swait.ge [sflag:s23], $0x2800  }
0x6f: {  	[sflag:s23] =	ssyncset.done $0x0  }
0x70: {  	s3 =	sshrl.u32 s3, $0x3;
	s24 =	sshll.u32 s1, $0x6;
	[sflag:s23] =	ssyncadd.s32 $0xFFFFD800  }
0x71: {  	s25 =	simm.s32 $0x3;
	s2 =	sor.u32 $0x1C03, s24;
	[bflag:$0x0] =	sbarrier.arrive $0xFFFF  }
0x72: {  	[hbm:s19], [sflag:s2] =	dma.local [spmem:s3], $0x500  }
0x73: {  	_ =	swait.ge [sflag:s25], $0x500  }
0x74: {  	[sflag:s25] =	ssyncset.done $0x0  }
0x75: {  	s4 =	sshrl.u32 s4, $0x3;
	[sflag:s25] =	ssyncadd.s32 $0xFFFFFB00  }
0x76: {  	[hbm:s17], [sflag:s2] =	dma.local [spmem:s4], $0x500  }
0x77: {  	_ =	swait.ge [sflag:s25], $0x500  }
0x78: {  	[sflag:s25] =	ssyncset.done $0x0  }
0x79: {  	s26 =	sshrl.u32 s5, $0x3;
	[sflag:s25] =	ssyncadd.s32 $0xFFFFFB00  }
0x7a: {  	[hbm:s15], [sflag:s2] =	dma.local [spmem:s26], $0x500  }
0x7b: {  	_ =	swait.ge [sflag:s25], $0x500  }
0x7c: {  	[sflag:s25] =	ssyncset.done $0x0  }
0x7d: {  	s28 =	sshrl.u32 s6, $0x3;
	[sflag:s25] =	ssyncadd.s32 $0xFFFFFB00  }
0x7e: {  	[hbm:s18], [sflag:s2] =	dma.local [spmem:s28], $0x500  }
0x7f: {  	_ =	swait.ge [sflag:s25], $0x500  }
0x80: {  	[sflag:s25] =	ssyncset.done $0x0  }
0x81: {  	s29 =	sshrl.u32 s7, $0x3;
	[sflag:s25] =	ssyncadd.s32 $0xFFFFFB00  }
0x82: {  	[hbm:s16], [sflag:s2] =	dma.local [spmem:s29], $0x500  }
0x83: {  	_ =	swait.ge [sflag:s25], $0x500  }
0x84: {  	[sflag:s25] =	ssyncset.done $0x0  }
0x85: {  	s30 =	sshrl.u32 s8, $0x3;
	[sflag:s25] =	ssyncadd.s32 $0xFFFFFB00  }
0x86: {  	[hbm:s13], [sflag:s2] =	dma.local [spmem:s30], $0x500  }
0x87: {  	_ =	swait.ge [sflag:s25], $0x500  }
0x88: {  	[sflag:s25] =	ssyncset.done $0x0  }
0x89: {  	s31 =	sshrl.u32 s9, $0x3;
	[sflag:s25] =	ssyncadd.s32 $0xFFFFFB00  }
0x8a: {  	[hbm:s12], [sflag:s2] =	dma.local [spmem:s31], $0x500  }
0x8b: {  	_ =	swait.ge [sflag:s25], $0x500  }
0x8c: {  	[sflag:s25] =	ssyncset.done $0x0  }
0x8d: {  	s3 =	sshrl.u32 @!p0 s10, $0x3;
	[sflag:s25] =	ssyncadd.s32 $0xFFFFFB00  }
0x8e: {  	[hbm:s11], [sflag:s2] =	dma.local @!p0 [spmem:s3], $0x500  }
0x8f: {  	s2 =	simm.s32 @!p0 $0x3  }
0x90: {  	_ =	swait.ge @!p0 [sflag:s2], $0x500  }
0x91: {  	[sflag:s2] =	ssyncset.done @!p0 $0x0  }
0x92: {  	[sflag:s2] =	ssyncadd.s32 @!p0 $0xFFFFFB00  }
0x93: {  	_ =	sfence.sel $0x180000  }
0x94: {  	[bflag:$0x0] =	sbarrier.arrive $0xFFFF  }
0x95: {  	p0 =	sne.s32 s1, $0x0;
	_ =	strace $0x90000047  }
0x96: {  	s0 =	sadd.s32 @!p0 $0x100000, s0;
	[bflag:$0x2] =	sbarrier.arrive $0xFFFF  }
0x97: {  	[sflag:s0] =	ssyncadd.tile.s32 @!p0 $0x1;
	_ =	shalt  }
.Lfunc_end2:
_tile_overlayer_lowered:
.L_overlay_start_2:
0x98: {  	(tag) =	ssettag $0x2  }
0x99: {  	s0 =	rddreg [dreg:$0x0];
	s2 =	stileid.u32  }
0x9a: {  	s1 =	rddreg [dreg:$0x1];
	p0 =	sne.s32 s2, $0x0  }
0x9b: {  	s3 =	rddreg [dreg:$0x2];
	[bflag:$0x3] =	sbarrier.arrive $0xFFFF;
	s2 =	simm.s32 @!p0 $0x1C03  }
0x9c: {  	[timem:s3], [sflag:s2] =	dma.local @!p0 [hbm:s0], s1  }
0x9d: {  	s0 =	simm.s32 @!p0 $0x3  }
0x9e: {  	_ =	swait.ge @!p0 [sflag:s0], s1  }
0x9f: {  	s1 =	ssub.s32 @!p0 $0x0, s1;
	[sflag:s0] =	ssyncset.done @!p0 $0x0  }
0xa0: {  	[sflag:s0] =	ssyncadd.s32 @!p0 s1  }
0xa1: {  	[bflag:$0x3] =	sbarrier.arrive $0xFFFF  }
0xa2: {  	_ =	shalt  }

// kernel: kernel.13.cloned.1.call-start
scs
__scs_entry_jumppad:
0x0: {  	(pc) =	sbr.rel $0x88, $3  }
0x1: {  	(tag) =	ssettag $0x0;
	lr =	simm.s32 $0x1  }
0x2: {  	[smem:$0x3F96] =	sst lr;
	_ =	strace $0xD0000000  }
0x3: {  	_ = 	snop  }
0x4: {  	_ = 	snop  }
0x5: {  	_ = 	snop  }
0x6: {  	_ = 	snop  }
0x7: {  	_ = 	snop  }
__scs_overlays_trampoline_lowered:
0x8: {  	[smem:$0x3FA5] =	sst s0  }
0x9: {  	[smem:$0x3FA6] =	sst s1  }
0xa: {  	[smem:$0x3FA7] =	sst s2  }
0xb: {  	[smem:$0x3FA8] =	sst s3  }
0xc: {  	[smem:$0x3FA9] =	sst s4  }
0xd: {  	[smem:$0x3FAA] =	sst s5  }
0xe: {  	[smem:$0x3FAB] =	sst s6  }
0xf: {  	[smem:$0x3FAC] =	sst s7  }
0x10: {  	[smem:$0x3FAD] =	sst s8  }
0x11: {  	[smem:$0x3FAE] =	sst s9;
	s0 =	simm.s32 @!p0 $0x0  }
0x12: {  	s1 =	sld [smem:$0x3F94];
	s0 =	simm.s32 @p0 $0x1  }
0x13: {  	[smem:$0x3FAF] =	sst s0;
	s0 =	simm.s32 @!p1 $0x0  }
0x14: {  	s2 =	sld [smem:$0x3F93];
	s0 =	simm.s32 @p1 $0x1  }
0x15: {  	[smem:$0x3FB0] =	sst s0;
	s0 =	simm.s32 @!p2 $0x0  }
0x16: {  	s3 =	sld [smem:$0x3FDB];
	s0 =	simm.s32 @p2 $0x1  }
0x17: {  	s4 =	simm.s32 $0x1BF5;
	[smem:$0x3FB2] =	sst s0  }
0x18: {  	s0 =	sld [smem:$0x3F95];
	_ =	swait.ge [sflag:s4], $0x0  }
0x19: {  	s7 =	sld [smem:$0x3F96]  }
0x1a: {  	s8 =	sadd.s32 $0xFFFFE003, lr  }
0x1b: {  	s9 =	sadd.s32 $0xFFFFFEF7, lr;
	s5 =	simm.s32 $0xFFFFFFFF;
	p2 =	slt.u32 s8, $0xFFFFF086  }
0x1c: {  	p1 =	slt.u32 s9, $0xF7A;
	s5 =	simm.s32 @!p2 $0x0  }
0x1d: {  	s5 =	simm.s32 @p1 $0x1;
	p0 =	seq.s32 s7, s2  }
0x1e: {  	s7 =	smul.u32 @!p0 $0xF7A, s2;
	p2 =	seq.s32 @!p0 s5, $0x0  }
0x1f: {  	s9 =	smul.u32 $0xF7A, s1;
	s8 =	simm.s32 @!p0 $0x1BF5;
	p2 =	por !p2, p0  }
0x20: {  	[sflag:s8] =	ssyncset.s32 @!p0 $0xFFFFF086;
	s6 =	sadd.s32 @!p0 s3, s7;
	s7 =	simm.s32 @!p0 $0x108  }
0x21: {  	s3 =	sadd.s32 s3, s9;
	s6 =	sadd.s32 @!p0 $0x88, s6;
	s7 =	simm.s32 @p2 $0x1082  }
0x22: {  	[simem:s7], [sflag:s8] =	dma.local @!p0 [hbm:s6], $0xF7A  }
0x23: {  	s9 =	sor.u32 $0xD0000000, s2;
	s6 =	simm.s32 $0x108;
	_ =	swait.ge @!p0 [sflag:s8], $0x0  }
0x24: {  	s3 =	sadd.s32 $0x88, s3;
	s6 =	simm.s32 @!p1 $0x1082;
	[sflag:s4] =	ssyncset.s32 $0xFFFFF086  }
0x25: {  	[simem:s6], [sflag:s4] =	dma.local [hbm:s3], $0xF7A  }
0x26: {  	[smem:$0x3F96] =	sst s1;
	(tag) =	ssettag s2;
	_ =	strace s9  }
0x27: {  	s1 =	sld [smem:$0x3FA6]  }
0x28: {  	s2 =	sld [smem:$0x3FA7]  }
0x29: {  	s4 =	sld [smem:$0x3FA9]  }
0x2a: {  	p0 =	seq.s32 s5, $0x0;
	s5 =	sld [smem:$0x3FAA]  }
0x2b: {  	s6 =	sld [smem:$0x3FAB]  }
0x2c: {  	s7 =	sld [smem:$0x3FAC]  }
0x2d: {  	s3 =	simm.s32 $0x108;
	s8 =	sld [smem:$0x3FAD]  }
0x2e: {  	s3 =	simm.s32 @!p0 $0x1082;
	s9 =	sld [smem:$0x3FAE]  }
0x2f: {  	lr =	sadd.s32 s0, s3;
	s0 =	sld [smem:$0x3FA5]  }
0x30: {  	s3 =	sld [smem:$0x3FA8]  }
0x31: {  	[smem:$0x3FB1] =	sst s10  }
0x32: {  	s10 =	sld [smem:$0x3FAF];
	_ =	sdelay $0x3  }
0x33: {  	p0 =	seq.s32 s10, $0x1;
	s10 =	sld [smem:$0x3FB1];
	_ =	sdelay $0x3  }
0x34: {  	[smem:$0x3FB1] =	sst s10  }
0x35: {  	s10 =	sld [smem:$0x3FB0];
	_ =	sdelay $0x3  }
0x36: {  	p1 =	seq.s32 s10, $0x1;
	s10 =	sld [smem:$0x3FB1];
	_ =	sdelay $0x3  }
0x37: {  	[smem:$0x3FB1] =	sst s10  }
0x38: {  	s10 =	sld [smem:$0x3FB2]  }
0x39: {  	_ = 	snop;
	(pc) =	sbr.ind lr, $3  }
0x3a: {  	_ = 	snop  }
0x3b: {  	_ = 	snop  }
0x3c: {  	p2 =	seq.s32 s10, $0x1;
	s10 =	sld [smem:$0x3FB1]  }
0x3d: {  	_ =	shalt  }
0x3e: {  	_ =	shalt  }
0x3f: {  	_ =	shalt  }
0x40: {  	_ =	shalt  }
0x41: {  	_ =	shalt  }
0x42: {  	_ =	shalt  }
0x43: {  	_ =	shalt  }
0x44: {  	_ =	shalt  }
0x45: {  	_ =	shalt  }
0x46: {  	_ =	shalt  }
0x47: {  	_ =	shalt  }
0x48: {  	_ =	shalt  }
0x49: {  	_ =	shalt  }
0x4a: {  	_ =	shalt  }
0x4b: {  	_ =	shalt  }
0x4c: {  	_ =	shalt  }
0x4d: {  	_ =	shalt  }
0x4e: {  	_ =	shalt  }
0x4f: {  	_ =	shalt  }
0x50: {  	_ =	shalt  }
0x51: {  	_ =	shalt  }
0x52: {  	_ =	shalt  }
0x53: {  	_ =	shalt  }
0x54: {  	_ =	shalt  }
0x55: {  	_ =	shalt  }
0x56: {  	_ =	shalt  }
0x57: {  	_ =	shalt  }
0x58: {  	_ =	shalt  }
0x59: {  	_ =	shalt  }
0x5a: {  	_ =	shalt  }
0x5b: {  	_ =	shalt  }
0x5c: {  	_ =	shalt  }
0x5d: {  	_ =	shalt  }
0x5e: {  	_ =	shalt  }
0x5f: {  	_ =	shalt  }
0x60: {  	_ =	shalt  }
0x61: {  	_ =	shalt  }
0x62: {  	_ =	shalt  }
0x63: {  	_ =	shalt  }
0x64: {  	_ =	shalt  }
0x65: {  	_ =	shalt  }
0x66: {  	_ =	shalt  }
0x67: {  	_ =	shalt  }
0x68: {  	_ =	shalt  }
0x69: {  	_ =	shalt  }
0x6a: {  	_ =	shalt  }
0x6b: {  	_ =	shalt  }
0x6c: {  	_ =	shalt  }
0x6d: {  	_ =	shalt  }
0x6e: {  	_ =	shalt  }
0x6f: {  	_ =	shalt  }
0x70: {  	_ =	shalt  }
0x71: {  	_ =	shalt  }
0x72: {  	_ =	shalt  }
0x73: {  	_ =	shalt  }
0x74: {  	_ =	shalt  }
0x75: {  	_ =	shalt  }
0x76: {  	_ =	shalt  }
0x77: {  	_ =	shalt  }
0x78: {  	_ =	shalt  }
0x79: {  	_ =	shalt  }
0x7a: {  	_ =	shalt  }
0x7b: {  	_ =	shalt  }
0x7c: {  	_ =	shalt  }
0x7d: {  	_ =	shalt  }
0x7e: {  	_ =	shalt  }
0x7f: {  	_ =	shalt  }
0x80: {  	_ =	shalt  }
0x81: {  	_ =	shalt  }
0x82: {  	_ =	shalt  }
0x83: {  	_ =	shalt  }
0x84: {  	_ =	shalt  }
0x85: {  	_ =	shalt  }
0x86: {  	_ =	shalt  }
0x87: {  	_ =	shalt  }
.Lfunc_end0:
.L_simem_size_0:
called_computation.1_lowered:
.L_overlay_start_0:
0x88: {  	s0 =	sld [smem:$0x3FD9]  }
0x89: {  	s1 =	sld [smem:$0x3FFE];
	_ =	sdelay $0x3  }
0x8a: {  	s0 =	sadd.s32 s1, s0  }
0x8b: {  	[smem:$0x3FBD] =	sst s0  }
0x8c: {  	_ = 	snop  }
0x8d: {  	s0 =	sld [smem:$0x3FD0];
	(tm) =	ssettm $0x1  }
0x8e: {  	s16 =	sld [smem:$0x3FFB];
	_ =	sdelay $0x3  }
0x8f: {  	_ =	strace s16  }
0x90: {  	s1 =	sld [smem:$0x3FFC];
	_ =	sdelay $0x3  }
0x91: {  	_ =	strace s1  }
0x92: {  	s1 =	sld [smem:$0x3FFD];
	_ =	sdelay $0x3  }
0x93: {  	_ =	strace s1  }
0x94: {  	_ =	strace $0x8FFFFFFF  }
0x95: {  	s17 =	sld [smem:$0x3FDB];
	_ =	sdelay $0x1  }
0x96: {  	s2 =	simm.s32 $_scs_section_size  }
0x97: {  	s3 =	simm.s32 $_size__tile_overlayer_lowered;
	s4 =	simm.s32 $_tile_overlayer_lowered  }
0x98: {  	s20 =	simm.s32 $0x1BFF;
	s19 =	sshll.u32 s4, $0x1;
	s1 =	sadd.s32 s2, s17  }
0x99: {  	s5 =	simm.s32 $0x0;
	s18 =	sshll.u32 s3, $0x1;
	s3 =	sadd.s32 s19, s1  }
0x9a: {  	[timem:s5], [sflag:s20] =	dma.local [hbm:s3], s18  }
0x9b: {  	_ =	swait.ge [sflag:s20], s18  }
0x9c: {  	s2 =	ssub.s32 $0x0, s18;
	[sflag:s20] =	ssyncset.done $0x0  }
0x9d: {  	[sflag:s20] =	ssyncadd.s32 s2;
	_ =	sdelay $0x1  }
0x9e: {  	s21 =	simm.s32 $0x1B8B  }
0x9f: {  	_ =	swait.ge [sflag:s21], $0x1  }
0xa0: {  	[sflag:s21] =	ssyncset.done $0x0  }
0xa1: {  	s23 =	simm.s32 $0x1B8E;
	s22 =	sld [smem:$0x3FFE];
	[sflag:s21] =	ssyncadd.s32 $0xFFFFFFFF  }
0xa2: {  	s24 =	simm.s32 $execute0_lowered;
	[smem:$0x3FD2] =	sst s23  }
0xa3: {  	s3 =	sshll.u32 s24, $0x1;
	_ =	strace $0x80000049;
	[dreg:$0x1] =	wrdreg $0xFFFFFFFF  }
0xa4: {  	s25 =	simm.s32 $_size_execute0_lowered;
	s1 =	sadd.s32 s1, s3;
	[dreg:$0x0] =	wrdreg $0x0  }
0xa5: {  	s3 =	sshll.u32 s25, $0x1;
	[dreg:$0x2] =	wrdreg s1  }
0xa6: {  	[dreg:$0x3] =	wrdreg s3  }
0xa7: {  	[dreg:$0x4] =	wrdreg $0xC0  }
0xa8: {  	_ =	task [dreg:s5], $0x5FFFF  }
0xa9: {  	[dreg:$0x1] =	wrdreg $0xFFFFFFFF  }
0xaa: {  	[dreg:$0x0] =	wrdreg $0x60  }
0xab: {  	[dreg:$0x2] =	wrdreg s0  }
0xac: {  	[dreg:$0x3] =	wrdreg s22  }
0xad: {  	[dreg:$0x4] =	wrdreg $0x52000  }
0xae: {  	[dreg:$0x5] =	wrdreg $0xA  }
0xaf: {  	_ =	task.clear_ibuf [dreg:s5], $0x6FFFF;
	_ =	strace $0x90000049  }
0xb0: {  	s26 =	simm.s32 $0xA;
	_ =	strace $0x8000004B  }
0xb1: {  	_ =	swait.ge [sflag:s26], $0x1  }
0xb2: {  	[sflag:s26] =	ssyncadd.s32 $0xFFFFFFFF  }
0xb3: {  	_ =	strace $0x9000004B  }
0xb4: {  	_ =	sfence  }
0xb5: {  	s28 =	sld [smem:$0x0];
	_ =	sdelay $0x1  }
0xb6: {  	s29 =	srdreg.scid  }
0xb7: {  	s30 =	sshll.u32 s29, $0xD;
	s31 =	sshrl.u32 s29, $0x2  }
0xb8: {  	s2 =	sand.u32 $0x4000, s30;
	s1 =	sand.u32 $0x1, s29;
	s0 =	sadd.s32 s31, s28  }
0xb9: {  	s1 =	sor.u32 s2, s1;
	s0 =	sshll.u32 s0, $0x11  }
0xba: {  	s0 =	sor.u32 s0, s1  }
0xbb: {  	s0 =	sadd.s32 $0x8F2B, s0  }
0xbc: {  	[sflag:s0] =	ssyncadd.remote.s32 $0x1  }
0xbd: {  	_ =	sfence.sel $0xFFFF  }
0xbe: {  	[dreg:$0x0] =	wrdreg $0xFFFFFFFF;
	(pc) =	sbr.abs _section_cstart, $3  }
0xbf: {  	[dreg:$0x1] =	wrdreg $0xFFFFFFFF  }
0xc0: {  	_ =	task.clear_ibuf [dreg:s5], $0x2FFFF;
	_ =	strace $0x9FFFFFFF  }
0xc1: {  	(tm) =	ssettm $0x7FFFFFFF  }
tec
execute0_lowered:
.L_overlay_start_1:
0x0: {  	(tag) =	ssettag $0x1  }
0x1: {  	s3 =	rddreg [dreg:$0x0]  }
0x2: {  	s1 =	rddreg [dreg:$0x1]  }
0x3: {  	s2 =	rddreg [dreg:$0x2]  }
0x4: {  	s0 =	simm.s32 $0x0;
	s4 =	simm.s32 $0x0;
	s5 =	simm.s32 $0x200  }
0x5: {  	[smem:$0x7FF] =	sst s0;
	s14 =	sadd.s32 $0xD000, s1;
	s0 =	sadd.s32 $0x3200, s1  }
0x6: {  	v0 =	vimm.f32 $0.0e+00;
	s13 =	sadd.s32 $0x65200, s1;
	s1 =	stileid.u32;
	_ =	strace $0x8000004A  }
.LBB2_1:
0x7: {  	p0 =	sne.s32 s5, $0x9E00;
	[tilespmem:s4+$0x270] =	vst v0  }
0x8: {  	[tilespmem:s4+$0x200] =	vst v0  }
0x9: {  	[tilespmem:s4+$0x210] =	vst v0  }
.Ltmp0:
0xa: {  	[tilespmem:s4+$0x220] =	vst v0;
	(pc) =	sbr.rel @p0 .LBB2_1-.Ltmp0, $4  }
0xb: {  	[tilespmem:s4+$0x230] =	vst v0  }
0xc: {  	[tilespmem:s4+$0x240] =	vst v0  }
0xd: {  	[tilespmem:s4+$0x250] =	vst v0  }
0xe: {  	[tilespmem:s4+$0x260] =	vst v0;
	s4 =	sshra.s32 s5, $0x2;
	s5 =	sadd.s32 $0x200, s5  }
0xf: {  	[tilespmem:s4+$0x270] =	vst v0  }
0x10: {  	[tilespmem:s4+$0x200] =	vst v0  }
0x11: {  	[tilespmem:s4+$0x210] =	vst v0  }
0x12: {  	[tilespmem:s4+$0x220] =	vst v0;
	s5 =	smul.u32 $0xA000, s1  }
0x13: {  	[tilespmem:s4+$0x230] =	vst v0  }
0x14: {  	[tilespmem:s4+$0x240] =	vst v0;
	s5 =	sshrl.u32 s5, $0x2  }
0x15: {  	[tilespmem:s4+$0x250] =	vst v0;
	s18 =	sor.u32 $0x10, s1;
	s10 =	simm.s32 $0x200;
	s8 =	sadd.s32 s5, s2  }
0x16: {  	[tilespmem:s4+$0x260] =	vst v0;
	s15 =	simm.s32 $0x4;
	s9 =	smul.u32 $0xA000, s18;
	[dreg:$0x4] =	wrdreg s8  }
0x17: {  	[spmem:s8] =	stream.linear.scatter [tilespmem:s10], [sflag:$0x4], $0x2800, $0x38;
	[tilespmem:$0x18A80] =	vst v63  }
0x18: {  	s4 =	sshrl.u32 s9, $0x2;
	_ =	swait.ge [sflag:s15], $0x2800  }
0x19: {  	s19 =	sor.u32 $0x20, s1;
	s11 =	sadd.s32 s4, s2;
	[sflag:s15] =	ssyncset.done $0x0  }
0x1a: {  	s12 =	smul.u32 $0xA000, s19;
	[dreg:$0x5] =	wrdreg s11;
	[sflag:s15] =	ssyncadd.s32 $0xFFFFD800  }
0x1b: {  	[spmem:s11] =	stream.linear.scatter [tilespmem:s10], [sflag:$0x4], $0x2800, $0x38;
	[tilespmem:$0x18A80] =	vst v63  }
0x1c: {  	s4 =	sshrl.u32 s12, $0x2;
	_ =	swait.ge [sflag:s15], $0x2800  }
0x1d: {  	s21 =	sor.u32 $0x30, s1;
	s16 =	sadd.s32 s4, s2;
	[sflag:s15] =	ssyncset.done $0x0  }
0x1e: {  	s17 =	smul.u32 $0xA000, s21;
	[dreg:$0x6] =	wrdreg s16;
	[sflag:s15] =	ssyncadd.s32 $0xFFFFD800  }
0x1f: {  	[spmem:s16] =	stream.linear.scatter [tilespmem:s10], [sflag:$0x4], $0x2800, $0x38;
	[tilespmem:$0x18A80] =	vst v63  }
0x20: {  	_ =	swait.ge [sflag:s15], $0x2800  }
0x21: {  	s22 =	sor.u32 $0x40, s1;
	s4 =	sshrl.u32 s17, $0x2;
	[sflag:s15] =	ssyncset.done $0x0  }
0x22: {  	s20 =	smul.u32 $0xA000, s22;
	s7 =	sadd.s32 s4, s2;
	[sflag:s15] =	ssyncadd.s32 $0xFFFFD800  }
0x23: {  	[spmem:s7] =	stream.linear.scatter [tilespmem:s10], [sflag:$0x4], $0x2800, $0x38;
	[tilespmem:$0x18A80] =	vst v63  }
0x24: {  	_ =	swait.ge [sflag:s15], $0x2800  }
0x25: {  	s24 =	sor.u32 $0x50, s1;
	s4 =	sshrl.u32 s20, $0x2;
	[sflag:s15] =	ssyncset.done $0x0  }
0x26: {  	s23 =	smul.u32 $0xA000, s24;
	s8 =	sadd.s32 s4, s2;
	[sflag:s15] =	ssyncadd.s32 $0xFFFFD800  }
0x27: {  	[spmem:s8] =	stream.linear.scatter [tilespmem:s10], [sflag:$0x4], $0x2800, $0x38;
	[tilespmem:$0x18A80] =	vst v63  }
0x28: {  	_ =	swait.ge [sflag:s15], $0x2800  }
0x29: {  	s25 =	sshrl.u32 s23, $0x2;
	s4 =	sor.u32 $0x60, s1;
	[sflag:s15] =	ssyncset.done $0x0  }
0x2a: {  	s9 =	sadd.s32 s25, s2;
	s26 =	smul.u32 $0xA000, s4;
	[sflag:s15] =	ssyncadd.s32 $0xFFFFD800  }
0x2b: {  	[spmem:s9] =	stream.linear.scatter [tilespmem:s10], [sflag:$0x4], $0x2800, $0x38;
	[tilespmem:$0x18A80] =	vst v63  }
0x2c: {  	_ =	swait.ge [sflag:s15], $0x2800  }
0x2d: {  	s5 =	sor.u32 $0x70, s1;
	s11 =	sshrl.u32 s26, $0x2;
	[sflag:s15] =	ssyncset.done $0x0  }
0x2e: {  	s12 =	smul.u32 $0xA000, s5;
	s11 =	sadd.s32 s11, s2;
	[sflag:s15] =	ssyncadd.s32 $0xFFFFD800  }
0x2f: {  	[spmem:s11] =	stream.linear.scatter [tilespmem:s10], [sflag:$0x4], $0x2800, $0x38;
	[tilespmem:$0x18A80] =	vst v63  }
0x30: {  	_ =	swait.ge [sflag:s15], $0x2800  }
0x31: {  	p0 =	sgt.u32 s1, $0xC;
	s12 =	sshrl.u32 s12, $0x2;
	[sflag:s15] =	ssyncset.done $0x0  }
0x32: {  	s12 =	sadd.s32 s12, s2;
	[sflag:s15] =	ssyncadd.s32 $0xFFFFD800;
	s15 =	simm.s32 @!p0 $0x200  }
0x33: {  	[spmem:s12] =	stream.linear.scatter @!p0 [tilespmem:s15], [sflag:$0x4], $0x2800, $0x38;
	[tilespmem:$0x18A80] =	vst v63  }
0x34: {  	s15 =	simm.s32 @!p0 $0x4  }
0x35: {  	s16 =	smul.u32 $0x9C4, s1;
	_ =	swait.ge @!p0 [sflag:s15], $0x2800  }
0x36: {  	[sflag:s15] =	ssyncset.done @!p0 $0x0  }
0x37: {  	s28 =	sadd.s32 s16, s14;
	[sflag:s15] =	ssyncadd.s32 @!p0 $0xFFFFD800  }
0x38: {  	s14 =	simm.s32 $0x0;
	s6 =	sadd.s32 $0x0, s28;
	[bflag:$0x0] =	sbarrier.arrive $0xFFFF  }
0x39: {  	[tilespmem:s14], [sflag:$0x1] =	stream.linear.gather [hbm4b:s6+s14], $0x50, $0x38;
	[tilespmem:$0x18A80] =	vst v63  }
0x3a: {  	s17 =	simm.s32 $0x80;
	s26 =	sadd.s32 s16, s0;
	s20 =	sadd.s32 $0xA, s6  }
0x3b: {  	[tilespmem:s17], [sflag:$0x1] =	stream.linear.gather [hbm4b:s20+s14], $0x50, $0x38;
	[tilespmem:$0x18A80] =	vst v63  }
0x3c: {  	s16 =	simm.s32 $0x100;
	s23 =	sadd.s32 $0x0, s26  }
0x3d: {  	[tilespmem:s16], [sflag:$0x1] =	stream.linear.gather [hbm4b:s23+s14], $0x50, $0x38;
	[tilespmem:$0x18A80] =	vst v63  }
0x3e: {  	s0 =	sadd.s32 $0xA, s23;
	s15 =	simm.s32 $0x180;
	s20 =	simm.s32 $0x1  }
0x3f: {  	[tilespmem:s15], [sflag:$0x1] =	stream.linear.gather [hbm4b:s0+s14], $0x50, $0x38;
	[tilespmem:$0x18A80] =	vst v63  }
0x40: {  	_ =	swait.ge [sflag:s20], $0x50  }
0x41: {  	[sflag:s20] =	ssyncset.done $0x0  }
0x42: {  	[sflag:s20] =	ssyncadd.s32 $0xFFFFFFB0  }
0x43: {  	_ =	swait.ge [sflag:s20], $0x50  }
0x44: {  	[sflag:s20] =	ssyncset.done $0x0  }
0x45: {  	[sflag:s20] =	ssyncadd.s32 $0xFFFFFFB0  }
0x46: {  	_ =	swait.ge [sflag:s20], $0x50  }
0x47: {  	[sflag:s20] =	ssyncset.done $0x0  }
0x48: {  	[sflag:s20] =	ssyncadd.s32 $0xFFFFFFB0  }
0x49: {  	_ =	swait.ge [sflag:s20], $0x50  }
0x4a: {  	[sflag:s20] =	ssyncset.done $0x0  }
0x4b: {  	s21 =	smul.u32 $0x500, s21;
	s23 =	simm.s32 $0x50;
	[sflag:s20] =	ssyncadd.s32 $0xFFFFFFB0  }
0x4c: {  	[tilespmem:s10], [sflag:$0x2] =	stream.indirect.gather [hbm4b:s3+s23], $0x80, s14, s23, $0xb8;
	[tilespmem:$0x18A80] =	vst v63  }
0x4d: {  	s29 =	simm.s32 $0x2A00;
	s31 =	simm.s32 $0x2;
	s25 =	smul.u32 $0x500, s18  }
0x4e: {  	[tilespmem:s29], [sflag:$0x2] =	stream.indirect.gather [hbm4b:s3+s23], $0x80, s17, s23, $0xb8;
	[tilespmem:$0x18A80] =	vst v63  }
0x4f: {  	s18 =	smul.u32 $0x500, s19;
	_ =	swait.ge [sflag:s31], $0x2800  }
0x50: {  	s19 =	smul.u32 $0x500, s22;
	[sflag:s31] =	ssyncset.done $0x0  }
0x51: {  	s4 =	smul.u32 $0x500, s4;
	[sflag:s31] =	ssyncadd.s32 $0xFFFFD800  }
0x52: {  	[spmem:s2] =	stream.indirect.scatter.add.f32 [tilespmem:s10], [sflag:$0x3], $0x80, s16, s23, $0xb8;
	[tilespmem:$0x18A80] =	vst v63  }
0x53: {  	s22 =	sadd.s32 s13, s21;
	s6 =	smul.u32 $0x500, s1;
	_ =	swait.ge [sflag:s31], $0x2800  }
0x54: {  	s5 =	smul.u32 $0x500, s5;
	s4 =	sadd.s32 s13, s4;
	[sflag:s31] =	ssyncset.done $0x0  }
0x55: {  	s30 =	sadd.s32 s13, s6;
	s0 =	simm.s32 $0x3;
	[sflag:s31] =	ssyncadd.s32 $0xFFFFD800  }
0x56: {  	[spmem:s2] =	stream.indirect.scatter.add.f32 [tilespmem:s29], [sflag:$0x3], $0x80, s15, s23, $0xb8;
	[tilespmem:$0x18A80] =	vst v63  }
0x57: {  	s6 =	smul.u32 $0x500, s24;
	s24 =	sadd.s32 s13, s18;
	_ =	swait.ge [sflag:s0], $0x2800  }
0x58: {  	s18 =	sadd.s32 s13, s5;
	[dreg:$0x8] =	wrdreg s4;
	[sflag:s0] =	ssyncset.done $0x0  }
0x59: {  	s25 =	sadd.s32 s13, s25;
	[dreg:$0x7] =	wrdreg s18;
	[sflag:s0] =	ssyncadd.s32 $0xFFFFD800  }
0x5a: {  	s21 =	sadd.s32 s13, s19;
	s5 =	simm.s32 $0x28;
	_ =	swait.ge [sflag:s0], $0x2800  }
0x5b: {  	s19 =	sadd.s32 s13, s6;
	s13 =	simm.s32 $0x14;
	[sflag:s0] =	ssyncset.done $0x0  }
.LBB2_3:
0x5c: {  	s6 =	sadd.s32 s13, s28  }
0x5d: {  	[sflag:s0] =	ssyncadd.s32 $0xFFFFD800;
	s18 =	smov.u32 s5;
	s4 =	sadd.s32 $0x14, s5  }
0x5e: {  	[tilespmem:s14], [sflag:$0x1] =	stream.linear.gather [hbm4b:s6+s14], $0x50, $0x38;
	[tilespmem:$0x18A80] =	vst v63  }
0x5f: {  	p1 =	sne.s32 s5, $0x9B0;
	s5 =	sadd.s32 $0xA, s6  }
0x60: {  	[tilespmem:s17], [sflag:$0x1] =	stream.linear.gather [hbm4b:s5+s14], $0x50, $0x38;
	[tilespmem:$0x18A80] =	vst v63  }
0x61: {  	s5 =	sadd.s32 s13, s26;
	s13 =	smov.u32 s18  }
0x62: {  	[tilespmem:s16], [sflag:$0x1] =	stream.linear.gather [hbm4b:s5+s14], $0x50, $0x38;
	[tilespmem:$0x18A80] =	vst v63  }
0x63: {  	s5 =	sadd.s32 $0xA, s5  }
0x64: {  	[tilespmem:s15], [sflag:$0x1] =	stream.linear.gather [hbm4b:s5+s14], $0x50, $0x38;
	[tilespmem:$0x18A80] =	vst v63  }
0x65: {  	_ =	swait.ge [sflag:s20], $0x50  }
0x66: {  	[sflag:s20] =	ssyncset.done $0x0  }
0x67: {  	[sflag:s20] =	ssyncadd.s32 $0xFFFFFFB0  }
0x68: {  	_ =	swait.ge [sflag:s20], $0x50  }
0x69: {  	[sflag:s20] =	ssyncset.done $0x0  }
0x6a: {  	[sflag:s20] =	ssyncadd.s32 $0xFFFFFFB0  }
0x6b: {  	_ =	swait.ge [sflag:s20], $0x50  }
0x6c: {  	[sflag:s20] =	ssyncset.done $0x0  }
0x6d: {  	[sflag:s20] =	ssyncadd.s32 $0xFFFFFFB0  }
0x6e: {  	_ =	swait.ge [sflag:s20], $0x50  }
0x6f: {  	[sflag:s20] =	ssyncset.done $0x0  }
0x70: {  	[sflag:s20] =	ssyncadd.s32 $0xFFFFFFB0  }
0x71: {  	[tilespmem:s10], [sflag:$0x2] =	stream.indirect.gather [hbm4b:s3+s23], $0x80, s14, s23, $0xb8;
	[tilespmem:$0x18A80] =	vst v63  }
0x72: {  	_ = 	snop  }
0x73: {  	[tilespmem:s29], [sflag:$0x2] =	stream.indirect.gather [hbm4b:s3+s23], $0x80, s17, s23, $0xb8;
	[tilespmem:$0x18A80] =	vst v63  }
0x74: {  	_ =	swait.ge [sflag:s31], $0x2800  }
0x75: {  	[sflag:s31] =	ssyncset.done $0x0  }
0x76: {  	[sflag:s31] =	ssyncadd.s32 $0xFFFFD800  }
0x77: {  	[spmem:s2] =	stream.indirect.scatter.add.f32 [tilespmem:s10], [sflag:$0x3], $0x80, s16, s23, $0xb8;
	[tilespmem:$0x18A80] =	vst v63  }
0x78: {  	_ =	swait.ge [sflag:s31], $0x2800  }
0x79: {  	[sflag:s31] =	ssyncset.done $0x0  }
0x7a: {  	[sflag:s31] =	ssyncadd.s32 $0xFFFFD800  }
0x7b: {  	[spmem:s2] =	stream.indirect.scatter.add.f32 [tilespmem:s29], [sflag:$0x3], $0x80, s15, s23, $0xb8;
	[tilespmem:$0x18A80] =	vst v63  }
.Ltmp1:
0x7c: {  	_ =	swait.ge [sflag:s0], $0x2800;
	(pc) =	sbr.rel @p1 .LBB2_3-.Ltmp1, $4  }
0x7d: {  	[sflag:s0] =	ssyncset.done $0x0  }
0x7e: {  	[sflag:s0] =	ssyncadd.s32 $0xFFFFD800  }
0x7f: {  	_ =	swait.ge [sflag:s0], $0x2800  }
0x80: {  	s5 =	smov.u32 s4;
	[sflag:s0] =	ssyncset.done $0x0  }
0x81: {  	s4 =	sadd.s32 s13, s28;
	[sflag:s0] =	ssyncadd.s32 $0xFFFFD800  }
0x82: {  	[tilespmem:s14], [sflag:$0x1] =	stream.linear.gather [hbm4b:s4+s14], $0x50, $0x38;
	[tilespmem:$0x18A80] =	vst v63  }
0x83: {  	s4 =	sadd.s32 $0xA, s4  }
0x84: {  	[tilespmem:s17], [sflag:$0x1] =	stream.linear.gather [hbm4b:s4+s14], $0x50, $0x38;
	[tilespmem:$0x18A80] =	vst v63  }
0x85: {  	s13 =	sadd.s32 s13, s26  }
0x86: {  	[tilespmem:s16], [sflag:$0x1] =	stream.linear.gather [hbm4b:s13+s14], $0x50, $0x38;
	[tilespmem:$0x18A80] =	vst v63  }
0x87: {  	s4 =	sadd.s32 $0xA, s13  }
0x88: {  	[tilespmem:s15], [sflag:$0x1] =	stream.linear.gather [hbm4b:s4+s14], $0x50, $0x38;
	[tilespmem:$0x18A80] =	vst v63  }
0x89: {  	_ =	swait.ge [sflag:s20], $0x50  }
0x8a: {  	[sflag:s20] =	ssyncset.done $0x0  }
0x8b: {  	[sflag:s20] =	ssyncadd.s32 $0xFFFFFFB0  }
0x8c: {  	_ =	swait.ge [sflag:s20], $0x50  }
0x8d: {  	[sflag:s20] =	ssyncset.done $0x0  }
0x8e: {  	[sflag:s20] =	ssyncadd.s32 $0xFFFFFFB0  }
0x8f: {  	_ =	swait.ge [sflag:s20], $0x50  }
0x90: {  	[sflag:s20] =	ssyncset.done $0x0  }
0x91: {  	[sflag:s20] =	ssyncadd.s32 $0xFFFFFFB0  }
0x92: {  	_ =	swait.ge [sflag:s20], $0x50  }
0x93: {  	[sflag:s20] =	ssyncset.done $0x0  }
0x94: {  	[sflag:s20] =	ssyncadd.s32 $0xFFFFFFB0  }
0x95: {  	[tilespmem:s10], [sflag:$0x2] =	stream.indirect.gather [hbm4b:s3+s23], $0x80, s14, s23, $0xb8;
	[tilespmem:$0x18A80] =	vst v63  }
0x96: {  	_ = 	snop  }
0x97: {  	[tilespmem:s29], [sflag:$0x2] =	stream.indirect.gather [hbm4b:s3+s23], $0x80, s17, s23, $0xb8;
	[tilespmem:$0x18A80] =	vst v63  }
0x98: {  	_ =	swait.ge [sflag:s31], $0x2800  }
0x99: {  	[sflag:s31] =	ssyncset.done $0x0  }
0x9a: {  	[sflag:s31] =	ssyncadd.s32 $0xFFFFD800  }
0x9b: {  	[spmem:s2] =	stream.indirect.scatter.add.f32 [tilespmem:s10], [sflag:$0x3], $0x80, s16, s23, $0xb8;
	[tilespmem:$0x18A80] =	vst v63  }
0x9c: {  	_ =	swait.ge [sflag:s31], $0x2800  }
0x9d: {  	[sflag:s31] =	ssyncset.done $0x0  }
0x9e: {  	[sflag:s31] =	ssyncadd.s32 $0xFFFFD800  }
0x9f: {  	[spmem:s2] =	stream.indirect.scatter.add.f32 [tilespmem:s29], [sflag:$0x3], $0x80, s15, s23, $0xb8;
	[tilespmem:$0x18A80] =	vst v63  }
0xa0: {  	_ =	swait.ge [sflag:s0], $0x2800  }
0xa1: {  	[sflag:s0] =	ssyncset.done $0x0  }
0xa2: {  	[sflag:s0] =	ssyncadd.s32 $0xFFFFD800  }
0xa3: {  	_ =	swait.ge [sflag:s0], $0x2800  }
0xa4: {  	[sflag:s0] =	ssyncset.done $0x0  }
0xa5: {  	[sflag:s0] =	ssyncadd.s32 $0xFFFFD800  }
0xa6: {  	[bflag:$0x0] =	sbarrier.arrive $0xFFFF  }
0xa7: {  	s17 =	sshll.u32 s1, $0x6;
	s18 =	rddreg [dreg:$0x4]  }
0xa8: {  	s20 =	simm.s32 $0x4;
	s0 =	sor.u32 $0x1C04, s17;
	s2 =	sshrl.u32 s18, $0x3  }
0xa9: {  	[hbm:s30], [sflag:s0] =	dma.local [spmem:s2], $0x500  }
0xaa: {  	_ =	swait.ge [sflag:s20], $0x500  }
0xab: {  	[sflag:s20] =	ssyncset.done $0x0;
	s23 =	rddreg [dreg:$0x5]  }
0xac: {  	[sflag:s20] =	ssyncadd.s32 $0xFFFFFB00;
	s3 =	sshrl.u32 s23, $0x3  }
0xad: {  	[hbm:s25], [sflag:s0] =	dma.local [spmem:s3], $0x500  }
0xae: {  	_ =	swait.ge [sflag:s20], $0x500  }
0xaf: {  	[sflag:s20] =	ssyncset.done $0x0;
	s25 =	rddreg [dreg:$0x6]  }
0xb0: {  	[sflag:s20] =	ssyncadd.s32 $0xFFFFFB00;
	s3 =	sshrl.u32 s25, $0x3  }
0xb1: {  	[hbm:s24], [sflag:s0] =	dma.local [spmem:s3], $0x500  }
0xb2: {  	_ =	swait.ge [sflag:s20], $0x500  }
0xb3: {  	[sflag:s20] =	ssyncset.done $0x0  }
0xb4: {  	s26 =	sshrl.u32 s7, $0x3;
	[sflag:s20] =	ssyncadd.s32 $0xFFFFFB00  }
0xb5: {  	[hbm:s22], [sflag:s0] =	dma.local [spmem:s26], $0x500  }
0xb6: {  	_ =	swait.ge [sflag:s20], $0x500  }
0xb7: {  	[sflag:s20] =	ssyncset.done $0x0  }
0xb8: {  	s28 =	sshrl.u32 s8, $0x3;
	[sflag:s20] =	ssyncadd.s32 $0xFFFFFB00  }
0xb9: {  	[hbm:s21], [sflag:s0] =	dma.local [spmem:s28], $0x500  }
0xba: {  	_ =	swait.ge [sflag:s20], $0x500  }
0xbb: {  	[sflag:s20] =	ssyncset.done $0x0  }
0xbc: {  	s29 =	sshrl.u32 s9, $0x3;
	[sflag:s20] =	ssyncadd.s32 $0xFFFFFB00  }
0xbd: {  	[hbm:s19], [sflag:s0] =	dma.local [spmem:s29], $0x500  }
0xbe: {  	_ =	swait.ge [sflag:s20], $0x500  }
0xbf: {  	[sflag:s20] =	ssyncset.done $0x0  }
0xc0: {  	s30 =	sshrl.u32 s11, $0x3;
	s31 =	rddreg [dreg:$0x8];
	[sflag:s20] =	ssyncadd.s32 $0xFFFFFB00  }
0xc1: {  	[hbm:s31], [sflag:s0] =	dma.local [spmem:s30], $0x500  }
0xc2: {  	_ =	swait.ge [sflag:s20], $0x500  }
0xc3: {  	[sflag:s20] =	ssyncset.done $0x0  }
0xc4: {  	s2 =	sshrl.u32 @!p0 s12, $0x3;
	s3 =	rddreg [dreg:$0x7];
	[sflag:s20] =	ssyncadd.s32 $0xFFFFFB00  }
0xc5: {  	[hbm:s3], [sflag:s0] =	dma.local @!p0 [spmem:s2], $0x500  }
0xc6: {  	s0 =	simm.s32 @!p0 $0x4  }
0xc7: {  	_ =	swait.ge @!p0 [sflag:s0], $0x500  }
0xc8: {  	[sflag:s0] =	ssyncset.done @!p0 $0x0  }
0xc9: {  	[sflag:s0] =	ssyncadd.s32 @!p0 $0xFFFFFB00  }
0xca: {  	_ =	sfence.sel $0x180000  }
0xcb: {  	[bflag:$0x0] =	sbarrier.arrive $0xFFFF  }
0xcc: {  	_ =	strace $0x9000004A  }
0xcd: {  	[bflag:$0x2] =	sbarrier.arrive $0xFFFF  }
0xce: {  	p0 =	sne.s32 s1, $0x0;
	s0 =	rddreg [dreg:$0x3]  }
0xcf: {  	s0 =	sadd.s32 @!p0 $0x100000, s0  }
0xd0: {  	[sflag:s0] =	ssyncadd.tile.s32 @!p0 $0x1;
	_ =	shalt  }
.Lfunc_end2:
_tile_overlayer_lowered:
.L_overlay_start_2:
0xd1: {  	(tag) =	ssettag $0x2  }
0xd2: {  	s0 =	rddreg [dreg:$0x0];
	s2 =	stileid.u32  }
0xd3: {  	s1 =	rddreg [dreg:$0x1];
	p0 =	sne.s32 s2, $0x0  }
0xd4: {  	s3 =	rddreg [dreg:$0x2];
	[bflag:$0x3] =	sbarrier.arrive $0xFFFF;
	s2 =	simm.s32 @!p0 $0x1C04  }
0xd5: {  	[timem:s3], [sflag:s2] =	dma.local @!p0 [hbm:s0], s1  }
0xd6: {  	s0 =	simm.s32 @!p0 $0x4  }
0xd7: {  	_ =	swait.ge @!p0 [sflag:s0], s1  }
0xd8: {  	s1 =	ssub.s32 @!p0 $0x0, s1;
	[sflag:s0] =	ssyncset.done @!p0 $0x0  }
0xd9: {  	[sflag:s0] =	ssyncadd.s32 @!p0 s1  }
0xda: {  	[bflag:$0x3] =	sbarrier.arrive $0xFFFF  }
0xdb: {  	_ =	shalt  }

// kernel: kernel.16.cloned.1.call-start
scs
__scs_entry_jumppad:
0x0: {  	(pc) =	sbr.rel $0x88, $3  }
0x1: {  	(tag) =	ssettag $0x0;
	lr =	simm.s32 $0x1  }
0x2: {  	[smem:$0x3F96] =	sst lr;
	_ =	strace $0xD0000000  }
0x3: {  	_ = 	snop  }
0x4: {  	_ = 	snop  }
0x5: {  	_ = 	snop  }
0x6: {  	_ = 	snop  }
0x7: {  	_ = 	snop  }
__scs_overlays_trampoline_lowered:
0x8: {  	[smem:$0x3FA5] =	sst s0  }
0x9: {  	[smem:$0x3FA6] =	sst s1  }
0xa: {  	[smem:$0x3FA7] =	sst s2  }
0xb: {  	[smem:$0x3FA8] =	sst s3  }
0xc: {  	[smem:$0x3FA9] =	sst s4  }
0xd: {  	[smem:$0x3FAA] =	sst s5  }
0xe: {  	[smem:$0x3FAB] =	sst s6  }
0xf: {  	[smem:$0x3FAC] =	sst s7  }
0x10: {  	[smem:$0x3FAD] =	sst s8  }
0x11: {  	[smem:$0x3FAE] =	sst s9;
	s0 =	simm.s32 @!p0 $0x0  }
0x12: {  	s1 =	sld [smem:$0x3F94];
	s0 =	simm.s32 @p0 $0x1  }
0x13: {  	[smem:$0x3FAF] =	sst s0;
	s0 =	simm.s32 @!p1 $0x0  }
0x14: {  	s2 =	sld [smem:$0x3F93];
	s0 =	simm.s32 @p1 $0x1  }
0x15: {  	[smem:$0x3FB0] =	sst s0;
	s0 =	simm.s32 @!p2 $0x0  }
0x16: {  	s3 =	sld [smem:$0x3FDB];
	s0 =	simm.s32 @p2 $0x1  }
0x17: {  	s4 =	simm.s32 $0x1BF5;
	[smem:$0x3FB2] =	sst s0  }
0x18: {  	s0 =	sld [smem:$0x3F95];
	_ =	swait.ge [sflag:s4], $0x0  }
0x19: {  	s7 =	sld [smem:$0x3F96]  }
0x1a: {  	s8 =	sadd.s32 $0xFFFFE003, lr  }
0x1b: {  	s9 =	sadd.s32 $0xFFFFFEF7, lr;
	s5 =	simm.s32 $0xFFFFFFFF;
	p2 =	slt.u32 s8, $0xFFFFF086  }
0x1c: {  	p1 =	slt.u32 s9, $0xF7A;
	s5 =	simm.s32 @!p2 $0x0  }
0x1d: {  	s5 =	simm.s32 @p1 $0x1;
	p0 =	seq.s32 s7, s2  }
0x1e: {  	s7 =	smul.u32 @!p0 $0xF7A, s2;
	p2 =	seq.s32 @!p0 s5, $0x0  }
0x1f: {  	s9 =	smul.u32 $0xF7A, s1;
	s8 =	simm.s32 @!p0 $0x1BF5;
	p2 =	por !p2, p0  }
0x20: {  	[sflag:s8] =	ssyncset.s32 @!p0 $0xFFFFF086;
	s6 =	sadd.s32 @!p0 s3, s7;
	s7 =	simm.s32 @!p0 $0x108  }
0x21: {  	s3 =	sadd.s32 s3, s9;
	s6 =	sadd.s32 @!p0 $0x88, s6;
	s7 =	simm.s32 @p2 $0x1082  }
0x22: {  	[simem:s7], [sflag:s8] =	dma.local @!p0 [hbm:s6], $0xF7A  }
0x23: {  	s9 =	sor.u32 $0xD0000000, s2;
	s6 =	simm.s32 $0x108;
	_ =	swait.ge @!p0 [sflag:s8], $0x0  }
0x24: {  	s3 =	sadd.s32 $0x88, s3;
	s6 =	simm.s32 @!p1 $0x1082;
	[sflag:s4] =	ssyncset.s32 $0xFFFFF086  }
0x25: {  	[simem:s6], [sflag:s4] =	dma.local [hbm:s3], $0xF7A  }
0x26: {  	[smem:$0x3F96] =	sst s1;
	(tag) =	ssettag s2;
	_ =	strace s9  }
0x27: {  	s1 =	sld [smem:$0x3FA6]  }
0x28: {  	s2 =	sld [smem:$0x3FA7]  }
0x29: {  	s4 =	sld [smem:$0x3FA9]  }
0x2a: {  	p0 =	seq.s32 s5, $0x0;
	s5 =	sld [smem:$0x3FAA]  }
0x2b: {  	s6 =	sld [smem:$0x3FAB]  }
0x2c: {  	s7 =	sld [smem:$0x3FAC]  }
0x2d: {  	s3 =	simm.s32 $0x108;
	s8 =	sld [smem:$0x3FAD]  }
0x2e: {  	s3 =	simm.s32 @!p0 $0x1082;
	s9 =	sld [smem:$0x3FAE]  }
0x2f: {  	lr =	sadd.s32 s0, s3;
	s0 =	sld [smem:$0x3FA5]  }
0x30: {  	s3 =	sld [smem:$0x3FA8]  }
0x31: {  	[smem:$0x3FB1] =	sst s10  }
0x32: {  	s10 =	sld [smem:$0x3FAF];
	_ =	sdelay $0x3  }
0x33: {  	p0 =	seq.s32 s10, $0x1;
	s10 =	sld [smem:$0x3FB1];
	_ =	sdelay $0x3  }
0x34: {  	[smem:$0x3FB1] =	sst s10  }
0x35: {  	s10 =	sld [smem:$0x3FB0];
	_ =	sdelay $0x3  }
0x36: {  	p1 =	seq.s32 s10, $0x1;
	s10 =	sld [smem:$0x3FB1];
	_ =	sdelay $0x3  }
0x37: {  	[smem:$0x3FB1] =	sst s10  }
0x38: {  	s10 =	sld [smem:$0x3FB2]  }
0x39: {  	_ = 	snop;
	(pc) =	sbr.ind lr, $3  }
0x3a: {  	_ = 	snop  }
0x3b: {  	_ = 	snop  }
0x3c: {  	p2 =	seq.s32 s10, $0x1;
	s10 =	sld [smem:$0x3FB1]  }
0x3d: {  	_ =	shalt  }
0x3e: {  	_ =	shalt  }
0x3f: {  	_ =	shalt  }
0x40: {  	_ =	shalt  }
0x41: {  	_ =	shalt  }
0x42: {  	_ =	shalt  }
0x43: {  	_ =	shalt  }
0x44: {  	_ =	shalt  }
0x45: {  	_ =	shalt  }
0x46: {  	_ =	shalt  }
0x47: {  	_ =	shalt  }
0x48: {  	_ =	shalt  }
0x49: {  	_ =	shalt  }
0x4a: {  	_ =	shalt  }
0x4b: {  	_ =	shalt  }
0x4c: {  	_ =	shalt  }
0x4d: {  	_ =	shalt  }
0x4e: {  	_ =	shalt  }
0x4f: {  	_ =	shalt  }
0x50: {  	_ =	shalt  }
0x51: {  	_ =	shalt  }
0x52: {  	_ =	shalt  }
0x53: {  	_ =	shalt  }
0x54: {  	_ =	shalt  }
0x55: {  	_ =	shalt  }
0x56: {  	_ =	shalt  }
0x57: {  	_ =	shalt  }
0x58: {  	_ =	shalt  }
0x59: {  	_ =	shalt  }
0x5a: {  	_ =	shalt  }
0x5b: {  	_ =	shalt  }
0x5c: {  	_ =	shalt  }
0x5d: {  	_ =	shalt  }
0x5e: {  	_ =	shalt  }
0x5f: {  	_ =	shalt  }
0x60: {  	_ =	shalt  }
0x61: {  	_ =	shalt  }
0x62: {  	_ =	shalt  }
0x63: {  	_ =	shalt  }
0x64: {  	_ =	shalt  }
0x65: {  	_ =	shalt  }
0x66: {  	_ =	shalt  }
0x67: {  	_ =	shalt  }
0x68: {  	_ =	shalt  }
0x69: {  	_ =	shalt  }
0x6a: {  	_ =	shalt  }
0x6b: {  	_ =	shalt  }
0x6c: {  	_ =	shalt  }
0x6d: {  	_ =	shalt  }
0x6e: {  	_ =	shalt  }
0x6f: {  	_ =	shalt  }
0x70: {  	_ =	shalt  }
0x71: {  	_ =	shalt  }
0x72: {  	_ =	shalt  }
0x73: {  	_ =	shalt  }
0x74: {  	_ =	shalt  }
0x75: {  	_ =	shalt  }
0x76: {  	_ =	shalt  }
0x77: {  	_ =	shalt  }
0x78: {  	_ =	shalt  }
0x79: {  	_ =	shalt  }
0x7a: {  	_ =	shalt  }
0x7b: {  	_ =	shalt  }
0x7c: {  	_ =	shalt  }
0x7d: {  	_ =	shalt  }
0x7e: {  	_ =	shalt  }
0x7f: {  	_ =	shalt  }
0x80: {  	_ =	shalt  }
0x81: {  	_ =	shalt  }
0x82: {  	_ =	shalt  }
0x83: {  	_ =	shalt  }
0x84: {  	_ =	shalt  }
0x85: {  	_ =	shalt  }
0x86: {  	_ =	shalt  }
0x87: {  	_ =	shalt  }
.Lfunc_end0:
.L_simem_size_0:
called_computation.2_lowered:
.L_overlay_start_0:
0x88: {  	s2 =	sld [smem:$0x3FD9]  }
0x89: {  	s3 =	sld [smem:$0x3FFE];
	_ =	sdelay $0x1  }
0x8a: {  	s1 =	srdreg.scid  }
0x8b: {  	s0 =	sand.u32 $0x1, s1  }
0x8c: {  	s17 =	sshll.u32 s0, $0xA;
	s2 =	sadd.s32 s3, s2  }
0x8d: {  	s2 =	sadd.s32 s2, s17  }
0x8e: {  	[smem:$0x3FBD] =	sst s2  }
0x8f: {  	_ = 	snop  }
0x90: {  	(tm) =	ssettm $0x1  }
0x91: {  	s18 =	sld [smem:$0x3FFB];
	_ =	sdelay $0x3  }
0x92: {  	_ =	strace s18  }
0x93: {  	s2 =	sld [smem:$0x3FFC];
	_ =	sdelay $0x3  }
0x94: {  	_ =	strace s2  }
0x95: {  	s2 =	sld [smem:$0x3FFD];
	_ =	sdelay $0x3  }
0x96: {  	_ =	strace s2  }
0x97: {  	_ =	strace $0x8FFFFFFF  }
0x98: {  	s19 =	sld [smem:$0x3FDB];
	_ =	sdelay $0x1  }
0x99: {  	s20 =	simm.s32 $_scs_section_size  }
0x9a: {  	s4 =	simm.s32 $_size__tile_overlayer_lowered;
	s5 =	simm.s32 $_tile_overlayer_lowered  }
0x9b: {  	s6 =	simm.s32 $0x1BFF;
	s21 =	sshll.u32 s5, $0x1;
	s3 =	sadd.s32 s20, s19  }
0x9c: {  	s22 =	simm.s32 $0x0;
	s4 =	sshll.u32 s4, $0x1;
	s5 =	sadd.s32 s21, s3  }
0x9d: {  	[timem:s22], [sflag:s6] =	dma.local [hbm:s5], s4  }
0x9e: {  	_ =	swait.ge [sflag:s6], s4  }
0x9f: {  	s4 =	ssub.s32 $0x0, s4;
	[sflag:s6] =	ssyncset.done $0x0  }
0xa0: {  	[sflag:s6] =	ssyncadd.s32 s4;
	_ =	sdelay $0x1  }
0xa1: {  	s23 =	simm.s32 $0x1B8B  }
0xa2: {  	_ =	swait.ge [sflag:s23], $0x1  }
0xa3: {  	[sflag:s23] =	ssyncset.done $0x0  }
0xa4: {  	[sflag:s23] =	ssyncadd.s32 $0xFFFFFFFF  }
0xa5: {  	s4 =	sld [smem:$0x0]  }
0xa6: {  	s5 =	sand.u32 $0xFFFFFFFE, s1  }
0xa7: {  	p0 =	sne.s32 s1, s5  }
0xa8: {  	s5 =	sshll.u32 @p0 s5, $0xE  }
0xa9: {  	s5 =	sadd.s32 @p0 $0x11B8D, s5;
	s6 =	sshll.u32 @p0 s4, $0x11  }
0xaa: {  	s5 =	sor.u32 @p0 s6, s5  }
0xab: {  	[sflag:s5] =	ssyncadd.remote.s32 @p0 $0x1;
	_ =	sdelay $0x1  }
0xac: {  	s5 =	simm.s32 @p0 $0x1B8D  }
0xad: {  	_ =	swait.eq @p0 [sflag:s5], $0x1  }
0xae: {  	[sflag:s5] =	ssyncadd.s32 @p0 $0xFFFFFFFF  }
0xaf: {  	s6 =	sshll.u32 @!p0 s1, $0xE  }
0xb0: {  	s6 =	sor.u32 @!p0 $0x4000, s6;
	s5 =	simm.s32 @!p0 $0x1B8D  }
0xb1: {  	s4 =	sshll.u32 @!p0 s4, $0x11;
	s6 =	sadd.s32 @!p0 $0x11B8D, s6;
	_ =	swait.eq @!p0 [sflag:s5], $0x1  }
0xb2: {  	s4 =	sor.u32 @!p0 s4, s6;
	[sflag:s5] =	ssyncadd.s32 @!p0 $0xFFFFFFFF  }
0xb3: {  	s25 =	simm.s32 $0x1B8E;
	s24 =	sld [smem:$0x3FFE];
	[sflag:s4] =	ssyncadd.remote.s32 @!p0 $0x1  }
0xb4: {  	s26 =	simm.s32 $execute0_lowered;
	[smem:$0x3FD2] =	sst s25  }
0xb5: {  	s5 =	sshll.u32 s26, $0x1;
	_ =	strace $0x8000004C;
	[dreg:$0x1] =	wrdreg $0xFFFFFFFF  }
0xb6: {  	s28 =	simm.s32 $_size_execute0_lowered;
	s3 =	sadd.s32 s3, s5;
	[dreg:$0x0] =	wrdreg $0x0  }
0xb7: {  	s5 =	sshll.u32 s28, $0x1;
	[dreg:$0x2] =	wrdreg s3  }
0xb8: {  	[dreg:$0x3] =	wrdreg s5  }
0xb9: {  	[dreg:$0x4] =	wrdreg $0xC0  }
0xba: {  	_ =	task [dreg:s22], $0x5FFFF  }
0xbb: {  	[dreg:$0x1] =	wrdreg $0xFFFFFFFF  }
0xbc: {  	[dreg:$0x0] =	wrdreg $0x60  }
0xbd: {  	[dreg:$0x2] =	wrdreg s24  }
0xbe: {  	[dreg:$0x3] =	wrdreg $0xB  }
0xbf: {  	_ =	task.clear_ibuf [dreg:s22], $0x4FFFF;
	_ =	strace $0x9000004C  }
0xc0: {  	s29 =	simm.s32 $0xB;
	_ =	strace $0x8000004E  }
0xc1: {  	_ =	swait.ge [sflag:s29], $0x1  }
0xc2: {  	[sflag:s29] =	ssyncadd.s32 $0xFFFFFFFF  }
0xc3: {  	_ =	strace $0x9000004E  }
0xc4: {  	_ =	sfence  }
0xc5: {  	s30 =	sld [smem:$0x0];
	_ =	sdelay $0x2  }
0xc6: {  	s31 =	sshll.u32 s1, $0xD;
	s1 =	sshrl.u32 s1, $0x2  }
0xc7: {  	s4 =	sand.u32 $0x4000, s31;
	s1 =	sadd.s32 s1, s30  }
0xc8: {  	s0 =	sor.u32 s4, s0;
	s1 =	sshll.u32 s1, $0x11  }
0xc9: {  	s0 =	sor.u32 s1, s0  }
0xca: {  	s0 =	sadd.s32 $0x8F2B, s0  }
0xcb: {  	[sflag:s0] =	ssyncadd.remote.s32 $0x1  }
0xcc: {  	_ =	sfence.sel $0xFFFF  }
0xcd: {  	[dreg:$0x0] =	wrdreg $0xFFFFFFFF;
	(pc) =	sbr.abs _section_cstart, $3  }
0xce: {  	[dreg:$0x1] =	wrdreg $0xFFFFFFFF  }
0xcf: {  	_ =	task.clear_ibuf [dreg:s22], $0x2FFFF;
	_ =	strace $0x9FFFFFFF  }
0xd0: {  	(tm) =	ssettm $0x7FFFFFFF  }
0xd1: {  	_ =	shalt  }
tec
execute0_lowered:
.L_overlay_start_1:
0x0: {  	(tag) =	ssettag $0x1  }
0x1: {  	s3 =	rddreg [dreg:$0x0];
	s2 =	srdreg.scid  }
0x2: {  	s0 =	rddreg [dreg:$0x1];
	s1 =	simm.s32 $0x0;
	s9 =	simm.s32 $0x80  }
0x3: {  	s10 =	simm.s32 $0x1;
	s11 =	simm.s32 $0x4080;
	s12 =	simm.s32 $0x2  }
.Ltmp0:
0x4: {  	s13 =	simm.s32 $0x0;
	s6 =	sand.u32 $0x1, s2;
	(pc) =	sbr.rel .LBB2_1-.Ltmp0, $4  }
0x5: {  	[smem:$0x7FF] =	sst s1;
	s2 =	sadd.s32 $0x3E000, s3;
	s7 =	ssub.s32 $0x2, s6  }
0x6: {  	s4 =	sadd.s32 $0x8C400, s3;
	s5 =	sadd.s32 $0x8EC00, s3;
	s8 =	sshrl.u32 s7, $0x1  }
0x7: {  	s3 =	stileid.u32;
	_ =	strace $0x8000004D;
	s7 =	ssub.s32 s7, s8  }
0x8: {  	s6 =	sshll.u32 s6, $0x4;
	s8 =	simm.s32 $0x3;
	s7 =	smax.u32 s7, $0x1  }
.LBB2_7:
0x9: {  	s13 =	sadd.s32 $0x1, s13  }
0xa: {  	p0 =	sne.s32 s13, s7  }
.Ltmp1:
0xb: {  	_ = 	snop;
	(pc) =	sbr.rel @!p0 .LBB2_8-.Ltmp1, $1  }
0xc: {  	_ =	sdelay $0x3  }
.LBB2_1:
.Ltmp2:
0xd: {  	(pc) =	sbr.rel .LBB2_2-.Ltmp2, $2  }
0xe: {  	_ =	sdelay $0x2  }
0xf: {  	s14 =	simm.s32 $0x0  }
.LBB2_6:
0x10: {  	s14 =	sadd.s32 $0x1, s14  }
0x11: {  	p0 =	sne.s32 s14, $0x14  }
.Ltmp3:
0x12: {  	_ = 	snop;
	(pc) =	sbr.rel @!p0 .LBB2_7-.Ltmp3, $1  }
0x13: {  	_ =	sdelay $0x3  }
.LBB2_2:
0x14: {  	s15 =	sshll.u32 s14, $0x5  }
0x15: {  	s15 =	sor.u32 s15, s6  }
0x16: {  	s15 =	sor.u32 s3, s15  }
0x17: {  	p0 =	sgt.u32 s15, $0x270  }
.Ltmp4:
0x18: {  	_ = 	snop;
	(pc) =	sbr.rel @p0 .LBB2_6-.Ltmp4, $1  }
0x19: {  	_ =	sdelay $0x3  }
0x1a: {  	s16 =	sshll.u32 s15, $0x4  }
0x1b: {  	s17 =	simm.s32 $0x0;
	s16 =	sadd.s32 s4, s16  }
0x1c: {  	[tilespmem:s17], [sflag:$0x3] =	stream.linear.gather [hbm4b:s16+s17], $0x80, $0x38;
	[tilespmem:$0x4880] =	vst v63  }
0x1d: {  	_ =	swait.ge [sflag:s8], $0x80  }
0x1e: {  	[sflag:s8] =	ssyncset.done $0x0  }
0x1f: {  	[sflag:s8] =	ssyncadd.s32 $0xFFFFFF80  }
0x20: {  	[tilespmem:s9], [sflag:$0x1] =	stream.indirect.gather [hbm4b:s2+s9], $0x80, s17, s9, $0xb8;
	[tilespmem:$0x4880] =	vst v63  }
0x21: {  	_ =	swait.ge [sflag:s10], $0x4000  }
0x22: {  	[sflag:s10] =	ssyncset.done $0x0  }
0x23: {  	s16 =	simm.s32 $0x280;
	[sflag:s10] =	ssyncadd.s32 $0xFFFFC000  }
0x24: {  	v0 =	vld [tilespmem:s16+$0xFFFFFE80]  }
0x25: {  	v1 =	vld [tilespmem:s16+$0xFFFFFE00];
	_ =	sdelay $0x1  }
0x26: {  	v2 =	vld [tilespmem:s16+$0xFFFFFF00];
	_ =	sdelay $0x1  }
0x27: {  	v3 =	vld [tilespmem:s16+$0xFFFFFF80]  }
0x28: {  	v0 =	vadd.f32 v0, v1  }
0x29: {  	v1 =	vld [tilespmem:s16+$0x0]  }
0x2a: {  	v0 =	vadd.f32 v2, v0  }
0x2b: {  	v2 =	vld [tilespmem:s16+$0x80]  }
0x2c: {  	v0 =	vadd.f32 v3, v0  }
0x2d: {  	v3 =	vld [tilespmem:s16+$0x100]  }
0x2e: {  	v0 =	vadd.f32 v1, v0  }
0x2f: {  	v1 =	vld [tilespmem:s16+$0x180]  }
0x30: {  	v0 =	vadd.f32 v2, v0;
	_ =	sdelay $0x1  }
0x31: {  	v0 =	vadd.f32 v3, v0;
	_ =	sdelay $0x1  }
0x32: {  	v0 =	vadd.f32 v1, v0  }
0x33: {  	s17 =	simm.s32 $0x0  }
0x34: {  	[tilespmem:s17+$0x4080] =	vst v0  }
0x35: {  	v0 =	vld [tilespmem:s16+$0xFFFFFE10]  }
0x36: {  	v1 =	vld [tilespmem:s16+$0xFFFFFE90];
	_ =	sdelay $0x1  }
0x37: {  	v2 =	vld [tilespmem:s16+$0xFFFFFF10];
	_ =	sdelay $0x1  }
0x38: {  	v3 =	vld [tilespmem:s16+$0xFFFFFF90]  }
0x39: {  	v0 =	vadd.f32 v1, v0  }
0x3a: {  	v1 =	vld [tilespmem:s16+$0x10]  }
0x3b: {  	v0 =	vadd.f32 v2, v0  }
0x3c: {  	v2 =	vld [tilespmem:s16+$0x90]  }
0x3d: {  	v0 =	vadd.f32 v3, v0  }
0x3e: {  	v3 =	vld [tilespmem:s16+$0x110]  }
0x3f: {  	v0 =	vadd.f32 v1, v0  }
0x40: {  	v1 =	vld [tilespmem:s16+$0x190]  }
0x41: {  	v0 =	vadd.f32 v2, v0;
	_ =	sdelay $0x1  }
0x42: {  	v0 =	vadd.f32 v3, v0;
	_ =	sdelay $0x1  }
0x43: {  	v0 =	vadd.f32 v1, v0;
	_ =	sdelay $0x1  }
0x44: {  	[tilespmem:s17+$0x4090] =	vst v0  }
0x45: {  	v0 =	vld [tilespmem:s16+$0xFFFFFE20]  }
0x46: {  	v1 =	vld [tilespmem:s16+$0xFFFFFEA0];
	_ =	sdelay $0x1  }
0x47: {  	v2 =	vld [tilespmem:s16+$0xFFFFFF20];
	_ =	sdelay $0x1  }
0x48: {  	v3 =	vld [tilespmem:s16+$0xFFFFFFA0]  }
0x49: {  	v0 =	vadd.f32 v1, v0  }
0x4a: {  	v1 =	vld [tilespmem:s16+$0x20]  }
0x4b: {  	v0 =	vadd.f32 v2, v0  }
0x4c: {  	v2 =	vld [tilespmem:s16+$0xA0]  }
0x4d: {  	v0 =	vadd.f32 v3, v0  }
0x4e: {  	v3 =	vld [tilespmem:s16+$0x120]  }
0x4f: {  	v0 =	vadd.f32 v1, v0  }
0x50: {  	v1 =	vld [tilespmem:s16+$0x1A0]  }
0x51: {  	v0 =	vadd.f32 v2, v0;
	_ =	sdelay $0x1  }
0x52: {  	v0 =	vadd.f32 v3, v0;
	_ =	sdelay $0x1  }
0x53: {  	v0 =	vadd.f32 v1, v0;
	_ =	sdelay $0x1  }
0x54: {  	[tilespmem:s17+$0x40A0] =	vst v0  }
0x55: {  	v0 =	vld [tilespmem:s16+$0xFFFFFE30]  }
0x56: {  	v1 =	vld [tilespmem:s16+$0xFFFFFEB0];
	_ =	sdelay $0x1  }
0x57: {  	v2 =	vld [tilespmem:s16+$0xFFFFFF30];
	_ =	sdelay $0x1  }
0x58: {  	v3 =	vld [tilespmem:s16+$0xFFFFFFB0]  }
0x59: {  	v0 =	vadd.f32 v1, v0  }
0x5a: {  	v1 =	vld [tilespmem:s16+$0x30]  }
0x5b: {  	v0 =	vadd.f32 v2, v0  }
0x5c: {  	v2 =	vld [tilespmem:s16+$0xB0]  }
0x5d: {  	v0 =	vadd.f32 v3, v0  }
0x5e: {  	v3 =	vld [tilespmem:s16+$0x130]  }
0x5f: {  	v0 =	vadd.f32 v1, v0  }
0x60: {  	v1 =	vld [tilespmem:s16+$0x1B0]  }
0x61: {  	v0 =	vadd.f32 v2, v0;
	_ =	sdelay $0x1  }
0x62: {  	v0 =	vadd.f32 v3, v0;
	_ =	sdelay $0x1  }
0x63: {  	v0 =	vadd.f32 v1, v0;
	_ =	sdelay $0x1  }
0x64: {  	[tilespmem:s17+$0x40B0] =	vst v0  }
0x65: {  	v0 =	vld [tilespmem:s16+$0xFFFFFE40]  }
0x66: {  	v1 =	vld [tilespmem:s16+$0xFFFFFEC0];
	_ =	sdelay $0x1  }
0x67: {  	v2 =	vld [tilespmem:s16+$0xFFFFFF40];
	_ =	sdelay $0x1  }
0x68: {  	v3 =	vld [tilespmem:s16+$0xFFFFFFC0]  }
0x69: {  	v0 =	vadd.f32 v1, v0  }
0x6a: {  	v1 =	vld [tilespmem:s16+$0x40]  }
0x6b: {  	v0 =	vadd.f32 v2, v0  }
0x6c: {  	v2 =	vld [tilespmem:s16+$0xC0]  }
0x6d: {  	v0 =	vadd.f32 v3, v0  }
0x6e: {  	v3 =	vld [tilespmem:s16+$0x140]  }
0x6f: {  	v0 =	vadd.f32 v1, v0  }
0x70: {  	v1 =	vld [tilespmem:s16+$0x1C0]  }
0x71: {  	v0 =	vadd.f32 v2, v0;
	_ =	sdelay $0x1  }
0x72: {  	v0 =	vadd.f32 v3, v0;
	_ =	sdelay $0x1  }
0x73: {  	v0 =	vadd.f32 v1, v0;
	_ =	sdelay $0x1  }
0x74: {  	[tilespmem:s17+$0x40C0] =	vst v0  }
0x75: {  	v0 =	vld [tilespmem:s16+$0xFFFFFE50]  }
0x76: {  	v1 =	vld [tilespmem:s16+$0xFFFFFED0];
	_ =	sdelay $0x1  }
0x77: {  	v2 =	vld [tilespmem:s16+$0xFFFFFF50];
	_ =	sdelay $0x1  }
0x78: {  	v3 =	vld [tilespmem:s16+$0xFFFFFFD0]  }
0x79: {  	v0 =	vadd.f32 v1, v0  }
0x7a: {  	v1 =	vld [tilespmem:s16+$0x50]  }
0x7b: {  	v0 =	vadd.f32 v2, v0  }
0x7c: {  	v2 =	vld [tilespmem:s16+$0xD0]  }
0x7d: {  	v0 =	vadd.f32 v3, v0  }
0x7e: {  	v3 =	vld [tilespmem:s16+$0x150]  }
0x7f: {  	v0 =	vadd.f32 v1, v0  }
0x80: {  	v1 =	vld [tilespmem:s16+$0x1D0]  }
0x81: {  	v0 =	vadd.f32 v2, v0;
	_ =	sdelay $0x1  }
0x82: {  	v0 =	vadd.f32 v3, v0;
	_ =	sdelay $0x1  }
0x83: {  	v0 =	vadd.f32 v1, v0;
	_ =	sdelay $0x1  }
0x84: {  	[tilespmem:s17+$0x40D0] =	vst v0  }
0x85: {  	v0 =	vld [tilespmem:s16+$0xFFFFFE60]  }
0x86: {  	v1 =	vld [tilespmem:s16+$0xFFFFFEE0];
	_ =	sdelay $0x1  }
0x87: {  	v2 =	vld [tilespmem:s16+$0xFFFFFF60];
	_ =	sdelay $0x1  }
0x88: {  	v3 =	vld [tilespmem:s16+$0xFFFFFFE0]  }
0x89: {  	v0 =	vadd.f32 v1, v0  }
0x8a: {  	v1 =	vld [tilespmem:s16+$0x60]  }
0x8b: {  	v0 =	vadd.f32 v2, v0  }
0x8c: {  	v2 =	vld [tilespmem:s16+$0xE0]  }
0x8d: {  	v0 =	vadd.f32 v3, v0  }
0x8e: {  	v3 =	vld [tilespmem:s16+$0x160]  }
0x8f: {  	v0 =	vadd.f32 v1, v0  }
0x90: {  	v1 =	vld [tilespmem:s16+$0x1E0]  }
0x91: {  	v0 =	vadd.f32 v2, v0;
	_ =	sdelay $0x1  }
0x92: {  	v0 =	vadd.f32 v3, v0;
	_ =	sdelay $0x1  }
0x93: {  	v0 =	vadd.f32 v1, v0;
	_ =	sdelay $0x1  }
0x94: {  	[tilespmem:s17+$0x40E0] =	vst v0  }
0x95: {  	v0 =	vld [tilespmem:s16+$0xFFFFFE70]  }
0x96: {  	v1 =	vld [tilespmem:s16+$0xFFFFFEF0];
	_ =	sdelay $0x1  }
0x97: {  	v2 =	vld [tilespmem:s16+$0xFFFFFF70];
	_ =	sdelay $0x1  }
0x98: {  	v4 =	vld [tilespmem:s16+$0xFFFFFFF0]  }
0x99: {  	v1 =	vadd.f32 v1, v0  }
0x9a: {  	v3 =	vld [tilespmem:s16+$0x70]  }
0x9b: {  	v0 =	vld [tilespmem:s16+$0xF0];
	v5 =	vadd.f32 v2, v1  }
0x9c: {  	v1 =	vld [tilespmem:s16+$0x170]  }
0x9d: {  	s18 =	simm.s32 $0x200;
	v2 =	vld [tilespmem:s16+$0x1F0];
	v4 =	vadd.f32 v4, v5  }
.LBB2_4:
0x9e: {  	p0 =	sne.s32 s18, $0x1E00  }
0x9f: {  	s16 =	sadd.s32 $0x400, s16;
	s19 =	smov.u32 s18;
	s18 =	sadd.s32 $0x200, s18;
	v3 =	vadd.f32 v3, v4  }
0xa0: {  	_ = 	snop  }
0xa1: {  	v0 =	vadd.f32 v0, v3;
	_ =	sdelay $0x1  }
0xa2: {  	v0 =	vadd.f32 v1, v0;
	_ =	sdelay $0x1  }
0xa3: {  	v0 =	vadd.f32 v2, v0;
	_ =	sdelay $0x1  }
0xa4: {  	[tilespmem:s17+$0x40F0] =	vst v0  }
0xa5: {  	v0 =	vld [tilespmem:s16+$0xFFFFFE80]  }
0xa6: {  	v1 =	vld [tilespmem:s16+$0xFFFFFE00]  }
0xa7: {  	v2 =	vld [tilespmem:s16+$0xFFFFFF00];
	_ =	sdelay $0x2  }
0xa8: {  	v3 =	vld [tilespmem:s16+$0xFFFFFF80]  }
0xa9: {  	v0 =	vadd.f32 v0, v1  }
0xaa: {  	v1 =	vld [tilespmem:s16+$0x0]  }
0xab: {  	v0 =	vadd.f32 v2, v0  }
0xac: {  	v2 =	vld [tilespmem:s16+$0x80]  }
0xad: {  	v0 =	vadd.f32 v3, v0  }
0xae: {  	v3 =	vld [tilespmem:s16+$0x100]  }
0xaf: {  	v0 =	vadd.f32 v1, v0  }
0xb0: {  	v1 =	vld [tilespmem:s16+$0x180]  }
0xb1: {  	v0 =	vadd.f32 v2, v0;
	_ =	sdelay $0x1  }
0xb2: {  	v0 =	vadd.f32 v3, v0;
	_ =	sdelay $0x1  }
0xb3: {  	v0 =	vadd.f32 v1, v0  }
0xb4: {  	s17 =	sshra.s32 s19, $0x2  }
0xb5: {  	[tilespmem:s17+$0x4080] =	vst v0  }
0xb6: {  	v0 =	vld [tilespmem:s16+$0xFFFFFE10]  }
0xb7: {  	v1 =	vld [tilespmem:s16+$0xFFFFFE90];
	_ =	sdelay $0x1  }
0xb8: {  	v2 =	vld [tilespmem:s16+$0xFFFFFF10];
	_ =	sdelay $0x1  }
0xb9: {  	v3 =	vld [tilespmem:s16+$0xFFFFFF90]  }
0xba: {  	v0 =	vadd.f32 v1, v0  }
0xbb: {  	v1 =	vld [tilespmem:s16+$0x10]  }
0xbc: {  	v0 =	vadd.f32 v2, v0  }
0xbd: {  	v2 =	vld [tilespmem:s16+$0x90]  }
0xbe: {  	v0 =	vadd.f32 v3, v0  }
0xbf: {  	v3 =	vld [tilespmem:s16+$0x110]  }
0xc0: {  	v0 =	vadd.f32 v1, v0  }
0xc1: {  	v1 =	vld [tilespmem:s16+$0x190]  }
0xc2: {  	v0 =	vadd.f32 v2, v0;
	_ =	sdelay $0x1  }
0xc3: {  	v0 =	vadd.f32 v3, v0;
	_ =	sdelay $0x1  }
0xc4: {  	v0 =	vadd.f32 v1, v0;
	_ =	sdelay $0x1  }
0xc5: {  	[tilespmem:s17+$0x4090] =	vst v0  }
0xc6: {  	v0 =	vld [tilespmem:s16+$0xFFFFFE20]  }
0xc7: {  	v1 =	vld [tilespmem:s16+$0xFFFFFEA0];
	_ =	sdelay $0x1  }
0xc8: {  	v2 =	vld [tilespmem:s16+$0xFFFFFF20];
	_ =	sdelay $0x1  }
0xc9: {  	v3 =	vld [tilespmem:s16+$0xFFFFFFA0]  }
0xca: {  	v0 =	vadd.f32 v1, v0  }
0xcb: {  	v1 =	vld [tilespmem:s16+$0x20]  }
0xcc: {  	v0 =	vadd.f32 v2, v0  }
0xcd: {  	v2 =	vld [tilespmem:s16+$0xA0]  }
0xce: {  	v0 =	vadd.f32 v3, v0  }
0xcf: {  	v3 =	vld [tilespmem:s16+$0x120]  }
0xd0: {  	v0 =	vadd.f32 v1, v0  }
0xd1: {  	v1 =	vld [tilespmem:s16+$0x1A0]  }
0xd2: {  	v0 =	vadd.f32 v2, v0;
	_ =	sdelay $0x1  }
0xd3: {  	v0 =	vadd.f32 v3, v0;
	_ =	sdelay $0x1  }
0xd4: {  	v0 =	vadd.f32 v1, v0;
	_ =	sdelay $0x1  }
0xd5: {  	[tilespmem:s17+$0x40A0] =	vst v0  }
0xd6: {  	v0 =	vld [tilespmem:s16+$0xFFFFFE30]  }
0xd7: {  	v1 =	vld [tilespmem:s16+$0xFFFFFEB0];
	_ =	sdelay $0x1  }
0xd8: {  	v2 =	vld [tilespmem:s16+$0xFFFFFF30];
	_ =	sdelay $0x1  }
0xd9: {  	v3 =	vld [tilespmem:s16+$0xFFFFFFB0]  }
0xda: {  	v0 =	vadd.f32 v1, v0  }
0xdb: {  	v1 =	vld [tilespmem:s16+$0x30]  }
0xdc: {  	v0 =	vadd.f32 v2, v0  }
0xdd: {  	v2 =	vld [tilespmem:s16+$0xB0]  }
0xde: {  	v0 =	vadd.f32 v3, v0  }
0xdf: {  	v3 =	vld [tilespmem:s16+$0x130]  }
0xe0: {  	v0 =	vadd.f32 v1, v0  }
0xe1: {  	v1 =	vld [tilespmem:s16+$0x1B0]  }
0xe2: {  	v0 =	vadd.f32 v2, v0;
	_ =	sdelay $0x1  }
0xe3: {  	v0 =	vadd.f32 v3, v0;
	_ =	sdelay $0x1  }
0xe4: {  	v0 =	vadd.f32 v1, v0;
	_ =	sdelay $0x1  }
0xe5: {  	[tilespmem:s17+$0x40B0] =	vst v0  }
0xe6: {  	v0 =	vld [tilespmem:s16+$0xFFFFFE40]  }
0xe7: {  	v1 =	vld [tilespmem:s16+$0xFFFFFEC0];
	_ =	sdelay $0x1  }
0xe8: {  	v2 =	vld [tilespmem:s16+$0xFFFFFF40];
	_ =	sdelay $0x1  }
0xe9: {  	v3 =	vld [tilespmem:s16+$0xFFFFFFC0]  }
0xea: {  	v0 =	vadd.f32 v1, v0  }
0xeb: {  	v1 =	vld [tilespmem:s16+$0x40]  }
0xec: {  	v0 =	vadd.f32 v2, v0  }
0xed: {  	v2 =	vld [tilespmem:s16+$0xC0]  }
0xee: {  	v0 =	vadd.f32 v3, v0  }
0xef: {  	v3 =	vld [tilespmem:s16+$0x140]  }
0xf0: {  	v0 =	vadd.f32 v1, v0  }
0xf1: {  	v1 =	vld [tilespmem:s16+$0x1C0]  }
0xf2: {  	v0 =	vadd.f32 v2, v0;
	_ =	sdelay $0x1  }
0xf3: {  	v0 =	vadd.f32 v3, v0;
	_ =	sdelay $0x1  }
0xf4: {  	v0 =	vadd.f32 v1, v0;
	_ =	sdelay $0x1  }
0xf5: {  	[tilespmem:s17+$0x40C0] =	vst v0  }
0xf6: {  	v0 =	vld [tilespmem:s16+$0xFFFFFE50]  }
0xf7: {  	v1 =	vld [tilespmem:s16+$0xFFFFFED0]  }
0xf8: {  	v2 =	vld [tilespmem:s16+$0xFFFFFF50]  }
0xf9: {  	v3 =	vld [tilespmem:s16+$0xFFFFFFD0]  }
0xfa: {  	v4 =	vld [tilespmem:s16+$0x50]  }
0xfb: {  	v5 =	vld [tilespmem:s16+$0xD0]  }
0xfc: {  	v0 =	vadd.f32 v1, v0;
	v1 =	vld [tilespmem:s16+$0x150]  }
0xfd: {  	v6 =	vld [tilespmem:s16+$0x1D0]  }
0xfe: {  	v0 =	vadd.f32 v2, v0;
	_ =	sdelay $0x1  }
0xff: {  	v0 =	vadd.f32 v3, v0;
	_ =	sdelay $0x1  }
0x100: {  	v0 =	vadd.f32 v4, v0;
	_ =	sdelay $0x1  }
0x101: {  	v0 =	vadd.f32 v5, v0;
	_ =	sdelay $0x1  }
0x102: {  	v0 =	vadd.f32 v1, v0;
	_ =	sdelay $0x1  }
0x103: {  	v0 =	vadd.f32 v6, v0;
	_ =	sdelay $0x1  }
0x104: {  	[tilespmem:s17+$0x40D0] =	vst v0  }
0x105: {  	v0 =	vld [tilespmem:s16+$0xFFFFFE60]  }
0x106: {  	v1 =	vld [tilespmem:s16+$0xFFFFFEE0]  }
0x107: {  	v2 =	vld [tilespmem:s16+$0xFFFFFF60]  }
0x108: {  	v3 =	vld [tilespmem:s16+$0xFFFFFFE0]  }
0x109: {  	v4 =	vld [tilespmem:s16+$0x60]  }
0x10a: {  	v5 =	vld [tilespmem:s16+$0xE0]  }
0x10b: {  	v0 =	vadd.f32 v1, v0;
	v1 =	vld [tilespmem:s16+$0x160]  }
0x10c: {  	v6 =	vld [tilespmem:s16+$0x1E0]  }
0x10d: {  	v0 =	vadd.f32 v2, v0;
	_ =	sdelay $0x1  }
0x10e: {  	v0 =	vadd.f32 v3, v0;
	_ =	sdelay $0x1  }
0x10f: {  	v0 =	vadd.f32 v4, v0;
	_ =	sdelay $0x1  }
0x110: {  	v0 =	vadd.f32 v5, v0;
	_ =	sdelay $0x1  }
0x111: {  	v0 =	vadd.f32 v1, v0;
	_ =	sdelay $0x1  }
0x112: {  	v0 =	vadd.f32 v6, v0;
	_ =	sdelay $0x1  }
0x113: {  	[tilespmem:s17+$0x40E0] =	vst v0  }
0x114: {  	v1 =	vld [tilespmem:s16+$0xFFFFFE70]  }
0x115: {  	v2 =	vld [tilespmem:s16+$0xFFFFFEF0]  }
0x116: {  	v4 =	vld [tilespmem:s16+$0xFFFFFF70]  }
0x117: {  	v5 =	vld [tilespmem:s16+$0xFFFFFFF0]  }
0x118: {  	v3 =	vld [tilespmem:s16+$0x70]  }
0x119: {  	v0 =	vld [tilespmem:s16+$0xF0]  }
.Ltmp5:
0x11a: {  	v6 =	vadd.f32 v2, v1;
	v1 =	vld [tilespmem:s16+$0x170];
	(pc) =	sbr.rel @p0 .LBB2_4-.Ltmp5, $3  }
0x11b: {  	v2 =	vld [tilespmem:s16+$0x1F0]  }
0x11c: {  	v4 =	vadd.f32 v4, v6;
	_ =	sdelay $0x1  }
0x11d: {  	v4 =	vadd.f32 v5, v4  }
0x11e: {  	_ = 	snop  }
0x11f: {  	v3 =	vadd.f32 v3, v4;
	_ =	sdelay $0x1  }
0x120: {  	v0 =	vadd.f32 v0, v3;
	_ =	sdelay $0x1  }
0x121: {  	v0 =	vadd.f32 v1, v0;
	_ =	sdelay $0x1  }
0x122: {  	v0 =	vadd.f32 v2, v0  }
0x123: {  	s15 =	sshll.u32 s15, $0x8  }
.Ltmp6:
0x124: {  	s15 =	sadd.s32 s5, s15;
	[tilespmem:s17+$0x40F0] =	vst v0;
	(pc) =	sbr.rel .LBB2_6-.Ltmp6, $4  }
0x125: {  	[hbm4b:s15+s1] =	stream.linear.scatter [tilespmem:s11], [sflag:$0x2], $0x800, $0x38;
	[tilespmem:$0x4880] =	vst v63  }
0x126: {  	_ =	swait.ge [sflag:s12], $0x800  }
0x127: {  	[sflag:s12] =	ssyncset.done $0x0  }
0x128: {  	[sflag:s12] =	ssyncadd.s32 $0xFFFFF800  }
.LBB2_8:
0x129: {  	_ =	sfence.sel $0x180000  }
0x12a: {  	[bflag:$0x0] =	sbarrier.arrive $0xFFFF  }
0x12b: {  	p0 =	sne.s32 s3, $0x0;
	_ =	strace $0x9000004D  }
0x12c: {  	s0 =	sadd.s32 @!p0 $0x100000, s0;
	[bflag:$0x2] =	sbarrier.arrive $0xFFFF  }
0x12d: {  	[sflag:s0] =	ssyncadd.tile.s32 @!p0 $0x1;
	_ =	shalt  }
.Lfunc_end2:
_tile_overlayer_lowered:
.L_overlay_start_2:
0x12e: {  	(tag) =	ssettag $0x2  }
0x12f: {  	s0 =	rddreg [dreg:$0x0];
	s2 =	stileid.u32  }
0x130: {  	s1 =	rddreg [dreg:$0x1];
	p0 =	sne.s32 s2, $0x0  }
0x131: {  	s3 =	rddreg [dreg:$0x2];
	[bflag:$0x3] =	sbarrier.arrive $0xFFFF;
	s2 =	simm.s32 @!p0 $0x1C02  }
0x132: {  	[timem:s3], [sflag:s2] =	dma.local @!p0 [hbm:s0], s1  }
0x133: {  	s0 =	simm.s32 @!p0 $0x2  }
0x134: {  	_ =	swait.ge @!p0 [sflag:s0], s1  }
0x135: {  	s1 =	ssub.s32 @!p0 $0x0, s1;
	[sflag:s0] =	ssyncset.done @!p0 $0x0  }
0x136: {  	[sflag:s0] =	ssyncadd.s32 @!p0 s1  }
0x137: {  	[bflag:$0x3] =	sbarrier.arrive $0xFFFF  }
0x138: {  	_ =	shalt  }

// kernel: kernel.19.cloned.1.call-start
scs
__scs_entry_jumppad:
0x0: {  	(pc) =	sbr.rel $0x88, $3  }
0x1: {  	(tag) =	ssettag $0x0;
	lr =	simm.s32 $0x1  }
0x2: {  	[smem:$0x3F96] =	sst lr;
	_ =	strace $0xD0000000  }
0x3: {  	_ = 	snop  }
0x4: {  	_ = 	snop  }
0x5: {  	_ = 	snop  }
0x6: {  	_ = 	snop  }
0x7: {  	_ = 	snop  }
__scs_overlays_trampoline_lowered:
0x8: {  	[smem:$0x3FA5] =	sst s0  }
0x9: {  	[smem:$0x3FA6] =	sst s1  }
0xa: {  	[smem:$0x3FA7] =	sst s2  }
0xb: {  	[smem:$0x3FA8] =	sst s3  }
0xc: {  	[smem:$0x3FA9] =	sst s4  }
0xd: {  	[smem:$0x3FAA] =	sst s5  }
0xe: {  	[smem:$0x3FAB] =	sst s6  }
0xf: {  	[smem:$0x3FAC] =	sst s7  }
0x10: {  	[smem:$0x3FAD] =	sst s8  }
0x11: {  	[smem:$0x3FAE] =	sst s9;
	s0 =	simm.s32 @!p0 $0x0  }
0x12: {  	s1 =	sld [smem:$0x3F94];
	s0 =	simm.s32 @p0 $0x1  }
0x13: {  	[smem:$0x3FAF] =	sst s0;
	s0 =	simm.s32 @!p1 $0x0  }
0x14: {  	s2 =	sld [smem:$0x3F93];
	s0 =	simm.s32 @p1 $0x1  }
0x15: {  	[smem:$0x3FB0] =	sst s0;
	s0 =	simm.s32 @!p2 $0x0  }
0x16: {  	s3 =	sld [smem:$0x3FDB];
	s0 =	simm.s32 @p2 $0x1  }
0x17: {  	s4 =	simm.s32 $0x1BF5;
	[smem:$0x3FB2] =	sst s0  }
0x18: {  	s0 =	sld [smem:$0x3F95];
	_ =	swait.ge [sflag:s4], $0x0  }
0x19: {  	s7 =	sld [smem:$0x3F96]  }
0x1a: {  	s8 =	sadd.s32 $0xFFFFE003, lr  }
0x1b: {  	s9 =	sadd.s32 $0xFFFFFEF7, lr;
	s5 =	simm.s32 $0xFFFFFFFF;
	p2 =	slt.u32 s8, $0xFFFFF086  }
0x1c: {  	p1 =	slt.u32 s9, $0xF7A;
	s5 =	simm.s32 @!p2 $0x0  }
0x1d: {  	s5 =	simm.s32 @p1 $0x1;
	p0 =	seq.s32 s7, s2  }
0x1e: {  	s7 =	smul.u32 @!p0 $0xF7A, s2;
	p2 =	seq.s32 @!p0 s5, $0x0  }
0x1f: {  	s9 =	smul.u32 $0xF7A, s1;
	s8 =	simm.s32 @!p0 $0x1BF5;
	p2 =	por !p2, p0  }
0x20: {  	[sflag:s8] =	ssyncset.s32 @!p0 $0xFFFFF086;
	s6 =	sadd.s32 @!p0 s3, s7;
	s7 =	simm.s32 @!p0 $0x108  }
0x21: {  	s3 =	sadd.s32 s3, s9;
	s6 =	sadd.s32 @!p0 $0x88, s6;
	s7 =	simm.s32 @p2 $0x1082  }
0x22: {  	[simem:s7], [sflag:s8] =	dma.local @!p0 [hbm:s6], $0xF7A  }
0x23: {  	s9 =	sor.u32 $0xD0000000, s2;
	s6 =	simm.s32 $0x108;
	_ =	swait.ge @!p0 [sflag:s8], $0x0  }
0x24: {  	s3 =	sadd.s32 $0x88, s3;
	s6 =	simm.s32 @!p1 $0x1082;
	[sflag:s4] =	ssyncset.s32 $0xFFFFF086  }
0x25: {  	[simem:s6], [sflag:s4] =	dma.local [hbm:s3], $0xF7A  }
0x26: {  	[smem:$0x3F96] =	sst s1;
	(tag) =	ssettag s2;
	_ =	strace s9  }
0x27: {  	s1 =	sld [smem:$0x3FA6]  }
0x28: {  	s2 =	sld [smem:$0x3FA7]  }
0x29: {  	s4 =	sld [smem:$0x3FA9]  }
0x2a: {  	p0 =	seq.s32 s5, $0x0;
	s5 =	sld [smem:$0x3FAA]  }
0x2b: {  	s6 =	sld [smem:$0x3FAB]  }
0x2c: {  	s7 =	sld [smem:$0x3FAC]  }
0x2d: {  	s3 =	simm.s32 $0x108;
	s8 =	sld [smem:$0x3FAD]  }
0x2e: {  	s3 =	simm.s32 @!p0 $0x1082;
	s9 =	sld [smem:$0x3FAE]  }
0x2f: {  	lr =	sadd.s32 s0, s3;
	s0 =	sld [smem:$0x3FA5]  }
0x30: {  	s3 =	sld [smem:$0x3FA8]  }
0x31: {  	[smem:$0x3FB1] =	sst s10  }
0x32: {  	s10 =	sld [smem:$0x3FAF];
	_ =	sdelay $0x3  }
0x33: {  	p0 =	seq.s32 s10, $0x1;
	s10 =	sld [smem:$0x3FB1];
	_ =	sdelay $0x3  }
0x34: {  	[smem:$0x3FB1] =	sst s10  }
0x35: {  	s10 =	sld [smem:$0x3FB0];
	_ =	sdelay $0x3  }
0x36: {  	p1 =	seq.s32 s10, $0x1;
	s10 =	sld [smem:$0x3FB1];
	_ =	sdelay $0x3  }
0x37: {  	[smem:$0x3FB1] =	sst s10  }
0x38: {  	s10 =	sld [smem:$0x3FB2]  }
0x39: {  	_ = 	snop;
	(pc) =	sbr.ind lr, $3  }
0x3a: {  	_ = 	snop  }
0x3b: {  	_ = 	snop  }
0x3c: {  	p2 =	seq.s32 s10, $0x1;
	s10 =	sld [smem:$0x3FB1]  }
0x3d: {  	_ =	shalt  }
0x3e: {  	_ =	shalt  }
0x3f: {  	_ =	shalt  }
0x40: {  	_ =	shalt  }
0x41: {  	_ =	shalt  }
0x42: {  	_ =	shalt  }
0x43: {  	_ =	shalt  }
0x44: {  	_ =	shalt  }
0x45: {  	_ =	shalt  }
0x46: {  	_ =	shalt  }
0x47: {  	_ =	shalt  }
0x48: {  	_ =	shalt  }
0x49: {  	_ =	shalt  }
0x4a: {  	_ =	shalt  }
0x4b: {  	_ =	shalt  }
0x4c: {  	_ =	shalt  }
0x4d: {  	_ =	shalt  }
0x4e: {  	_ =	shalt  }
0x4f: {  	_ =	shalt  }
0x50: {  	_ =	shalt  }
0x51: {  	_ =	shalt  }
0x52: {  	_ =	shalt  }
0x53: {  	_ =	shalt  }
0x54: {  	_ =	shalt  }
0x55: {  	_ =	shalt  }
0x56: {  	_ =	shalt  }
0x57: {  	_ =	shalt  }
0x58: {  	_ =	shalt  }
0x59: {  	_ =	shalt  }
0x5a: {  	_ =	shalt  }
0x5b: {  	_ =	shalt  }
0x5c: {  	_ =	shalt  }
0x5d: {  	_ =	shalt  }
0x5e: {  	_ =	shalt  }
0x5f: {  	_ =	shalt  }
0x60: {  	_ =	shalt  }
0x61: {  	_ =	shalt  }
0x62: {  	_ =	shalt  }
0x63: {  	_ =	shalt  }
0x64: {  	_ =	shalt  }
0x65: {  	_ =	shalt  }
0x66: {  	_ =	shalt  }
0x67: {  	_ =	shalt  }
0x68: {  	_ =	shalt  }
0x69: {  	_ =	shalt  }
0x6a: {  	_ =	shalt  }
0x6b: {  	_ =	shalt  }
0x6c: {  	_ =	shalt  }
0x6d: {  	_ =	shalt  }
0x6e: {  	_ =	shalt  }
0x6f: {  	_ =	shalt  }
0x70: {  	_ =	shalt  }
0x71: {  	_ =	shalt  }
0x72: {  	_ =	shalt  }
0x73: {  	_ =	shalt  }
0x74: {  	_ =	shalt  }
0x75: {  	_ =	shalt  }
0x76: {  	_ =	shalt  }
0x77: {  	_ =	shalt  }
0x78: {  	_ =	shalt  }
0x79: {  	_ =	shalt  }
0x7a: {  	_ =	shalt  }
0x7b: {  	_ =	shalt  }
0x7c: {  	_ =	shalt  }
0x7d: {  	_ =	shalt  }
0x7e: {  	_ =	shalt  }
0x7f: {  	_ =	shalt  }
0x80: {  	_ =	shalt  }
0x81: {  	_ =	shalt  }
0x82: {  	_ =	shalt  }
0x83: {  	_ =	shalt  }
0x84: {  	_ =	shalt  }
0x85: {  	_ =	shalt  }
0x86: {  	_ =	shalt  }
0x87: {  	_ =	shalt  }
.Lfunc_end0:
.L_simem_size_0:
called_computation.3_lowered:
.L_overlay_start_0:
0x88: {  	s0 =	sld [smem:$0x3FD9]  }
0x89: {  	s1 =	sld [smem:$0x3FFE];
	_ =	sdelay $0x3  }
0x8a: {  	s0 =	sadd.s32 s1, s0  }
0x8b: {  	[smem:$0x3FBD] =	sst s0  }
0x8c: {  	_ = 	snop  }
0x8d: {  	s0 =	sld [smem:$0x3FD0];
	(tm) =	ssettm $0x1  }
0x8e: {  	s16 =	sld [smem:$0x3FFB];
	_ =	sdelay $0x3  }
0x8f: {  	_ =	strace s16  }
0x90: {  	s1 =	sld [smem:$0x3FFC];
	_ =	sdelay $0x3  }
0x91: {  	_ =	strace s1  }
0x92: {  	s1 =	sld [smem:$0x3FFD];
	_ =	sdelay $0x3  }
0x93: {  	_ =	strace s1  }
0x94: {  	_ =	strace $0x8FFFFFFF  }
0x95: {  	s17 =	sld [smem:$0x3FDB];
	_ =	sdelay $0x1  }
0x96: {  	s2 =	simm.s32 $_scs_section_size  }
0x97: {  	s3 =	simm.s32 $_size__tile_overlayer_lowered;
	s4 =	simm.s32 $_tile_overlayer_lowered  }
0x98: {  	s20 =	simm.s32 $0x1BFF;
	s19 =	sshll.u32 s4, $0x1;
	s1 =	sadd.s32 s2, s17  }
0x99: {  	s5 =	simm.s32 $0x0;
	s18 =	sshll.u32 s3, $0x1;
	s3 =	sadd.s32 s19, s1  }
0x9a: {  	[timem:s5], [sflag:s20] =	dma.local [hbm:s3], s18  }
0x9b: {  	_ =	swait.ge [sflag:s20], s18  }
0x9c: {  	s2 =	ssub.s32 $0x0, s18;
	[sflag:s20] =	ssyncset.done $0x0  }
0x9d: {  	[sflag:s20] =	ssyncadd.s32 s2;
	_ =	sdelay $0x1  }
0x9e: {  	s21 =	simm.s32 $0x1B8B  }
0x9f: {  	_ =	swait.ge [sflag:s21], $0x1  }
0xa0: {  	[sflag:s21] =	ssyncset.done $0x0  }
0xa1: {  	s23 =	simm.s32 $0x1B8E;
	s22 =	sld [smem:$0x3FFE];
	[sflag:s21] =	ssyncadd.s32 $0xFFFFFFFF  }
0xa2: {  	s24 =	simm.s32 $execute0_lowered;
	[smem:$0x3FD2] =	sst s23  }
0xa3: {  	s3 =	sshll.u32 s24, $0x1;
	_ =	strace $0x8000004F;
	[dreg:$0x1] =	wrdreg $0xFFFFFFFF  }
0xa4: {  	s25 =	simm.s32 $_size_execute0_lowered;
	s1 =	sadd.s32 s1, s3;
	[dreg:$0x0] =	wrdreg $0x0  }
0xa5: {  	s3 =	sshll.u32 s25, $0x1;
	[dreg:$0x2] =	wrdreg s1  }
0xa6: {  	[dreg:$0x3] =	wrdreg s3  }
0xa7: {  	[dreg:$0x4] =	wrdreg $0xC0  }
0xa8: {  	_ =	task [dreg:s5], $0x5FFFF  }
0xa9: {  	[dreg:$0x1] =	wrdreg $0xFFFFFFFF  }
0xaa: {  	[dreg:$0x0] =	wrdreg $0x60  }
0xab: {  	[dreg:$0x2] =	wrdreg s0  }
0xac: {  	[dreg:$0x3] =	wrdreg s22  }
0xad: {  	[dreg:$0x4] =	wrdreg $0x52000  }
0xae: {  	[dreg:$0x5] =	wrdreg $0x9  }
0xaf: {  	_ =	task.clear_ibuf [dreg:s5], $0x6FFFF;
	_ =	strace $0x9000004F  }
0xb0: {  	s26 =	simm.s32 $0x9;
	_ =	strace $0x80000051  }
0xb1: {  	_ =	swait.ge [sflag:s26], $0x1  }
0xb2: {  	[sflag:s26] =	ssyncadd.s32 $0xFFFFFFFF  }
0xb3: {  	_ =	strace $0x90000051  }
0xb4: {  	_ =	sfence  }
0xb5: {  	s28 =	sld [smem:$0x0];
	_ =	sdelay $0x1  }
0xb6: {  	s29 =	srdreg.scid  }
0xb7: {  	s30 =	sshll.u32 s29, $0xD;
	s31 =	sshrl.u32 s29, $0x2  }
0xb8: {  	s2 =	sand.u32 $0x4000, s30;
	s1 =	sand.u32 $0x1, s29;
	s0 =	sadd.s32 s31, s28  }
0xb9: {  	s1 =	sor.u32 s2, s1;
	s0 =	sshll.u32 s0, $0x11  }
0xba: {  	s0 =	sor.u32 s0, s1  }
0xbb: {  	s0 =	sadd.s32 $0x8F2B, s0  }
0xbc: {  	[sflag:s0] =	ssyncadd.remote.s32 $0x1  }
0xbd: {  	_ =	sfence.sel $0xFFFF  }
0xbe: {  	[dreg:$0x0] =	wrdreg $0xFFFFFFFF;
	(pc) =	sbr.abs _section_cstart, $3  }
0xbf: {  	[dreg:$0x1] =	wrdreg $0xFFFFFFFF  }
0xc0: {  	_ =	task.clear_ibuf [dreg:s5], $0x2FFFF;
	_ =	strace $0x9FFFFFFF  }
0xc1: {  	(tm) =	ssettm $0x7FFFFFFF  }
tec
execute0_lowered:
.L_overlay_start_1:
0x0: {  	(tag) =	ssettag $0x1  }
0x1: {  	s3 =	rddreg [dreg:$0x0]  }
0x2: {  	s1 =	rddreg [dreg:$0x1]  }
0x3: {  	s2 =	rddreg [dreg:$0x2]  }
0x4: {  	s0 =	simm.s32 $0x0;
	s4 =	simm.s32 $0x0;
	s5 =	simm.s32 $0x200  }
0x5: {  	[smem:$0x7FF] =	sst s0;
	s14 =	sadd.s32 $0xD000, s1;
	s0 =	sadd.s32 $0x3200, s1  }
0x6: {  	v0 =	vimm.f32 $0.0e+00;
	s13 =	sadd.s32 $0x65200, s1;
	s1 =	stileid.u32;
	_ =	strace $0x80000050  }
.LBB2_1:
0x7: {  	p0 =	sne.s32 s5, $0x9E00;
	[tilespmem:s4+$0x270] =	vst v0  }
0x8: {  	[tilespmem:s4+$0x200] =	vst v0  }
0x9: {  	[tilespmem:s4+$0x210] =	vst v0  }
.Ltmp0:
0xa: {  	[tilespmem:s4+$0x220] =	vst v0;
	(pc) =	sbr.rel @p0 .LBB2_1-.Ltmp0, $4  }
0xb: {  	[tilespmem:s4+$0x230] =	vst v0  }
0xc: {  	[tilespmem:s4+$0x240] =	vst v0  }
0xd: {  	[tilespmem:s4+$0x250] =	vst v0  }
0xe: {  	[tilespmem:s4+$0x260] =	vst v0;
	s4 =	sshra.s32 s5, $0x2;
	s5 =	sadd.s32 $0x200, s5  }
0xf: {  	[tilespmem:s4+$0x270] =	vst v0  }
0x10: {  	[tilespmem:s4+$0x200] =	vst v0  }
0x11: {  	[tilespmem:s4+$0x210] =	vst v0  }
0x12: {  	[tilespmem:s4+$0x220] =	vst v0;
	s5 =	smul.u32 $0xA000, s1  }
0x13: {  	[tilespmem:s4+$0x230] =	vst v0  }
0x14: {  	[tilespmem:s4+$0x240] =	vst v0;
	s5 =	sshrl.u32 s5, $0x2  }
0x15: {  	[tilespmem:s4+$0x250] =	vst v0;
	s18 =	sor.u32 $0x10, s1;
	s10 =	simm.s32 $0x200;
	s8 =	sadd.s32 s5, s2  }
0x16: {  	[tilespmem:s4+$0x260] =	vst v0;
	s15 =	simm.s32 $0x4;
	s9 =	smul.u32 $0xA000, s18;
	[dreg:$0x4] =	wrdreg s8  }
0x17: {  	[spmem:s8] =	stream.linear.scatter [tilespmem:s10], [sflag:$0x4], $0x2800, $0x38;
	[tilespmem:$0x18A80] =	vst v63  }
0x18: {  	s4 =	sshrl.u32 s9, $0x2;
	_ =	swait.ge [sflag:s15], $0x2800  }
0x19: {  	s19 =	sor.u32 $0x20, s1;
	s11 =	sadd.s32 s4, s2;
	[sflag:s15] =	ssyncset.done $0x0  }
0x1a: {  	s12 =	smul.u32 $0xA000, s19;
	[dreg:$0x5] =	wrdreg s11;
	[sflag:s15] =	ssyncadd.s32 $0xFFFFD800  }
0x1b: {  	[spmem:s11] =	stream.linear.scatter [tilespmem:s10], [sflag:$0x4], $0x2800, $0x38;
	[tilespmem:$0x18A80] =	vst v63  }
0x1c: {  	s4 =	sshrl.u32 s12, $0x2;
	_ =	swait.ge [sflag:s15], $0x2800  }
0x1d: {  	s21 =	sor.u32 $0x30, s1;
	s16 =	sadd.s32 s4, s2;
	[sflag:s15] =	ssyncset.done $0x0  }
0x1e: {  	s17 =	smul.u32 $0xA000, s21;
	[dreg:$0x6] =	wrdreg s16;
	[sflag:s15] =	ssyncadd.s32 $0xFFFFD800  }
0x1f: {  	[spmem:s16] =	stream.linear.scatter [tilespmem:s10], [sflag:$0x4], $0x2800, $0x38;
	[tilespmem:$0x18A80] =	vst v63  }
0x20: {  	_ =	swait.ge [sflag:s15], $0x2800  }
0x21: {  	s22 =	sor.u32 $0x40, s1;
	s4 =	sshrl.u32 s17, $0x2;
	[sflag:s15] =	ssyncset.done $0x0  }
0x22: {  	s20 =	smul.u32 $0xA000, s22;
	s7 =	sadd.s32 s4, s2;
	[sflag:s15] =	ssyncadd.s32 $0xFFFFD800  }
0x23: {  	[spmem:s7] =	stream.linear.scatter [tilespmem:s10], [sflag:$0x4], $0x2800, $0x38;
	[tilespmem:$0x18A80] =	vst v63  }
0x24: {  	_ =	swait.ge [sflag:s15], $0x2800  }
0x25: {  	s24 =	sor.u32 $0x50, s1;
	s4 =	sshrl.u32 s20, $0x2;
	[sflag:s15] =	ssyncset.done $0x0  }
0x26: {  	s23 =	smul.u32 $0xA000, s24;
	s8 =	sadd.s32 s4, s2;
	[sflag:s15] =	ssyncadd.s32 $0xFFFFD800  }
0x27: {  	[spmem:s8] =	stream.linear.scatter [tilespmem:s10], [sflag:$0x4], $0x2800, $0x38;
	[tilespmem:$0x18A80] =	vst v63  }
0x28: {  	_ =	swait.ge [sflag:s15], $0x2800  }
0x29: {  	s25 =	sshrl.u32 s23, $0x2;
	s4 =	sor.u32 $0x60, s1;
	[sflag:s15] =	ssyncset.done $0x0  }
0x2a: {  	s9 =	sadd.s32 s25, s2;
	s26 =	smul.u32 $0xA000, s4;
	[sflag:s15] =	ssyncadd.s32 $0xFFFFD800  }
0x2b: {  	[spmem:s9] =	stream.linear.scatter [tilespmem:s10], [sflag:$0x4], $0x2800, $0x38;
	[tilespmem:$0x18A80] =	vst v63  }
0x2c: {  	_ =	swait.ge [sflag:s15], $0x2800  }
0x2d: {  	s5 =	sor.u32 $0x70, s1;
	s11 =	sshrl.u32 s26, $0x2;
	[sflag:s15] =	ssyncset.done $0x0  }
0x2e: {  	s12 =	smul.u32 $0xA000, s5;
	s11 =	sadd.s32 s11, s2;
	[sflag:s15] =	ssyncadd.s32 $0xFFFFD800  }
0x2f: {  	[spmem:s11] =	stream.linear.scatter [tilespmem:s10], [sflag:$0x4], $0x2800, $0x38;
	[tilespmem:$0x18A80] =	vst v63  }
0x30: {  	_ =	swait.ge [sflag:s15], $0x2800  }
0x31: {  	p0 =	sgt.u32 s1, $0xC;
	s12 =	sshrl.u32 s12, $0x2;
	[sflag:s15] =	ssyncset.done $0x0  }
0x32: {  	s12 =	sadd.s32 s12, s2;
	[sflag:s15] =	ssyncadd.s32 $0xFFFFD800;
	s15 =	simm.s32 @!p0 $0x200  }
0x33: {  	[spmem:s12] =	stream.linear.scatter @!p0 [tilespmem:s15], [sflag:$0x4], $0x2800, $0x38;
	[tilespmem:$0x18A80] =	vst v63  }
0x34: {  	s15 =	simm.s32 @!p0 $0x4  }
0x35: {  	s16 =	smul.u32 $0x9C4, s1;
	_ =	swait.ge @!p0 [sflag:s15], $0x2800  }
0x36: {  	[sflag:s15] =	ssyncset.done @!p0 $0x0  }
0x37: {  	s28 =	sadd.s32 s16, s14;
	[sflag:s15] =	ssyncadd.s32 @!p0 $0xFFFFD800  }
0x38: {  	s14 =	simm.s32 $0x0;
	s6 =	sadd.s32 $0x0, s28;
	[bflag:$0x0] =	sbarrier.arrive $0xFFFF  }
0x39: {  	[tilespmem:s14], [sflag:$0x1] =	stream.linear.gather [hbm4b:s6+s14], $0x50, $0x38;
	[tilespmem:$0x18A80] =	vst v63  }
0x3a: {  	s17 =	simm.s32 $0x80;
	s26 =	sadd.s32 s16, s0;
	s20 =	sadd.s32 $0xA, s6  }
0x3b: {  	[tilespmem:s17], [sflag:$0x1] =	stream.linear.gather [hbm4b:s20+s14], $0x50, $0x38;
	[tilespmem:$0x18A80] =	vst v63  }
0x3c: {  	s16 =	simm.s32 $0x100;
	s23 =	sadd.s32 $0x0, s26  }
0x3d: {  	[tilespmem:s16], [sflag:$0x1] =	stream.linear.gather [hbm4b:s23+s14], $0x50, $0x38;
	[tilespmem:$0x18A80] =	vst v63  }
0x3e: {  	s0 =	sadd.s32 $0xA, s23;
	s15 =	simm.s32 $0x180;
	s20 =	simm.s32 $0x1  }
0x3f: {  	[tilespmem:s15], [sflag:$0x1] =	stream.linear.gather [hbm4b:s0+s14], $0x50, $0x38;
	[tilespmem:$0x18A80] =	vst v63  }
0x40: {  	_ =	swait.ge [sflag:s20], $0x50  }
0x41: {  	[sflag:s20] =	ssyncset.done $0x0  }
0x42: {  	[sflag:s20] =	ssyncadd.s32 $0xFFFFFFB0  }
0x43: {  	_ =	swait.ge [sflag:s20], $0x50  }
0x44: {  	[sflag:s20] =	ssyncset.done $0x0  }
0x45: {  	[sflag:s20] =	ssyncadd.s32 $0xFFFFFFB0  }
0x46: {  	_ =	swait.ge [sflag:s20], $0x50  }
0x47: {  	[sflag:s20] =	ssyncset.done $0x0  }
0x48: {  	[sflag:s20] =	ssyncadd.s32 $0xFFFFFFB0  }
0x49: {  	_ =	swait.ge [sflag:s20], $0x50  }
0x4a: {  	[sflag:s20] =	ssyncset.done $0x0  }
0x4b: {  	s21 =	smul.u32 $0x500, s21;
	s23 =	simm.s32 $0x50;
	[sflag:s20] =	ssyncadd.s32 $0xFFFFFFB0  }
0x4c: {  	[tilespmem:s10], [sflag:$0x2] =	stream.indirect.gather [hbm4b:s3+s23], $0x80, s14, s23, $0xb8;
	[tilespmem:$0x18A80] =	vst v63  }
0x4d: {  	s29 =	simm.s32 $0x2A00;
	s31 =	simm.s32 $0x2;
	s25 =	smul.u32 $0x500, s18  }
0x4e: {  	[tilespmem:s29], [sflag:$0x2] =	stream.indirect.gather [hbm4b:s3+s23], $0x80, s17, s23, $0xb8;
	[tilespmem:$0x18A80] =	vst v63  }
0x4f: {  	s18 =	smul.u32 $0x500, s19;
	_ =	swait.ge [sflag:s31], $0x2800  }
0x50: {  	s19 =	smul.u32 $0x500, s22;
	[sflag:s31] =	ssyncset.done $0x0  }
0x51: {  	s4 =	smul.u32 $0x500, s4;
	[sflag:s31] =	ssyncadd.s32 $0xFFFFD800  }
0x52: {  	[spmem:s2] =	stream.indirect.scatter.add.f32 [tilespmem:s10], [sflag:$0x3], $0x80, s16, s23, $0xb8;
	[tilespmem:$0x18A80] =	vst v63  }
0x53: {  	s22 =	sadd.s32 s13, s21;
	s6 =	smul.u32 $0x500, s1;
	_ =	swait.ge [sflag:s31], $0x2800  }
0x54: {  	s5 =	smul.u32 $0x500, s5;
	s4 =	sadd.s32 s13, s4;
	[sflag:s31] =	ssyncset.done $0x0  }
0x55: {  	s30 =	sadd.s32 s13, s6;
	s0 =	simm.s32 $0x3;
	[sflag:s31] =	ssyncadd.s32 $0xFFFFD800  }
0x56: {  	[spmem:s2] =	stream.indirect.scatter.add.f32 [tilespmem:s29], [sflag:$0x3], $0x80, s15, s23, $0xb8;
	[tilespmem:$0x18A80] =	vst v63  }
0x57: {  	s6 =	smul.u32 $0x500, s24;
	s24 =	sadd.s32 s13, s18;
	_ =	swait.ge [sflag:s0], $0x2800  }
0x58: {  	s18 =	sadd.s32 s13, s5;
	[dreg:$0x8] =	wrdreg s4;
	[sflag:s0] =	ssyncset.done $0x0  }
0x59: {  	s25 =	sadd.s32 s13, s25;
	[dreg:$0x7] =	wrdreg s18;
	[sflag:s0] =	ssyncadd.s32 $0xFFFFD800  }
0x5a: {  	s21 =	sadd.s32 s13, s19;
	s5 =	simm.s32 $0x28;
	_ =	swait.ge [sflag:s0], $0x2800  }
0x5b: {  	s19 =	sadd.s32 s13, s6;
	s13 =	simm.s32 $0x14;
	[sflag:s0] =	ssyncset.done $0x0  }
.LBB2_3:
0x5c: {  	s6 =	sadd.s32 s13, s28  }
0x5d: {  	[sflag:s0] =	ssyncadd.s32 $0xFFFFD800;
	s18 =	smov.u32 s5;
	s4 =	sadd.s32 $0x14, s5  }
0x5e: {  	[tilespmem:s14], [sflag:$0x1] =	stream.linear.gather [hbm4b:s6+s14], $0x50, $0x38;
	[tilespmem:$0x18A80] =	vst v63  }
0x5f: {  	p1 =	sne.s32 s5, $0x9B0;
	s5 =	sadd.s32 $0xA, s6  }
0x60: {  	[tilespmem:s17], [sflag:$0x1] =	stream.linear.gather [hbm4b:s5+s14], $0x50, $0x38;
	[tilespmem:$0x18A80] =	vst v63  }
0x61: {  	s5 =	sadd.s32 s13, s26;
	s13 =	smov.u32 s18  }
0x62: {  	[tilespmem:s16], [sflag:$0x1] =	stream.linear.gather [hbm4b:s5+s14], $0x50, $0x38;
	[tilespmem:$0x18A80] =	vst v63  }
0x63: {  	s5 =	sadd.s32 $0xA, s5  }
0x64: {  	[tilespmem:s15], [sflag:$0x1] =	stream.linear.gather [hbm4b:s5+s14], $0x50, $0x38;
	[tilespmem:$0x18A80] =	vst v63  }
0x65: {  	_ =	swait.ge [sflag:s20], $0x50  }
0x66: {  	[sflag:s20] =	ssyncset.done $0x0  }
0x67: {  	[sflag:s20] =	ssyncadd.s32 $0xFFFFFFB0  }
0x68: {  	_ =	swait.ge [sflag:s20], $0x50  }
0x69: {  	[sflag:s20] =	ssyncset.done $0x0  }
0x6a: {  	[sflag:s20] =	ssyncadd.s32 $0xFFFFFFB0  }
0x6b: {  	_ =	swait.ge [sflag:s20], $0x50  }
0x6c: {  	[sflag:s20] =	ssyncset.done $0x0  }
0x6d: {  	[sflag:s20] =	ssyncadd.s32 $0xFFFFFFB0  }
0x6e: {  	_ =	swait.ge [sflag:s20], $0x50  }
0x6f: {  	[sflag:s20] =	ssyncset.done $0x0  }
0x70: {  	[sflag:s20] =	ssyncadd.s32 $0xFFFFFFB0  }
0x71: {  	[tilespmem:s10], [sflag:$0x2] =	stream.indirect.gather [hbm4b:s3+s23], $0x80, s14, s23, $0xb8;
	[tilespmem:$0x18A80] =	vst v63  }
0x72: {  	_ = 	snop  }
0x73: {  	[tilespmem:s29], [sflag:$0x2] =	stream.indirect.gather [hbm4b:s3+s23], $0x80, s17, s23, $0xb8;
	[tilespmem:$0x18A80] =	vst v63  }
0x74: {  	_ =	swait.ge [sflag:s31], $0x2800  }
0x75: {  	[sflag:s31] =	ssyncset.done $0x0  }
0x76: {  	[sflag:s31] =	ssyncadd.s32 $0xFFFFD800  }
0x77: {  	[spmem:s2] =	stream.indirect.scatter.add.f32 [tilespmem:s10], [sflag:$0x3], $0x80, s16, s23, $0xb8;
	[tilespmem:$0x18A80] =	vst v63  }
0x78: {  	_ =	swait.ge [sflag:s31], $0x2800  }
0x79: {  	[sflag:s31] =	ssyncset.done $0x0  }
0x7a: {  	[sflag:s31] =	ssyncadd.s32 $0xFFFFD800  }
0x7b: {  	[spmem:s2] =	stream.indirect.scatter.add.f32 [tilespmem:s29], [sflag:$0x3], $0x80, s15, s23, $0xb8;
	[tilespmem:$0x18A80] =	vst v63  }
.Ltmp1:
0x7c: {  	_ =	swait.ge [sflag:s0], $0x2800;
	(pc) =	sbr.rel @p1 .LBB2_3-.Ltmp1, $4  }
0x7d: {  	[sflag:s0] =	ssyncset.done $0x0  }
0x7e: {  	[sflag:s0] =	ssyncadd.s32 $0xFFFFD800  }
0x7f: {  	_ =	swait.ge [sflag:s0], $0x2800  }
0x80: {  	s5 =	smov.u32 s4;
	[sflag:s0] =	ssyncset.done $0x0  }
0x81: {  	s4 =	sadd.s32 s13, s28;
	[sflag:s0] =	ssyncadd.s32 $0xFFFFD800  }
0x82: {  	[tilespmem:s14], [sflag:$0x1] =	stream.linear.gather [hbm4b:s4+s14], $0x50, $0x38;
	[tilespmem:$0x18A80] =	vst v63  }
0x83: {  	s4 =	sadd.s32 $0xA, s4  }
0x84: {  	[tilespmem:s17], [sflag:$0x1] =	stream.linear.gather [hbm4b:s4+s14], $0x50, $0x38;
	[tilespmem:$0x18A80] =	vst v63  }
0x85: {  	s13 =	sadd.s32 s13, s26  }
0x86: {  	[tilespmem:s16], [sflag:$0x1] =	stream.linear.gather [hbm4b:s13+s14], $0x50, $0x38;
	[tilespmem:$0x18A80] =	vst v63  }
0x87: {  	s4 =	sadd.s32 $0xA, s13  }
0x88: {  	[tilespmem:s15], [sflag:$0x1] =	stream.linear.gather [hbm4b:s4+s14], $0x50, $0x38;
	[tilespmem:$0x18A80] =	vst v63  }
0x89: {  	_ =	swait.ge [sflag:s20], $0x50  }
0x8a: {  	[sflag:s20] =	ssyncset.done $0x0  }
0x8b: {  	[sflag:s20] =	ssyncadd.s32 $0xFFFFFFB0  }
0x8c: {  	_ =	swait.ge [sflag:s20], $0x50  }
0x8d: {  	[sflag:s20] =	ssyncset.done $0x0  }
0x8e: {  	[sflag:s20] =	ssyncadd.s32 $0xFFFFFFB0  }
0x8f: {  	_ =	swait.ge [sflag:s20], $0x50  }
0x90: {  	[sflag:s20] =	ssyncset.done $0x0  }
0x91: {  	[sflag:s20] =	ssyncadd.s32 $0xFFFFFFB0  }
0x92: {  	_ =	swait.ge [sflag:s20], $0x50  }
0x93: {  	[sflag:s20] =	ssyncset.done $0x0  }
0x94: {  	[sflag:s20] =	ssyncadd.s32 $0xFFFFFFB0  }
0x95: {  	[tilespmem:s10], [sflag:$0x2] =	stream.indirect.gather [hbm4b:s3+s23], $0x80, s14, s23, $0xb8;
	[tilespmem:$0x18A80] =	vst v63  }
0x96: {  	_ = 	snop  }
0x97: {  	[tilespmem:s29], [sflag:$0x2] =	stream.indirect.gather [hbm4b:s3+s23], $0x80, s17, s23, $0xb8;
	[tilespmem:$0x18A80] =	vst v63  }
0x98: {  	_ =	swait.ge [sflag:s31], $0x2800  }
0x99: {  	[sflag:s31] =	ssyncset.done $0x0  }
0x9a: {  	[sflag:s31] =	ssyncadd.s32 $0xFFFFD800  }
0x9b: {  	[spmem:s2] =	stream.indirect.scatter.add.f32 [tilespmem:s10], [sflag:$0x3], $0x80, s16, s23, $0xb8;
	[tilespmem:$0x18A80] =	vst v63  }
0x9c: {  	_ =	swait.ge [sflag:s31], $0x2800  }
0x9d: {  	[sflag:s31] =	ssyncset.done $0x0  }
0x9e: {  	[sflag:s31] =	ssyncadd.s32 $0xFFFFD800  }
0x9f: {  	[spmem:s2] =	stream.indirect.scatter.add.f32 [tilespmem:s29], [sflag:$0x3], $0x80, s15, s23, $0xb8;
	[tilespmem:$0x18A80] =	vst v63  }
0xa0: {  	_ =	swait.ge [sflag:s0], $0x2800  }
0xa1: {  	[sflag:s0] =	ssyncset.done $0x0  }
0xa2: {  	[sflag:s0] =	ssyncadd.s32 $0xFFFFD800  }
0xa3: {  	_ =	swait.ge [sflag:s0], $0x2800  }
0xa4: {  	[sflag:s0] =	ssyncset.done $0x0  }
0xa5: {  	[sflag:s0] =	ssyncadd.s32 $0xFFFFD800  }
0xa6: {  	[bflag:$0x0] =	sbarrier.arrive $0xFFFF  }
0xa7: {  	s17 =	sshll.u32 s1, $0x6;
	s18 =	rddreg [dreg:$0x4]  }
0xa8: {  	s20 =	simm.s32 $0x4;
	s0 =	sor.u32 $0x1C04, s17;
	s2 =	sshrl.u32 s18, $0x3  }
0xa9: {  	[hbm:s30], [sflag:s0] =	dma.local [spmem:s2], $0x500  }
0xaa: {  	_ =	swait.ge [sflag:s20], $0x500  }
0xab: {  	[sflag:s20] =	ssyncset.done $0x0;
	s23 =	rddreg [dreg:$0x5]  }
0xac: {  	[sflag:s20] =	ssyncadd.s32 $0xFFFFFB00;
	s3 =	sshrl.u32 s23, $0x3  }
0xad: {  	[hbm:s25], [sflag:s0] =	dma.local [spmem:s3], $0x500  }
0xae: {  	_ =	swait.ge [sflag:s20], $0x500  }
0xaf: {  	[sflag:s20] =	ssyncset.done $0x0;
	s25 =	rddreg [dreg:$0x6]  }
0xb0: {  	[sflag:s20] =	ssyncadd.s32 $0xFFFFFB00;
	s3 =	sshrl.u32 s25, $0x3  }
0xb1: {  	[hbm:s24], [sflag:s0] =	dma.local [spmem:s3], $0x500  }
0xb2: {  	_ =	swait.ge [sflag:s20], $0x500  }
0xb3: {  	[sflag:s20] =	ssyncset.done $0x0  }
0xb4: {  	s26 =	sshrl.u32 s7, $0x3;
	[sflag:s20] =	ssyncadd.s32 $0xFFFFFB00  }
0xb5: {  	[hbm:s22], [sflag:s0] =	dma.local [spmem:s26], $0x500  }
0xb6: {  	_ =	swait.ge [sflag:s20], $0x500  }
0xb7: {  	[sflag:s20] =	ssyncset.done $0x0  }
0xb8: {  	s28 =	sshrl.u32 s8, $0x3;
	[sflag:s20] =	ssyncadd.s32 $0xFFFFFB00  }
0xb9: {  	[hbm:s21], [sflag:s0] =	dma.local [spmem:s28], $0x500  }
0xba: {  	_ =	swait.ge [sflag:s20], $0x500  }
0xbb: {  	[sflag:s20] =	ssyncset.done $0x0  }
0xbc: {  	s29 =	sshrl.u32 s9, $0x3;
	[sflag:s20] =	ssyncadd.s32 $0xFFFFFB00  }
0xbd: {  	[hbm:s19], [sflag:s0] =	dma.local [spmem:s29], $0x500  }
0xbe: {  	_ =	swait.ge [sflag:s20], $0x500  }
0xbf: {  	[sflag:s20] =	ssyncset.done $0x0  }
0xc0: {  	s30 =	sshrl.u32 s11, $0x3;
	s31 =	rddreg [dreg:$0x8];
	[sflag:s20] =	ssyncadd.s32 $0xFFFFFB00  }
0xc1: {  	[hbm:s31], [sflag:s0] =	dma.local [spmem:s30], $0x500  }
0xc2: {  	_ =	swait.ge [sflag:s20], $0x500  }
0xc3: {  	[sflag:s20] =	ssyncset.done $0x0  }
0xc4: {  	s2 =	sshrl.u32 @!p0 s12, $0x3;
	s3 =	rddreg [dreg:$0x7];
	[sflag:s20] =	ssyncadd.s32 $0xFFFFFB00  }
0xc5: {  	[hbm:s3], [sflag:s0] =	dma.local @!p0 [spmem:s2], $0x500  }
0xc6: {  	s0 =	simm.s32 @!p0 $0x4  }
0xc7: {  	_ =	swait.ge @!p0 [sflag:s0], $0x500  }
0xc8: {  	[sflag:s0] =	ssyncset.done @!p0 $0x0  }
0xc9: {  	[sflag:s0] =	ssyncadd.s32 @!p0 $0xFFFFFB00  }
0xca: {  	_ =	sfence.sel $0x180000  }
0xcb: {  	[bflag:$0x0] =	sbarrier.arrive $0xFFFF  }
0xcc: {  	_ =	strace $0x90000050  }
0xcd: {  	[bflag:$0x2] =	sbarrier.arrive $0xFFFF  }
0xce: {  	p0 =	sne.s32 s1, $0x0;
	s0 =	rddreg [dreg:$0x3]  }
0xcf: {  	s0 =	sadd.s32 @!p0 $0x100000, s0  }
0xd0: {  	[sflag:s0] =	ssyncadd.tile.s32 @!p0 $0x1;
	_ =	shalt  }
.Lfunc_end2:
_tile_overlayer_lowered:
.L_overlay_start_2:
0xd1: {  	(tag) =	ssettag $0x2  }
0xd2: {  	s0 =	rddreg [dreg:$0x0];
	s2 =	stileid.u32  }
0xd3: {  	s1 =	rddreg [dreg:$0x1];
	p0 =	sne.s32 s2, $0x0  }
0xd4: {  	s3 =	rddreg [dreg:$0x2];
	[bflag:$0x3] =	sbarrier.arrive $0xFFFF;
	s2 =	simm.s32 @!p0 $0x1C04  }
0xd5: {  	[timem:s3], [sflag:s2] =	dma.local @!p0 [hbm:s0], s1  }
0xd6: {  	s0 =	simm.s32 @!p0 $0x4  }
0xd7: {  	_ =	swait.ge @!p0 [sflag:s0], s1  }
0xd8: {  	s1 =	ssub.s32 @!p0 $0x0, s1;
	[sflag:s0] =	ssyncset.done @!p0 $0x0  }
0xd9: {  	[sflag:s0] =	ssyncadd.s32 @!p0 s1  }
0xda: {  	[bflag:$0x3] =	sbarrier.arrive $0xFFFF  }
0xdb: {  	_ =	shalt  }

// kernel: kernel.22.cloned.1.call-start
scs
__scs_entry_jumppad:
0x0: {  	(pc) =	sbr.rel $0x88, $3  }
0x1: {  	(tag) =	ssettag $0x0;
	lr =	simm.s32 $0x1  }
0x2: {  	[smem:$0x3F96] =	sst lr;
	_ =	strace $0xD0000000  }
0x3: {  	_ = 	snop  }
0x4: {  	_ = 	snop  }
0x5: {  	_ = 	snop  }
0x6: {  	_ = 	snop  }
0x7: {  	_ = 	snop  }
__scs_overlays_trampoline_lowered:
0x8: {  	[smem:$0x3FA5] =	sst s0  }
0x9: {  	[smem:$0x3FA6] =	sst s1  }
0xa: {  	[smem:$0x3FA7] =	sst s2  }
0xb: {  	[smem:$0x3FA8] =	sst s3  }
0xc: {  	[smem:$0x3FA9] =	sst s4  }
0xd: {  	[smem:$0x3FAA] =	sst s5  }
0xe: {  	[smem:$0x3FAB] =	sst s6  }
0xf: {  	[smem:$0x3FAC] =	sst s7  }
0x10: {  	[smem:$0x3FAD] =	sst s8  }
0x11: {  	[smem:$0x3FAE] =	sst s9;
	s0 =	simm.s32 @!p0 $0x0  }
0x12: {  	s1 =	sld [smem:$0x3F94];
	s0 =	simm.s32 @p0 $0x1  }
0x13: {  	[smem:$0x3FAF] =	sst s0;
	s0 =	simm.s32 @!p1 $0x0  }
0x14: {  	s2 =	sld [smem:$0x3F93];
	s0 =	simm.s32 @p1 $0x1  }
0x15: {  	[smem:$0x3FB0] =	sst s0;
	s0 =	simm.s32 @!p2 $0x0  }
0x16: {  	s3 =	sld [smem:$0x3FDB];
	s0 =	simm.s32 @p2 $0x1  }
0x17: {  	s4 =	simm.s32 $0x1BF5;
	[smem:$0x3FB2] =	sst s0  }
0x18: {  	s0 =	sld [smem:$0x3F95];
	_ =	swait.ge [sflag:s4], $0x0  }
0x19: {  	s7 =	sld [smem:$0x3F96]  }
0x1a: {  	s8 =	sadd.s32 $0xFFFFE003, lr  }
0x1b: {  	s9 =	sadd.s32 $0xFFFFFEF7, lr;
	s5 =	simm.s32 $0xFFFFFFFF;
	p2 =	slt.u32 s8, $0xFFFFF086  }
0x1c: {  	p1 =	slt.u32 s9, $0xF7A;
	s5 =	simm.s32 @!p2 $0x0  }
0x1d: {  	s5 =	simm.s32 @p1 $0x1;
	p0 =	seq.s32 s7, s2  }
0x1e: {  	s7 =	smul.u32 @!p0 $0xF7A, s2;
	p2 =	seq.s32 @!p0 s5, $0x0  }
0x1f: {  	s9 =	smul.u32 $0xF7A, s1;
	s8 =	simm.s32 @!p0 $0x1BF5;
	p2 =	por !p2, p0  }
0x20: {  	[sflag:s8] =	ssyncset.s32 @!p0 $0xFFFFF086;
	s6 =	sadd.s32 @!p0 s3, s7;
	s7 =	simm.s32 @!p0 $0x108  }
0x21: {  	s3 =	sadd.s32 s3, s9;
	s6 =	sadd.s32 @!p0 $0x88, s6;
	s7 =	simm.s32 @p2 $0x1082  }
0x22: {  	[simem:s7], [sflag:s8] =	dma.local @!p0 [hbm:s6], $0xF7A  }
0x23: {  	s9 =	sor.u32 $0xD0000000, s2;
	s6 =	simm.s32 $0x108;
	_ =	swait.ge @!p0 [sflag:s8], $0x0  }
0x24: {  	s3 =	sadd.s32 $0x88, s3;
	s6 =	simm.s32 @!p1 $0x1082;
	[sflag:s4] =	ssyncset.s32 $0xFFFFF086  }
0x25: {  	[simem:s6], [sflag:s4] =	dma.local [hbm:s3], $0xF7A  }
0x26: {  	[smem:$0x3F96] =	sst s1;
	(tag) =	ssettag s2;
	_ =	strace s9  }
0x27: {  	s1 =	sld [smem:$0x3FA6]  }
0x28: {  	s2 =	sld [smem:$0x3FA7]  }
0x29: {  	s4 =	sld [smem:$0x3FA9]  }
0x2a: {  	p0 =	seq.s32 s5, $0x0;
	s5 =	sld [smem:$0x3FAA]  }
0x2b: {  	s6 =	sld [smem:$0x3FAB]  }
0x2c: {  	s7 =	sld [smem:$0x3FAC]  }
0x2d: {  	s3 =	simm.s32 $0x108;
	s8 =	sld [smem:$0x3FAD]  }
0x2e: {  	s3 =	simm.s32 @!p0 $0x1082;
	s9 =	sld [smem:$0x3FAE]  }
0x2f: {  	lr =	sadd.s32 s0, s3;
	s0 =	sld [smem:$0x3FA5]  }
0x30: {  	s3 =	sld [smem:$0x3FA8]  }
0x31: {  	[smem:$0x3FB1] =	sst s10  }
0x32: {  	s10 =	sld [smem:$0x3FAF];
	_ =	sdelay $0x3  }
0x33: {  	p0 =	seq.s32 s10, $0x1;
	s10 =	sld [smem:$0x3FB1];
	_ =	sdelay $0x3  }
0x34: {  	[smem:$0x3FB1] =	sst s10  }
0x35: {  	s10 =	sld [smem:$0x3FB0];
	_ =	sdelay $0x3  }
0x36: {  	p1 =	seq.s32 s10, $0x1;
	s10 =	sld [smem:$0x3FB1];
	_ =	sdelay $0x3  }
0x37: {  	[smem:$0x3FB1] =	sst s10  }
0x38: {  	s10 =	sld [smem:$0x3FB2]  }
0x39: {  	_ = 	snop;
	(pc) =	sbr.ind lr, $3  }
0x3a: {  	_ = 	snop  }
0x3b: {  	_ = 	snop  }
0x3c: {  	p2 =	seq.s32 s10, $0x1;
	s10 =	sld [smem:$0x3FB1]  }
0x3d: {  	_ =	shalt  }
0x3e: {  	_ =	shalt  }
0x3f: {  	_ =	shalt  }
0x40: {  	_ =	shalt  }
0x41: {  	_ =	shalt  }
0x42: {  	_ =	shalt  }
0x43: {  	_ =	shalt  }
0x44: {  	_ =	shalt  }
0x45: {  	_ =	shalt  }
0x46: {  	_ =	shalt  }
0x47: {  	_ =	shalt  }
0x48: {  	_ =	shalt  }
0x49: {  	_ =	shalt  }
0x4a: {  	_ =	shalt  }
0x4b: {  	_ =	shalt  }
0x4c: {  	_ =	shalt  }
0x4d: {  	_ =	shalt  }
0x4e: {  	_ =	shalt  }
0x4f: {  	_ =	shalt  }
0x50: {  	_ =	shalt  }
0x51: {  	_ =	shalt  }
0x52: {  	_ =	shalt  }
0x53: {  	_ =	shalt  }
0x54: {  	_ =	shalt  }
0x55: {  	_ =	shalt  }
0x56: {  	_ =	shalt  }
0x57: {  	_ =	shalt  }
0x58: {  	_ =	shalt  }
0x59: {  	_ =	shalt  }
0x5a: {  	_ =	shalt  }
0x5b: {  	_ =	shalt  }
0x5c: {  	_ =	shalt  }
0x5d: {  	_ =	shalt  }
0x5e: {  	_ =	shalt  }
0x5f: {  	_ =	shalt  }
0x60: {  	_ =	shalt  }
0x61: {  	_ =	shalt  }
0x62: {  	_ =	shalt  }
0x63: {  	_ =	shalt  }
0x64: {  	_ =	shalt  }
0x65: {  	_ =	shalt  }
0x66: {  	_ =	shalt  }
0x67: {  	_ =	shalt  }
0x68: {  	_ =	shalt  }
0x69: {  	_ =	shalt  }
0x6a: {  	_ =	shalt  }
0x6b: {  	_ =	shalt  }
0x6c: {  	_ =	shalt  }
0x6d: {  	_ =	shalt  }
0x6e: {  	_ =	shalt  }
0x6f: {  	_ =	shalt  }
0x70: {  	_ =	shalt  }
0x71: {  	_ =	shalt  }
0x72: {  	_ =	shalt  }
0x73: {  	_ =	shalt  }
0x74: {  	_ =	shalt  }
0x75: {  	_ =	shalt  }
0x76: {  	_ =	shalt  }
0x77: {  	_ =	shalt  }
0x78: {  	_ =	shalt  }
0x79: {  	_ =	shalt  }
0x7a: {  	_ =	shalt  }
0x7b: {  	_ =	shalt  }
0x7c: {  	_ =	shalt  }
0x7d: {  	_ =	shalt  }
0x7e: {  	_ =	shalt  }
0x7f: {  	_ =	shalt  }
0x80: {  	_ =	shalt  }
0x81: {  	_ =	shalt  }
0x82: {  	_ =	shalt  }
0x83: {  	_ =	shalt  }
0x84: {  	_ =	shalt  }
0x85: {  	_ =	shalt  }
0x86: {  	_ =	shalt  }
0x87: {  	_ =	shalt  }
.Lfunc_end0:
.L_simem_size_0:
called_computation.4_lowered:
.L_overlay_start_0:
0x88: {  	s2 =	sld [smem:$0x3FD9]  }
0x89: {  	s3 =	sld [smem:$0x3FFE];
	_ =	sdelay $0x1  }
0x8a: {  	s1 =	srdreg.scid  }
0x8b: {  	s0 =	sand.u32 $0x1, s1  }
0x8c: {  	s17 =	sshll.u32 s0, $0xA;
	s2 =	sadd.s32 s3, s2  }
0x8d: {  	s2 =	sadd.s32 s2, s17  }
0x8e: {  	[smem:$0x3FBD] =	sst s2  }
0x8f: {  	_ = 	snop  }
0x90: {  	(tm) =	ssettm $0x1  }
0x91: {  	s18 =	sld [smem:$0x3FFB];
	_ =	sdelay $0x3  }
0x92: {  	_ =	strace s18  }
0x93: {  	s2 =	sld [smem:$0x3FFC];
	_ =	sdelay $0x3  }
0x94: {  	_ =	strace s2  }
0x95: {  	s2 =	sld [smem:$0x3FFD];
	_ =	sdelay $0x3  }
0x96: {  	_ =	strace s2  }
0x97: {  	_ =	strace $0x8FFFFFFF  }
0x98: {  	s19 =	sld [smem:$0x3FDB];
	_ =	sdelay $0x1  }
0x99: {  	s20 =	simm.s32 $_scs_section_size  }
0x9a: {  	s4 =	simm.s32 $_size__tile_overlayer_lowered;
	s5 =	simm.s32 $_tile_overlayer_lowered  }
0x9b: {  	s6 =	simm.s32 $0x1BFF;
	s21 =	sshll.u32 s5, $0x1;
	s3 =	sadd.s32 s20, s19  }
0x9c: {  	s22 =	simm.s32 $0x0;
	s4 =	sshll.u32 s4, $0x1;
	s5 =	sadd.s32 s21, s3  }
0x9d: {  	[timem:s22], [sflag:s6] =	dma.local [hbm:s5], s4  }
0x9e: {  	_ =	swait.ge [sflag:s6], s4  }
0x9f: {  	s4 =	ssub.s32 $0x0, s4;
	[sflag:s6] =	ssyncset.done $0x0  }
0xa0: {  	[sflag:s6] =	ssyncadd.s32 s4;
	_ =	sdelay $0x1  }
0xa1: {  	s23 =	simm.s32 $0x1B8B  }
0xa2: {  	_ =	swait.ge [sflag:s23], $0x1  }
0xa3: {  	[sflag:s23] =	ssyncset.done $0x0  }
0xa4: {  	[sflag:s23] =	ssyncadd.s32 $0xFFFFFFFF  }
0xa5: {  	s4 =	sld [smem:$0x0]  }
0xa6: {  	s5 =	sand.u32 $0xFFFFFFFE, s1  }
0xa7: {  	p0 =	sne.s32 s1, s5  }
0xa8: {  	s5 =	sshll.u32 @p0 s5, $0xE  }
0xa9: {  	s5 =	sadd.s32 @p0 $0x11B8D, s5;
	s6 =	sshll.u32 @p0 s4, $0x11  }
0xaa: {  	s5 =	sor.u32 @p0 s6, s5  }
0xab: {  	[sflag:s5] =	ssyncadd.remote.s32 @p0 $0x1;
	_ =	sdelay $0x1  }
0xac: {  	s5 =	simm.s32 @p0 $0x1B8D  }
0xad: {  	_ =	swait.eq @p0 [sflag:s5], $0x1  }
0xae: {  	[sflag:s5] =	ssyncadd.s32 @p0 $0xFFFFFFFF  }
0xaf: {  	s6 =	sshll.u32 @!p0 s1, $0xE  }
0xb0: {  	s6 =	sor.u32 @!p0 $0x4000, s6;
	s5 =	simm.s32 @!p0 $0x1B8D  }
0xb1: {  	s4 =	sshll.u32 @!p0 s4, $0x11;
	s6 =	sadd.s32 @!p0 $0x11B8D, s6;
	_ =	swait.eq @!p0 [sflag:s5], $0x1  }
0xb2: {  	s4 =	sor.u32 @!p0 s4, s6;
	[sflag:s5] =	ssyncadd.s32 @!p0 $0xFFFFFFFF  }
0xb3: {  	s25 =	simm.s32 $0x1B8E;
	s24 =	sld [smem:$0x3FFE];
	[sflag:s4] =	ssyncadd.remote.s32 @!p0 $0x1  }
0xb4: {  	s26 =	simm.s32 $execute0_lowered;
	[smem:$0x3FD2] =	sst s25  }
0xb5: {  	s5 =	sshll.u32 s26, $0x1;
	_ =	strace $0x80000052;
	[dreg:$0x1] =	wrdreg $0xFFFFFFFF  }
0xb6: {  	s28 =	simm.s32 $_size_execute0_lowered;
	s3 =	sadd.s32 s3, s5;
	[dreg:$0x0] =	wrdreg $0x0  }
0xb7: {  	s5 =	sshll.u32 s28, $0x1;
	[dreg:$0x2] =	wrdreg s3  }
0xb8: {  	[dreg:$0x3] =	wrdreg s5  }
0xb9: {  	[dreg:$0x4] =	wrdreg $0xC0  }
0xba: {  	_ =	task [dreg:s22], $0x5FFFF  }
0xbb: {  	[dreg:$0x1] =	wrdreg $0xFFFFFFFF  }
0xbc: {  	[dreg:$0x0] =	wrdreg $0x60  }
0xbd: {  	[dreg:$0x2] =	wrdreg s24  }
0xbe: {  	[dreg:$0x3] =	wrdreg $0xA  }
0xbf: {  	_ =	task.clear_ibuf [dreg:s22], $0x4FFFF;
	_ =	strace $0x90000052  }
0xc0: {  	s29 =	simm.s32 $0xA;
	_ =	strace $0x80000054  }
0xc1: {  	_ =	swait.ge [sflag:s29], $0x1  }
0xc2: {  	[sflag:s29] =	ssyncadd.s32 $0xFFFFFFFF  }
0xc3: {  	_ =	strace $0x90000054  }
0xc4: {  	_ =	sfence  }
0xc5: {  	s30 =	sld [smem:$0x0];
	_ =	sdelay $0x2  }
0xc6: {  	s31 =	sshll.u32 s1, $0xD;
	s1 =	sshrl.u32 s1, $0x2  }
0xc7: {  	s4 =	sand.u32 $0x4000, s31;
	s1 =	sadd.s32 s1, s30  }
0xc8: {  	s0 =	sor.u32 s4, s0;
	s1 =	sshll.u32 s1, $0x11  }
0xc9: {  	s0 =	sor.u32 s1, s0  }
0xca: {  	s0 =	sadd.s32 $0x8F2B, s0  }
0xcb: {  	[sflag:s0] =	ssyncadd.remote.s32 $0x1  }
0xcc: {  	_ =	sfence.sel $0xFFFF  }
0xcd: {  	[dreg:$0x0] =	wrdreg $0xFFFFFFFF;
	(pc) =	sbr.abs _section_cstart, $3  }
0xce: {  	[dreg:$0x1] =	wrdreg $0xFFFFFFFF  }
0xcf: {  	_ =	task.clear_ibuf [dreg:s22], $0x2FFFF;
	_ =	strace $0x9FFFFFFF  }
0xd0: {  	(tm) =	ssettm $0x7FFFFFFF  }
0xd1: {  	_ =	shalt  }
tec
execute0_lowered:
.L_overlay_start_1:
0x0: {  	(tag) =	ssettag $0x1  }
0x1: {  	s3 =	rddreg [dreg:$0x0];
	s2 =	srdreg.scid  }
0x2: {  	s0 =	rddreg [dreg:$0x1];
	s1 =	simm.s32 $0x0;
	s9 =	simm.s32 $0x80  }
0x3: {  	s10 =	simm.s32 $0x1;
	s11 =	simm.s32 $0x4080;
	s12 =	simm.s32 $0x2  }
.Ltmp0:
0x4: {  	s13 =	simm.s32 $0x0;
	s6 =	sand.u32 $0x1, s2;
	(pc) =	sbr.rel .LBB2_1-.Ltmp0, $4  }
0x5: {  	[smem:$0x7FF] =	sst s1;
	s2 =	sadd.s32 $0x3E000, s3;
	s7 =	ssub.s32 $0x2, s6  }
0x6: {  	s4 =	sadd.s32 $0x8C400, s3;
	s5 =	sadd.s32 $0x8EC00, s3;
	s8 =	sshrl.u32 s7, $0x1  }
0x7: {  	s3 =	stileid.u32;
	_ =	strace $0x80000053;
	s7 =	ssub.s32 s7, s8  }
0x8: {  	s6 =	sshll.u32 s6, $0x4;
	s8 =	simm.s32 $0x3;
	s7 =	smax.u32 s7, $0x1  }
.LBB2_7:
0x9: {  	s13 =	sadd.s32 $0x1, s13  }
0xa: {  	p0 =	sne.s32 s13, s7  }
.Ltmp1:
0xb: {  	_ = 	snop;
	(pc) =	sbr.rel @!p0 .LBB2_8-.Ltmp1, $1  }
0xc: {  	_ =	sdelay $0x3  }
.LBB2_1:
.Ltmp2:
0xd: {  	(pc) =	sbr.rel .LBB2_2-.Ltmp2, $2  }
0xe: {  	_ =	sdelay $0x2  }
0xf: {  	s14 =	simm.s32 $0x0  }
.LBB2_6:
0x10: {  	s14 =	sadd.s32 $0x1, s14  }
0x11: {  	p0 =	sne.s32 s14, $0x14  }
.Ltmp3:
0x12: {  	_ = 	snop;
	(pc) =	sbr.rel @!p0 .LBB2_7-.Ltmp3, $1  }
0x13: {  	_ =	sdelay $0x3  }
.LBB2_2:
0x14: {  	s15 =	sshll.u32 s14, $0x5  }
0x15: {  	s15 =	sor.u32 s15, s6  }
0x16: {  	s15 =	sor.u32 s3, s15  }
0x17: {  	p0 =	sgt.u32 s15, $0x270  }
.Ltmp4:
0x18: {  	_ = 	snop;
	(pc) =	sbr.rel @p0 .LBB2_6-.Ltmp4, $1  }
0x19: {  	_ =	sdelay $0x3  }
0x1a: {  	s16 =	sshll.u32 s15, $0x4  }
0x1b: {  	s17 =	simm.s32 $0x0;
	s16 =	sadd.s32 s4, s16  }
0x1c: {  	[tilespmem:s17], [sflag:$0x3] =	stream.linear.gather [hbm4b:s16+s17], $0x80, $0x38;
	[tilespmem:$0x4880] =	vst v63  }
0x1d: {  	_ =	swait.ge [sflag:s8], $0x80  }
0x1e: {  	[sflag:s8] =	ssyncset.done $0x0  }
0x1f: {  	[sflag:s8] =	ssyncadd.s32 $0xFFFFFF80  }
0x20: {  	[tilespmem:s9], [sflag:$0x1] =	stream.indirect.gather [hbm4b:s2+s9], $0x80, s17, s9, $0xb8;
	[tilespmem:$0x4880] =	vst v63  }
0x21: {  	_ =	swait.ge [sflag:s10], $0x4000  }
0x22: {  	[sflag:s10] =	ssyncset.done $0x0  }
0x23: {  	s16 =	simm.s32 $0x280;
	[sflag:s10] =	ssyncadd.s32 $0xFFFFC000  }
0x24: {  	v0 =	vld [tilespmem:s16+$0xFFFFFE80]  }
0x25: {  	v1 =	vld [tilespmem:s16+$0xFFFFFE00];
	_ =	sdelay $0x1  }
0x26: {  	v2 =	vld [tilespmem:s16+$0xFFFFFF00];
	_ =	sdelay $0x1  }
0x27: {  	v3 =	vld [tilespmem:s16+$0xFFFFFF80]  }
0x28: {  	v0 =	vadd.f32 v0, v1  }
0x29: {  	v1 =	vld [tilespmem:s16+$0x0]  }
0x2a: {  	v0 =	vadd.f32 v2, v0  }
0x2b: {  	v2 =	vld [tilespmem:s16+$0x80]  }
0x2c: {  	v0 =	vadd.f32 v3, v0  }
0x2d: {  	v3 =	vld [tilespmem:s16+$0x100]  }
0x2e: {  	v0 =	vadd.f32 v1, v0  }
0x2f: {  	v1 =	vld [tilespmem:s16+$0x180]  }
0x30: {  	v0 =	vadd.f32 v2, v0;
	_ =	sdelay $0x1  }
0x31: {  	v0 =	vadd.f32 v3, v0;
	_ =	sdelay $0x1  }
0x32: {  	v0 =	vadd.f32 v1, v0  }
0x33: {  	s17 =	simm.s32 $0x0  }
0x34: {  	[tilespmem:s17+$0x4080] =	vst v0  }
0x35: {  	v0 =	vld [tilespmem:s16+$0xFFFFFE10]  }
0x36: {  	v1 =	vld [tilespmem:s16+$0xFFFFFE90];
	_ =	sdelay $0x1  }
0x37: {  	v2 =	vld [tilespmem:s16+$0xFFFFFF10];
	_ =	sdelay $0x1  }
0x38: {  	v3 =	vld [tilespmem:s16+$0xFFFFFF90]  }
0x39: {  	v0 =	vadd.f32 v1, v0  }
0x3a: {  	v1 =	vld [tilespmem:s16+$0x10]  }
0x3b: {  	v0 =	vadd.f32 v2, v0  }
0x3c: {  	v2 =	vld [tilespmem:s16+$0x90]  }
0x3d: {  	v0 =	vadd.f32 v3, v0  }
0x3e: {  	v3 =	vld [tilespmem:s16+$0x110]  }
0x3f: {  	v0 =	vadd.f32 v1, v0  }
0x40: {  	v1 =	vld [tilespmem:s16+$0x190]  }
0x41: {  	v0 =	vadd.f32 v2, v0;
	_ =	sdelay $0x1  }
0x42: {  	v0 =	vadd.f32 v3, v0;
	_ =	sdelay $0x1  }
0x43: {  	v0 =	vadd.f32 v1, v0;
	_ =	sdelay $0x1  }
0x44: {  	[tilespmem:s17+$0x4090] =	vst v0  }
0x45: {  	v0 =	vld [tilespmem:s16+$0xFFFFFE20]  }
0x46: {  	v1 =	vld [tilespmem:s16+$0xFFFFFEA0];
	_ =	sdelay $0x1  }
0x47: {  	v2 =	vld [tilespmem:s16+$0xFFFFFF20];
	_ =	sdelay $0x1  }
0x48: {  	v3 =	vld [tilespmem:s16+$0xFFFFFFA0]  }
0x49: {  	v0 =	vadd.f32 v1, v0  }
0x4a: {  	v1 =	vld [tilespmem:s16+$0x20]  }
0x4b: {  	v0 =	vadd.f32 v2, v0  }
0x4c: {  	v2 =	vld [tilespmem:s16+$0xA0]  }
0x4d: {  	v0 =	vadd.f32 v3, v0  }
0x4e: {  	v3 =	vld [tilespmem:s16+$0x120]  }
0x4f: {  	v0 =	vadd.f32 v1, v0  }
0x50: {  	v1 =	vld [tilespmem:s16+$0x1A0]  }
0x51: {  	v0 =	vadd.f32 v2, v0;
	_ =	sdelay $0x1  }
0x52: {  	v0 =	vadd.f32 v3, v0;
	_ =	sdelay $0x1  }
0x53: {  	v0 =	vadd.f32 v1, v0;
	_ =	sdelay $0x1  }
0x54: {  	[tilespmem:s17+$0x40A0] =	vst v0  }
0x55: {  	v0 =	vld [tilespmem:s16+$0xFFFFFE30]  }
0x56: {  	v1 =	vld [tilespmem:s16+$0xFFFFFEB0];
	_ =	sdelay $0x1  }
0x57: {  	v2 =	vld [tilespmem:s16+$0xFFFFFF30];
	_ =	sdelay $0x1  }
0x58: {  	v3 =	vld [tilespmem:s16+$0xFFFFFFB0]  }
0x59: {  	v0 =	vadd.f32 v1, v0  }
0x5a: {  	v1 =	vld [tilespmem:s16+$0x30]  }
0x5b: {  	v0 =	vadd.f32 v2, v0  }
0x5c: {  	v2 =	vld [tilespmem:s16+$0xB0]  }
0x5d: {  	v0 =	vadd.f32 v3, v0  }
0x5e: {  	v3 =	vld [tilespmem:s16+$0x130]  }
0x5f: {  	v0 =	vadd.f32 v1, v0  }
0x60: {  	v1 =	vld [tilespmem:s16+$0x1B0]  }
0x61: {  	v0 =	vadd.f32 v2, v0;
	_ =	sdelay $0x1  }
0x62: {  	v0 =	vadd.f32 v3, v0;
	_ =	sdelay $0x1  }
0x63: {  	v0 =	vadd.f32 v1, v0;
	_ =	sdelay $0x1  }
0x64: {  	[tilespmem:s17+$0x40B0] =	vst v0  }
0x65: {  	v0 =	vld [tilespmem:s16+$0xFFFFFE40]  }
0x66: {  	v1 =	vld [tilespmem:s16+$0xFFFFFEC0];
	_ =	sdelay $0x1  }
0x67: {  	v2 =	vld [tilespmem:s16+$0xFFFFFF40];
	_ =	sdelay $0x1  }
0x68: {  	v3 =	vld [tilespmem:s16+$0xFFFFFFC0]  }
0x69: {  	v0 =	vadd.f32 v1, v0  }
0x6a: {  	v1 =	vld [tilespmem:s16+$0x40]  }
0x6b: {  	v0 =	vadd.f32 v2, v0  }
0x6c: {  	v2 =	vld [tilespmem:s16+$0xC0]  }
0x6d: {  	v0 =	vadd.f32 v3, v0  }
0x6e: {  	v3 =	vld [tilespmem:s16+$0x140]  }
0x6f: {  	v0 =	vadd.f32 v1, v0  }
0x70: {  	v1 =	vld [tilespmem:s16+$0x1C0]  }
0x71: {  	v0 =	vadd.f32 v2, v0;
	_ =	sdelay $0x1  }
0x72: {  	v0 =	vadd.f32 v3, v0;
	_ =	sdelay $0x1  }
0x73: {  	v0 =	vadd.f32 v1, v0;
	_ =	sdelay $0x1  }
0x74: {  	[tilespmem:s17+$0x40C0] =	vst v0  }
0x75: {  	v0 =	vld [tilespmem:s16+$0xFFFFFE50]  }
0x76: {  	v1 =	vld [tilespmem:s16+$0xFFFFFED0];
	_ =	sdelay $0x1  }
0x77: {  	v2 =	vld [tilespmem:s16+$0xFFFFFF50];
	_ =	sdelay $0x1  }
0x78: {  	v3 =	vld [tilespmem:s16+$0xFFFFFFD0]  }
0x79: {  	v0 =	vadd.f32 v1, v0  }
0x7a: {  	v1 =	vld [tilespmem:s16+$0x50]  }
0x7b: {  	v0 =	vadd.f32 v2, v0  }
0x7c: {  	v2 =	vld [tilespmem:s16+$0xD0]  }
0x7d: {  	v0 =	vadd.f32 v3, v0  }
0x7e: {  	v3 =	vld [tilespmem:s16+$0x150]  }
0x7f: {  	v0 =	vadd.f32 v1, v0  }
0x80: {  	v1 =	vld [tilespmem:s16+$0x1D0]  }
0x81: {  	v0 =	vadd.f32 v2, v0;
	_ =	sdelay $0x1  }
0x82: {  	v0 =	vadd.f32 v3, v0;
	_ =	sdelay $0x1  }
0x83: {  	v0 =	vadd.f32 v1, v0;
	_ =	sdelay $0x1  }
0x84: {  	[tilespmem:s17+$0x40D0] =	vst v0  }
0x85: {  	v0 =	vld [tilespmem:s16+$0xFFFFFE60]  }
0x86: {  	v1 =	vld [tilespmem:s16+$0xFFFFFEE0];
	_ =	sdelay $0x1  }
0x87: {  	v2 =	vld [tilespmem:s16+$0xFFFFFF60];
	_ =	sdelay $0x1  }
0x88: {  	v3 =	vld [tilespmem:s16+$0xFFFFFFE0]  }
0x89: {  	v0 =	vadd.f32 v1, v0  }
0x8a: {  	v1 =	vld [tilespmem:s16+$0x60]  }
0x8b: {  	v0 =	vadd.f32 v2, v0  }
0x8c: {  	v2 =	vld [tilespmem:s16+$0xE0]  }
0x8d: {  	v0 =	vadd.f32 v3, v0  }
0x8e: {  	v3 =	vld [tilespmem:s16+$0x160]  }
0x8f: {  	v0 =	vadd.f32 v1, v0  }
0x90: {  	v1 =	vld [tilespmem:s16+$0x1E0]  }
0x91: {  	v0 =	vadd.f32 v2, v0;
	_ =	sdelay $0x1  }
0x92: {  	v0 =	vadd.f32 v3, v0;
	_ =	sdelay $0x1  }
0x93: {  	v0 =	vadd.f32 v1, v0;
	_ =	sdelay $0x1  }
0x94: {  	[tilespmem:s17+$0x40E0] =	vst v0  }
0x95: {  	v0 =	vld [tilespmem:s16+$0xFFFFFE70]  }
0x96: {  	v1 =	vld [tilespmem:s16+$0xFFFFFEF0];
	_ =	sdelay $0x1  }
0x97: {  	v2 =	vld [tilespmem:s16+$0xFFFFFF70];
	_ =	sdelay $0x1  }
0x98: {  	v4 =	vld [tilespmem:s16+$0xFFFFFFF0]  }
0x99: {  	v1 =	vadd.f32 v1, v0  }
0x9a: {  	v3 =	vld [tilespmem:s16+$0x70]  }
0x9b: {  	v0 =	vld [tilespmem:s16+$0xF0];
	v5 =	vadd.f32 v2, v1  }
0x9c: {  	v1 =	vld [tilespmem:s16+$0x170]  }
0x9d: {  	s18 =	simm.s32 $0x200;
	v2 =	vld [tilespmem:s16+$0x1F0];
	v4 =	vadd.f32 v4, v5  }
.LBB2_4:
0x9e: {  	p0 =	sne.s32 s18, $0x1E00  }
0x9f: {  	s16 =	sadd.s32 $0x400, s16;
	s19 =	smov.u32 s18;
	s18 =	sadd.s32 $0x200, s18;
	v3 =	vadd.f32 v3, v4  }
0xa0: {  	_ = 	snop  }
0xa1: {  	v0 =	vadd.f32 v0, v3;
	_ =	sdelay $0x1  }
0xa2: {  	v0 =	vadd.f32 v1, v0;
	_ =	sdelay $0x1  }
0xa3: {  	v0 =	vadd.f32 v2, v0;
	_ =	sdelay $0x1  }
0xa4: {  	[tilespmem:s17+$0x40F0] =	vst v0  }
0xa5: {  	v0 =	vld [tilespmem:s16+$0xFFFFFE80]  }
0xa6: {  	v1 =	vld [tilespmem:s16+$0xFFFFFE00]  }
0xa7: {  	v2 =	vld [tilespmem:s16+$0xFFFFFF00];
	_ =	sdelay $0x2  }
0xa8: {  	v3 =	vld [tilespmem:s16+$0xFFFFFF80]  }
0xa9: {  	v0 =	vadd.f32 v0, v1  }
0xaa: {  	v1 =	vld [tilespmem:s16+$0x0]  }
0xab: {  	v0 =	vadd.f32 v2, v0  }
0xac: {  	v2 =	vld [tilespmem:s16+$0x80]  }
0xad: {  	v0 =	vadd.f32 v3, v0  }
0xae: {  	v3 =	vld [tilespmem:s16+$0x100]  }
0xaf: {  	v0 =	vadd.f32 v1, v0  }
0xb0: {  	v1 =	vld [tilespmem:s16+$0x180]  }
0xb1: {  	v0 =	vadd.f32 v2, v0;
	_ =	sdelay $0x1  }
0xb2: {  	v0 =	vadd.f32 v3, v0;
	_ =	sdelay $0x1  }
0xb3: {  	v0 =	vadd.f32 v1, v0  }
0xb4: {  	s17 =	sshra.s32 s19, $0x2  }
0xb5: {  	[tilespmem:s17+$0x4080] =	vst v0  }
0xb6: {  	v0 =	vld [tilespmem:s16+$0xFFFFFE10]  }
0xb7: {  	v1 =	vld [tilespmem:s16+$0xFFFFFE90];
	_ =	sdelay $0x1  }
0xb8: {  	v2 =	vld [tilespmem:s16+$0xFFFFFF10];
	_ =	sdelay $0x1  }
0xb9: {  	v3 =	vld [tilespmem:s16+$0xFFFFFF90]  }
0xba: {  	v0 =	vadd.f32 v1, v0  }
0xbb: {  	v1 =	vld [tilespmem:s16+$0x10]  }
0xbc: {  	v0 =	vadd.f32 v2, v0  }
0xbd: {  	v2 =	vld [tilespmem:s16+$0x90]  }
0xbe: {  	v0 =	vadd.f32 v3, v0  }
0xbf: {  	v3 =	vld [tilespmem:s16+$0x110]  }
0xc0: {  	v0 =	vadd.f32 v1, v0  }
0xc1: {  	v1 =	vld [tilespmem:s16+$0x190]  }
0xc2: {  	v0 =	vadd.f32 v2, v0;
	_ =	sdelay $0x1  }
0xc3: {  	v0 =	vadd.f32 v3, v0;
	_ =	sdelay $0x1  }
0xc4: {  	v0 =	vadd.f32 v1, v0;
	_ =	sdelay $0x1  }
0xc5: {  	[tilespmem:s17+$0x4090] =	vst v0  }
0xc6: {  	v0 =	vld [tilespmem:s16+$0xFFFFFE20]  }
0xc7: {  	v1 =	vld [tilespmem:s16+$0xFFFFFEA0];
	_ =	sdelay $0x1  }
0xc8: {  	v2 =	vld [tilespmem:s16+$0xFFFFFF20];
	_ =	sdelay $0x1  }
0xc9: {  	v3 =	vld [tilespmem:s16+$0xFFFFFFA0]  }
0xca: {  	v0 =	vadd.f32 v1, v0  }
0xcb: {  	v1 =	vld [tilespmem:s16+$0x20]  }
0xcc: {  	v0 =	vadd.f32 v2, v0  }
0xcd: {  	v2 =	vld [tilespmem:s16+$0xA0]  }
0xce: {  	v0 =	vadd.f32 v3, v0  }
0xcf: {  	v3 =	vld [tilespmem:s16+$0x120]  }
0xd0: {  	v0 =	vadd.f32 v1, v0  }
0xd1: {  	v1 =	vld [tilespmem:s16+$0x1A0]  }
0xd2: {  	v0 =	vadd.f32 v2, v0;
	_ =	sdelay $0x1  }
0xd3: {  	v0 =	vadd.f32 v3, v0;
	_ =	sdelay $0x1  }
0xd4: {  	v0 =	vadd.f32 v1, v0;
	_ =	sdelay $0x1  }
0xd5: {  	[tilespmem:s17+$0x40A0] =	vst v0  }
0xd6: {  	v0 =	vld [tilespmem:s16+$0xFFFFFE30]  }
0xd7: {  	v1 =	vld [tilespmem:s16+$0xFFFFFEB0];
	_ =	sdelay $0x1  }
0xd8: {  	v2 =	vld [tilespmem:s16+$0xFFFFFF30];
	_ =	sdelay $0x1  }
0xd9: {  	v3 =	vld [tilespmem:s16+$0xFFFFFFB0]  }
0xda: {  	v0 =	vadd.f32 v1, v0  }
0xdb: {  	v1 =	vld [tilespmem:s16+$0x30]  }
0xdc: {  	v0 =	vadd.f32 v2, v0  }
0xdd: {  	v2 =	vld [tilespmem:s16+$0xB0]  }
0xde: {  	v0 =	vadd.f32 v3, v0  }
0xdf: {  	v3 =	vld [tilespmem:s16+$0x130]  }
0xe0: {  	v0 =	vadd.f32 v1, v0  }
0xe1: {  	v1 =	vld [tilespmem:s16+$0x1B0]  }
0xe2: {  	v0 =	vadd.f32 v2, v0;
	_ =	sdelay $0x1  }
0xe3: {  	v0 =	vadd.f32 v3, v0;
	_ =	sdelay $0x1  }
0xe4: {  	v0 =	vadd.f32 v1, v0;
	_ =	sdelay $0x1  }
0xe5: {  	[tilespmem:s17+$0x40B0] =	vst v0  }
0xe6: {  	v0 =	vld [tilespmem:s16+$0xFFFFFE40]  }
0xe7: {  	v1 =	vld [tilespmem:s16+$0xFFFFFEC0];
	_ =	sdelay $0x1  }
0xe8: {  	v2 =	vld [tilespmem:s16+$0xFFFFFF40];
	_ =	sdelay $0x1  }
0xe9: {  	v3 =	vld [tilespmem:s16+$0xFFFFFFC0]  }
0xea: {  	v0 =	vadd.f32 v1, v0  }
0xeb: {  	v1 =	vld [tilespmem:s16+$0x40]  }
0xec: {  	v0 =	vadd.f32 v2, v0  }
0xed: {  	v2 =	vld [tilespmem:s16+$0xC0]  }
0xee: {  	v0 =	vadd.f32 v3, v0  }
0xef: {  	v3 =	vld [tilespmem:s16+$0x140]  }
0xf0: {  	v0 =	vadd.f32 v1, v0  }
0xf1: {  	v1 =	vld [tilespmem:s16+$0x1C0]  }
0xf2: {  	v0 =	vadd.f32 v2, v0;
	_ =	sdelay $0x1  }
0xf3: {  	v0 =	vadd.f32 v3, v0;
	_ =	sdelay $0x1  }
0xf4: {  	v0 =	vadd.f32 v1, v0;
	_ =	sdelay $0x1  }
0xf5: {  	[tilespmem:s17+$0x40C0] =	vst v0  }
0xf6: {  	v0 =	vld [tilespmem:s16+$0xFFFFFE50]  }
0xf7: {  	v1 =	vld [tilespmem:s16+$0xFFFFFED0]  }
0xf8: {  	v2 =	vld [tilespmem:s16+$0xFFFFFF50]  }
0xf9: {  	v3 =	vld [tilespmem:s16+$0xFFFFFFD0]  }
0xfa: {  	v4 =	vld [tilespmem:s16+$0x50]  }
0xfb: {  	v5 =	vld [tilespmem:s16+$0xD0]  }
0xfc: {  	v0 =	vadd.f32 v1, v0;
	v1 =	vld [tilespmem:s16+$0x150]  }
0xfd: {  	v6 =	vld [tilespmem:s16+$0x1D0]  }
0xfe: {  	v0 =	vadd.f32 v2, v0;
	_ =	sdelay $0x1  }
0xff: {  	v0 =	vadd.f32 v3, v0;
	_ =	sdelay $0x1  }
0x100: {  	v0 =	vadd.f32 v4, v0;
	_ =	sdelay $0x1  }
0x101: {  	v0 =	vadd.f32 v5, v0;
	_ =	sdelay $0x1  }
0x102: {  	v0 =	vadd.f32 v1, v0;
	_ =	sdelay $0x1  }
0x103: {  	v0 =	vadd.f32 v6, v0;
	_ =	sdelay $0x1  }
0x104: {  	[tilespmem:s17+$0x40D0] =	vst v0  }
0x105: {  	v0 =	vld [tilespmem:s16+$0xFFFFFE60]  }
0x106: {  	v1 =	vld [tilespmem:s16+$0xFFFFFEE0]  }
0x107: {  	v2 =	vld [tilespmem:s16+$0xFFFFFF60]  }
0x108: {  	v3 =	vld [tilespmem:s16+$0xFFFFFFE0]  }
0x109: {  	v4 =	vld [tilespmem:s16+$0x60]  }
0x10a: {  	v5 =	vld [tilespmem:s16+$0xE0]  }
0x10b: {  	v0 =	vadd.f32 v1, v0;
	v1 =	vld [tilespmem:s16+$0x160]  }
0x10c: {  	v6 =	vld [tilespmem:s16+$0x1E0]  }
0x10d: {  	v0 =	vadd.f32 v2, v0;
	_ =	sdelay $0x1  }
0x10e: {  	v0 =	vadd.f32 v3, v0;
	_ =	sdelay $0x1  }
0x10f: {  	v0 =	vadd.f32 v4, v0;
	_ =	sdelay $0x1  }
0x110: {  	v0 =	vadd.f32 v5, v0;
	_ =	sdelay $0x1  }
0x111: {  	v0 =	vadd.f32 v1, v0;
	_ =	sdelay $0x1  }
0x112: {  	v0 =	vadd.f32 v6, v0;
	_ =	sdelay $0x1  }
0x113: {  	[tilespmem:s17+$0x40E0] =	vst v0  }
0x114: {  	v1 =	vld [tilespmem:s16+$0xFFFFFE70]  }
0x115: {  	v2 =	vld [tilespmem:s16+$0xFFFFFEF0]  }
0x116: {  	v4 =	vld [tilespmem:s16+$0xFFFFFF70]  }
0x117: {  	v5 =	vld [tilespmem:s16+$0xFFFFFFF0]  }
0x118: {  	v3 =	vld [tilespmem:s16+$0x70]  }
0x119: {  	v0 =	vld [tilespmem:s16+$0xF0]  }
.Ltmp5:
0x11a: {  	v6 =	vadd.f32 v2, v1;
	v1 =	vld [tilespmem:s16+$0x170];
	(pc) =	sbr.rel @p0 .LBB2_4-.Ltmp5, $3  }
0x11b: {  	v2 =	vld [tilespmem:s16+$0x1F0]  }
0x11c: {  	v4 =	vadd.f32 v4, v6;
	_ =	sdelay $0x1  }
0x11d: {  	v4 =	vadd.f32 v5, v4  }
0x11e: {  	_ = 	snop  }
0x11f: {  	v3 =	vadd.f32 v3, v4;
	_ =	sdelay $0x1  }
0x120: {  	v0 =	vadd.f32 v0, v3;
	_ =	sdelay $0x1  }
0x121: {  	v0 =	vadd.f32 v1, v0;
	_ =	sdelay $0x1  }
0x122: {  	v0 =	vadd.f32 v2, v0  }
0x123: {  	s15 =	sshll.u32 s15, $0x8  }
.Ltmp6:
0x124: {  	s15 =	sadd.s32 s5, s15;
	[tilespmem:s17+$0x40F0] =	vst v0;
	(pc) =	sbr.rel .LBB2_6-.Ltmp6, $4  }
0x125: {  	[hbm4b:s15+s1] =	stream.linear.scatter [tilespmem:s11], [sflag:$0x2], $0x800, $0x38;
	[tilespmem:$0x4880] =	vst v63  }
0x126: {  	_ =	swait.ge [sflag:s12], $0x800  }
0x127: {  	[sflag:s12] =	ssyncset.done $0x0  }
0x128: {  	[sflag:s12] =	ssyncadd.s32 $0xFFFFF800  }
.LBB2_8:
0x129: {  	_ =	sfence.sel $0x180000  }
0x12a: {  	[bflag:$0x0] =	sbarrier.arrive $0xFFFF  }
0x12b: {  	p0 =	sne.s32 s3, $0x0;
	_ =	strace $0x90000053  }
0x12c: {  	s0 =	sadd.s32 @!p0 $0x100000, s0;
	[bflag:$0x2] =	sbarrier.arrive $0xFFFF  }
0x12d: {  	[sflag:s0] =	ssyncadd.tile.s32 @!p0 $0x1;
	_ =	shalt  }
.Lfunc_end2:
_tile_overlayer_lowered:
.L_overlay_start_2:
0x12e: {  	(tag) =	ssettag $0x2  }
0x12f: {  	s0 =	rddreg [dreg:$0x0];
	s2 =	stileid.u32  }
0x130: {  	s1 =	rddreg [dreg:$0x1];
	p0 =	sne.s32 s2, $0x0  }
0x131: {  	s3 =	rddreg [dreg:$0x2];
	[bflag:$0x3] =	sbarrier.arrive $0xFFFF;
	s2 =	simm.s32 @!p0 $0x1C02  }
0x132: {  	[timem:s3], [sflag:s2] =	dma.local @!p0 [hbm:s0], s1  }
0x133: {  	s0 =	simm.s32 @!p0 $0x2  }
0x134: {  	_ =	swait.ge @!p0 [sflag:s0], s1  }
0x135: {  	s1 =	ssub.s32 @!p0 $0x0, s1;
	[sflag:s0] =	ssyncset.done @!p0 $0x0  }
0x136: {  	[sflag:s0] =	ssyncadd.s32 @!p0 s1  }
0x137: {  	[bflag:$0x3] =	sbarrier.arrive $0xFFFF  }
0x138: {  	_ =	shalt  }

</sc_bundles>
